<compile_context>
chip_gen: v7x
topology: tpu7x:2x2x1
jax: 0.10.2.dev20260603
libtpu: 0.0.44.dev20260713+nightly
codegen_flags: <defaults>
</compile_context>

<pallas_src>
import functools

import jax
import jax.numpy as jnp
from jax import lax
from jax.experimental import pallas as pl
from jax.experimental.pallas import tpu as pltpu
from jax.experimental.pallas import tpu_sc as plsc

B = 16384
K = 26
EMB = 64
BK = B * K

NC = 2
NS = 16
NW = NC * NS
CHUNK = 832

P = 8
ROWS_P = BK // P


def _make_gather(n_rows):
    rows_per_w = n_rows // NW
    n_chunks = rows_per_w // CHUNK
    mesh = plsc.VectorSubcoreMesh(core_axis_name="c", subcore_axis_name="s")

    @functools.partial(
        pl.kernel,
        out_type=jax.ShapeDtypeStruct((n_rows, EMB), jnp.float32),
        mesh=mesh,
        scratch_types=[
            pltpu.VMEM((CHUNK,), jnp.int32),
            pltpu.VMEM((CHUNK, EMB), jnp.float32),
            pltpu.SemaphoreType.DMA,
        ],
        compiler_params=pltpu.CompilerParams(use_tc_tiling_on_sc=False),
    )
    def gather_k(idx_hbm, table_hbm, out_hbm, idx_v, rows_v, sem):
        wid = lax.axis_index("s") * NC + lax.axis_index("c")
        base = wid * rows_per_w

        def body(i, carry):
            off = base + i * CHUNK
            pltpu.sync_copy(idx_hbm.at[pl.ds(off, CHUNK)], idx_v)
            pltpu.async_copy(table_hbm.at[idx_v], rows_v, sem).wait()
            pltpu.sync_copy(rows_v, out_hbm.at[pl.ds(off, CHUNK)])
            return carry

        lax.fori_loop(0, n_chunks, body, 0, unroll=False)

    return gather_k


_gather_piece = _make_gather(ROWS_P)

TOTAL = 1040000
CB = 3200


def _transpose_body(xt_ref, o_ref):
    xt = xt_ref[...]
    eye = (
        lax.broadcasted_iota(jnp.int32, (EMB, EMB), 0)
        == lax.broadcasted_iota(jnp.int32, (EMB, EMB), 1)
    ).astype(jnp.float32)
    y = lax.dot_general(
        xt, eye, (((0,), (0,)), ((), ())), preferred_element_type=jnp.float32
    )
    o_ref[:, :EMB] = y[: CB // 2]
    o_ref[:, EMB:] = y[CB // 2 :]


def _transpose_table(tableT):
    grid = (TOTAL // CB,)
    return pl.pallas_call(
        _transpose_body,
        out_shape=jax.ShapeDtypeStruct((TOTAL // 2, 2 * EMB), jnp.float32),
        grid=grid,
        in_specs=[pl.BlockSpec((EMB, CB), lambda i: (0, i))],
        out_specs=pl.BlockSpec((CB // 2, 2 * EMB), lambda i: (i, 0)),
    )(tableT)


BL = 2048


def _erf(x):
    s = jnp.sign(x)
    a = jnp.abs(x)
    t = 1.0 / (1.0 + 0.3275911 * a)
    poly = t * (
        0.254829592
        + t * (-0.284496736 + t * (1.421413741 + t * (-1.453152027 + t * 1.061405429)))
    )
    return s * (1.0 - poly * jnp.exp(-a * a))


def _gelu_exact(x):
    return 0.5 * x * (1.0 + _erf(x * 0.7071067811865476))


def _mlp_t_half(x, w1, b1, w2, b2):
    h = lax.dot_general(
        w1, x, (((0,), (1,)), ((), ())), preferred_element_type=jnp.float32
    ) + b1
    h = _gelu_exact(h)
    return lax.dot_general(
        w2, h, (((0,), (0,)), ((), ())), preferred_element_type=jnp.float32
    ) + b2


def _mlp_t_body(x_ref, w1_ref, b1_ref, w2_ref, b2_ref, o_ref):
    x2 = x_ref[...]
    w1, b1 = w1_ref[...], b1_ref[...]
    w2, b2 = w2_ref[...], b2_ref[...]
    o_ref[0, :, : BL // 2] = _mlp_t_half(x2[:, :EMB], w1, b1, w2, b2)
    o_ref[0, :, BL // 2 :] = _mlp_t_half(x2[:, EMB:], w1, b1, w2, b2)


def _mlp_t_first_body(x_ref, w1_ref, b1_ref, w2_ref, b2_ref, o_ref):
    _mlp_t_body(x_ref, w1_ref, b1_ref, w2_ref, b2_ref, o_ref)


def _mlp_t_acc_body(x_ref, w1_ref, b1_ref, w2_ref, b2_ref, _prev_ref, o_ref):
    _mlp_t_body(x_ref, w1_ref, b1_ref, w2_ref, b2_ref, o_ref)


NB = B // BL
STEPS_P = (K * NB) // P


def _mlp_t_piece(piece_idx, emb2_p, W1, b1, W2, b2, prev_out):
    off = piece_idx * STEPS_P
    common_specs = [
        pl.BlockSpec((BL // 2, 2 * EMB), lambda s: (s, 0)),
        pl.BlockSpec((EMB, EMB), lambda s: (0, 0)),
        pl.BlockSpec((EMB, 1), lambda s: (0, 0)),
        pl.BlockSpec((EMB, EMB), lambda s: (0, 0)),
        pl.BlockSpec((EMB, 1), lambda s: (0, 0)),
    ]
    out_spec = pl.BlockSpec(
        (1, EMB, BL), lambda s: ((off + s) // NB, 0, (off + s) % NB)
    )
    args = (emb2_p, W1, b1.reshape(EMB, 1), W2, b2.reshape(EMB, 1))
    if piece_idx == 0:
        return pl.pallas_call(
            _mlp_t_first_body,
            out_shape=jax.ShapeDtypeStruct((K, EMB, B), jnp.float32),
            grid=(STEPS_P,),
            in_specs=common_specs,
            out_specs=out_spec,
        )(*args)
    return pl.pallas_call(
        _mlp_t_acc_body,
        out_shape=jax.ShapeDtypeStruct((K, EMB, B), jnp.float32),
        grid=(STEPS_P,),
        in_specs=common_specs + [pl.BlockSpec(memory_space=pl.ANY)],
        out_specs=out_spec,
        input_output_aliases={5: 0},
    )(*args, prev_out)


def kernel(attrs, table, shift, W1, b1, W2, b2):
    idx = (attrs.astype(jnp.int32) + shift.astype(jnp.int32)).T.reshape(BK)
    j = idx % CB
    idxp = idx - j + 2 * (j % (CB // 2)) + j // (CB // 2)
    idxs = idxp.reshape(BK // BL, 2, BL // 2).swapaxes(1, 2).reshape(BK)
    table_lin = _transpose_table(table.T).reshape(TOTAL, EMB)
    out_t = None
    for p in range(P):
        idx_p = lax.slice(idxs, (p * ROWS_P,), ((p + 1) * ROWS_P,))
        emb_p = _gather_piece(idx_p, table_lin)
        emb2_p = emb_p.reshape(ROWS_P // 2, 2 * EMB)
        out_t = _mlp_t_piece(p, emb2_p, W1, b1, W2, b2, out_t)
    return jnp.transpose(out_t, (2, 0, 1))

# --- scband reference (transcript-rebuilt; emitter-appended) ---
"""Pipeline reference for scband-attribute-encoder-36043365548069 (READ-ONLY COPY).

The authoritative reference and input builder live on the scoring server;
editing this copy changes nothing except your own understanding.
"""

import jax, jax.numpy as jnp
import numpy as np

B = 16384
K = 26
N_OPS = 40000
EMB = 64
TOTAL = K * N_OPS

def setup_inputs(seed: int = 0) -> dict:
    key = jax.random.key(seed)
    k1, k2, k3, k4, k5, k6 = jax.random.split(key, 6)
    attrs = jax.random.randint(k1, (B, K), 0, N_OPS, dtype=jnp.int64)
    table = jax.random.normal(k2, (TOTAL, EMB), dtype=jnp.float32)
    shift = (jnp.arange(K, dtype=jnp.int64) * N_OPS).reshape(1, K)
    lim1 = 1.0 / np.sqrt(EMB)
    W1 = jax.random.uniform(k3, (EMB, EMB), jnp.float32, -lim1, lim1)
    b1 = jax.random.uniform(k4, (EMB,), jnp.float32, -lim1, lim1)
    W2 = jax.random.uniform(k5, (EMB, EMB), jnp.float32, -lim1, lim1)
    b2 = jax.random.uniform(k6, (EMB,), jnp.float32, -lim1, lim1)
    return {"attrs": attrs, "table": table, "shift": shift, "W1": W1, "b1": b1, "W2": W2, "b2": b2}

def reference(attrs, table, shift, W1, b1, W2, b2):
    # emb = attr_emb(attrs + attr_shift)
    idx = attrs + shift  # (B, K)
    emb = jnp.take(table, idx, axis=0)  # (B, K, EMB)
    # out_proj: Linear -> GELU (exact) -> Linear
    h = jnp.dot(emb, W1) + b1
    h = jax.nn.gelu(h, approximate=False)
    out = jnp.dot(h, W2) + b2
    return out

if __name__ == "__main__":
    import jax
    _d = setup_inputs()
    print(jax.jit(kernel)(*tuple(_d.values())))

</pallas_src>

<mosaic_0001>
#map = affine_map<(d0, d1) -> (0)>
#map1 = affine_map<(d0, d1) -> (0, 0)>
module attributes {stable_mosaic.version = 14 : i64} {
  func.func @gather_k(%arg0: i32, %arg1: i32, %arg2: memref<53248xi32, #tpu.memory_space<hbm>>, %arg3: memref<1040000x64xf32, #tpu.memory_space<hbm>>, %arg4: memref<53248x64xf32, #tpu.memory_space<hbm>>, %arg5: memref<832xi32, #tpu.memory_space<vmem>>, %arg6: memref<832x64xf32, #tpu.memory_space<vmem>>, %arg7: memref<!tpu.dma_semaphore, #tpu.memory_space<semaphore_mem>>) attributes {dimension_semantics = [#tpu.dimension_semantics<core_parallel>, #tpu.dimension_semantics<subcore_parallel>], iteration_bounds = array<i64: 2, 16>, scalar_prefetch = 0 : i64, scratch_operands = 3 : i64, tpu.core_type = #tpu.core_type<sc_vector_subcore>, window_params = [{transform_indices = #map}, {transform_indices = #map1}, {transform_indices = #map1}]} {
    %mul3A = arith.constant 2 : i32
    %mul3A_0 = arith.muli %arg1, %mul3A : i32
    %add3A = arith.addi %mul3A_0, %arg0 : i32
    %mul3A_1 = arith.constant 1664 : i32
    %mul3A_2 = arith.muli %add3A, %mul3A_1 : i32
    %scan3A = arith.constant 0 : i32
    %scan3A_3 = arith.constant 0 : i32
    %scan3A_4 = arith.constant 2 : i32
    %scan3A_5 = arith.addi %scan3A_3, %scan3A_4 : i32
    %scan3A_6 = arith.constant 1 : i32
    scf.for %scan3A_8 = %scan3A_3 to %scan3A_5 step %scan3A_6  : i32 {
      %mul3A_9 = arith.constant 832 : i32
      %mul3A_10 = arith.muli %scan3A_8, %mul3A_9 : i32
      %add3A_11 = arith.addi %mul3A_2, %mul3A_10 : i32
      "tpu.region"() ({
        %run_scoped3A = tpu.sem_alloc : memref<!tpu.dma_semaphore, #tpu.memory_space<semaphore_mem>>
        %dma_start3A_16 = tpu.memref_slice %arg2[%add3A_11] : memref<53248xi32, #tpu.memory_space<hbm>> -> memref<832xi32, #tpu.memory_space<hbm>>
        %dma_start3A_17 = tpu.memref_slice %arg2[%add3A_11] : memref<53248xi32, #tpu.memory_space<hbm>> -> memref<832xi32, #tpu.memory_space<hbm>>
        tpu.enqueue_dma source(%dma_start3A_17 : memref<832xi32, #tpu.memory_space<hbm>>) target(%arg5 : memref<832xi32, #tpu.memory_space<vmem>>) target_semaphore(%run_scoped3A : memref<!tpu.dma_semaphore, #tpu.memory_space<semaphore_mem>>)
        %dma_wait3A_18 = tpu.memref_slice %arg2[%add3A_11] : memref<53248xi32, #tpu.memory_space<hbm>> -> memref<832xi32, #tpu.memory_space<hbm>>
        %dma_wait3A_19 = tpu.memref_slice %arg2[%add3A_11] : memref<53248xi32, #tpu.memory_space<hbm>> -> memref<832xi32, #tpu.memory_space<hbm>>
        tpu.wait_dma2 semaphore(%run_scoped3A : memref<!tpu.dma_semaphore, #tpu.memory_space<semaphore_mem>>) src(%dma_wait3A_19 : memref<832xi32, #tpu.memory_space<hbm>>) dst(%arg5 : memref<832xi32, #tpu.memory_space<vmem>>)
        tpu.yield
      }) : () -> ()
      %dma_start3A = arith.constant 0 : i32
      %dma_start3A_12 = arith.constant 0 : i32
      %dma_start3A_13 = tpu.memref_slice %arg3[%dma_start3A, %dma_start3A_12] : memref<1040000x64xf32, #tpu.memory_space<hbm>> -> memref<1040000x64xf32, #tpu.memory_space<hbm>>
      tpu.enqueue_indirect_dma source(%dma_start3A_13 : memref<1040000x64xf32, #tpu.memory_space<hbm>>) target(%arg6 : memref<832x64xf32, #tpu.memory_space<vmem>>) offsets(%arg5 : memref<832xi32, #tpu.memory_space<vmem>>) semaphore(%arg7 : memref<!tpu.dma_semaphore, #tpu.memory_space<semaphore_mem>>)
      %dma_wait3A = arith.constant 0 : i32
      %dma_wait3A_14 = arith.constant 0 : i32
      %dma_wait3A_15 = tpu.memref_slice %arg3[%dma_wait3A, %dma_wait3A_14] : memref<1040000x64xf32, #tpu.memory_space<hbm>> -> memref<1040000x64xf32, #tpu.memory_space<hbm>>
      tpu.wait_indirect_dma semaphore(%arg7 : memref<!tpu.dma_semaphore, #tpu.memory_space<semaphore_mem>>) src(%dma_wait3A_15 : memref<1040000x64xf32, #tpu.memory_space<hbm>>) dst(%arg6 : memref<832x64xf32, #tpu.memory_space<vmem>>)
      "tpu.region"() ({
        %run_scoped3A = tpu.sem_alloc : memref<!tpu.dma_semaphore, #tpu.memory_space<semaphore_mem>>
        %dma_start3A_16 = arith.constant 0 : i32
        %dma_start3A_17 = tpu.memref_slice %arg4[%add3A_11, %dma_start3A_16] : memref<53248x64xf32, #tpu.memory_space<hbm>> -> memref<832x64xf32, #tpu.memory_space<hbm>>
        %dma_start3A_18 = arith.constant 0 : i32
        %dma_start3A_19 = tpu.memref_slice %arg4[%add3A_11, %dma_start3A_18] : memref<53248x64xf32, #tpu.memory_space<hbm>> -> memref<832x64xf32, #tpu.memory_space<hbm>>
        tpu.enqueue_dma source(%arg6 : memref<832x64xf32, #tpu.memory_space<vmem>>) target(%dma_start3A_19 : memref<832x64xf32, #tpu.memory_space<hbm>>) target_semaphore(%run_scoped3A : memref<!tpu.dma_semaphore, #tpu.memory_space<semaphore_mem>>)
        %dma_wait3A_20 = arith.constant 0 : i32
        %dma_wait3A_21 = tpu.memref_slice %arg4[%add3A_11, %dma_wait3A_20] : memref<53248x64xf32, #tpu.memory_space<hbm>> -> memref<832x64xf32, #tpu.memory_space<hbm>>
        %dma_wait3A_22 = arith.constant 0 : i32
        %dma_wait3A_23 = tpu.memref_slice %arg4[%add3A_11, %dma_wait3A_22] : memref<53248x64xf32, #tpu.memory_space<hbm>> -> memref<832x64xf32, #tpu.memory_space<hbm>>
        tpu.wait_dma2 semaphore(%run_scoped3A : memref<!tpu.dma_semaphore, #tpu.memory_space<semaphore_mem>>) src(%arg6 : memref<832x64xf32, #tpu.memory_space<vmem>>) dst(%dma_wait3A_23 : memref<832x64xf32, #tpu.memory_space<hbm>>)
        tpu.yield
      }) : () -> ()
    }
    %scan3A_7 = arith.constant 2 : i32
    return
  }
}

#map = affine_map<(d0, d1) -> (0)>
#map1 = affine_map<(d0, d1) -> (0, 0)>
module attributes {stable_mosaic.version = 14 : i64} {
  func.func @gather_k(%arg0: i32, %arg1: i32, %arg2: memref<53248xi32, #tpu.memory_space<hbm>>, %arg3: memref<1040000x64xf32, #tpu.memory_space<hbm>>, %arg4: memref<53248x64xf32, #tpu.memory_space<hbm>>, %arg5: memref<832xi32, #tpu.memory_space<vmem>>, %arg6: memref<832x64xf32, #tpu.memory_space<vmem>>, %arg7: memref<!tpu.dma_semaphore, #tpu.memory_space<semaphore_mem>>) attributes {dimension_semantics = [#tpu.dimension_semantics<core_parallel>, #tpu.dimension_semantics<subcore_parallel>], iteration_bounds = array<i64: 2, 16>, scalar_prefetch = 0 : i64, scratch_operands = 3 : i64, tpu.core_type = #tpu.core_type<sc_vector_subcore>, window_params = [{transform_indices = #map}, {transform_indices = #map1}, {transform_indices = #map1}]} {
    %mul3A = arith.constant 2 : i32
    %mul3A_0 = arith.muli %arg1, %mul3A : i32
    %add3A = arith.addi %mul3A_0, %arg0 : i32
    %mul3A_1 = arith.constant 1664 : i32
    %mul3A_2 = arith.muli %add3A, %mul3A_1 : i32
    %scan3A = arith.constant 0 : i32
    %scan3A_3 = arith.constant 0 : i32
    %scan3A_4 = arith.constant 2 : i32
    %scan3A_5 = arith.addi %scan3A_3, %scan3A_4 : i32
    %scan3A_6 = arith.constant 1 : i32
    scf.for %scan3A_8 = %scan3A_3 to %scan3A_5 step %scan3A_6  : i32 {
      %mul3A_9 = arith.constant 832 : i32
      %mul3A_10 = arith.muli %scan3A_8, %mul3A_9 : i32
      %add3A_11 = arith.addi %mul3A_2, %mul3A_10 : i32
      "tpu.region"() ({
        %run_scoped3A = tpu.sem_alloc : memref<!tpu.dma_semaphore, #tpu.memory_space<semaphore_mem>>
        %dma_start3A_16 = tpu.memref_slice %arg2[%add3A_11] : memref<53248xi32, #tpu.memory_space<hbm>> -> memref<832xi32, #tpu.memory_space<hbm>>
        %dma_start3A_17 = tpu.memref_slice %arg2[%add3A_11] : memref<53248xi32, #tpu.memory_space<hbm>> -> memref<832xi32, #tpu.memory_space<hbm>>
        tpu.enqueue_dma source(%dma_start3A_17 : memref<832xi32, #tpu.memory_space<hbm>>) target(%arg5 : memref<832xi32, #tpu.memory_space<vmem>>) target_semaphore(%run_scoped3A : memref<!tpu.dma_semaphore, #tpu.memory_space<semaphore_mem>>)
        %dma_wait3A_18 = tpu.memref_slice %arg2[%add3A_11] : memref<53248xi32, #tpu.memory_space<hbm>> -> memref<832xi32, #tpu.memory_space<hbm>>
        %dma_wait3A_19 = tpu.memref_slice %arg2[%add3A_11] : memref<53248xi32, #tpu.memory_space<hbm>> -> memref<832xi32, #tpu.memory_space<hbm>>
        tpu.wait_dma2 semaphore(%run_scoped3A : memref<!tpu.dma_semaphore, #tpu.memory_space<semaphore_mem>>) src(%dma_wait3A_19 : memref<832xi32, #tpu.memory_space<hbm>>) dst(%arg5 : memref<832xi32, #tpu.memory_space<vmem>>)
        tpu.yield
      }) : () -> ()
      %dma_start3A = arith.constant 0 : i32
      %dma_start3A_12 = arith.constant 0 : i32
      %dma_start3A_13 = tpu.memref_slice %arg3[%dma_start3A, %dma_start3A_12] : memref<1040000x64xf32, #tpu.memory_space<hbm>> -> memref<1040000x64xf32, #tpu.memory_space<hbm>>
      tpu.enqueue_indirect_dma source(%dma_start3A_13 : memref<1040000x64xf32, #tpu.memory_space<hbm>>) target(%arg6 : memref<832x64xf32, #tpu.memory_space<vmem>>) offsets(%arg5 : memref<832xi32, #tpu.memory_space<vmem>>) semaphore(%arg7 : memref<!tpu.dma_semaphore, #tpu.memory_space<semaphore_mem>>)
      %dma_wait3A = arith.constant 0 : i32
      %dma_wait3A_14 = arith.constant 0 : i32
      %dma_wait3A_15 = tpu.memref_slice %arg3[%dma_wait3A, %dma_wait3A_14] : memref<1040000x64xf32, #tpu.memory_space<hbm>> -> memref<1040000x64xf32, #tpu.memory_space<hbm>>
      tpu.wait_indirect_dma semaphore(%arg7 : memref<!tpu.dma_semaphore, #tpu.memory_space<semaphore_mem>>) src(%dma_wait3A_15 : memref<1040000x64xf32, #tpu.memory_space<hbm>>) dst(%arg6 : memref<832x64xf32, #tpu.memory_space<vmem>>)
      "tpu.region"() ({
        %run_scoped3A = tpu.sem_alloc : memref<!tpu.dma_semaphore, #tpu.memory_space<semaphore_mem>>
        %dma_start3A_16 = arith.constant 0 : i32
        %dma_start3A_17 = tpu.memref_slice %arg4[%add3A_11, %dma_start3A_16] : memref<53248x64xf32, #tpu.memory_space<hbm>> -> memref<832x64xf32, #tpu.memory_space<hbm>>
        %dma_start3A_18 = arith.constant 0 : i32
        %dma_start3A_19 = tpu.memref_slice %arg4[%add3A_11, %dma_start3A_18] : memref<53248x64xf32, #tpu.memory_space<hbm>> -> memref<832x64xf32, #tpu.memory_space<hbm>>
        tpu.enqueue_dma source(%arg6 : memref<832x64xf32, #tpu.memory_space<vmem>>) target(%dma_start3A_19 : memref<832x64xf32, #tpu.memory_space<hbm>>) target_semaphore(%run_scoped3A : memref<!tpu.dma_semaphore, #tpu.memory_space<semaphore_mem>>)
        %dma_wait3A_20 = arith.constant 0 : i32
        %dma_wait3A_21 = tpu.memref_slice %arg4[%add3A_11, %dma_wait3A_20] : memref<53248x64xf32, #tpu.memory_space<hbm>> -> memref<832x64xf32, #tpu.memory_space<hbm>>
        %dma_wait3A_22 = arith.constant 0 : i32
        %dma_wait3A_23 = tpu.memref_slice %arg4[%add3A_11, %dma_wait3A_22] : memref<53248x64xf32, #tpu.memory_space<hbm>> -> memref<832x64xf32, #tpu.memory_space<hbm>>
        tpu.wait_dma2 semaphore(%run_scoped3A : memref<!tpu.dma_semaphore, #tpu.memory_space<semaphore_mem>>) src(%arg6 : memref<832x64xf32, #tpu.memory_space<vmem>>) dst(%dma_wait3A_23 : memref<832x64xf32, #tpu.memory_space<hbm>>)
        tpu.yield
      }) : () -> ()
    }
    %scan3A_7 = arith.constant 2 : i32
    return
  }
}

#map = affine_map<(d0, d1) -> (0)>
#map1 = affine_map<(d0, d1) -> (0, 0)>
module attributes {stable_mosaic.version = 14 : i64} {
  func.func @gather_k(%arg0: i32, %arg1: i32, %arg2: memref<53248xi32, #tpu.memory_space<hbm>>, %arg3: memref<1040000x64xf32, #tpu.memory_space<hbm>>, %arg4: memref<53248x64xf32, #tpu.memory_space<hbm>>, %arg5: memref<832xi32, #tpu.memory_space<vmem>>, %arg6: memref<832x64xf32, #tpu.memory_space<vmem>>, %arg7: memref<!tpu.dma_semaphore, #tpu.memory_space<semaphore_mem>>) attributes {dimension_semantics = [#tpu.dimension_semantics<core_parallel>, #tpu.dimension_semantics<subcore_parallel>], iteration_bounds = array<i64: 2, 16>, scalar_prefetch = 0 : i64, scratch_operands = 3 : i64, tpu.core_type = #tpu.core_type<sc_vector_subcore>, window_params = [{transform_indices = #map}, {transform_indices = #map1}, {transform_indices = #map1}]} {
    %mul3A = arith.constant 2 : i32
    %mul3A_0 = arith.muli %arg1, %mul3A : i32
    %add3A = arith.addi %mul3A_0, %arg0 : i32
    %mul3A_1 = arith.constant 1664 : i32
    %mul3A_2 = arith.muli %add3A, %mul3A_1 : i32
    %scan3A = arith.constant 0 : i32
    %scan3A_3 = arith.constant 0 : i32
    %scan3A_4 = arith.constant 2 : i32
    %scan3A_5 = arith.addi %scan3A_3, %scan3A_4 : i32
    %scan3A_6 = arith.constant 1 : i32
    scf.for %scan3A_8 = %scan3A_3 to %scan3A_5 step %scan3A_6  : i32 {
      %mul3A_9 = arith.constant 832 : i32
      %mul3A_10 = arith.muli %scan3A_8, %mul3A_9 : i32
      %add3A_11 = arith.addi %mul3A_2, %mul3A_10 : i32
      "tpu.region"() ({
        %run_scoped3A = tpu.sem_alloc : memref<!tpu.dma_semaphore, #tpu.memory_space<semaphore_mem>>
        %dma_start3A_16 = tpu.memref_slice %arg2[%add3A_11] : memref<53248xi32, #tpu.memory_space<hbm>> -> memref<832xi32, #tpu.memory_space<hbm>>
        %dma_start3A_17 = tpu.memref_slice %arg2[%add3A_11] : memref<53248xi32, #tpu.memory_space<hbm>> -> memref<832xi32, #tpu.memory_space<hbm>>
        tpu.enqueue_dma source(%dma_start3A_17 : memref<832xi32, #tpu.memory_space<hbm>>) target(%arg5 : memref<832xi32, #tpu.memory_space<vmem>>) target_semaphore(%run_scoped3A : memref<!tpu.dma_semaphore, #tpu.memory_space<semaphore_mem>>)
        %dma_wait3A_18 = tpu.memref_slice %arg2[%add3A_11] : memref<53248xi32, #tpu.memory_space<hbm>> -> memref<832xi32, #tpu.memory_space<hbm>>
        %dma_wait3A_19 = tpu.memref_slice %arg2[%add3A_11] : memref<53248xi32, #tpu.memory_space<hbm>> -> memref<832xi32, #tpu.memory_space<hbm>>
        tpu.wait_dma2 semaphore(%run_scoped3A : memref<!tpu.dma_semaphore, #tpu.memory_space<semaphore_mem>>) src(%dma_wait3A_19 : memref<832xi32, #tpu.memory_space<hbm>>) dst(%arg5 : memref<832xi32, #tpu.memory_space<vmem>>)
        tpu.yield
      }) : () -> ()
      %dma_start3A = arith.constant 0 : i32
      %dma_start3A_12 = arith.constant 0 : i32
      %dma_start3A_13 = tpu.memref_slice %arg3[%dma_start3A, %dma_start3A_12] : memref<1040000x64xf32, #tpu.memory_space<hbm>> -> memref<1040000x64xf32, #tpu.memory_space<hbm>>
      tpu.enqueue_indirect_dma source(%dma_start3A_13 : memref<1040000x64xf32, #tpu.memory_space<hbm>>) target(%arg6 : memref<832x64xf32, #tpu.memory_space<vmem>>) offsets(%arg5 : memref<832xi32, #tpu.memory_space<vmem>>) semaphore(%arg7 : memref<!tpu.dma_semaphore, #tpu.memory_space<semaphore_mem>>)
      %dma_wait3A = arith.constant 0 : i32
      %dma_wait3A_14 = arith.constant 0 : i32
      %dma_wait3A_15 = tpu.memref_slice %arg3[%dma_wait3A, %dma_wait3A_14] : memref<1040000x64xf32, #tpu.memory_space<hbm>> -> memref<1040000x64xf32, #tpu.memory_space<hbm>>
      tpu.wait_indirect_dma semaphore(%arg7 : memref<!tpu.dma_semaphore, #tpu.memory_space<semaphore_mem>>) src(%dma_wait3A_15 : memref<1040000x64xf32, #tpu.memory_space<hbm>>) dst(%arg6 : memref<832x64xf32, #tpu.memory_space<vmem>>)
      "tpu.region"() ({
        %run_scoped3A = tpu.sem_alloc : memref<!tpu.dma_semaphore, #tpu.memory_space<semaphore_mem>>
        %dma_start3A_16 = arith.constant 0 : i32
        %dma_start3A_17 = tpu.memref_slice %arg4[%add3A_11, %dma_start3A_16] : memref<53248x64xf32, #tpu.memory_space<hbm>> -> memref<832x64xf32, #tpu.memory_space<hbm>>
        %dma_start3A_18 = arith.constant 0 : i32
        %dma_start3A_19 = tpu.memref_slice %arg4[%add3A_11, %dma_start3A_18] : memref<53248x64xf32, #tpu.memory_space<hbm>> -> memref<832x64xf32, #tpu.memory_space<hbm>>
        tpu.enqueue_dma source(%arg6 : memref<832x64xf32, #tpu.memory_space<vmem>>) target(%dma_start3A_19 : memref<832x64xf32, #tpu.memory_space<hbm>>) target_semaphore(%run_scoped3A : memref<!tpu.dma_semaphore, #tpu.memory_space<semaphore_mem>>)
        %dma_wait3A_20 = arith.constant 0 : i32
        %dma_wait3A_21 = tpu.memref_slice %arg4[%add3A_11, %dma_wait3A_20] : memref<53248x64xf32, #tpu.memory_space<hbm>> -> memref<832x64xf32, #tpu.memory_space<hbm>>
        %dma_wait3A_22 = arith.constant 0 : i32
        %dma_wait3A_23 = tpu.memref_slice %arg4[%add3A_11, %dma_wait3A_22] : memref<53248x64xf32, #tpu.memory_space<hbm>> -> memref<832x64xf32, #tpu.memory_space<hbm>>
        tpu.wait_dma2 semaphore(%run_scoped3A : memref<!tpu.dma_semaphore, #tpu.memory_space<semaphore_mem>>) src(%arg6 : memref<832x64xf32, #tpu.memory_space<vmem>>) dst(%dma_wait3A_23 : memref<832x64xf32, #tpu.memory_space<hbm>>)
        tpu.yield
      }) : () -> ()
    }
    %scan3A_7 = arith.constant 2 : i32
    return
  }
}

#map = affine_map<(d0, d1) -> (0)>
#map1 = affine_map<(d0, d1) -> (0, 0)>
module attributes {stable_mosaic.version = 14 : i64} {
  func.func @gather_k(%arg0: i32, %arg1: i32, %arg2: memref<53248xi32, #tpu.memory_space<hbm>>, %arg3: memref<1040000x64xf32, #tpu.memory_space<hbm>>, %arg4: memref<53248x64xf32, #tpu.memory_space<hbm>>, %arg5: memref<832xi32, #tpu.memory_space<vmem>>, %arg6: memref<832x64xf32, #tpu.memory_space<vmem>>, %arg7: memref<!tpu.dma_semaphore, #tpu.memory_space<semaphore_mem>>) attributes {dimension_semantics = [#tpu.dimension_semantics<core_parallel>, #tpu.dimension_semantics<subcore_parallel>], iteration_bounds = array<i64: 2, 16>, scalar_prefetch = 0 : i64, scratch_operands = 3 : i64, tpu.core_type = #tpu.core_type<sc_vector_subcore>, window_params = [{transform_indices = #map}, {transform_indices = #map1}, {transform_indices = #map1}]} {
    %mul3A = arith.constant 2 : i32
    %mul3A_0 = arith.muli %arg1, %mul3A : i32
    %add3A = arith.addi %mul3A_0, %arg0 : i32
    %mul3A_1 = arith.constant 1664 : i32
    %mul3A_2 = arith.muli %add3A, %mul3A_1 : i32
    %scan3A = arith.constant 0 : i32
    %scan3A_3 = arith.constant 0 : i32
    %scan3A_4 = arith.constant 2 : i32
    %scan3A_5 = arith.addi %scan3A_3, %scan3A_4 : i32
    %scan3A_6 = arith.constant 1 : i32
    scf.for %scan3A_8 = %scan3A_3 to %scan3A_5 step %scan3A_6  : i32 {
      %mul3A_9 = arith.constant 832 : i32
      %mul3A_10 = arith.muli %scan3A_8, %mul3A_9 : i32
      %add3A_11 = arith.addi %mul3A_2, %mul3A_10 : i32
      "tpu.region"() ({
        %run_scoped3A = tpu.sem_alloc : memref<!tpu.dma_semaphore, #tpu.memory_space<semaphore_mem>>
        %dma_start3A_16 = tpu.memref_slice %arg2[%add3A_11] : memref<53248xi32, #tpu.memory_space<hbm>> -> memref<832xi32, #tpu.memory_space<hbm>>
        %dma_start3A_17 = tpu.memref_slice %arg2[%add3A_11] : memref<53248xi32, #tpu.memory_space<hbm>> -> memref<832xi32, #tpu.memory_space<hbm>>
        tpu.enqueue_dma source(%dma_start3A_17 : memref<832xi32, #tpu.memory_space<hbm>>) target(%arg5 : memref<832xi32, #tpu.memory_space<vmem>>) target_semaphore(%run_scoped3A : memref<!tpu.dma_semaphore, #tpu.memory_space<semaphore_mem>>)
        %dma_wait3A_18 = tpu.memref_slice %arg2[%add3A_11] : memref<53248xi32, #tpu.memory_space<hbm>> -> memref<832xi32, #tpu.memory_space<hbm>>
        %dma_wait3A_19 = tpu.memref_slice %arg2[%add3A_11] : memref<53248xi32, #tpu.memory_space<hbm>> -> memref<832xi32, #tpu.memory_space<hbm>>
        tpu.wait_dma2 semaphore(%run_scoped3A : memref<!tpu.dma_semaphore, #tpu.memory_space<semaphore_mem>>) src(%dma_wait3A_19 : memref<832xi32, #tpu.memory_space<hbm>>) dst(%arg5 : memref<832xi32, #tpu.memory_space<vmem>>)
        tpu.yield
      }) : () -> ()
      %dma_start3A = arith.constant 0 : i32
      %dma_start3A_12 = arith.constant 0 : i32
      %dma_start3A_13 = tpu.memref_slice %arg3[%dma_start3A, %dma_start3A_12] : memref<1040000x64xf32, #tpu.memory_space<hbm>> -> memref<1040000x64xf32, #tpu.memory_space<hbm>>
      tpu.enqueue_indirect_dma source(%dma_start3A_13 : memref<1040000x64xf32, #tpu.memory_space<hbm>>) target(%arg6 : memref<832x64xf32, #tpu.memory_space<vmem>>) offsets(%arg5 : memref<832xi32, #tpu.memory_space<vmem>>) semaphore(%arg7 : memref<!tpu.dma_semaphore, #tpu.memory_space<semaphore_mem>>)
      %dma_wait3A = arith.constant 0 : i32
      %dma_wait3A_14 = arith.constant 0 : i32
      %dma_wait3A_15 = tpu.memref_slice %arg3[%dma_wait3A, %dma_wait3A_14] : memref<1040000x64xf32, #tpu.memory_space<hbm>> -> memref<1040000x64xf32, #tpu.memory_space<hbm>>
      tpu.wait_indirect_dma semaphore(%arg7 : memref<!tpu.dma_semaphore, #tpu.memory_space<semaphore_mem>>) src(%dma_wait3A_15 : memref<1040000x64xf32, #tpu.memory_space<hbm>>) dst(%arg6 : memref<832x64xf32, #tpu.memory_space<vmem>>)
      "tpu.region"() ({
        %run_scoped3A = tpu.sem_alloc : memref<!tpu.dma_semaphore, #tpu.memory_space<semaphore_mem>>
        %dma_start3A_16 = arith.constant 0 : i32
        %dma_start3A_17 = tpu.memref_slice %arg4[%add3A_11, %dma_start3A_16] : memref<53248x64xf32, #tpu.memory_space<hbm>> -> memref<832x64xf32, #tpu.memory_space<hbm>>
        %dma_start3A_18 = arith.constant 0 : i32
        %dma_start3A_19 = tpu.memref_slice %arg4[%add3A_11, %dma_start3A_18] : memref<53248x64xf32, #tpu.memory_space<hbm>> -> memref<832x64xf32, #tpu.memory_space<hbm>>
        tpu.enqueue_dma source(%arg6 : memref<832x64xf32, #tpu.memory_space<vmem>>) target(%dma_start3A_19 : memref<832x64xf32, #tpu.memory_space<hbm>>) target_semaphore(%run_scoped3A : memref<!tpu.dma_semaphore, #tpu.memory_space<semaphore_mem>>)
        %dma_wait3A_20 = arith.constant 0 : i32
        %dma_wait3A_21 = tpu.memref_slice %arg4[%add3A_11, %dma_wait3A_20] : memref<53248x64xf32, #tpu.memory_space<hbm>> -> memref<832x64xf32, #tpu.memory_space<hbm>>
        %dma_wait3A_22 = arith.constant 0 : i32
        %dma_wait3A_23 = tpu.memref_slice %arg4[%add3A_11, %dma_wait3A_22] : memref<53248x64xf32, #tpu.memory_space<hbm>> -> memref<832x64xf32, #tpu.memory_space<hbm>>
        tpu.wait_dma2 semaphore(%run_scoped3A : memref<!tpu.dma_semaphore, #tpu.memory_space<semaphore_mem>>) src(%arg6 : memref<832x64xf32, #tpu.memory_space<vmem>>) dst(%dma_wait3A_23 : memref<832x64xf32, #tpu.memory_space<hbm>>)
        tpu.yield
      }) : () -> ()
    }
    %scan3A_7 = arith.constant 2 : i32
    return
  }
}

#map = affine_map<(d0, d1) -> (0)>
#map1 = affine_map<(d0, d1) -> (0, 0)>
module attributes {stable_mosaic.version = 14 : i64} {
  func.func @gather_k(%arg0: i32, %arg1: i32, %arg2: memref<53248xi32, #tpu.memory_space<hbm>>, %arg3: memref<1040000x64xf32, #tpu.memory_space<hbm>>, %arg4: memref<53248x64xf32, #tpu.memory_space<hbm>>, %arg5: memref<832xi32, #tpu.memory_space<vmem>>, %arg6: memref<832x64xf32, #tpu.memory_space<vmem>>, %arg7: memref<!tpu.dma_semaphore, #tpu.memory_space<semaphore_mem>>) attributes {dimension_semantics = [#tpu.dimension_semantics<core_parallel>, #tpu.dimension_semantics<subcore_parallel>], iteration_bounds = array<i64: 2, 16>, scalar_prefetch = 0 : i64, scratch_operands = 3 : i64, tpu.core_type = #tpu.core_type<sc_vector_subcore>, window_params = [{transform_indices = #map}, {transform_indices = #map1}, {transform_indices = #map1}]} {
    %mul3A = arith.constant 2 : i32
    %mul3A_0 = arith.muli %arg1, %mul3A : i32
    %add3A = arith.addi %mul3A_0, %arg0 : i32
    %mul3A_1 = arith.constant 1664 : i32
    %mul3A_2 = arith.muli %add3A, %mul3A_1 : i32
    %scan3A = arith.constant 0 : i32
    %scan3A_3 = arith.constant 0 : i32
    %scan3A_4 = arith.constant 2 : i32
    %scan3A_5 = arith.addi %scan3A_3, %scan3A_4 : i32
    %scan3A_6 = arith.constant 1 : i32
    scf.for %scan3A_8 = %scan3A_3 to %scan3A_5 step %scan3A_6  : i32 {
      %mul3A_9 = arith.constant 832 : i32
      %mul3A_10 = arith.muli %scan3A_8, %mul3A_9 : i32
      %add3A_11 = arith.addi %mul3A_2, %mul3A_10 : i32
      "tpu.region"() ({
        %run_scoped3A = tpu.sem_alloc : memref<!tpu.dma_semaphore, #tpu.memory_space<semaphore_mem>>
        %dma_start3A_16 = tpu.memref_slice %arg2[%add3A_11] : memref<53248xi32, #tpu.memory_space<hbm>> -> memref<832xi32, #tpu.memory_space<hbm>>
        %dma_start3A_17 = tpu.memref_slice %arg2[%add3A_11] : memref<53248xi32, #tpu.memory_space<hbm>> -> memref<832xi32, #tpu.memory_space<hbm>>
        tpu.enqueue_dma source(%dma_start3A_17 : memref<832xi32, #tpu.memory_space<hbm>>) target(%arg5 : memref<832xi32, #tpu.memory_space<vmem>>) target_semaphore(%run_scoped3A : memref<!tpu.dma_semaphore, #tpu.memory_space<semaphore_mem>>)
        %dma_wait3A_18 = tpu.memref_slice %arg2[%add3A_11] : memref<53248xi32, #tpu.memory_space<hbm>> -> memref<832xi32, #tpu.memory_space<hbm>>
        %dma_wait3A_19 = tpu.memref_slice %arg2[%add3A_11] : memref<53248xi32, #tpu.memory_space<hbm>> -> memref<832xi32, #tpu.memory_space<hbm>>
        tpu.wait_dma2 semaphore(%run_scoped3A : memref<!tpu.dma_semaphore, #tpu.memory_space<semaphore_mem>>) src(%dma_wait3A_19 : memref<832xi32, #tpu.memory_space<hbm>>) dst(%arg5 : memref<832xi32, #tpu.memory_space<vmem>>)
        tpu.yield
      }) : () -> ()
      %dma_start3A = arith.constant 0 : i32
      %dma_start3A_12 = arith.constant 0 : i32
      %dma_start3A_13 = tpu.memref_slice %arg3[%dma_start3A, %dma_start3A_12] : memref<1040000x64xf32, #tpu.memory_space<hbm>> -> memref<1040000x64xf32, #tpu.memory_space<hbm>>
      tpu.enqueue_indirect_dma source(%dma_start3A_13 : memref<1040000x64xf32, #tpu.memory_space<hbm>>) target(%arg6 : memref<832x64xf32, #tpu.memory_space<vmem>>) offsets(%arg5 : memref<832xi32, #tpu.memory_space<vmem>>) semaphore(%arg7 : memref<!tpu.dma_semaphore, #tpu.memory_space<semaphore_mem>>)
      %dma_wait3A = arith.constant 0 : i32
      %dma_wait3A_14 = arith.constant 0 : i32
      %dma_wait3A_15 = tpu.memref_slice %arg3[%dma_wait3A, %dma_wait3A_14] : memref<1040000x64xf32, #tpu.memory_space<hbm>> -> memref<1040000x64xf32, #tpu.memory_space<hbm>>
      tpu.wait_indirect_dma semaphore(%arg7 : memref<!tpu.dma_semaphore, #tpu.memory_space<semaphore_mem>>) src(%dma_wait3A_15 : memref<1040000x64xf32, #tpu.memory_space<hbm>>) dst(%arg6 : memref<832x64xf32, #tpu.memory_space<vmem>>)
      "tpu.region"() ({
        %run_scoped3A = tpu.sem_alloc : memref<!tpu.dma_semaphore, #tpu.memory_space<semaphore_mem>>
        %dma_start3A_16 = arith.constant 0 : i32
        %dma_start3A_17 = tpu.memref_slice %arg4[%add3A_11, %dma_start3A_16] : memref<53248x64xf32, #tpu.memory_space<hbm>> -> memref<832x64xf32, #tpu.memory_space<hbm>>
        %dma_start3A_18 = arith.constant 0 : i32
        %dma_start3A_19 = tpu.memref_slice %arg4[%add3A_11, %dma_start3A_18] : memref<53248x64xf32, #tpu.memory_space<hbm>> -> memref<832x64xf32, #tpu.memory_space<hbm>>
        tpu.enqueue_dma source(%arg6 : memref<832x64xf32, #tpu.memory_space<vmem>>) target(%dma_start3A_19 : memref<832x64xf32, #tpu.memory_space<hbm>>) target_semaphore(%run_scoped3A : memref<!tpu.dma_semaphore, #tpu.memory_space<semaphore_mem>>)
        %dma_wait3A_20 = arith.constant 0 : i32
        %dma_wait3A_21 = tpu.memref_slice %arg4[%add3A_11, %dma_wait3A_20] : memref<53248x64xf32, #tpu.memory_space<hbm>> -> memref<832x64xf32, #tpu.memory_space<hbm>>
        %dma_wait3A_22 = arith.constant 0 : i32
        %dma_wait3A_23 = tpu.memref_slice %arg4[%add3A_11, %dma_wait3A_22] : memref<53248x64xf32, #tpu.memory_space<hbm>> -> memref<832x64xf32, #tpu.memory_space<hbm>>
        tpu.wait_dma2 semaphore(%run_scoped3A : memref<!tpu.dma_semaphore, #tpu.memory_space<semaphore_mem>>) src(%arg6 : memref<832x64xf32, #tpu.memory_space<vmem>>) dst(%dma_wait3A_23 : memref<832x64xf32, #tpu.memory_space<hbm>>)
        tpu.yield
      }) : () -> ()
    }
    %scan3A_7 = arith.constant 2 : i32
    return
  }
}

#map = affine_map<(d0, d1) -> (0)>
#map1 = affine_map<(d0, d1) -> (0, 0)>
module attributes {stable_mosaic.version = 14 : i64} {
  func.func @gather_k(%arg0: i32, %arg1: i32, %arg2: memref<53248xi32, #tpu.memory_space<hbm>>, %arg3: memref<1040000x64xf32, #tpu.memory_space<hbm>>, %arg4: memref<53248x64xf32, #tpu.memory_space<hbm>>, %arg5: memref<832xi32, #tpu.memory_space<vmem>>, %arg6: memref<832x64xf32, #tpu.memory_space<vmem>>, %arg7: memref<!tpu.dma_semaphore, #tpu.memory_space<semaphore_mem>>) attributes {dimension_semantics = [#tpu.dimension_semantics<core_parallel>, #tpu.dimension_semantics<subcore_parallel>], iteration_bounds = array<i64: 2, 16>, scalar_prefetch = 0 : i64, scratch_operands = 3 : i64, tpu.core_type = #tpu.core_type<sc_vector_subcore>, window_params = [{transform_indices = #map}, {transform_indices = #map1}, {transform_indices = #map1}]} {
    %mul3A = arith.constant 2 : i32
    %mul3A_0 = arith.muli %arg1, %mul3A : i32
    %add3A = arith.addi %mul3A_0, %arg0 : i32
    %mul3A_1 = arith.constant 1664 : i32
    %mul3A_2 = arith.muli %add3A, %mul3A_1 : i32
    %scan3A = arith.constant 0 : i32
    %scan3A_3 = arith.constant 0 : i32
    %scan3A_4 = arith.constant 2 : i32
    %scan3A_5 = arith.addi %scan3A_3, %scan3A_4 : i32
    %scan3A_6 = arith.constant 1 : i32
    scf.for %scan3A_8 = %scan3A_3 to %scan3A_5 step %scan3A_6  : i32 {
      %mul3A_9 = arith.constant 832 : i32
      %mul3A_10 = arith.muli %scan3A_8, %mul3A_9 : i32
      %add3A_11 = arith.addi %mul3A_2, %mul3A_10 : i32
      "tpu.region"() ({
        %run_scoped3A = tpu.sem_alloc : memref<!tpu.dma_semaphore, #tpu.memory_space<semaphore_mem>>
        %dma_start3A_16 = tpu.memref_slice %arg2[%add3A_11] : memref<53248xi32, #tpu.memory_space<hbm>> -> memref<832xi32, #tpu.memory_space<hbm>>
        %dma_start3A_17 = tpu.memref_slice %arg2[%add3A_11] : memref<53248xi32, #tpu.memory_space<hbm>> -> memref<832xi32, #tpu.memory_space<hbm>>
        tpu.enqueue_dma source(%dma_start3A_17 : memref<832xi32, #tpu.memory_space<hbm>>) target(%arg5 : memref<832xi32, #tpu.memory_space<vmem>>) target_semaphore(%run_scoped3A : memref<!tpu.dma_semaphore, #tpu.memory_space<semaphore_mem>>)
        %dma_wait3A_18 = tpu.memref_slice %arg2[%add3A_11] : memref<53248xi32, #tpu.memory_space<hbm>> -> memref<832xi32, #tpu.memory_space<hbm>>
        %dma_wait3A_19 = tpu.memref_slice %arg2[%add3A_11] : memref<53248xi32, #tpu.memory_space<hbm>> -> memref<832xi32, #tpu.memory_space<hbm>>
        tpu.wait_dma2 semaphore(%run_scoped3A : memref<!tpu.dma_semaphore, #tpu.memory_space<semaphore_mem>>) src(%dma_wait3A_19 : memref<832xi32, #tpu.memory_space<hbm>>) dst(%arg5 : memref<832xi32, #tpu.memory_space<vmem>>)
        tpu.yield
      }) : () -> ()
      %dma_start3A = arith.constant 0 : i32
      %dma_start3A_12 = arith.constant 0 : i32
      %dma_start3A_13 = tpu.memref_slice %arg3[%dma_start3A, %dma_start3A_12] : memref<1040000x64xf32, #tpu.memory_space<hbm>> -> memref<1040000x64xf32, #tpu.memory_space<hbm>>
      tpu.enqueue_indirect_dma source(%dma_start3A_13 : memref<1040000x64xf32, #tpu.memory_space<hbm>>) target(%arg6 : memref<832x64xf32, #tpu.memory_space<vmem>>) offsets(%arg5 : memref<832xi32, #tpu.memory_space<vmem>>) semaphore(%arg7 : memref<!tpu.dma_semaphore, #tpu.memory_space<semaphore_mem>>)
      %dma_wait3A = arith.constant 0 : i32
      %dma_wait3A_14 = arith.constant 0 : i32
      %dma_wait3A_15 = tpu.memref_slice %arg3[%dma_wait3A, %dma_wait3A_14] : memref<1040000x64xf32, #tpu.memory_space<hbm>> -> memref<1040000x64xf32, #tpu.memory_space<hbm>>
      tpu.wait_indirect_dma semaphore(%arg7 : memref<!tpu.dma_semaphore, #tpu.memory_space<semaphore_mem>>) src(%dma_wait3A_15 : memref<1040000x64xf32, #tpu.memory_space<hbm>>) dst(%arg6 : memref<832x64xf32, #tpu.memory_space<vmem>>)
      "tpu.region"() ({
        %run_scoped3A = tpu.sem_alloc : memref<!tpu.dma_semaphore, #tpu.memory_space<semaphore_mem>>
        %dma_start3A_16 = arith.constant 0 : i32
        %dma_start3A_17 = tpu.memref_slice %arg4[%add3A_11, %dma_start3A_16] : memref<53248x64xf32, #tpu.memory_space<hbm>> -> memref<832x64xf32, #tpu.memory_space<hbm>>
        %dma_start3A_18 = arith.constant 0 : i32
        %dma_start3A_19 = tpu.memref_slice %arg4[%add3A_11, %dma_start3A_18] : memref<53248x64xf32, #tpu.memory_space<hbm>> -> memref<832x64xf32, #tpu.memory_space<hbm>>
        tpu.enqueue_dma source(%arg6 : memref<832x64xf32, #tpu.memory_space<vmem>>) target(%dma_start3A_19 : memref<832x64xf32, #tpu.memory_space<hbm>>) target_semaphore(%run_scoped3A : memref<!tpu.dma_semaphore, #tpu.memory_space<semaphore_mem>>)
        %dma_wait3A_20 = arith.constant 0 : i32
        %dma_wait3A_21 = tpu.memref_slice %arg4[%add3A_11, %dma_wait3A_20] : memref<53248x64xf32, #tpu.memory_space<hbm>> -> memref<832x64xf32, #tpu.memory_space<hbm>>
        %dma_wait3A_22 = arith.constant 0 : i32
        %dma_wait3A_23 = tpu.memref_slice %arg4[%add3A_11, %dma_wait3A_22] : memref<53248x64xf32, #tpu.memory_space<hbm>> -> memref<832x64xf32, #tpu.memory_space<hbm>>
        tpu.wait_dma2 semaphore(%run_scoped3A : memref<!tpu.dma_semaphore, #tpu.memory_space<semaphore_mem>>) src(%arg6 : memref<832x64xf32, #tpu.memory_space<vmem>>) dst(%dma_wait3A_23 : memref<832x64xf32, #tpu.memory_space<hbm>>)
        tpu.yield
      }) : () -> ()
    }
    %scan3A_7 = arith.constant 2 : i32
    return
  }
}

#map = affine_map<(d0, d1) -> (0)>
#map1 = affine_map<(d0, d1) -> (0, 0)>
module attributes {stable_mosaic.version = 14 : i64} {
  func.func @gather_k(%arg0: i32, %arg1: i32, %arg2: memref<53248xi32, #tpu.memory_space<hbm>>, %arg3: memref<1040000x64xf32, #tpu.memory_space<hbm>>, %arg4: memref<53248x64xf32, #tpu.memory_space<hbm>>, %arg5: memref<832xi32, #tpu.memory_space<vmem>>, %arg6: memref<832x64xf32, #tpu.memory_space<vmem>>, %arg7: memref<!tpu.dma_semaphore, #tpu.memory_space<semaphore_mem>>) attributes {dimension_semantics = [#tpu.dimension_semantics<core_parallel>, #tpu.dimension_semantics<subcore_parallel>], iteration_bounds = array<i64: 2, 16>, scalar_prefetch = 0 : i64, scratch_operands = 3 : i64, tpu.core_type = #tpu.core_type<sc_vector_subcore>, window_params = [{transform_indices = #map}, {transform_indices = #map1}, {transform_indices = #map1}]} {
    %mul3A = arith.constant 2 : i32
    %mul3A_0 = arith.muli %arg1, %mul3A : i32
    %add3A = arith.addi %mul3A_0, %arg0 : i32
    %mul3A_1 = arith.constant 1664 : i32
    %mul3A_2 = arith.muli %add3A, %mul3A_1 : i32
    %scan3A = arith.constant 0 : i32
    %scan3A_3 = arith.constant 0 : i32
    %scan3A_4 = arith.constant 2 : i32
    %scan3A_5 = arith.addi %scan3A_3, %scan3A_4 : i32
    %scan3A_6 = arith.constant 1 : i32
    scf.for %scan3A_8 = %scan3A_3 to %scan3A_5 step %scan3A_6  : i32 {
      %mul3A_9 = arith.constant 832 : i32
      %mul3A_10 = arith.muli %scan3A_8, %mul3A_9 : i32
      %add3A_11 = arith.addi %mul3A_2, %mul3A_10 : i32
      "tpu.region"() ({
        %run_scoped3A = tpu.sem_alloc : memref<!tpu.dma_semaphore, #tpu.memory_space<semaphore_mem>>
        %dma_start3A_16 = tpu.memref_slice %arg2[%add3A_11] : memref<53248xi32, #tpu.memory_space<hbm>> -> memref<832xi32, #tpu.memory_space<hbm>>
        %dma_start3A_17 = tpu.memref_slice %arg2[%add3A_11] : memref<53248xi32, #tpu.memory_space<hbm>> -> memref<832xi32, #tpu.memory_space<hbm>>
        tpu.enqueue_dma source(%dma_start3A_17 : memref<832xi32, #tpu.memory_space<hbm>>) target(%arg5 : memref<832xi32, #tpu.memory_space<vmem>>) target_semaphore(%run_scoped3A : memref<!tpu.dma_semaphore, #tpu.memory_space<semaphore_mem>>)
        %dma_wait3A_18 = tpu.memref_slice %arg2[%add3A_11] : memref<53248xi32, #tpu.memory_space<hbm>> -> memref<832xi32, #tpu.memory_space<hbm>>
        %dma_wait3A_19 = tpu.memref_slice %arg2[%add3A_11] : memref<53248xi32, #tpu.memory_space<hbm>> -> memref<832xi32, #tpu.memory_space<hbm>>
        tpu.wait_dma2 semaphore(%run_scoped3A : memref<!tpu.dma_semaphore, #tpu.memory_space<semaphore_mem>>) src(%dma_wait3A_19 : memref<832xi32, #tpu.memory_space<hbm>>) dst(%arg5 : memref<832xi32, #tpu.memory_space<vmem>>)
        tpu.yield
      }) : () -> ()
      %dma_start3A = arith.constant 0 : i32
      %dma_start3A_12 = arith.constant 0 : i32
      %dma_start3A_13 = tpu.memref_slice %arg3[%dma_start3A, %dma_start3A_12] : memref<1040000x64xf32, #tpu.memory_space<hbm>> -> memref<1040000x64xf32, #tpu.memory_space<hbm>>
      tpu.enqueue_indirect_dma source(%dma_start3A_13 : memref<1040000x64xf32, #tpu.memory_space<hbm>>) target(%arg6 : memref<832x64xf32, #tpu.memory_space<vmem>>) offsets(%arg5 : memref<832xi32, #tpu.memory_space<vmem>>) semaphore(%arg7 : memref<!tpu.dma_semaphore, #tpu.memory_space<semaphore_mem>>)
      %dma_wait3A = arith.constant 0 : i32
      %dma_wait3A_14 = arith.constant 0 : i32
      %dma_wait3A_15 = tpu.memref_slice %arg3[%dma_wait3A, %dma_wait3A_14] : memref<1040000x64xf32, #tpu.memory_space<hbm>> -> memref<1040000x64xf32, #tpu.memory_space<hbm>>
      tpu.wait_indirect_dma semaphore(%arg7 : memref<!tpu.dma_semaphore, #tpu.memory_space<semaphore_mem>>) src(%dma_wait3A_15 : memref<1040000x64xf32, #tpu.memory_space<hbm>>) dst(%arg6 : memref<832x64xf32, #tpu.memory_space<vmem>>)
      "tpu.region"() ({
        %run_scoped3A = tpu.sem_alloc : memref<!tpu.dma_semaphore, #tpu.memory_space<semaphore_mem>>
        %dma_start3A_16 = arith.constant 0 : i32
        %dma_start3A_17 = tpu.memref_slice %arg4[%add3A_11, %dma_start3A_16] : memref<53248x64xf32, #tpu.memory_space<hbm>> -> memref<832x64xf32, #tpu.memory_space<hbm>>
        %dma_start3A_18 = arith.constant 0 : i32
        %dma_start3A_19 = tpu.memref_slice %arg4[%add3A_11, %dma_start3A_18] : memref<53248x64xf32, #tpu.memory_space<hbm>> -> memref<832x64xf32, #tpu.memory_space<hbm>>
        tpu.enqueue_dma source(%arg6 : memref<832x64xf32, #tpu.memory_space<vmem>>) target(%dma_start3A_19 : memref<832x64xf32, #tpu.memory_space<hbm>>) target_semaphore(%run_scoped3A : memref<!tpu.dma_semaphore, #tpu.memory_space<semaphore_mem>>)
        %dma_wait3A_20 = arith.constant 0 : i32
        %dma_wait3A_21 = tpu.memref_slice %arg4[%add3A_11, %dma_wait3A_20] : memref<53248x64xf32, #tpu.memory_space<hbm>> -> memref<832x64xf32, #tpu.memory_space<hbm>>
        %dma_wait3A_22 = arith.constant 0 : i32
        %dma_wait3A_23 = tpu.memref_slice %arg4[%add3A_11, %dma_wait3A_22] : memref<53248x64xf32, #tpu.memory_space<hbm>> -> memref<832x64xf32, #tpu.memory_space<hbm>>
        tpu.wait_dma2 semaphore(%run_scoped3A : memref<!tpu.dma_semaphore, #tpu.memory_space<semaphore_mem>>) src(%arg6 : memref<832x64xf32, #tpu.memory_space<vmem>>) dst(%dma_wait3A_23 : memref<832x64xf32, #tpu.memory_space<hbm>>)
        tpu.yield
      }) : () -> ()
    }
    %scan3A_7 = arith.constant 2 : i32
    return
  }
}

#map = affine_map<(d0, d1) -> (0)>
#map1 = affine_map<(d0, d1) -> (0, 0)>
module attributes {stable_mosaic.version = 14 : i64} {
  func.func @gather_k(%arg0: i32, %arg1: i32, %arg2: memref<53248xi32, #tpu.memory_space<hbm>>, %arg3: memref<1040000x64xf32, #tpu.memory_space<hbm>>, %arg4: memref<53248x64xf32, #tpu.memory_space<hbm>>, %arg5: memref<832xi32, #tpu.memory_space<vmem>>, %arg6: memref<832x64xf32, #tpu.memory_space<vmem>>, %arg7: memref<!tpu.dma_semaphore, #tpu.memory_space<semaphore_mem>>) attributes {dimension_semantics = [#tpu.dimension_semantics<core_parallel>, #tpu.dimension_semantics<subcore_parallel>], iteration_bounds = array<i64: 2, 16>, scalar_prefetch = 0 : i64, scratch_operands = 3 : i64, tpu.core_type = #tpu.core_type<sc_vector_subcore>, window_params = [{transform_indices = #map}, {transform_indices = #map1}, {transform_indices = #map1}]} {
    %mul3A = arith.constant 2 : i32
    %mul3A_0 = arith.muli %arg1, %mul3A : i32
    %add3A = arith.addi %mul3A_0, %arg0 : i32
    %mul3A_1 = arith.constant 1664 : i32
    %mul3A_2 = arith.muli %add3A, %mul3A_1 : i32
    %scan3A = arith.constant 0 : i32
    %scan3A_3 = arith.constant 0 : i32
    %scan3A_4 = arith.constant 2 : i32
    %scan3A_5 = arith.addi %scan3A_3, %scan3A_4 : i32
    %scan3A_6 = arith.constant 1 : i32
    scf.for %scan3A_8 = %scan3A_3 to %scan3A_5 step %scan3A_6  : i32 {
      %mul3A_9 = arith.constant 832 : i32
      %mul3A_10 = arith.muli %scan3A_8, %mul3A_9 : i32
      %add3A_11 = arith.addi %mul3A_2, %mul3A_10 : i32
      "tpu.region"() ({
        %run_scoped3A = tpu.sem_alloc : memref<!tpu.dma_semaphore, #tpu.memory_space<semaphore_mem>>
        %dma_start3A_16 = tpu.memref_slice %arg2[%add3A_11] : memref<53248xi32, #tpu.memory_space<hbm>> -> memref<832xi32, #tpu.memory_space<hbm>>
        %dma_start3A_17 = tpu.memref_slice %arg2[%add3A_11] : memref<53248xi32, #tpu.memory_space<hbm>> -> memref<832xi32, #tpu.memory_space<hbm>>
        tpu.enqueue_dma source(%dma_start3A_17 : memref<832xi32, #tpu.memory_space<hbm>>) target(%arg5 : memref<832xi32, #tpu.memory_space<vmem>>) target_semaphore(%run_scoped3A : memref<!tpu.dma_semaphore, #tpu.memory_space<semaphore_mem>>)
        %dma_wait3A_18 = tpu.memref_slice %arg2[%add3A_11] : memref<53248xi32, #tpu.memory_space<hbm>> -> memref<832xi32, #tpu.memory_space<hbm>>
        %dma_wait3A_19 = tpu.memref_slice %arg2[%add3A_11] : memref<53248xi32, #tpu.memory_space<hbm>> -> memref<832xi32, #tpu.memory_space<hbm>>
        tpu.wait_dma2 semaphore(%run_scoped3A : memref<!tpu.dma_semaphore, #tpu.memory_space<semaphore_mem>>) src(%dma_wait3A_19 : memref<832xi32, #tpu.memory_space<hbm>>) dst(%arg5 : memref<832xi32, #tpu.memory_space<vmem>>)
        tpu.yield
      }) : () -> ()
      %dma_start3A = arith.constant 0 : i32
      %dma_start3A_12 = arith.constant 0 : i32
      %dma_start3A_13 = tpu.memref_slice %arg3[%dma_start3A, %dma_start3A_12] : memref<1040000x64xf32, #tpu.memory_space<hbm>> -> memref<1040000x64xf32, #tpu.memory_space<hbm>>
      tpu.enqueue_indirect_dma source(%dma_start3A_13 : memref<1040000x64xf32, #tpu.memory_space<hbm>>) target(%arg6 : memref<832x64xf32, #tpu.memory_space<vmem>>) offsets(%arg5 : memref<832xi32, #tpu.memory_space<vmem>>) semaphore(%arg7 : memref<!tpu.dma_semaphore, #tpu.memory_space<semaphore_mem>>)
      %dma_wait3A = arith.constant 0 : i32
      %dma_wait3A_14 = arith.constant 0 : i32
      %dma_wait3A_15 = tpu.memref_slice %arg3[%dma_wait3A, %dma_wait3A_14] : memref<1040000x64xf32, #tpu.memory_space<hbm>> -> memref<1040000x64xf32, #tpu.memory_space<hbm>>
      tpu.wait_indirect_dma semaphore(%arg7 : memref<!tpu.dma_semaphore, #tpu.memory_space<semaphore_mem>>) src(%dma_wait3A_15 : memref<1040000x64xf32, #tpu.memory_space<hbm>>) dst(%arg6 : memref<832x64xf32, #tpu.memory_space<vmem>>)
      "tpu.region"() ({
        %run_scoped3A = tpu.sem_alloc : memref<!tpu.dma_semaphore, #tpu.memory_space<semaphore_mem>>
        %dma_start3A_16 = arith.constant 0 : i32
        %dma_start3A_17 = tpu.memref_slice %arg4[%add3A_11, %dma_start3A_16] : memref<53248x64xf32, #tpu.memory_space<hbm>> -> memref<832x64xf32, #tpu.memory_space<hbm>>
        %dma_start3A_18 = arith.constant 0 : i32
        %dma_start3A_19 = tpu.memref_slice %arg4[%add3A_11, %dma_start3A_18] : memref<53248x64xf32, #tpu.memory_space<hbm>> -> memref<832x64xf32, #tpu.memory_space<hbm>>
        tpu.enqueue_dma source(%arg6 : memref<832x64xf32, #tpu.memory_space<vmem>>) target(%dma_start3A_19 : memref<832x64xf32, #tpu.memory_space<hbm>>) target_semaphore(%run_scoped3A : memref<!tpu.dma_semaphore, #tpu.memory_space<semaphore_mem>>)
        %dma_wait3A_20 = arith.constant 0 : i32
        %dma_wait3A_21 = tpu.memref_slice %arg4[%add3A_11, %dma_wait3A_20] : memref<53248x64xf32, #tpu.memory_space<hbm>> -> memref<832x64xf32, #tpu.memory_space<hbm>>
        %dma_wait3A_22 = arith.constant 0 : i32
        %dma_wait3A_23 = tpu.memref_slice %arg4[%add3A_11, %dma_wait3A_22] : memref<53248x64xf32, #tpu.memory_space<hbm>> -> memref<832x64xf32, #tpu.memory_space<hbm>>
        tpu.wait_dma2 semaphore(%run_scoped3A : memref<!tpu.dma_semaphore, #tpu.memory_space<semaphore_mem>>) src(%arg6 : memref<832x64xf32, #tpu.memory_space<vmem>>) dst(%dma_wait3A_23 : memref<832x64xf32, #tpu.memory_space<hbm>>)
        tpu.yield
      }) : () -> ()
    }
    %scan3A_7 = arith.constant 2 : i32
    return
  }
}

module attributes {stable_mosaic.version = 14 : i64} {
  func.func @_transpose_body(%arg0: i32, %arg1: memref<64x3200xf32, #tpu.memory_space<vmem>>, %arg2: memref<1600x128xf32, #tpu.memory_space<vmem>>) attributes {dimension_semantics = [#tpu.dimension_semantics<arbitrary>], iteration_bounds = array<i64: 325>, scalar_prefetch = 0 : i64, scratch_operands = 0 : i64, tpu.core_type = #tpu.core_type<tc>, window_params = [{transform_indices = @transform_0, window_bounds = array<i64: 64, 3200>}, {transform_indices = @transform_1, window_bounds = array<i64: 1600, 128>}]} {
    %get3A = arith.constant 0 : index
    %get3A_0 = arith.constant 0 : index
    %get3A_1 = vector.load %arg1[%get3A, %get3A_0] : memref<64x3200xf32, #tpu.memory_space<vmem>>, vector<64x3200xf32>
    %iota3A = tpu.iota {dimensions = array<i32: 0>} : vector<64x64xi32>
    %iota3A_2 = tpu.iota {dimensions = array<i32: 1>} : vector<64x64xi32>
    %eq3A = arith.cmpi eq, %iota3A, %iota3A_2 : vector<64x64xi32>
    %convert_element_type3A = arith.extui %eq3A : vector<64x64xi1> to vector<64x64xi32>
    %convert_element_type3A_3 = arith.sitofp %convert_element_type3A : vector<64x64xi32> to vector<64x64xf32>
    %dot_general3A = arith.constant dense<0.000000e+00> : vector<3200x64xf32>
    %dot_general3A_4 = tpu.matmul %get3A_1, %convert_element_type3A_3, %dot_general3A {dimension_numbers = #tpu.dot_dimension_numbers<[0], [0], [1], [1], [0, 1, 1, 1], [], []>, transpose_lhs_hint = false} : vector<64x3200xf32>, vector<64x64xf32>, vector<3200x64xf32> -> vector<3200x64xf32>
    %slice3A = vector.extract_strided_slice %dot_general3A_4 {offsets = [0, 0], sizes = [1600, 64], strides = [1, 1]} : vector<3200x64xf32> to vector<1600x64xf32>
    %swap3A = arith.constant 0 : index
    %swap3A_5 = arith.constant 0 : index
    %swap3A_6 = vector.load %arg2[%swap3A, %swap3A_5] : memref<1600x128xf32, #tpu.memory_space<vmem>>, vector<1600x64xf32>
    tpu.vector_store %arg2[%swap3A, %swap3A_5], %slice3A {strides = array<i32>} : memref<1600x128xf32, #tpu.memory_space<vmem>>, vector<1600x64xf32>,
    %slice3A_7 = vector.extract_strided_slice %dot_general3A_4 {offsets = [1600, 0], sizes = [1600, 64], strides = [1, 1]} : vector<3200x64xf32> to vector<1600x64xf32>
    %swap3A_8 = arith.constant 0 : index
    %swap3A_9 = arith.constant 64 : index
    %swap3A_10 = vector.load %arg2[%swap3A_8, %swap3A_9] : memref<1600x128xf32, #tpu.memory_space<vmem>>, vector<1600x64xf32>
    tpu.vector_store %arg2[%swap3A_8, %swap3A_9], %slice3A_7 {strides = array<i32>} : memref<1600x128xf32, #tpu.memory_space<vmem>>, vector<1600x64xf32>,
    return
  }
  func.func @transform_0(%arg0: i32) -> (i32, i32) {
    %c0_i32 = arith.constant 0 : i32
    %c0_i32_0 = arith.constant 0 : i32
    return %c0_i32, %arg0 : i32, i32
  }
  func.func @transform_1(%arg0: i32) -> (i32, i32) {
    %c0_i32 = arith.constant 0 : i32
    %c0_i32_0 = arith.constant 0 : i32
    return %arg0, %c0_i32 : i32, i32
  }
}

module attributes {stable_mosaic.version = 14 : i64} {
  func.func @_mlp_t_first_body(%arg0: i32, %arg1: memref<1024x128xf32, #tpu.memory_space<vmem>>, %arg2: memref<64x64xf32, #tpu.memory_space<vmem>>, %arg3: memref<64x1xf32, #tpu.memory_space<vmem>>, %arg4: memref<64x64xf32, #tpu.memory_space<vmem>>, %arg5: memref<64x1xf32, #tpu.memory_space<vmem>>, %arg6: memref<1x64x2048xf32, #tpu.memory_space<vmem>>) attributes {dimension_semantics = [#tpu.dimension_semantics<arbitrary>], iteration_bounds = array<i64: 26>, scalar_prefetch = 0 : i64, scratch_operands = 0 : i64, tpu.core_type = #tpu.core_type<tc>, window_params = [{transform_indices = @transform_0, window_bounds = array<i64: 1024, 128>}, {pipeline_mode = #tpu.pipeline_mode<synchronous>, transform_indices = @transform_1, window_bounds = array<i64: 64, 64>}, {pipeline_mode = #tpu.pipeline_mode<synchronous>, transform_indices = @transform_2, window_bounds = array<i64: 64, 1>}, {pipeline_mode = #tpu.pipeline_mode<synchronous>, transform_indices = @transform_3, window_bounds = array<i64: 64, 64>}, {pipeline_mode = #tpu.pipeline_mode<synchronous>, transform_indices = @transform_4, window_bounds = array<i64: 64, 1>}, {transform_indices = @transform_5, window_bounds = array<i64: 1, 64, 2048>}]} {
    %get3A = arith.constant 0 : index
    %get3A_0 = arith.constant 0 : index
    %get3A_1 = vector.load %arg1[%get3A, %get3A_0] : memref<1024x128xf32, #tpu.memory_space<vmem>>, vector<1024x128xf32>
    %get3A_2 = arith.constant 0 : index
    %get3A_3 = arith.constant 0 : index
    %get3A_4 = vector.load %arg2[%get3A_2, %get3A_3] : memref<64x64xf32, #tpu.memory_space<vmem>>, vector<64x64xf32>
    %get3A_5 = arith.constant 0 : index
    %get3A_6 = arith.constant 0 : index
    %get3A_7 = vector.load %arg3[%get3A_5, %get3A_6] : memref<64x1xf32, #tpu.memory_space<vmem>>, vector<64x1xf32>
    %get3A_8 = arith.constant 0 : index
    %get3A_9 = arith.constant 0 : index
    %get3A_10 = vector.load %arg4[%get3A_8, %get3A_9] : memref<64x64xf32, #tpu.memory_space<vmem>>, vector<64x64xf32>
    %get3A_11 = arith.constant 0 : index
    %get3A_12 = arith.constant 0 : index
    %get3A_13 = vector.load %arg5[%get3A_11, %get3A_12] : memref<64x1xf32, #tpu.memory_space<vmem>>, vector<64x1xf32>
    %slice3A = vector.extract_strided_slice %get3A_1 {offsets = [0, 0], sizes = [1024, 64], strides = [1, 1]} : vector<1024x128xf32> to vector<1024x64xf32>
    %dot_general3A = arith.constant dense<0.000000e+00> : vector<64x1024xf32>
    %dot_general3A_14 = tpu.matmul %get3A_4, %slice3A, %dot_general3A {dimension_numbers = #tpu.dot_dimension_numbers<[0], [1], [1], [0], [0, 1, 1, 0], [], []>, transpose_lhs_hint = false} : vector<64x64xf32>, vector<1024x64xf32>, vector<64x1024xf32> -> vector<64x1024xf32>
    %add3A = vector.broadcast %get3A_7 : vector<64x1xf32> to vector<64x1024xf32>
    %add3A_15 = arith.addf %dot_general3A_14, %add3A : vector<64x1024xf32>
    %mul3A = arith.constant 5.000000e-01 : f32
    %mul3A_16 = vector.broadcast %mul3A : f32 to vector<64x1024xf32>
    %mul3A_17 = arith.mulf %mul3A_16, %add3A_15 : vector<64x1024xf32>
    %mul3A_18 = arith.constant 0.707106769 : f32
    %mul3A_19 = vector.broadcast %mul3A_18 : f32 to vector<64x1024xf32>
    %mul3A_20 = arith.mulf %add3A_15, %mul3A_19 : vector<64x1024xf32>
    %sign3A = tpu.bitcast %mul3A_20 : vector<64x1024xf32> -> vector<64x1024xi32>
    %sign3A_21 = arith.constant -2147483648 : i32
    %sign3A_22 = vector.broadcast %sign3A_21 : i32 to vector<64x1024xi32>
    %sign3A_23 = arith.andi %sign3A, %sign3A_22 : vector<64x1024xi32>
    %sign3A_24 = arith.constant 1065353216 : i32
    %sign3A_25 = vector.broadcast %sign3A_24 : i32 to vector<64x1024xi32>
    %sign3A_26 = arith.ori %sign3A_25, %sign3A_23 : vector<64x1024xi32>
    %sign3A_27 = tpu.bitcast %sign3A_26 : vector<64x1024xi32> -> vector<64x1024xf32>
    %sign3A_28 = math.absf %mul3A_20 : vector<64x1024xf32>
    %sign3A_29 = arith.constant 0.000000e+00 : f32
    %sign3A_30 = vector.broadcast %sign3A_29 : f32 to vector<64x1024xf32>
    %sign3A_31 = arith.cmpf ogt, %sign3A_28, %sign3A_30 : vector<64x1024xf32>
    %sign3A_32 = arith.select %sign3A_31, %sign3A_27, %mul3A_20 : vector<64x1024xi1>, vector<64x1024xf32>
    %abs3A = math.absf %mul3A_20 : vector<64x1024xf32>
    %mul3A_33 = arith.constant 0.327591091 : f32
    %mul3A_34 = vector.broadcast %mul3A_33 : f32 to vector<64x1024xf32>
    %mul3A_35 = arith.mulf %mul3A_34, %abs3A : vector<64x1024xf32>
    %add3A_36 = arith.constant 1.000000e+00 : f32
    %add3A_37 = vector.broadcast %add3A_36 : f32 to vector<64x1024xf32>
    %add3A_38 = arith.addf %add3A_37, %mul3A_35 : vector<64x1024xf32>
    %div3A = arith.constant 1.000000e+00 : f32
    %div3A_39 = vector.broadcast %div3A : f32 to vector<64x1024xf32>
    %div3A_40 = arith.divf %div3A_39, %add3A_38 : vector<64x1024xf32>
    %mul3A_41 = arith.constant 1.06140542 : f32
    %mul3A_42 = vector.broadcast %mul3A_41 : f32 to vector<64x1024xf32>
    %mul3A_43 = arith.mulf %div3A_40, %mul3A_42 : vector<64x1024xf32>
    %add3A_44 = arith.constant -1.45315206 : f32
    %add3A_45 = vector.broadcast %add3A_44 : f32 to vector<64x1024xf32>
    %add3A_46 = arith.addf %add3A_45, %mul3A_43 : vector<64x1024xf32>
    %mul3A_47 = arith.mulf %div3A_40, %add3A_46 : vector<64x1024xf32>
    %add3A_48 = arith.constant 1.42141378 : f32
    %add3A_49 = vector.broadcast %add3A_48 : f32 to vector<64x1024xf32>
    %add3A_50 = arith.addf %add3A_49, %mul3A_47 : vector<64x1024xf32>
    %mul3A_51 = arith.mulf %div3A_40, %add3A_50 : vector<64x1024xf32>
    %add3A_52 = arith.constant -0.284496725 : f32
    %add3A_53 = vector.broadcast %add3A_52 : f32 to vector<64x1024xf32>
    %add3A_54 = arith.addf %add3A_53, %mul3A_51 : vector<64x1024xf32>
    %mul3A_55 = arith.mulf %div3A_40, %add3A_54 : vector<64x1024xf32>
    %add3A_56 = arith.constant 0.254829586 : f32
    %add3A_57 = vector.broadcast %add3A_56 : f32 to vector<64x1024xf32>
    %add3A_58 = arith.addf %add3A_57, %mul3A_55 : vector<64x1024xf32>
    %mul3A_59 = arith.mulf %div3A_40, %add3A_58 : vector<64x1024xf32>
    %neg3A = arith.constant 0.000000e+00 : f32
    %neg3A_60 = vector.broadcast %neg3A : f32 to vector<64x1024xf32>
    %neg3A_61 = arith.subf %neg3A_60, %abs3A : vector<64x1024xf32>
    %mul3A_62 = arith.mulf %neg3A_61, %abs3A : vector<64x1024xf32>
    %exp3A = math.exp %mul3A_62 : vector<64x1024xf32>
    %mul3A_63 = arith.mulf %mul3A_59, %exp3A : vector<64x1024xf32>
    %sub3A = arith.constant 1.000000e+00 : f32
    %sub3A_64 = vector.broadcast %sub3A : f32 to vector<64x1024xf32>
    %sub3A_65 = arith.subf %sub3A_64, %mul3A_63 : vector<64x1024xf32>
    %mul3A_66 = arith.mulf %sign3A_32, %sub3A_65 : vector<64x1024xf32>
    %add3A_67 = arith.constant 1.000000e+00 : f32
    %add3A_68 = vector.broadcast %add3A_67 : f32 to vector<64x1024xf32>
    %add3A_69 = arith.addf %add3A_68, %mul3A_66 : vector<64x1024xf32>
    %mul3A_70 = arith.mulf %mul3A_17, %add3A_69 : vector<64x1024xf32>
    %dot_general3A_71 = arith.constant dense<0.000000e+00> : vector<64x1024xf32>
    %dot_general3A_72 = tpu.matmul %get3A_10, %mul3A_70, %dot_general3A_71 {dimension_numbers = #tpu.dot_dimension_numbers<[0], [0], [1], [1], [0, 1, 1, 1], [], []>, transpose_lhs_hint = false} : vector<64x64xf32>, vector<64x1024xf32>, vector<64x1024xf32> -> vector<64x1024xf32>
    %add3A_73 = vector.broadcast %get3A_13 : vector<64x1xf32> to vector<64x1024xf32>
    %add3A_74 = arith.addf %dot_general3A_72, %add3A_73 : vector<64x1024xf32>
    %swap3A = arith.constant 0 : index
    %swap3A_75 = arith.constant 0 : index
    %swap3A_76 = arith.constant 0 : index
    %swap3A_77 = vector.load %arg6[%swap3A, %swap3A_75, %swap3A_76] : memref<1x64x2048xf32, #tpu.memory_space<vmem>>, vector<1x64x1024xf32>
    %swap3A_78 = vector.shape_cast %swap3A_77 : vector<1x64x1024xf32> to vector<64x1024xf32>
    %swap3A_79 = vector.shape_cast %add3A_74 : vector<64x1024xf32> to vector<1x64x1024xf32>
    tpu.vector_store %arg6[%swap3A, %swap3A_75, %swap3A_76], %swap3A_79 {strides = array<i32>} : memref<1x64x2048xf32, #tpu.memory_space<vmem>>, vector<1x64x1024xf32>,
    %slice3A_80 = vector.extract_strided_slice %get3A_1 {offsets = [0, 64], sizes = [1024, 64], strides = [1, 1]} : vector<1024x128xf32> to vector<1024x64xf32>
    %dot_general3A_81 = arith.constant dense<0.000000e+00> : vector<64x1024xf32>
    %dot_general3A_82 = tpu.matmul %get3A_4, %slice3A_80, %dot_general3A_81 {dimension_numbers = #tpu.dot_dimension_numbers<[0], [1], [1], [0], [0, 1, 1, 0], [], []>, transpose_lhs_hint = false} : vector<64x64xf32>, vector<1024x64xf32>, vector<64x1024xf32> -> vector<64x1024xf32>
    %add3A_83 = vector.broadcast %get3A_7 : vector<64x1xf32> to vector<64x1024xf32>
    %add3A_84 = arith.addf %dot_general3A_82, %add3A_83 : vector<64x1024xf32>
    %mul3A_85 = arith.constant 5.000000e-01 : f32
    %mul3A_86 = vector.broadcast %mul3A_85 : f32 to vector<64x1024xf32>
    %mul3A_87 = arith.mulf %mul3A_86, %add3A_84 : vector<64x1024xf32>
    %mul3A_88 = arith.constant 0.707106769 : f32
    %mul3A_89 = vector.broadcast %mul3A_88 : f32 to vector<64x1024xf32>
    %mul3A_90 = arith.mulf %add3A_84, %mul3A_89 : vector<64x1024xf32>
    %sign3A_91 = tpu.bitcast %mul3A_90 : vector<64x1024xf32> -> vector<64x1024xi32>
    %sign3A_92 = arith.constant -2147483648 : i32
    %sign3A_93 = vector.broadcast %sign3A_92 : i32 to vector<64x1024xi32>
    %sign3A_94 = arith.andi %sign3A_91, %sign3A_93 : vector<64x1024xi32>
    %sign3A_95 = arith.constant 1065353216 : i32
    %sign3A_96 = vector.broadcast %sign3A_95 : i32 to vector<64x1024xi32>
    %sign3A_97 = arith.ori %sign3A_96, %sign3A_94 : vector<64x1024xi32>
    %sign3A_98 = tpu.bitcast %sign3A_97 : vector<64x1024xi32> -> vector<64x1024xf32>
    %sign3A_99 = math.absf %mul3A_90 : vector<64x1024xf32>
    %sign3A_100 = arith.constant 0.000000e+00 : f32
    %sign3A_101 = vector.broadcast %sign3A_100 : f32 to vector<64x1024xf32>
    %sign3A_102 = arith.cmpf ogt, %sign3A_99, %sign3A_101 : vector<64x1024xf32>
    %sign3A_103 = arith.select %sign3A_102, %sign3A_98, %mul3A_90 : vector<64x1024xi1>, vector<64x1024xf32>
    %abs3A_104 = math.absf %mul3A_90 : vector<64x1024xf32>
    %mul3A_105 = arith.constant 0.327591091 : f32
    %mul3A_106 = vector.broadcast %mul3A_105 : f32 to vector<64x1024xf32>
    %mul3A_107 = arith.mulf %mul3A_106, %abs3A_104 : vector<64x1024xf32>
    %add3A_108 = arith.constant 1.000000e+00 : f32
    %add3A_109 = vector.broadcast %add3A_108 : f32 to vector<64x1024xf32>
    %add3A_110 = arith.addf %add3A_109, %mul3A_107 : vector<64x1024xf32>
    %div3A_111 = arith.constant 1.000000e+00 : f32
    %div3A_112 = vector.broadcast %div3A_111 : f32 to vector<64x1024xf32>
    %div3A_113 = arith.divf %div3A_112, %add3A_110 : vector<64x1024xf32>
    %mul3A_114 = arith.constant 1.06140542 : f32
    %mul3A_115 = vector.broadcast %mul3A_114 : f32 to vector<64x1024xf32>
    %mul3A_116 = arith.mulf %div3A_113, %mul3A_115 : vector<64x1024xf32>
    %add3A_117 = arith.constant -1.45315206 : f32
    %add3A_118 = vector.broadcast %add3A_117 : f32 to vector<64x1024xf32>
    %add3A_119 = arith.addf %add3A_118, %mul3A_116 : vector<64x1024xf32>
    %mul3A_120 = arith.mulf %div3A_113, %add3A_119 : vector<64x1024xf32>
    %add3A_121 = arith.constant 1.42141378 : f32
    %add3A_122 = vector.broadcast %add3A_121 : f32 to vector<64x1024xf32>
    %add3A_123 = arith.addf %add3A_122, %mul3A_120 : vector<64x1024xf32>
    %mul3A_124 = arith.mulf %div3A_113, %add3A_123 : vector<64x1024xf32>
    %add3A_125 = arith.constant -0.284496725 : f32
    %add3A_126 = vector.broadcast %add3A_125 : f32 to vector<64x1024xf32>
    %add3A_127 = arith.addf %add3A_126, %mul3A_124 : vector<64x1024xf32>
    %mul3A_128 = arith.mulf %div3A_113, %add3A_127 : vector<64x1024xf32>
    %add3A_129 = arith.constant 0.254829586 : f32
    %add3A_130 = vector.broadcast %add3A_129 : f32 to vector<64x1024xf32>
    %add3A_131 = arith.addf %add3A_130, %mul3A_128 : vector<64x1024xf32>
    %mul3A_132 = arith.mulf %div3A_113, %add3A_131 : vector<64x1024xf32>
    %neg3A_133 = arith.constant 0.000000e+00 : f32
    %neg3A_134 = vector.broadcast %neg3A_133 : f32 to vector<64x1024xf32>
    %neg3A_135 = arith.subf %neg3A_134, %abs3A_104 : vector<64x1024xf32>
    %mul3A_136 = arith.mulf %neg3A_135, %abs3A_104 : vector<64x1024xf32>
    %exp3A_137 = math.exp %mul3A_136 : vector<64x1024xf32>
    %mul3A_138 = arith.mulf %mul3A_132, %exp3A_137 : vector<64x1024xf32>
    %sub3A_139 = arith.constant 1.000000e+00 : f32
    %sub3A_140 = vector.broadcast %sub3A_139 : f32 to vector<64x1024xf32>
    %sub3A_141 = arith.subf %sub3A_140, %mul3A_138 : vector<64x1024xf32>
    %mul3A_142 = arith.mulf %sign3A_103, %sub3A_141 : vector<64x1024xf32>
    %add3A_143 = arith.constant 1.000000e+00 : f32
    %add3A_144 = vector.broadcast %add3A_143 : f32 to vector<64x1024xf32>
    %add3A_145 = arith.addf %add3A_144, %mul3A_142 : vector<64x1024xf32>
    %mul3A_146 = arith.mulf %mul3A_87, %add3A_145 : vector<64x1024xf32>
    %dot_general3A_147 = arith.constant dense<0.000000e+00> : vector<64x1024xf32>
    %dot_general3A_148 = tpu.matmul %get3A_10, %mul3A_146, %dot_general3A_147 {dimension_numbers = #tpu.dot_dimension_numbers<[0], [0], [1], [1], [0, 1, 1, 1], [], []>, transpose_lhs_hint = false} : vector<64x64xf32>, vector<64x1024xf32>, vector<64x1024xf32> -> vector<64x1024xf32>
    %add3A_149 = vector.broadcast %get3A_13 : vector<64x1xf32> to vector<64x1024xf32>
    %add3A_150 = arith.addf %dot_general3A_148, %add3A_149 : vector<64x1024xf32>
    %swap3A_151 = arith.constant 0 : index
    %swap3A_152 = arith.constant 0 : index
    %swap3A_153 = arith.constant 1024 : index
    %swap3A_154 = vector.load %arg6[%swap3A_151, %swap3A_152, %swap3A_153] : memref<1x64x2048xf32, #tpu.memory_space<vmem>>, vector<1x64x1024xf32>
    %swap3A_155 = vector.shape_cast %swap3A_154 : vector<1x64x1024xf32> to vector<64x1024xf32>
    %swap3A_156 = vector.shape_cast %add3A_150 : vector<64x1024xf32> to vector<1x64x1024xf32>
    tpu.vector_store %arg6[%swap3A_151, %swap3A_152, %swap3A_153], %swap3A_156 {strides = array<i32>} : memref<1x64x2048xf32, #tpu.memory_space<vmem>>, vector<1x64x1024xf32>,
    return
  }
  func.func @transform_0(%arg0: i32) -> (i32, i32) {
    %c0_i32 = arith.constant 0 : i32
    %c0_i32_0 = arith.constant 0 : i32
    return %arg0, %c0_i32 : i32, i32
  }
  func.func @transform_1(%arg0: i32) -> (i32, i32) {
    %c0_i32 = arith.constant 0 : i32
    %c0_i32_0 = arith.constant 0 : i32
    %c0_i32_1 = arith.constant 0 : i32
    return %c0_i32, %c0_i32_0 : i32, i32
  }
  func.func @transform_2(%arg0: i32) -> (i32, i32) {
    %c0_i32 = arith.constant 0 : i32
    %c0_i32_0 = arith.constant 0 : i32
    %c0_i32_1 = arith.constant 0 : i32
    return %c0_i32, %c0_i32_0 : i32, i32
  }
  func.func @transform_3(%arg0: i32) -> (i32, i32) {
    %c0_i32 = arith.constant 0 : i32
    %c0_i32_0 = arith.constant 0 : i32
    %c0_i32_1 = arith.constant 0 : i32
    return %c0_i32, %c0_i32_0 : i32, i32
  }
  func.func @transform_4(%arg0: i32) -> (i32, i32) {
    %c0_i32 = arith.constant 0 : i32
    %c0_i32_0 = arith.constant 0 : i32
    %c0_i32_1 = arith.constant 0 : i32
    return %c0_i32, %c0_i32_0 : i32, i32
  }
  func.func @transform_5(%arg0: i32) -> (i32, i32, i32) {
    %add3A = arith.constant 0 : i32
    %add3A_0 = arith.addi %add3A, %arg0 : i32
    %jit3A = arith.constant 8 : i32
    %div3A = arith.divsi %add3A_0, %jit3A : i32
    %sign3A = arith.constant 0 : i32
    %sign3A_1 = arith.cmpi sgt, %add3A_0, %sign3A : i32
    %sign3A_2 = arith.extui %sign3A_1 : i1 to i32
    %sign3A_3 = arith.constant 0 : i32
    %sign3A_4 = arith.cmpi slt, %add3A_0, %sign3A_3 : i32
    %sign3A_5 = arith.extui %sign3A_4 : i1 to i32
    %sign3A_6 = arith.subi %sign3A_2, %sign3A_5 : i32
    %sign3A_7 = arith.constant 0 : i32
    %sign3A_8 = arith.cmpi sgt, %jit3A, %sign3A_7 : i32
    %sign3A_9 = arith.extui %sign3A_8 : i1 to i32
    %sign3A_10 = arith.constant 0 : i32
    %sign3A_11 = arith.cmpi slt, %jit3A, %sign3A_10 : i32
    %sign3A_12 = arith.extui %sign3A_11 : i1 to i32
    %sign3A_13 = arith.subi %sign3A_9, %sign3A_12 : i32
    %ne3A = arith.cmpi ne, %sign3A_6, %sign3A_13 : i32
    %rem3A = arith.remsi %add3A_0, %jit3A : i32
    %ne3A_14 = arith.constant 0 : i32
    %ne3A_15 = arith.cmpi ne, %rem3A, %ne3A_14 : i32
    %and3A = arith.andi %ne3A, %ne3A_15 : i1
    %sub3A = arith.constant 1 : i32
    %sub3A_16 = arith.subi %div3A, %sub3A : i32
    %select_n3A = arith.select %and3A, %sub3A_16, %div3A : i32
    %add3A_17 = arith.constant 0 : i32
    %add3A_18 = arith.addi %add3A_17, %arg0 : i32
    %jit3A_19 = arith.constant 8 : i32
    %eq3A = arith.constant 0 : i32
    %eq3A_20 = arith.cmpi eq, %jit3A_19, %eq3A : i32
    %jit3A_21 = arith.constant 1 : i32
    %select_n3A_22 = arith.select %eq3A_20, %jit3A_21, %jit3A_19 : i32
    %rem3A_23 = arith.remsi %add3A_18, %select_n3A_22 : i32
    %ne3A_24 = arith.constant 0 : i32
    %ne3A_25 = arith.cmpi ne, %rem3A_23, %ne3A_24 : i32
    %lt3A = arith.constant 0 : i32
    %lt3A_26 = arith.cmpi slt, %rem3A_23, %lt3A : i32
    %lt3A_27 = arith.constant 0 : i32
    %lt3A_28 = arith.cmpi slt, %select_n3A_22, %lt3A_27 : i32
    %ne3A_29 = arith.xori %lt3A_26, %lt3A_28 : i1
    %and3A_30 = arith.andi %ne3A_29, %ne3A_25 : i1
    %add3A_31 = arith.addi %rem3A_23, %select_n3A_22 : i32
    %select_n3A_32 = arith.select %and3A_30, %add3A_31, %rem3A_23 : i32
    %c0_i32 = arith.constant 0 : i32
    %c0_i32_33 = arith.constant 0 : i32
    return %select_n3A, %c0_i32, %select_n3A_32 : i32, i32, i32
  }
}

module attributes {stable_mosaic.version = 14 : i64} {
  func.func @_mlp_t_acc_body(%arg0: i32, %arg1: memref<1024x128xf32, #tpu.memory_space<vmem>>, %arg2: memref<64x64xf32, #tpu.memory_space<vmem>>, %arg3: memref<64x1xf32, #tpu.memory_space<vmem>>, %arg4: memref<64x64xf32, #tpu.memory_space<vmem>>, %arg5: memref<64x1xf32, #tpu.memory_space<vmem>>, %arg6: memref<26x64x16384xf32, #tpu.memory_space<any>>, %arg7: memref<1x64x2048xf32, #tpu.memory_space<vmem>>) attributes {dimension_semantics = [#tpu.dimension_semantics<arbitrary>], iteration_bounds = array<i64: 26>, scalar_prefetch = 0 : i64, scratch_operands = 0 : i64, tpu.core_type = #tpu.core_type<tc>, window_params = [{transform_indices = @transform_0, window_bounds = array<i64: 1024, 128>}, {pipeline_mode = #tpu.pipeline_mode<synchronous>, transform_indices = @transform_1, window_bounds = array<i64: 64, 64>}, {pipeline_mode = #tpu.pipeline_mode<synchronous>, transform_indices = @transform_2, window_bounds = array<i64: 64, 1>}, {pipeline_mode = #tpu.pipeline_mode<synchronous>, transform_indices = @transform_3, window_bounds = array<i64: 64, 64>}, {pipeline_mode = #tpu.pipeline_mode<synchronous>, transform_indices = @transform_4, window_bounds = array<i64: 64, 1>}, {}, {transform_indices = @transform_6, window_bounds = array<i64: 1, 64, 2048>}]} {
    %get3A = arith.constant 0 : index
    %get3A_0 = arith.constant 0 : index
    %get3A_1 = vector.load %arg1[%get3A, %get3A_0] : memref<1024x128xf32, #tpu.memory_space<vmem>>, vector<1024x128xf32>
    %get3A_2 = arith.constant 0 : index
    %get3A_3 = arith.constant 0 : index
    %get3A_4 = vector.load %arg2[%get3A_2, %get3A_3] : memref<64x64xf32, #tpu.memory_space<vmem>>, vector<64x64xf32>
    %get3A_5 = arith.constant 0 : index
    %get3A_6 = arith.constant 0 : index
    %get3A_7 = vector.load %arg3[%get3A_5, %get3A_6] : memref<64x1xf32, #tpu.memory_space<vmem>>, vector<64x1xf32>
    %get3A_8 = arith.constant 0 : index
    %get3A_9 = arith.constant 0 : index
    %get3A_10 = vector.load %arg4[%get3A_8, %get3A_9] : memref<64x64xf32, #tpu.memory_space<vmem>>, vector<64x64xf32>
    %get3A_11 = arith.constant 0 : index
    %get3A_12 = arith.constant 0 : index
    %get3A_13 = vector.load %arg5[%get3A_11, %get3A_12] : memref<64x1xf32, #tpu.memory_space<vmem>>, vector<64x1xf32>
    %slice3A = vector.extract_strided_slice %get3A_1 {offsets = [0, 0], sizes = [1024, 64], strides = [1, 1]} : vector<1024x128xf32> to vector<1024x64xf32>
    %dot_general3A = arith.constant dense<0.000000e+00> : vector<64x1024xf32>
    %dot_general3A_14 = tpu.matmul %get3A_4, %slice3A, %dot_general3A {dimension_numbers = #tpu.dot_dimension_numbers<[0], [1], [1], [0], [0, 1, 1, 0], [], []>, transpose_lhs_hint = false} : vector<64x64xf32>, vector<1024x64xf32>, vector<64x1024xf32> -> vector<64x1024xf32>
    %add3A = vector.broadcast %get3A_7 : vector<64x1xf32> to vector<64x1024xf32>
    %add3A_15 = arith.addf %dot_general3A_14, %add3A : vector<64x1024xf32>
    %mul3A = arith.constant 5.000000e-01 : f32
    %mul3A_16 = vector.broadcast %mul3A : f32 to vector<64x1024xf32>
    %mul3A_17 = arith.mulf %mul3A_16, %add3A_15 : vector<64x1024xf32>
    %mul3A_18 = arith.constant 0.707106769 : f32
    %mul3A_19 = vector.broadcast %mul3A_18 : f32 to vector<64x1024xf32>
    %mul3A_20 = arith.mulf %add3A_15, %mul3A_19 : vector<64x1024xf32>
    %sign3A = tpu.bitcast %mul3A_20 : vector<64x1024xf32> -> vector<64x1024xi32>
    %sign3A_21 = arith.constant -2147483648 : i32
    %sign3A_22 = vector.broadcast %sign3A_21 : i32 to vector<64x1024xi32>
    %sign3A_23 = arith.andi %sign3A, %sign3A_22 : vector<64x1024xi32>
    %sign3A_24 = arith.constant 1065353216 : i32
    %sign3A_25 = vector.broadcast %sign3A_24 : i32 to vector<64x1024xi32>
    %sign3A_26 = arith.ori %sign3A_25, %sign3A_23 : vector<64x1024xi32>
    %sign3A_27 = tpu.bitcast %sign3A_26 : vector<64x1024xi32> -> vector<64x1024xf32>
    %sign3A_28 = math.absf %mul3A_20 : vector<64x1024xf32>
    %sign3A_29 = arith.constant 0.000000e+00 : f32
    %sign3A_30 = vector.broadcast %sign3A_29 : f32 to vector<64x1024xf32>
    %sign3A_31 = arith.cmpf ogt, %sign3A_28, %sign3A_30 : vector<64x1024xf32>
    %sign3A_32 = arith.select %sign3A_31, %sign3A_27, %mul3A_20 : vector<64x1024xi1>, vector<64x1024xf32>
    %abs3A = math.absf %mul3A_20 : vector<64x1024xf32>
    %mul3A_33 = arith.constant 0.327591091 : f32
    %mul3A_34 = vector.broadcast %mul3A_33 : f32 to vector<64x1024xf32>
    %mul3A_35 = arith.mulf %mul3A_34, %abs3A : vector<64x1024xf32>
    %add3A_36 = arith.constant 1.000000e+00 : f32
    %add3A_37 = vector.broadcast %add3A_36 : f32 to vector<64x1024xf32>
    %add3A_38 = arith.addf %add3A_37, %mul3A_35 : vector<64x1024xf32>
    %div3A = arith.constant 1.000000e+00 : f32
    %div3A_39 = vector.broadcast %div3A : f32 to vector<64x1024xf32>
    %div3A_40 = arith.divf %div3A_39, %add3A_38 : vector<64x1024xf32>
    %mul3A_41 = arith.constant 1.06140542 : f32
    %mul3A_42 = vector.broadcast %mul3A_41 : f32 to vector<64x1024xf32>
    %mul3A_43 = arith.mulf %div3A_40, %mul3A_42 : vector<64x1024xf32>
    %add3A_44 = arith.constant -1.45315206 : f32
    %add3A_45 = vector.broadcast %add3A_44 : f32 to vector<64x1024xf32>
    %add3A_46 = arith.addf %add3A_45, %mul3A_43 : vector<64x1024xf32>
    %mul3A_47 = arith.mulf %div3A_40, %add3A_46 : vector<64x1024xf32>
    %add3A_48 = arith.constant 1.42141378 : f32
    %add3A_49 = vector.broadcast %add3A_48 : f32 to vector<64x1024xf32>
    %add3A_50 = arith.addf %add3A_49, %mul3A_47 : vector<64x1024xf32>
    %mul3A_51 = arith.mulf %div3A_40, %add3A_50 : vector<64x1024xf32>
    %add3A_52 = arith.constant -0.284496725 : f32
    %add3A_53 = vector.broadcast %add3A_52 : f32 to vector<64x1024xf32>
    %add3A_54 = arith.addf %add3A_53, %mul3A_51 : vector<64x1024xf32>
    %mul3A_55 = arith.mulf %div3A_40, %add3A_54 : vector<64x1024xf32>
    %add3A_56 = arith.constant 0.254829586 : f32
    %add3A_57 = vector.broadcast %add3A_56 : f32 to vector<64x1024xf32>
    %add3A_58 = arith.addf %add3A_57, %mul3A_55 : vector<64x1024xf32>
    %mul3A_59 = arith.mulf %div3A_40, %add3A_58 : vector<64x1024xf32>
    %neg3A = arith.constant 0.000000e+00 : f32
    %neg3A_60 = vector.broadcast %neg3A : f32 to vector<64x1024xf32>
    %neg3A_61 = arith.subf %neg3A_60, %abs3A : vector<64x1024xf32>
    %mul3A_62 = arith.mulf %neg3A_61, %abs3A : vector<64x1024xf32>
    %exp3A = math.exp %mul3A_62 : vector<64x1024xf32>
    %mul3A_63 = arith.mulf %mul3A_59, %exp3A : vector<64x1024xf32>
    %sub3A = arith.constant 1.000000e+00 : f32
    %sub3A_64 = vector.broadcast %sub3A : f32 to vector<64x1024xf32>
    %sub3A_65 = arith.subf %sub3A_64, %mul3A_63 : vector<64x1024xf32>
    %mul3A_66 = arith.mulf %sign3A_32, %sub3A_65 : vector<64x1024xf32>
    %add3A_67 = arith.constant 1.000000e+00 : f32
    %add3A_68 = vector.broadcast %add3A_67 : f32 to vector<64x1024xf32>
    %add3A_69 = arith.addf %add3A_68, %mul3A_66 : vector<64x1024xf32>
    %mul3A_70 = arith.mulf %mul3A_17, %add3A_69 : vector<64x1024xf32>
    %dot_general3A_71 = arith.constant dense<0.000000e+00> : vector<64x1024xf32>
    %dot_general3A_72 = tpu.matmul %get3A_10, %mul3A_70, %dot_general3A_71 {dimension_numbers = #tpu.dot_dimension_numbers<[0], [0], [1], [1], [0, 1, 1, 1], [], []>, transpose_lhs_hint = false} : vector<64x64xf32>, vector<64x1024xf32>, vector<64x1024xf32> -> vector<64x1024xf32>
    %add3A_73 = vector.broadcast %get3A_13 : vector<64x1xf32> to vector<64x1024xf32>
    %add3A_74 = arith.addf %dot_general3A_72, %add3A_73 : vector<64x1024xf32>
    %swap3A = arith.constant 0 : index
    %swap3A_75 = arith.constant 0 : index
    %swap3A_76 = arith.constant 0 : index
    %swap3A_77 = vector.load %arg7[%swap3A, %swap3A_75, %swap3A_76] : memref<1x64x2048xf32, #tpu.memory_space<vmem>>, vector<1x64x1024xf32>
    %swap3A_78 = vector.shape_cast %swap3A_77 : vector<1x64x1024xf32> to vector<64x1024xf32>
    %swap3A_79 = vector.shape_cast %add3A_74 : vector<64x1024xf32> to vector<1x64x1024xf32>
    tpu.vector_store %arg7[%swap3A, %swap3A_75, %swap3A_76], %swap3A_79 {strides = array<i32>} : memref<1x64x2048xf32, #tpu.memory_space<vmem>>, vector<1x64x1024xf32>,
    %slice3A_80 = vector.extract_strided_slice %get3A_1 {offsets = [0, 64], sizes = [1024, 64], strides = [1, 1]} : vector<1024x128xf32> to vector<1024x64xf32>
    %dot_general3A_81 = arith.constant dense<0.000000e+00> : vector<64x1024xf32>
    %dot_general3A_82 = tpu.matmul %get3A_4, %slice3A_80, %dot_general3A_81 {dimension_numbers = #tpu.dot_dimension_numbers<[0], [1], [1], [0], [0, 1, 1, 0], [], []>, transpose_lhs_hint = false} : vector<64x64xf32>, vector<1024x64xf32>, vector<64x1024xf32> -> vector<64x1024xf32>
    %add3A_83 = vector.broadcast %get3A_7 : vector<64x1xf32> to vector<64x1024xf32>
    %add3A_84 = arith.addf %dot_general3A_82, %add3A_83 : vector<64x1024xf32>
    %mul3A_85 = arith.constant 5.000000e-01 : f32
    %mul3A_86 = vector.broadcast %mul3A_85 : f32 to vector<64x1024xf32>
    %mul3A_87 = arith.mulf %mul3A_86, %add3A_84 : vector<64x1024xf32>
    %mul3A_88 = arith.constant 0.707106769 : f32
    %mul3A_89 = vector.broadcast %mul3A_88 : f32 to vector<64x1024xf32>
    %mul3A_90 = arith.mulf %add3A_84, %mul3A_89 : vector<64x1024xf32>
    %sign3A_91 = tpu.bitcast %mul3A_90 : vector<64x1024xf32> -> vector<64x1024xi32>
    %sign3A_92 = arith.constant -2147483648 : i32
    %sign3A_93 = vector.broadcast %sign3A_92 : i32 to vector<64x1024xi32>
    %sign3A_94 = arith.andi %sign3A_91, %sign3A_93 : vector<64x1024xi32>
    %sign3A_95 = arith.constant 1065353216 : i32
    %sign3A_96 = vector.broadcast %sign3A_95 : i32 to vector<64x1024xi32>
    %sign3A_97 = arith.ori %sign3A_96, %sign3A_94 : vector<64x1024xi32>
    %sign3A_98 = tpu.bitcast %sign3A_97 : vector<64x1024xi32> -> vector<64x1024xf32>
    %sign3A_99 = math.absf %mul3A_90 : vector<64x1024xf32>
    %sign3A_100 = arith.constant 0.000000e+00 : f32
    %sign3A_101 = vector.broadcast %sign3A_100 : f32 to vector<64x1024xf32>
    %sign3A_102 = arith.cmpf ogt, %sign3A_99, %sign3A_101 : vector<64x1024xf32>
    %sign3A_103 = arith.select %sign3A_102, %sign3A_98, %mul3A_90 : vector<64x1024xi1>, vector<64x1024xf32>
    %abs3A_104 = math.absf %mul3A_90 : vector<64x1024xf32>
    %mul3A_105 = arith.constant 0.327591091 : f32
    %mul3A_106 = vector.broadcast %mul3A_105 : f32 to vector<64x1024xf32>
    %mul3A_107 = arith.mulf %mul3A_106, %abs3A_104 : vector<64x1024xf32>
    %add3A_108 = arith.constant 1.000000e+00 : f32
    %add3A_109 = vector.broadcast %add3A_108 : f32 to vector<64x1024xf32>
    %add3A_110 = arith.addf %add3A_109, %mul3A_107 : vector<64x1024xf32>
    %div3A_111 = arith.constant 1.000000e+00 : f32
    %div3A_112 = vector.broadcast %div3A_111 : f32 to vector<64x1024xf32>
    %div3A_113 = arith.divf %div3A_112, %add3A_110 : vector<64x1024xf32>
    %mul3A_114 = arith.constant 1.06140542 : f32
    %mul3A_115 = vector.broadcast %mul3A_114 : f32 to vector<64x1024xf32>
    %mul3A_116 = arith.mulf %div3A_113, %mul3A_115 : vector<64x1024xf32>
    %add3A_117 = arith.constant -1.45315206 : f32
    %add3A_118 = vector.broadcast %add3A_117 : f32 to vector<64x1024xf32>
    %add3A_119 = arith.addf %add3A_118, %mul3A_116 : vector<64x1024xf32>
    %mul3A_120 = arith.mulf %div3A_113, %add3A_119 : vector<64x1024xf32>
    %add3A_121 = arith.constant 1.42141378 : f32
    %add3A_122 = vector.broadcast %add3A_121 : f32 to vector<64x1024xf32>
    %add3A_123 = arith.addf %add3A_122, %mul3A_120 : vector<64x1024xf32>
    %mul3A_124 = arith.mulf %div3A_113, %add3A_123 : vector<64x1024xf32>
    %add3A_125 = arith.constant -0.284496725 : f32
    %add3A_126 = vector.broadcast %add3A_125 : f32 to vector<64x1024xf32>
    %add3A_127 = arith.addf %add3A_126, %mul3A_124 : vector<64x1024xf32>
    %mul3A_128 = arith.mulf %div3A_113, %add3A_127 : vector<64x1024xf32>
    %add3A_129 = arith.constant 0.254829586 : f32
    %add3A_130 = vector.broadcast %add3A_129 : f32 to vector<64x1024xf32>
    %add3A_131 = arith.addf %add3A_130, %mul3A_128 : vector<64x1024xf32>
    %mul3A_132 = arith.mulf %div3A_113, %add3A_131 : vector<64x1024xf32>
    %neg3A_133 = arith.constant 0.000000e+00 : f32
    %neg3A_134 = vector.broadcast %neg3A_133 : f32 to vector<64x1024xf32>
    %neg3A_135 = arith.subf %neg3A_134, %abs3A_104 : vector<64x1024xf32>
    %mul3A_136 = arith.mulf %neg3A_135, %abs3A_104 : vector<64x1024xf32>
    %exp3A_137 = math.exp %mul3A_136 : vector<64x1024xf32>
    %mul3A_138 = arith.mulf %mul3A_132, %exp3A_137 : vector<64x1024xf32>
    %sub3A_139 = arith.constant 1.000000e+00 : f32
    %sub3A_140 = vector.broadcast %sub3A_139 : f32 to vector<64x1024xf32>
    %sub3A_141 = arith.subf %sub3A_140, %mul3A_138 : vector<64x1024xf32>
    %mul3A_142 = arith.mulf %sign3A_103, %sub3A_141 : vector<64x1024xf32>
    %add3A_143 = arith.constant 1.000000e+00 : f32
    %add3A_144 = vector.broadcast %add3A_143 : f32 to vector<64x1024xf32>
    %add3A_145 = arith.addf %add3A_144, %mul3A_142 : vector<64x1024xf32>
    %mul3A_146 = arith.mulf %mul3A_87, %add3A_145 : vector<64x1024xf32>
    %dot_general3A_147 = arith.constant dense<0.000000e+00> : vector<64x1024xf32>
    %dot_general3A_148 = tpu.matmul %get3A_10, %mul3A_146, %dot_general3A_147 {dimension_numbers = #tpu.dot_dimension_numbers<[0], [0], [1], [1], [0, 1, 1, 1], [], []>, transpose_lhs_hint = false} : vector<64x64xf32>, vector<64x1024xf32>, vector<64x1024xf32> -> vector<64x1024xf32>
    %add3A_149 = vector.broadcast %get3A_13 : vector<64x1xf32> to vector<64x1024xf32>
    %add3A_150 = arith.addf %dot_general3A_148, %add3A_149 : vector<64x1024xf32>
    %swap3A_151 = arith.constant 0 : index
    %swap3A_152 = arith.constant 0 : index
    %swap3A_153 = arith.constant 1024 : index
    %swap3A_154 = vector.load %arg7[%swap3A_151, %swap3A_152, %swap3A_153] : memref<1x64x2048xf32, #tpu.memory_space<vmem>>, vector<1x64x1024xf32>
    %swap3A_155 = vector.shape_cast %swap3A_154 : vector<1x64x1024xf32> to vector<64x1024xf32>
    %swap3A_156 = vector.shape_cast %add3A_150 : vector<64x1024xf32> to vector<1x64x1024xf32>
    tpu.vector_store %arg7[%swap3A_151, %swap3A_152, %swap3A_153], %swap3A_156 {strides = array<i32>} : memref<1x64x2048xf32, #tpu.memory_space<vmem>>, vector<1x64x1024xf32>,
    return
  }
  func.func @transform_0(%arg0: i32) -> (i32, i32) {
    %c0_i32 = arith.constant 0 : i32
    %c0_i32_0 = arith.constant 0 : i32
    return %arg0, %c0_i32 : i32, i32
  }
  func.func @transform_1(%arg0: i32) -> (i32, i32) {
    %c0_i32 = arith.constant 0 : i32
    %c0_i32_0 = arith.constant 0 : i32
    %c0_i32_1 = arith.constant 0 : i32
    return %c0_i32, %c0_i32_0 : i32, i32
  }
  func.func @transform_2(%arg0: i32) -> (i32, i32) {
    %c0_i32 = arith.constant 0 : i32
    %c0_i32_0 = arith.constant 0 : i32
    %c0_i32_1 = arith.constant 0 : i32
    return %c0_i32, %c0_i32_0 : i32, i32
  }
  func.func @transform_3(%arg0: i32) -> (i32, i32) {
    %c0_i32 = arith.constant 0 : i32
    %c0_i32_0 = arith.constant 0 : i32
    %c0_i32_1 = arith.constant 0 : i32
    return %c0_i32, %c0_i32_0 : i32, i32
  }
  func.func @transform_4(%arg0: i32) -> (i32, i32) {
    %c0_i32 = arith.constant 0 : i32
    %c0_i32_0 = arith.constant 0 : i32
    %c0_i32_1 = arith.constant 0 : i32
    return %c0_i32, %c0_i32_0 : i32, i32
  }
  func.func @transform_6(%arg0: i32) -> (i32, i32, i32) {
    %add3A = arith.constant 26 : i32
    %add3A_0 = arith.addi %add3A, %arg0 : i32
    %jit3A = arith.constant 8 : i32
    %div3A = arith.divsi %add3A_0, %jit3A : i32
    %sign3A = arith.constant 0 : i32
    %sign3A_1 = arith.cmpi sgt, %add3A_0, %sign3A : i32
    %sign3A_2 = arith.extui %sign3A_1 : i1 to i32
    %sign3A_3 = arith.constant 0 : i32
    %sign3A_4 = arith.cmpi slt, %add3A_0, %sign3A_3 : i32
    %sign3A_5 = arith.extui %sign3A_4 : i1 to i32
    %sign3A_6 = arith.subi %sign3A_2, %sign3A_5 : i32
    %sign3A_7 = arith.constant 0 : i32
    %sign3A_8 = arith.cmpi sgt, %jit3A, %sign3A_7 : i32
    %sign3A_9 = arith.extui %sign3A_8 : i1 to i32
    %sign3A_10 = arith.constant 0 : i32
    %sign3A_11 = arith.cmpi slt, %jit3A, %sign3A_10 : i32
    %sign3A_12 = arith.extui %sign3A_11 : i1 to i32
    %sign3A_13 = arith.subi %sign3A_9, %sign3A_12 : i32
    %ne3A = arith.cmpi ne, %sign3A_6, %sign3A_13 : i32
    %rem3A = arith.remsi %add3A_0, %jit3A : i32
    %ne3A_14 = arith.constant 0 : i32
    %ne3A_15 = arith.cmpi ne, %rem3A, %ne3A_14 : i32
    %and3A = arith.andi %ne3A, %ne3A_15 : i1
    %sub3A = arith.constant 1 : i32
    %sub3A_16 = arith.subi %div3A, %sub3A : i32
    %select_n3A = arith.select %and3A, %sub3A_16, %div3A : i32
    %add3A_17 = arith.constant 26 : i32
    %add3A_18 = arith.addi %add3A_17, %arg0 : i32
    %jit3A_19 = arith.constant 8 : i32
    %eq3A = arith.constant 0 : i32
    %eq3A_20 = arith.cmpi eq, %jit3A_19, %eq3A : i32
    %jit3A_21 = arith.constant 1 : i32
    %select_n3A_22 = arith.select %eq3A_20, %jit3A_21, %jit3A_19 : i32
    %rem3A_23 = arith.remsi %add3A_18, %select_n3A_22 : i32
    %ne3A_24 = arith.constant 0 : i32
    %ne3A_25 = arith.cmpi ne, %rem3A_23, %ne3A_24 : i32
    %lt3A = arith.constant 0 : i32
    %lt3A_26 = arith.cmpi slt, %rem3A_23, %lt3A : i32
    %lt3A_27 = arith.constant 0 : i32
    %lt3A_28 = arith.cmpi slt, %select_n3A_22, %lt3A_27 : i32
    %ne3A_29 = arith.xori %lt3A_26, %lt3A_28 : i1
    %and3A_30 = arith.andi %ne3A_29, %ne3A_25 : i1
    %add3A_31 = arith.addi %rem3A_23, %select_n3A_22 : i32
    %select_n3A_32 = arith.select %and3A_30, %add3A_31, %rem3A_23 : i32
    %c0_i32 = arith.constant 0 : i32
    %c0_i32_33 = arith.constant 0 : i32
    return %select_n3A, %c0_i32, %select_n3A_32 : i32, i32, i32
  }
}

module attributes {stable_mosaic.version = 14 : i64} {
  func.func @_mlp_t_acc_body(%arg0: i32, %arg1: memref<1024x128xf32, #tpu.memory_space<vmem>>, %arg2: memref<64x64xf32, #tpu.memory_space<vmem>>, %arg3: memref<64x1xf32, #tpu.memory_space<vmem>>, %arg4: memref<64x64xf32, #tpu.memory_space<vmem>>, %arg5: memref<64x1xf32, #tpu.memory_space<vmem>>, %arg6: memref<26x64x16384xf32, #tpu.memory_space<any>>, %arg7: memref<1x64x2048xf32, #tpu.memory_space<vmem>>) attributes {dimension_semantics = [#tpu.dimension_semantics<arbitrary>], iteration_bounds = array<i64: 26>, scalar_prefetch = 0 : i64, scratch_operands = 0 : i64, tpu.core_type = #tpu.core_type<tc>, window_params = [{transform_indices = @transform_0, window_bounds = array<i64: 1024, 128>}, {pipeline_mode = #tpu.pipeline_mode<synchronous>, transform_indices = @transform_1, window_bounds = array<i64: 64, 64>}, {pipeline_mode = #tpu.pipeline_mode<synchronous>, transform_indices = @transform_2, window_bounds = array<i64: 64, 1>}, {pipeline_mode = #tpu.pipeline_mode<synchronous>, transform_indices = @transform_3, window_bounds = array<i64: 64, 64>}, {pipeline_mode = #tpu.pipeline_mode<synchronous>, transform_indices = @transform_4, window_bounds = array<i64: 64, 1>}, {}, {transform_indices = @transform_6, window_bounds = array<i64: 1, 64, 2048>}]} {
    %get3A = arith.constant 0 : index
    %get3A_0 = arith.constant 0 : index
    %get3A_1 = vector.load %arg1[%get3A, %get3A_0] : memref<1024x128xf32, #tpu.memory_space<vmem>>, vector<1024x128xf32>
    %get3A_2 = arith.constant 0 : index
    %get3A_3 = arith.constant 0 : index
    %get3A_4 = vector.load %arg2[%get3A_2, %get3A_3] : memref<64x64xf32, #tpu.memory_space<vmem>>, vector<64x64xf32>
    %get3A_5 = arith.constant 0 : index
    %get3A_6 = arith.constant 0 : index
    %get3A_7 = vector.load %arg3[%get3A_5, %get3A_6] : memref<64x1xf32, #tpu.memory_space<vmem>>, vector<64x1xf32>
    %get3A_8 = arith.constant 0 : index
    %get3A_9 = arith.constant 0 : index
    %get3A_10 = vector.load %arg4[%get3A_8, %get3A_9] : memref<64x64xf32, #tpu.memory_space<vmem>>, vector<64x64xf32>
    %get3A_11 = arith.constant 0 : index
    %get3A_12 = arith.constant 0 : index
    %get3A_13 = vector.load %arg5[%get3A_11, %get3A_12] : memref<64x1xf32, #tpu.memory_space<vmem>>, vector<64x1xf32>
    %slice3A = vector.extract_strided_slice %get3A_1 {offsets = [0, 0], sizes = [1024, 64], strides = [1, 1]} : vector<1024x128xf32> to vector<1024x64xf32>
    %dot_general3A = arith.constant dense<0.000000e+00> : vector<64x1024xf32>
    %dot_general3A_14 = tpu.matmul %get3A_4, %slice3A, %dot_general3A {dimension_numbers = #tpu.dot_dimension_numbers<[0], [1], [1], [0], [0, 1, 1, 0], [], []>, transpose_lhs_hint = false} : vector<64x64xf32>, vector<1024x64xf32>, vector<64x1024xf32> -> vector<64x1024xf32>
    %add3A = vector.broadcast %get3A_7 : vector<64x1xf32> to vector<64x1024xf32>
    %add3A_15 = arith.addf %dot_general3A_14, %add3A : vector<64x1024xf32>
    %mul3A = arith.constant 5.000000e-01 : f32
    %mul3A_16 = vector.broadcast %mul3A : f32 to vector<64x1024xf32>
    %mul3A_17 = arith.mulf %mul3A_16, %add3A_15 : vector<64x1024xf32>
    %mul3A_18 = arith.constant 0.707106769 : f32
    %mul3A_19 = vector.broadcast %mul3A_18 : f32 to vector<64x1024xf32>
    %mul3A_20 = arith.mulf %add3A_15, %mul3A_19 : vector<64x1024xf32>
    %sign3A = tpu.bitcast %mul3A_20 : vector<64x1024xf32> -> vector<64x1024xi32>
    %sign3A_21 = arith.constant -2147483648 : i32
    %sign3A_22 = vector.broadcast %sign3A_21 : i32 to vector<64x1024xi32>
    %sign3A_23 = arith.andi %sign3A, %sign3A_22 : vector<64x1024xi32>
    %sign3A_24 = arith.constant 1065353216 : i32
    %sign3A_25 = vector.broadcast %sign3A_24 : i32 to vector<64x1024xi32>
    %sign3A_26 = arith.ori %sign3A_25, %sign3A_23 : vector<64x1024xi32>
    %sign3A_27 = tpu.bitcast %sign3A_26 : vector<64x1024xi32> -> vector<64x1024xf32>
    %sign3A_28 = math.absf %mul3A_20 : vector<64x1024xf32>
    %sign3A_29 = arith.constant 0.000000e+00 : f32
    %sign3A_30 = vector.broadcast %sign3A_29 : f32 to vector<64x1024xf32>
    %sign3A_31 = arith.cmpf ogt, %sign3A_28, %sign3A_30 : vector<64x1024xf32>
    %sign3A_32 = arith.select %sign3A_31, %sign3A_27, %mul3A_20 : vector<64x1024xi1>, vector<64x1024xf32>
    %abs3A = math.absf %mul3A_20 : vector<64x1024xf32>
    %mul3A_33 = arith.constant 0.327591091 : f32
    %mul3A_34 = vector.broadcast %mul3A_33 : f32 to vector<64x1024xf32>
    %mul3A_35 = arith.mulf %mul3A_34, %abs3A : vector<64x1024xf32>
    %add3A_36 = arith.constant 1.000000e+00 : f32
    %add3A_37 = vector.broadcast %add3A_36 : f32 to vector<64x1024xf32>
    %add3A_38 = arith.addf %add3A_37, %mul3A_35 : vector<64x1024xf32>
    %div3A = arith.constant 1.000000e+00 : f32
    %div3A_39 = vector.broadcast %div3A : f32 to vector<64x1024xf32>
    %div3A_40 = arith.divf %div3A_39, %add3A_38 : vector<64x1024xf32>
    %mul3A_41 = arith.constant 1.06140542 : f32
    %mul3A_42 = vector.broadcast %mul3A_41 : f32 to vector<64x1024xf32>
    %mul3A_43 = arith.mulf %div3A_40, %mul3A_42 : vector<64x1024xf32>
    %add3A_44 = arith.constant -1.45315206 : f32
    %add3A_45 = vector.broadcast %add3A_44 : f32 to vector<64x1024xf32>
    %add3A_46 = arith.addf %add3A_45, %mul3A_43 : vector<64x1024xf32>
    %mul3A_47 = arith.mulf %div3A_40, %add3A_46 : vector<64x1024xf32>
    %add3A_48 = arith.constant 1.42141378 : f32
    %add3A_49 = vector.broadcast %add3A_48 : f32 to vector<64x1024xf32>
    %add3A_50 = arith.addf %add3A_49, %mul3A_47 : vector<64x1024xf32>
    %mul3A_51 = arith.mulf %div3A_40, %add3A_50 : vector<64x1024xf32>
    %add3A_52 = arith.constant -0.284496725 : f32
    %add3A_53 = vector.broadcast %add3A_52 : f32 to vector<64x1024xf32>
    %add3A_54 = arith.addf %add3A_53, %mul3A_51 : vector<64x1024xf32>
    %mul3A_55 = arith.mulf %div3A_40, %add3A_54 : vector<64x1024xf32>
    %add3A_56 = arith.constant 0.254829586 : f32
    %add3A_57 = vector.broadcast %add3A_56 : f32 to vector<64x1024xf32>
    %add3A_58 = arith.addf %add3A_57, %mul3A_55 : vector<64x1024xf32>
    %mul3A_59 = arith.mulf %div3A_40, %add3A_58 : vector<64x1024xf32>
    %neg3A = arith.constant 0.000000e+00 : f32
    %neg3A_60 = vector.broadcast %neg3A : f32 to vector<64x1024xf32>
    %neg3A_61 = arith.subf %neg3A_60, %abs3A : vector<64x1024xf32>
    %mul3A_62 = arith.mulf %neg3A_61, %abs3A : vector<64x1024xf32>
    %exp3A = math.exp %mul3A_62 : vector<64x1024xf32>
    %mul3A_63 = arith.mulf %mul3A_59, %exp3A : vector<64x1024xf32>
    %sub3A = arith.constant 1.000000e+00 : f32
    %sub3A_64 = vector.broadcast %sub3A : f32 to vector<64x1024xf32>
    %sub3A_65 = arith.subf %sub3A_64, %mul3A_63 : vector<64x1024xf32>
    %mul3A_66 = arith.mulf %sign3A_32, %sub3A_65 : vector<64x1024xf32>
    %add3A_67 = arith.constant 1.000000e+00 : f32
    %add3A_68 = vector.broadcast %add3A_67 : f32 to vector<64x1024xf32>
    %add3A_69 = arith.addf %add3A_68, %mul3A_66 : vector<64x1024xf32>
    %mul3A_70 = arith.mulf %mul3A_17, %add3A_69 : vector<64x1024xf32>
    %dot_general3A_71 = arith.constant dense<0.000000e+00> : vector<64x1024xf32>
    %dot_general3A_72 = tpu.matmul %get3A_10, %mul3A_70, %dot_general3A_71 {dimension_numbers = #tpu.dot_dimension_numbers<[0], [0], [1], [1], [0, 1, 1, 1], [], []>, transpose_lhs_hint = false} : vector<64x64xf32>, vector<64x1024xf32>, vector<64x1024xf32> -> vector<64x1024xf32>
    %add3A_73 = vector.broadcast %get3A_13 : vector<64x1xf32> to vector<64x1024xf32>
    %add3A_74 = arith.addf %dot_general3A_72, %add3A_73 : vector<64x1024xf32>
    %swap3A = arith.constant 0 : index
    %swap3A_75 = arith.constant 0 : index
    %swap3A_76 = arith.constant 0 : index
    %swap3A_77 = vector.load %arg7[%swap3A, %swap3A_75, %swap3A_76] : memref<1x64x2048xf32, #tpu.memory_space<vmem>>, vector<1x64x1024xf32>
    %swap3A_78 = vector.shape_cast %swap3A_77 : vector<1x64x1024xf32> to vector<64x1024xf32>
    %swap3A_79 = vector.shape_cast %add3A_74 : vector<64x1024xf32> to vector<1x64x1024xf32>
    tpu.vector_store %arg7[%swap3A, %swap3A_75, %swap3A_76], %swap3A_79 {strides = array<i32>} : memref<1x64x2048xf32, #tpu.memory_space<vmem>>, vector<1x64x1024xf32>,
    %slice3A_80 = vector.extract_strided_slice %get3A_1 {offsets = [0, 64], sizes = [1024, 64], strides = [1, 1]} : vector<1024x128xf32> to vector<1024x64xf32>
    %dot_general3A_81 = arith.constant dense<0.000000e+00> : vector<64x1024xf32>
    %dot_general3A_82 = tpu.matmul %get3A_4, %slice3A_80, %dot_general3A_81 {dimension_numbers = #tpu.dot_dimension_numbers<[0], [1], [1], [0], [0, 1, 1, 0], [], []>, transpose_lhs_hint = false} : vector<64x64xf32>, vector<1024x64xf32>, vector<64x1024xf32> -> vector<64x1024xf32>
    %add3A_83 = vector.broadcast %get3A_7 : vector<64x1xf32> to vector<64x1024xf32>
    %add3A_84 = arith.addf %dot_general3A_82, %add3A_83 : vector<64x1024xf32>
    %mul3A_85 = arith.constant 5.000000e-01 : f32
    %mul3A_86 = vector.broadcast %mul3A_85 : f32 to vector<64x1024xf32>
    %mul3A_87 = arith.mulf %mul3A_86, %add3A_84 : vector<64x1024xf32>
    %mul3A_88 = arith.constant 0.707106769 : f32
    %mul3A_89 = vector.broadcast %mul3A_88 : f32 to vector<64x1024xf32>
    %mul3A_90 = arith.mulf %add3A_84, %mul3A_89 : vector<64x1024xf32>
    %sign3A_91 = tpu.bitcast %mul3A_90 : vector<64x1024xf32> -> vector<64x1024xi32>
    %sign3A_92 = arith.constant -2147483648 : i32
    %sign3A_93 = vector.broadcast %sign3A_92 : i32 to vector<64x1024xi32>
    %sign3A_94 = arith.andi %sign3A_91, %sign3A_93 : vector<64x1024xi32>
    %sign3A_95 = arith.constant 1065353216 : i32
    %sign3A_96 = vector.broadcast %sign3A_95 : i32 to vector<64x1024xi32>
    %sign3A_97 = arith.ori %sign3A_96, %sign3A_94 : vector<64x1024xi32>
    %sign3A_98 = tpu.bitcast %sign3A_97 : vector<64x1024xi32> -> vector<64x1024xf32>
    %sign3A_99 = math.absf %mul3A_90 : vector<64x1024xf32>
    %sign3A_100 = arith.constant 0.000000e+00 : f32
    %sign3A_101 = vector.broadcast %sign3A_100 : f32 to vector<64x1024xf32>
    %sign3A_102 = arith.cmpf ogt, %sign3A_99, %sign3A_101 : vector<64x1024xf32>
    %sign3A_103 = arith.select %sign3A_102, %sign3A_98, %mul3A_90 : vector<64x1024xi1>, vector<64x1024xf32>
    %abs3A_104 = math.absf %mul3A_90 : vector<64x1024xf32>
    %mul3A_105 = arith.constant 0.327591091 : f32
    %mul3A_106 = vector.broadcast %mul3A_105 : f32 to vector<64x1024xf32>
    %mul3A_107 = arith.mulf %mul3A_106, %abs3A_104 : vector<64x1024xf32>
    %add3A_108 = arith.constant 1.000000e+00 : f32
    %add3A_109 = vector.broadcast %add3A_108 : f32 to vector<64x1024xf32>
    %add3A_110 = arith.addf %add3A_109, %mul3A_107 : vector<64x1024xf32>
    %div3A_111 = arith.constant 1.000000e+00 : f32
    %div3A_112 = vector.broadcast %div3A_111 : f32 to vector<64x1024xf32>
    %div3A_113 = arith.divf %div3A_112, %add3A_110 : vector<64x1024xf32>
    %mul3A_114 = arith.constant 1.06140542 : f32
    %mul3A_115 = vector.broadcast %mul3A_114 : f32 to vector<64x1024xf32>
    %mul3A_116 = arith.mulf %div3A_113, %mul3A_115 : vector<64x1024xf32>
    %add3A_117 = arith.constant -1.45315206 : f32
    %add3A_118 = vector.broadcast %add3A_117 : f32 to vector<64x1024xf32>
    %add3A_119 = arith.addf %add3A_118, %mul3A_116 : vector<64x1024xf32>
    %mul3A_120 = arith.mulf %div3A_113, %add3A_119 : vector<64x1024xf32>
    %add3A_121 = arith.constant 1.42141378 : f32
    %add3A_122 = vector.broadcast %add3A_121 : f32 to vector<64x1024xf32>
    %add3A_123 = arith.addf %add3A_122, %mul3A_120 : vector<64x1024xf32>
    %mul3A_124 = arith.mulf %div3A_113, %add3A_123 : vector<64x1024xf32>
    %add3A_125 = arith.constant -0.284496725 : f32
    %add3A_126 = vector.broadcast %add3A_125 : f32 to vector<64x1024xf32>
    %add3A_127 = arith.addf %add3A_126, %mul3A_124 : vector<64x1024xf32>
    %mul3A_128 = arith.mulf %div3A_113, %add3A_127 : vector<64x1024xf32>
    %add3A_129 = arith.constant 0.254829586 : f32
    %add3A_130 = vector.broadcast %add3A_129 : f32 to vector<64x1024xf32>
    %add3A_131 = arith.addf %add3A_130, %mul3A_128 : vector<64x1024xf32>
    %mul3A_132 = arith.mulf %div3A_113, %add3A_131 : vector<64x1024xf32>
    %neg3A_133 = arith.constant 0.000000e+00 : f32
    %neg3A_134 = vector.broadcast %neg3A_133 : f32 to vector<64x1024xf32>
    %neg3A_135 = arith.subf %neg3A_134, %abs3A_104 : vector<64x1024xf32>
    %mul3A_136 = arith.mulf %neg3A_135, %abs3A_104 : vector<64x1024xf32>
    %exp3A_137 = math.exp %mul3A_136 : vector<64x1024xf32>
    %mul3A_138 = arith.mulf %mul3A_132, %exp3A_137 : vector<64x1024xf32>
    %sub3A_139 = arith.constant 1.000000e+00 : f32
    %sub3A_140 = vector.broadcast %sub3A_139 : f32 to vector<64x1024xf32>
    %sub3A_141 = arith.subf %sub3A_140, %mul3A_138 : vector<64x1024xf32>
    %mul3A_142 = arith.mulf %sign3A_103, %sub3A_141 : vector<64x1024xf32>
    %add3A_143 = arith.constant 1.000000e+00 : f32
    %add3A_144 = vector.broadcast %add3A_143 : f32 to vector<64x1024xf32>
    %add3A_145 = arith.addf %add3A_144, %mul3A_142 : vector<64x1024xf32>
    %mul3A_146 = arith.mulf %mul3A_87, %add3A_145 : vector<64x1024xf32>
    %dot_general3A_147 = arith.constant dense<0.000000e+00> : vector<64x1024xf32>
    %dot_general3A_148 = tpu.matmul %get3A_10, %mul3A_146, %dot_general3A_147 {dimension_numbers = #tpu.dot_dimension_numbers<[0], [0], [1], [1], [0, 1, 1, 1], [], []>, transpose_lhs_hint = false} : vector<64x64xf32>, vector<64x1024xf32>, vector<64x1024xf32> -> vector<64x1024xf32>
    %add3A_149 = vector.broadcast %get3A_13 : vector<64x1xf32> to vector<64x1024xf32>
    %add3A_150 = arith.addf %dot_general3A_148, %add3A_149 : vector<64x1024xf32>
    %swap3A_151 = arith.constant 0 : index
    %swap3A_152 = arith.constant 0 : index
    %swap3A_153 = arith.constant 1024 : index
    %swap3A_154 = vector.load %arg7[%swap3A_151, %swap3A_152, %swap3A_153] : memref<1x64x2048xf32, #tpu.memory_space<vmem>>, vector<1x64x1024xf32>
    %swap3A_155 = vector.shape_cast %swap3A_154 : vector<1x64x1024xf32> to vector<64x1024xf32>
    %swap3A_156 = vector.shape_cast %add3A_150 : vector<64x1024xf32> to vector<1x64x1024xf32>
    tpu.vector_store %arg7[%swap3A_151, %swap3A_152, %swap3A_153], %swap3A_156 {strides = array<i32>} : memref<1x64x2048xf32, #tpu.memory_space<vmem>>, vector<1x64x1024xf32>,
    return
  }
  func.func @transform_0(%arg0: i32) -> (i32, i32) {
    %c0_i32 = arith.constant 0 : i32
    %c0_i32_0 = arith.constant 0 : i32
    return %arg0, %c0_i32 : i32, i32
  }
  func.func @transform_1(%arg0: i32) -> (i32, i32) {
    %c0_i32 = arith.constant 0 : i32
    %c0_i32_0 = arith.constant 0 : i32
    %c0_i32_1 = arith.constant 0 : i32
    return %c0_i32, %c0_i32_0 : i32, i32
  }
  func.func @transform_2(%arg0: i32) -> (i32, i32) {
    %c0_i32 = arith.constant 0 : i32
    %c0_i32_0 = arith.constant 0 : i32
    %c0_i32_1 = arith.constant 0 : i32
    return %c0_i32, %c0_i32_0 : i32, i32
  }
  func.func @transform_3(%arg0: i32) -> (i32, i32) {
    %c0_i32 = arith.constant 0 : i32
    %c0_i32_0 = arith.constant 0 : i32
    %c0_i32_1 = arith.constant 0 : i32
    return %c0_i32, %c0_i32_0 : i32, i32
  }
  func.func @transform_4(%arg0: i32) -> (i32, i32) {
    %c0_i32 = arith.constant 0 : i32
    %c0_i32_0 = arith.constant 0 : i32
    %c0_i32_1 = arith.constant 0 : i32
    return %c0_i32, %c0_i32_0 : i32, i32
  }
  func.func @transform_6(%arg0: i32) -> (i32, i32, i32) {
    %add3A = arith.constant 52 : i32
    %add3A_0 = arith.addi %add3A, %arg0 : i32
    %jit3A = arith.constant 8 : i32
    %div3A = arith.divsi %add3A_0, %jit3A : i32
    %sign3A = arith.constant 0 : i32
    %sign3A_1 = arith.cmpi sgt, %add3A_0, %sign3A : i32
    %sign3A_2 = arith.extui %sign3A_1 : i1 to i32
    %sign3A_3 = arith.constant 0 : i32
    %sign3A_4 = arith.cmpi slt, %add3A_0, %sign3A_3 : i32
    %sign3A_5 = arith.extui %sign3A_4 : i1 to i32
    %sign3A_6 = arith.subi %sign3A_2, %sign3A_5 : i32
    %sign3A_7 = arith.constant 0 : i32
    %sign3A_8 = arith.cmpi sgt, %jit3A, %sign3A_7 : i32
    %sign3A_9 = arith.extui %sign3A_8 : i1 to i32
    %sign3A_10 = arith.constant 0 : i32
    %sign3A_11 = arith.cmpi slt, %jit3A, %sign3A_10 : i32
    %sign3A_12 = arith.extui %sign3A_11 : i1 to i32
    %sign3A_13 = arith.subi %sign3A_9, %sign3A_12 : i32
    %ne3A = arith.cmpi ne, %sign3A_6, %sign3A_13 : i32
    %rem3A = arith.remsi %add3A_0, %jit3A : i32
    %ne3A_14 = arith.constant 0 : i32
    %ne3A_15 = arith.cmpi ne, %rem3A, %ne3A_14 : i32
    %and3A = arith.andi %ne3A, %ne3A_15 : i1
    %sub3A = arith.constant 1 : i32
    %sub3A_16 = arith.subi %div3A, %sub3A : i32
    %select_n3A = arith.select %and3A, %sub3A_16, %div3A : i32
    %add3A_17 = arith.constant 52 : i32
    %add3A_18 = arith.addi %add3A_17, %arg0 : i32
    %jit3A_19 = arith.constant 8 : i32
    %eq3A = arith.constant 0 : i32
    %eq3A_20 = arith.cmpi eq, %jit3A_19, %eq3A : i32
    %jit3A_21 = arith.constant 1 : i32
    %select_n3A_22 = arith.select %eq3A_20, %jit3A_21, %jit3A_19 : i32
    %rem3A_23 = arith.remsi %add3A_18, %select_n3A_22 : i32
    %ne3A_24 = arith.constant 0 : i32
    %ne3A_25 = arith.cmpi ne, %rem3A_23, %ne3A_24 : i32
    %lt3A = arith.constant 0 : i32
    %lt3A_26 = arith.cmpi slt, %rem3A_23, %lt3A : i32
    %lt3A_27 = arith.constant 0 : i32
    %lt3A_28 = arith.cmpi slt, %select_n3A_22, %lt3A_27 : i32
    %ne3A_29 = arith.xori %lt3A_26, %lt3A_28 : i1
    %and3A_30 = arith.andi %ne3A_29, %ne3A_25 : i1
    %add3A_31 = arith.addi %rem3A_23, %select_n3A_22 : i32
    %select_n3A_32 = arith.select %and3A_30, %add3A_31, %rem3A_23 : i32
    %c0_i32 = arith.constant 0 : i32
    %c0_i32_33 = arith.constant 0 : i32
    return %select_n3A, %c0_i32, %select_n3A_32 : i32, i32, i32
  }
}

module attributes {stable_mosaic.version = 14 : i64} {
  func.func @_mlp_t_acc_body(%arg0: i32, %arg1: memref<1024x128xf32, #tpu.memory_space<vmem>>, %arg2: memref<64x64xf32, #tpu.memory_space<vmem>>, %arg3: memref<64x1xf32, #tpu.memory_space<vmem>>, %arg4: memref<64x64xf32, #tpu.memory_space<vmem>>, %arg5: memref<64x1xf32, #tpu.memory_space<vmem>>, %arg6: memref<26x64x16384xf32, #tpu.memory_space<any>>, %arg7: memref<1x64x2048xf32, #tpu.memory_space<vmem>>) attributes {dimension_semantics = [#tpu.dimension_semantics<arbitrary>], iteration_bounds = array<i64: 26>, scalar_prefetch = 0 : i64, scratch_operands = 0 : i64, tpu.core_type = #tpu.core_type<tc>, window_params = [{transform_indices = @transform_0, window_bounds = array<i64: 1024, 128>}, {pipeline_mode = #tpu.pipeline_mode<synchronous>, transform_indices = @transform_1, window_bounds = array<i64: 64, 64>}, {pipeline_mode = #tpu.pipeline_mode<synchronous>, transform_indices = @transform_2, window_bounds = array<i64: 64, 1>}, {pipeline_mode = #tpu.pipeline_mode<synchronous>, transform_indices = @transform_3, window_bounds = array<i64: 64, 64>}, {pipeline_mode = #tpu.pipeline_mode<synchronous>, transform_indices = @transform_4, window_bounds = array<i64: 64, 1>}, {}, {transform_indices = @transform_6, window_bounds = array<i64: 1, 64, 2048>}]} {
    %get3A = arith.constant 0 : index
    %get3A_0 = arith.constant 0 : index
    %get3A_1 = vector.load %arg1[%get3A, %get3A_0] : memref<1024x128xf32, #tpu.memory_space<vmem>>, vector<1024x128xf32>
    %get3A_2 = arith.constant 0 : index
    %get3A_3 = arith.constant 0 : index
    %get3A_4 = vector.load %arg2[%get3A_2, %get3A_3] : memref<64x64xf32, #tpu.memory_space<vmem>>, vector<64x64xf32>
    %get3A_5 = arith.constant 0 : index
    %get3A_6 = arith.constant 0 : index
    %get3A_7 = vector.load %arg3[%get3A_5, %get3A_6] : memref<64x1xf32, #tpu.memory_space<vmem>>, vector<64x1xf32>
    %get3A_8 = arith.constant 0 : index
    %get3A_9 = arith.constant 0 : index
    %get3A_10 = vector.load %arg4[%get3A_8, %get3A_9] : memref<64x64xf32, #tpu.memory_space<vmem>>, vector<64x64xf32>
    %get3A_11 = arith.constant 0 : index
    %get3A_12 = arith.constant 0 : index
    %get3A_13 = vector.load %arg5[%get3A_11, %get3A_12] : memref<64x1xf32, #tpu.memory_space<vmem>>, vector<64x1xf32>
    %slice3A = vector.extract_strided_slice %get3A_1 {offsets = [0, 0], sizes = [1024, 64], strides = [1, 1]} : vector<1024x128xf32> to vector<1024x64xf32>
    %dot_general3A = arith.constant dense<0.000000e+00> : vector<64x1024xf32>
    %dot_general3A_14 = tpu.matmul %get3A_4, %slice3A, %dot_general3A {dimension_numbers = #tpu.dot_dimension_numbers<[0], [1], [1], [0], [0, 1, 1, 0], [], []>, transpose_lhs_hint = false} : vector<64x64xf32>, vector<1024x64xf32>, vector<64x1024xf32> -> vector<64x1024xf32>
    %add3A = vector.broadcast %get3A_7 : vector<64x1xf32> to vector<64x1024xf32>
    %add3A_15 = arith.addf %dot_general3A_14, %add3A : vector<64x1024xf32>
    %mul3A = arith.constant 5.000000e-01 : f32
    %mul3A_16 = vector.broadcast %mul3A : f32 to vector<64x1024xf32>
    %mul3A_17 = arith.mulf %mul3A_16, %add3A_15 : vector<64x1024xf32>
    %mul3A_18 = arith.constant 0.707106769 : f32
    %mul3A_19 = vector.broadcast %mul3A_18 : f32 to vector<64x1024xf32>
    %mul3A_20 = arith.mulf %add3A_15, %mul3A_19 : vector<64x1024xf32>
    %sign3A = tpu.bitcast %mul3A_20 : vector<64x1024xf32> -> vector<64x1024xi32>
    %sign3A_21 = arith.constant -2147483648 : i32
    %sign3A_22 = vector.broadcast %sign3A_21 : i32 to vector<64x1024xi32>
    %sign3A_23 = arith.andi %sign3A, %sign3A_22 : vector<64x1024xi32>
    %sign3A_24 = arith.constant 1065353216 : i32
    %sign3A_25 = vector.broadcast %sign3A_24 : i32 to vector<64x1024xi32>
    %sign3A_26 = arith.ori %sign3A_25, %sign3A_23 : vector<64x1024xi32>
    %sign3A_27 = tpu.bitcast %sign3A_26 : vector<64x1024xi32> -> vector<64x1024xf32>
    %sign3A_28 = math.absf %mul3A_20 : vector<64x1024xf32>
    %sign3A_29 = arith.constant 0.000000e+00 : f32
    %sign3A_30 = vector.broadcast %sign3A_29 : f32 to vector<64x1024xf32>
    %sign3A_31 = arith.cmpf ogt, %sign3A_28, %sign3A_30 : vector<64x1024xf32>
    %sign3A_32 = arith.select %sign3A_31, %sign3A_27, %mul3A_20 : vector<64x1024xi1>, vector<64x1024xf32>
    %abs3A = math.absf %mul3A_20 : vector<64x1024xf32>
    %mul3A_33 = arith.constant 0.327591091 : f32
    %mul3A_34 = vector.broadcast %mul3A_33 : f32 to vector<64x1024xf32>
    %mul3A_35 = arith.mulf %mul3A_34, %abs3A : vector<64x1024xf32>
    %add3A_36 = arith.constant 1.000000e+00 : f32
    %add3A_37 = vector.broadcast %add3A_36 : f32 to vector<64x1024xf32>
    %add3A_38 = arith.addf %add3A_37, %mul3A_35 : vector<64x1024xf32>
    %div3A = arith.constant 1.000000e+00 : f32
    %div3A_39 = vector.broadcast %div3A : f32 to vector<64x1024xf32>
    %div3A_40 = arith.divf %div3A_39, %add3A_38 : vector<64x1024xf32>
    %mul3A_41 = arith.constant 1.06140542 : f32
    %mul3A_42 = vector.broadcast %mul3A_41 : f32 to vector<64x1024xf32>
    %mul3A_43 = arith.mulf %div3A_40, %mul3A_42 : vector<64x1024xf32>
    %add3A_44 = arith.constant -1.45315206 : f32
    %add3A_45 = vector.broadcast %add3A_44 : f32 to vector<64x1024xf32>
    %add3A_46 = arith.addf %add3A_45, %mul3A_43 : vector<64x1024xf32>
    %mul3A_47 = arith.mulf %div3A_40, %add3A_46 : vector<64x1024xf32>
    %add3A_48 = arith.constant 1.42141378 : f32
    %add3A_49 = vector.broadcast %add3A_48 : f32 to vector<64x1024xf32>
    %add3A_50 = arith.addf %add3A_49, %mul3A_47 : vector<64x1024xf32>
    %mul3A_51 = arith.mulf %div3A_40, %add3A_50 : vector<64x1024xf32>
    %add3A_52 = arith.constant -0.284496725 : f32
    %add3A_53 = vector.broadcast %add3A_52 : f32 to vector<64x1024xf32>
    %add3A_54 = arith.addf %add3A_53, %mul3A_51 : vector<64x1024xf32>
    %mul3A_55 = arith.mulf %div3A_40, %add3A_54 : vector<64x1024xf32>
    %add3A_56 = arith.constant 0.254829586 : f32
    %add3A_57 = vector.broadcast %add3A_56 : f32 to vector<64x1024xf32>
    %add3A_58 = arith.addf %add3A_57, %mul3A_55 : vector<64x1024xf32>
    %mul3A_59 = arith.mulf %div3A_40, %add3A_58 : vector<64x1024xf32>
    %neg3A = arith.constant 0.000000e+00 : f32
    %neg3A_60 = vector.broadcast %neg3A : f32 to vector<64x1024xf32>
    %neg3A_61 = arith.subf %neg3A_60, %abs3A : vector<64x1024xf32>
    %mul3A_62 = arith.mulf %neg3A_61, %abs3A : vector<64x1024xf32>
    %exp3A = math.exp %mul3A_62 : vector<64x1024xf32>
    %mul3A_63 = arith.mulf %mul3A_59, %exp3A : vector<64x1024xf32>
    %sub3A = arith.constant 1.000000e+00 : f32
    %sub3A_64 = vector.broadcast %sub3A : f32 to vector<64x1024xf32>
    %sub3A_65 = arith.subf %sub3A_64, %mul3A_63 : vector<64x1024xf32>
    %mul3A_66 = arith.mulf %sign3A_32, %sub3A_65 : vector<64x1024xf32>
    %add3A_67 = arith.constant 1.000000e+00 : f32
    %add3A_68 = vector.broadcast %add3A_67 : f32 to vector<64x1024xf32>
    %add3A_69 = arith.addf %add3A_68, %mul3A_66 : vector<64x1024xf32>
    %mul3A_70 = arith.mulf %mul3A_17, %add3A_69 : vector<64x1024xf32>
    %dot_general3A_71 = arith.constant dense<0.000000e+00> : vector<64x1024xf32>
    %dot_general3A_72 = tpu.matmul %get3A_10, %mul3A_70, %dot_general3A_71 {dimension_numbers = #tpu.dot_dimension_numbers<[0], [0], [1], [1], [0, 1, 1, 1], [], []>, transpose_lhs_hint = false} : vector<64x64xf32>, vector<64x1024xf32>, vector<64x1024xf32> -> vector<64x1024xf32>
    %add3A_73 = vector.broadcast %get3A_13 : vector<64x1xf32> to vector<64x1024xf32>
    %add3A_74 = arith.addf %dot_general3A_72, %add3A_73 : vector<64x1024xf32>
    %swap3A = arith.constant 0 : index
    %swap3A_75 = arith.constant 0 : index
    %swap3A_76 = arith.constant 0 : index
    %swap3A_77 = vector.load %arg7[%swap3A, %swap3A_75, %swap3A_76] : memref<1x64x2048xf32, #tpu.memory_space<vmem>>, vector<1x64x1024xf32>
    %swap3A_78 = vector.shape_cast %swap3A_77 : vector<1x64x1024xf32> to vector<64x1024xf32>
    %swap3A_79 = vector.shape_cast %add3A_74 : vector<64x1024xf32> to vector<1x64x1024xf32>
    tpu.vector_store %arg7[%swap3A, %swap3A_75, %swap3A_76], %swap3A_79 {strides = array<i32>} : memref<1x64x2048xf32, #tpu.memory_space<vmem>>, vector<1x64x1024xf32>,
    %slice3A_80 = vector.extract_strided_slice %get3A_1 {offsets = [0, 64], sizes = [1024, 64], strides = [1, 1]} : vector<1024x128xf32> to vector<1024x64xf32>
    %dot_general3A_81 = arith.constant dense<0.000000e+00> : vector<64x1024xf32>
    %dot_general3A_82 = tpu.matmul %get3A_4, %slice3A_80, %dot_general3A_81 {dimension_numbers = #tpu.dot_dimension_numbers<[0], [1], [1], [0], [0, 1, 1, 0], [], []>, transpose_lhs_hint = false} : vector<64x64xf32>, vector<1024x64xf32>, vector<64x1024xf32> -> vector<64x1024xf32>
    %add3A_83 = vector.broadcast %get3A_7 : vector<64x1xf32> to vector<64x1024xf32>
    %add3A_84 = arith.addf %dot_general3A_82, %add3A_83 : vector<64x1024xf32>
    %mul3A_85 = arith.constant 5.000000e-01 : f32
    %mul3A_86 = vector.broadcast %mul3A_85 : f32 to vector<64x1024xf32>
    %mul3A_87 = arith.mulf %mul3A_86, %add3A_84 : vector<64x1024xf32>
    %mul3A_88 = arith.constant 0.707106769 : f32
    %mul3A_89 = vector.broadcast %mul3A_88 : f32 to vector<64x1024xf32>
    %mul3A_90 = arith.mulf %add3A_84, %mul3A_89 : vector<64x1024xf32>
    %sign3A_91 = tpu.bitcast %mul3A_90 : vector<64x1024xf32> -> vector<64x1024xi32>
    %sign3A_92 = arith.constant -2147483648 : i32
    %sign3A_93 = vector.broadcast %sign3A_92 : i32 to vector<64x1024xi32>
    %sign3A_94 = arith.andi %sign3A_91, %sign3A_93 : vector<64x1024xi32>
    %sign3A_95 = arith.constant 1065353216 : i32
    %sign3A_96 = vector.broadcast %sign3A_95 : i32 to vector<64x1024xi32>
    %sign3A_97 = arith.ori %sign3A_96, %sign3A_94 : vector<64x1024xi32>
    %sign3A_98 = tpu.bitcast %sign3A_97 : vector<64x1024xi32> -> vector<64x1024xf32>
    %sign3A_99 = math.absf %mul3A_90 : vector<64x1024xf32>
    %sign3A_100 = arith.constant 0.000000e+00 : f32
    %sign3A_101 = vector.broadcast %sign3A_100 : f32 to vector<64x1024xf32>
    %sign3A_102 = arith.cmpf ogt, %sign3A_99, %sign3A_101 : vector<64x1024xf32>
    %sign3A_103 = arith.select %sign3A_102, %sign3A_98, %mul3A_90 : vector<64x1024xi1>, vector<64x1024xf32>
    %abs3A_104 = math.absf %mul3A_90 : vector<64x1024xf32>
    %mul3A_105 = arith.constant 0.327591091 : f32
    %mul3A_106 = vector.broadcast %mul3A_105 : f32 to vector<64x1024xf32>
    %mul3A_107 = arith.mulf %mul3A_106, %abs3A_104 : vector<64x1024xf32>
    %add3A_108 = arith.constant 1.000000e+00 : f32
    %add3A_109 = vector.broadcast %add3A_108 : f32 to vector<64x1024xf32>
    %add3A_110 = arith.addf %add3A_109, %mul3A_107 : vector<64x1024xf32>
    %div3A_111 = arith.constant 1.000000e+00 : f32
    %div3A_112 = vector.broadcast %div3A_111 : f32 to vector<64x1024xf32>
    %div3A_113 = arith.divf %div3A_112, %add3A_110 : vector<64x1024xf32>
    %mul3A_114 = arith.constant 1.06140542 : f32
    %mul3A_115 = vector.broadcast %mul3A_114 : f32 to vector<64x1024xf32>
    %mul3A_116 = arith.mulf %div3A_113, %mul3A_115 : vector<64x1024xf32>
    %add3A_117 = arith.constant -1.45315206 : f32
    %add3A_118 = vector.broadcast %add3A_117 : f32 to vector<64x1024xf32>
    %add3A_119 = arith.addf %add3A_118, %mul3A_116 : vector<64x1024xf32>
    %mul3A_120 = arith.mulf %div3A_113, %add3A_119 : vector<64x1024xf32>
    %add3A_121 = arith.constant 1.42141378 : f32
    %add3A_122 = vector.broadcast %add3A_121 : f32 to vector<64x1024xf32>
    %add3A_123 = arith.addf %add3A_122, %mul3A_120 : vector<64x1024xf32>
    %mul3A_124 = arith.mulf %div3A_113, %add3A_123 : vector<64x1024xf32>
    %add3A_125 = arith.constant -0.284496725 : f32
    %add3A_126 = vector.broadcast %add3A_125 : f32 to vector<64x1024xf32>
    %add3A_127 = arith.addf %add3A_126, %mul3A_124 : vector<64x1024xf32>
    %mul3A_128 = arith.mulf %div3A_113, %add3A_127 : vector<64x1024xf32>
    %add3A_129 = arith.constant 0.254829586 : f32
    %add3A_130 = vector.broadcast %add3A_129 : f32 to vector<64x1024xf32>
    %add3A_131 = arith.addf %add3A_130, %mul3A_128 : vector<64x1024xf32>
    %mul3A_132 = arith.mulf %div3A_113, %add3A_131 : vector<64x1024xf32>
    %neg3A_133 = arith.constant 0.000000e+00 : f32
    %neg3A_134 = vector.broadcast %neg3A_133 : f32 to vector<64x1024xf32>
    %neg3A_135 = arith.subf %neg3A_134, %abs3A_104 : vector<64x1024xf32>
    %mul3A_136 = arith.mulf %neg3A_135, %abs3A_104 : vector<64x1024xf32>
    %exp3A_137 = math.exp %mul3A_136 : vector<64x1024xf32>
    %mul3A_138 = arith.mulf %mul3A_132, %exp3A_137 : vector<64x1024xf32>
    %sub3A_139 = arith.constant 1.000000e+00 : f32
    %sub3A_140 = vector.broadcast %sub3A_139 : f32 to vector<64x1024xf32>
    %sub3A_141 = arith.subf %sub3A_140, %mul3A_138 : vector<64x1024xf32>
    %mul3A_142 = arith.mulf %sign3A_103, %sub3A_141 : vector<64x1024xf32>
    %add3A_143 = arith.constant 1.000000e+00 : f32
    %add3A_144 = vector.broadcast %add3A_143 : f32 to vector<64x1024xf32>
    %add3A_145 = arith.addf %add3A_144, %mul3A_142 : vector<64x1024xf32>
    %mul3A_146 = arith.mulf %mul3A_87, %add3A_145 : vector<64x1024xf32>
    %dot_general3A_147 = arith.constant dense<0.000000e+00> : vector<64x1024xf32>
    %dot_general3A_148 = tpu.matmul %get3A_10, %mul3A_146, %dot_general3A_147 {dimension_numbers = #tpu.dot_dimension_numbers<[0], [0], [1], [1], [0, 1, 1, 1], [], []>, transpose_lhs_hint = false} : vector<64x64xf32>, vector<64x1024xf32>, vector<64x1024xf32> -> vector<64x1024xf32>
    %add3A_149 = vector.broadcast %get3A_13 : vector<64x1xf32> to vector<64x1024xf32>
    %add3A_150 = arith.addf %dot_general3A_148, %add3A_149 : vector<64x1024xf32>
    %swap3A_151 = arith.constant 0 : index
    %swap3A_152 = arith.constant 0 : index
    %swap3A_153 = arith.constant 1024 : index
    %swap3A_154 = vector.load %arg7[%swap3A_151, %swap3A_152, %swap3A_153] : memref<1x64x2048xf32, #tpu.memory_space<vmem>>, vector<1x64x1024xf32>
    %swap3A_155 = vector.shape_cast %swap3A_154 : vector<1x64x1024xf32> to vector<64x1024xf32>
    %swap3A_156 = vector.shape_cast %add3A_150 : vector<64x1024xf32> to vector<1x64x1024xf32>
    tpu.vector_store %arg7[%swap3A_151, %swap3A_152, %swap3A_153], %swap3A_156 {strides = array<i32>} : memref<1x64x2048xf32, #tpu.memory_space<vmem>>, vector<1x64x1024xf32>,
    return
  }
  func.func @transform_0(%arg0: i32) -> (i32, i32) {
    %c0_i32 = arith.constant 0 : i32
    %c0_i32_0 = arith.constant 0 : i32
    return %arg0, %c0_i32 : i32, i32
  }
  func.func @transform_1(%arg0: i32) -> (i32, i32) {
    %c0_i32 = arith.constant 0 : i32
    %c0_i32_0 = arith.constant 0 : i32
    %c0_i32_1 = arith.constant 0 : i32
    return %c0_i32, %c0_i32_0 : i32, i32
  }
  func.func @transform_2(%arg0: i32) -> (i32, i32) {
    %c0_i32 = arith.constant 0 : i32
    %c0_i32_0 = arith.constant 0 : i32
    %c0_i32_1 = arith.constant 0 : i32
    return %c0_i32, %c0_i32_0 : i32, i32
  }
  func.func @transform_3(%arg0: i32) -> (i32, i32) {
    %c0_i32 = arith.constant 0 : i32
    %c0_i32_0 = arith.constant 0 : i32
    %c0_i32_1 = arith.constant 0 : i32
    return %c0_i32, %c0_i32_0 : i32, i32
  }
  func.func @transform_4(%arg0: i32) -> (i32, i32) {
    %c0_i32 = arith.constant 0 : i32
    %c0_i32_0 = arith.constant 0 : i32
    %c0_i32_1 = arith.constant 0 : i32
    return %c0_i32, %c0_i32_0 : i32, i32
  }
  func.func @transform_6(%arg0: i32) -> (i32, i32, i32) {
    %add3A = arith.constant 78 : i32
    %add3A_0 = arith.addi %add3A, %arg0 : i32
    %jit3A = arith.constant 8 : i32
    %div3A = arith.divsi %add3A_0, %jit3A : i32
    %sign3A = arith.constant 0 : i32
    %sign3A_1 = arith.cmpi sgt, %add3A_0, %sign3A : i32
    %sign3A_2 = arith.extui %sign3A_1 : i1 to i32
    %sign3A_3 = arith.constant 0 : i32
    %sign3A_4 = arith.cmpi slt, %add3A_0, %sign3A_3 : i32
    %sign3A_5 = arith.extui %sign3A_4 : i1 to i32
    %sign3A_6 = arith.subi %sign3A_2, %sign3A_5 : i32
    %sign3A_7 = arith.constant 0 : i32
    %sign3A_8 = arith.cmpi sgt, %jit3A, %sign3A_7 : i32
    %sign3A_9 = arith.extui %sign3A_8 : i1 to i32
    %sign3A_10 = arith.constant 0 : i32
    %sign3A_11 = arith.cmpi slt, %jit3A, %sign3A_10 : i32
    %sign3A_12 = arith.extui %sign3A_11 : i1 to i32
    %sign3A_13 = arith.subi %sign3A_9, %sign3A_12 : i32
    %ne3A = arith.cmpi ne, %sign3A_6, %sign3A_13 : i32
    %rem3A = arith.remsi %add3A_0, %jit3A : i32
    %ne3A_14 = arith.constant 0 : i32
    %ne3A_15 = arith.cmpi ne, %rem3A, %ne3A_14 : i32
    %and3A = arith.andi %ne3A, %ne3A_15 : i1
    %sub3A = arith.constant 1 : i32
    %sub3A_16 = arith.subi %div3A, %sub3A : i32
    %select_n3A = arith.select %and3A, %sub3A_16, %div3A : i32
    %add3A_17 = arith.constant 78 : i32
    %add3A_18 = arith.addi %add3A_17, %arg0 : i32
    %jit3A_19 = arith.constant 8 : i32
    %eq3A = arith.constant 0 : i32
    %eq3A_20 = arith.cmpi eq, %jit3A_19, %eq3A : i32
    %jit3A_21 = arith.constant 1 : i32
    %select_n3A_22 = arith.select %eq3A_20, %jit3A_21, %jit3A_19 : i32
    %rem3A_23 = arith.remsi %add3A_18, %select_n3A_22 : i32
    %ne3A_24 = arith.constant 0 : i32
    %ne3A_25 = arith.cmpi ne, %rem3A_23, %ne3A_24 : i32
    %lt3A = arith.constant 0 : i32
    %lt3A_26 = arith.cmpi slt, %rem3A_23, %lt3A : i32
    %lt3A_27 = arith.constant 0 : i32
    %lt3A_28 = arith.cmpi slt, %select_n3A_22, %lt3A_27 : i32
    %ne3A_29 = arith.xori %lt3A_26, %lt3A_28 : i1
    %and3A_30 = arith.andi %ne3A_29, %ne3A_25 : i1
    %add3A_31 = arith.addi %rem3A_23, %select_n3A_22 : i32
    %select_n3A_32 = arith.select %and3A_30, %add3A_31, %rem3A_23 : i32
    %c0_i32 = arith.constant 0 : i32
    %c0_i32_33 = arith.constant 0 : i32
    return %select_n3A, %c0_i32, %select_n3A_32 : i32, i32, i32
  }
}

module attributes {stable_mosaic.version = 14 : i64} {
  func.func @_mlp_t_acc_body(%arg0: i32, %arg1: memref<1024x128xf32, #tpu.memory_space<vmem>>, %arg2: memref<64x64xf32, #tpu.memory_space<vmem>>, %arg3: memref<64x1xf32, #tpu.memory_space<vmem>>, %arg4: memref<64x64xf32, #tpu.memory_space<vmem>>, %arg5: memref<64x1xf32, #tpu.memory_space<vmem>>, %arg6: memref<26x64x16384xf32, #tpu.memory_space<any>>, %arg7: memref<1x64x2048xf32, #tpu.memory_space<vmem>>) attributes {dimension_semantics = [#tpu.dimension_semantics<arbitrary>], iteration_bounds = array<i64: 26>, scalar_prefetch = 0 : i64, scratch_operands = 0 : i64, tpu.core_type = #tpu.core_type<tc>, window_params = [{transform_indices = @transform_0, window_bounds = array<i64: 1024, 128>}, {pipeline_mode = #tpu.pipeline_mode<synchronous>, transform_indices = @transform_1, window_bounds = array<i64: 64, 64>}, {pipeline_mode = #tpu.pipeline_mode<synchronous>, transform_indices = @transform_2, window_bounds = array<i64: 64, 1>}, {pipeline_mode = #tpu.pipeline_mode<synchronous>, transform_indices = @transform_3, window_bounds = array<i64: 64, 64>}, {pipeline_mode = #tpu.pipeline_mode<synchronous>, transform_indices = @transform_4, window_bounds = array<i64: 64, 1>}, {}, {transform_indices = @transform_6, window_bounds = array<i64: 1, 64, 2048>}]} {
    %get3A = arith.constant 0 : index
    %get3A_0 = arith.constant 0 : index
    %get3A_1 = vector.load %arg1[%get3A, %get3A_0] : memref<1024x128xf32, #tpu.memory_space<vmem>>, vector<1024x128xf32>
    %get3A_2 = arith.constant 0 : index
    %get3A_3 = arith.constant 0 : index
    %get3A_4 = vector.load %arg2[%get3A_2, %get3A_3] : memref<64x64xf32, #tpu.memory_space<vmem>>, vector<64x64xf32>
    %get3A_5 = arith.constant 0 : index
    %get3A_6 = arith.constant 0 : index
    %get3A_7 = vector.load %arg3[%get3A_5, %get3A_6] : memref<64x1xf32, #tpu.memory_space<vmem>>, vector<64x1xf32>
    %get3A_8 = arith.constant 0 : index
    %get3A_9 = arith.constant 0 : index
    %get3A_10 = vector.load %arg4[%get3A_8, %get3A_9] : memref<64x64xf32, #tpu.memory_space<vmem>>, vector<64x64xf32>
    %get3A_11 = arith.constant 0 : index
    %get3A_12 = arith.constant 0 : index
    %get3A_13 = vector.load %arg5[%get3A_11, %get3A_12] : memref<64x1xf32, #tpu.memory_space<vmem>>, vector<64x1xf32>
    %slice3A = vector.extract_strided_slice %get3A_1 {offsets = [0, 0], sizes = [1024, 64], strides = [1, 1]} : vector<1024x128xf32> to vector<1024x64xf32>
    %dot_general3A = arith.constant dense<0.000000e+00> : vector<64x1024xf32>
    %dot_general3A_14 = tpu.matmul %get3A_4, %slice3A, %dot_general3A {dimension_numbers = #tpu.dot_dimension_numbers<[0], [1], [1], [0], [0, 1, 1, 0], [], []>, transpose_lhs_hint = false} : vector<64x64xf32>, vector<1024x64xf32>, vector<64x1024xf32> -> vector<64x1024xf32>
    %add3A = vector.broadcast %get3A_7 : vector<64x1xf32> to vector<64x1024xf32>
    %add3A_15 = arith.addf %dot_general3A_14, %add3A : vector<64x1024xf32>
    %mul3A = arith.constant 5.000000e-01 : f32
    %mul3A_16 = vector.broadcast %mul3A : f32 to vector<64x1024xf32>
    %mul3A_17 = arith.mulf %mul3A_16, %add3A_15 : vector<64x1024xf32>
    %mul3A_18 = arith.constant 0.707106769 : f32
    %mul3A_19 = vector.broadcast %mul3A_18 : f32 to vector<64x1024xf32>
    %mul3A_20 = arith.mulf %add3A_15, %mul3A_19 : vector<64x1024xf32>
    %sign3A = tpu.bitcast %mul3A_20 : vector<64x1024xf32> -> vector<64x1024xi32>
    %sign3A_21 = arith.constant -2147483648 : i32
    %sign3A_22 = vector.broadcast %sign3A_21 : i32 to vector<64x1024xi32>
    %sign3A_23 = arith.andi %sign3A, %sign3A_22 : vector<64x1024xi32>
    %sign3A_24 = arith.constant 1065353216 : i32
    %sign3A_25 = vector.broadcast %sign3A_24 : i32 to vector<64x1024xi32>
    %sign3A_26 = arith.ori %sign3A_25, %sign3A_23 : vector<64x1024xi32>
    %sign3A_27 = tpu.bitcast %sign3A_26 : vector<64x1024xi32> -> vector<64x1024xf32>
    %sign3A_28 = math.absf %mul3A_20 : vector<64x1024xf32>
    %sign3A_29 = arith.constant 0.000000e+00 : f32
    %sign3A_30 = vector.broadcast %sign3A_29 : f32 to vector<64x1024xf32>
    %sign3A_31 = arith.cmpf ogt, %sign3A_28, %sign3A_30 : vector<64x1024xf32>
    %sign3A_32 = arith.select %sign3A_31, %sign3A_27, %mul3A_20 : vector<64x1024xi1>, vector<64x1024xf32>
    %abs3A = math.absf %mul3A_20 : vector<64x1024xf32>
    %mul3A_33 = arith.constant 0.327591091 : f32
    %mul3A_34 = vector.broadcast %mul3A_33 : f32 to vector<64x1024xf32>
    %mul3A_35 = arith.mulf %mul3A_34, %abs3A : vector<64x1024xf32>
    %add3A_36 = arith.constant 1.000000e+00 : f32
    %add3A_37 = vector.broadcast %add3A_36 : f32 to vector<64x1024xf32>
    %add3A_38 = arith.addf %add3A_37, %mul3A_35 : vector<64x1024xf32>
    %div3A = arith.constant 1.000000e+00 : f32
    %div3A_39 = vector.broadcast %div3A : f32 to vector<64x1024xf32>
    %div3A_40 = arith.divf %div3A_39, %add3A_38 : vector<64x1024xf32>
    %mul3A_41 = arith.constant 1.06140542 : f32
    %mul3A_42 = vector.broadcast %mul3A_41 : f32 to vector<64x1024xf32>
    %mul3A_43 = arith.mulf %div3A_40, %mul3A_42 : vector<64x1024xf32>
    %add3A_44 = arith.constant -1.45315206 : f32
    %add3A_45 = vector.broadcast %add3A_44 : f32 to vector<64x1024xf32>
    %add3A_46 = arith.addf %add3A_45, %mul3A_43 : vector<64x1024xf32>
    %mul3A_47 = arith.mulf %div3A_40, %add3A_46 : vector<64x1024xf32>
    %add3A_48 = arith.constant 1.42141378 : f32
    %add3A_49 = vector.broadcast %add3A_48 : f32 to vector<64x1024xf32>
    %add3A_50 = arith.addf %add3A_49, %mul3A_47 : vector<64x1024xf32>
    %mul3A_51 = arith.mulf %div3A_40, %add3A_50 : vector<64x1024xf32>
    %add3A_52 = arith.constant -0.284496725 : f32
    %add3A_53 = vector.broadcast %add3A_52 : f32 to vector<64x1024xf32>
    %add3A_54 = arith.addf %add3A_53, %mul3A_51 : vector<64x1024xf32>
    %mul3A_55 = arith.mulf %div3A_40, %add3A_54 : vector<64x1024xf32>
    %add3A_56 = arith.constant 0.254829586 : f32
    %add3A_57 = vector.broadcast %add3A_56 : f32 to vector<64x1024xf32>
    %add3A_58 = arith.addf %add3A_57, %mul3A_55 : vector<64x1024xf32>
    %mul3A_59 = arith.mulf %div3A_40, %add3A_58 : vector<64x1024xf32>
    %neg3A = arith.constant 0.000000e+00 : f32
    %neg3A_60 = vector.broadcast %neg3A : f32 to vector<64x1024xf32>
    %neg3A_61 = arith.subf %neg3A_60, %abs3A : vector<64x1024xf32>
    %mul3A_62 = arith.mulf %neg3A_61, %abs3A : vector<64x1024xf32>
    %exp3A = math.exp %mul3A_62 : vector<64x1024xf32>
    %mul3A_63 = arith.mulf %mul3A_59, %exp3A : vector<64x1024xf32>
    %sub3A = arith.constant 1.000000e+00 : f32
    %sub3A_64 = vector.broadcast %sub3A : f32 to vector<64x1024xf32>
    %sub3A_65 = arith.subf %sub3A_64, %mul3A_63 : vector<64x1024xf32>
    %mul3A_66 = arith.mulf %sign3A_32, %sub3A_65 : vector<64x1024xf32>
    %add3A_67 = arith.constant 1.000000e+00 : f32
    %add3A_68 = vector.broadcast %add3A_67 : f32 to vector<64x1024xf32>
    %add3A_69 = arith.addf %add3A_68, %mul3A_66 : vector<64x1024xf32>
    %mul3A_70 = arith.mulf %mul3A_17, %add3A_69 : vector<64x1024xf32>
    %dot_general3A_71 = arith.constant dense<0.000000e+00> : vector<64x1024xf32>
    %dot_general3A_72 = tpu.matmul %get3A_10, %mul3A_70, %dot_general3A_71 {dimension_numbers = #tpu.dot_dimension_numbers<[0], [0], [1], [1], [0, 1, 1, 1], [], []>, transpose_lhs_hint = false} : vector<64x64xf32>, vector<64x1024xf32>, vector<64x1024xf32> -> vector<64x1024xf32>
    %add3A_73 = vector.broadcast %get3A_13 : vector<64x1xf32> to vector<64x1024xf32>
    %add3A_74 = arith.addf %dot_general3A_72, %add3A_73 : vector<64x1024xf32>
    %swap3A = arith.constant 0 : index
    %swap3A_75 = arith.constant 0 : index
    %swap3A_76 = arith.constant 0 : index
    %swap3A_77 = vector.load %arg7[%swap3A, %swap3A_75, %swap3A_76] : memref<1x64x2048xf32, #tpu.memory_space<vmem>>, vector<1x64x1024xf32>
    %swap3A_78 = vector.shape_cast %swap3A_77 : vector<1x64x1024xf32> to vector<64x1024xf32>
    %swap3A_79 = vector.shape_cast %add3A_74 : vector<64x1024xf32> to vector<1x64x1024xf32>
    tpu.vector_store %arg7[%swap3A, %swap3A_75, %swap3A_76], %swap3A_79 {strides = array<i32>} : memref<1x64x2048xf32, #tpu.memory_space<vmem>>, vector<1x64x1024xf32>,
    %slice3A_80 = vector.extract_strided_slice %get3A_1 {offsets = [0, 64], sizes = [1024, 64], strides = [1, 1]} : vector<1024x128xf32> to vector<1024x64xf32>
    %dot_general3A_81 = arith.constant dense<0.000000e+00> : vector<64x1024xf32>
    %dot_general3A_82 = tpu.matmul %get3A_4, %slice3A_80, %dot_general3A_81 {dimension_numbers = #tpu.dot_dimension_numbers<[0], [1], [1], [0], [0, 1, 1, 0], [], []>, transpose_lhs_hint = false} : vector<64x64xf32>, vector<1024x64xf32>, vector<64x1024xf32> -> vector<64x1024xf32>
    %add3A_83 = vector.broadcast %get3A_7 : vector<64x1xf32> to vector<64x1024xf32>
    %add3A_84 = arith.addf %dot_general3A_82, %add3A_83 : vector<64x1024xf32>
    %mul3A_85 = arith.constant 5.000000e-01 : f32
    %mul3A_86 = vector.broadcast %mul3A_85 : f32 to vector<64x1024xf32>
    %mul3A_87 = arith.mulf %mul3A_86, %add3A_84 : vector<64x1024xf32>
    %mul3A_88 = arith.constant 0.707106769 : f32
    %mul3A_89 = vector.broadcast %mul3A_88 : f32 to vector<64x1024xf32>
    %mul3A_90 = arith.mulf %add3A_84, %mul3A_89 : vector<64x1024xf32>
    %sign3A_91 = tpu.bitcast %mul3A_90 : vector<64x1024xf32> -> vector<64x1024xi32>
    %sign3A_92 = arith.constant -2147483648 : i32
    %sign3A_93 = vector.broadcast %sign3A_92 : i32 to vector<64x1024xi32>
    %sign3A_94 = arith.andi %sign3A_91, %sign3A_93 : vector<64x1024xi32>
    %sign3A_95 = arith.constant 1065353216 : i32
    %sign3A_96 = vector.broadcast %sign3A_95 : i32 to vector<64x1024xi32>
    %sign3A_97 = arith.ori %sign3A_96, %sign3A_94 : vector<64x1024xi32>
    %sign3A_98 = tpu.bitcast %sign3A_97 : vector<64x1024xi32> -> vector<64x1024xf32>
    %sign3A_99 = math.absf %mul3A_90 : vector<64x1024xf32>
    %sign3A_100 = arith.constant 0.000000e+00 : f32
    %sign3A_101 = vector.broadcast %sign3A_100 : f32 to vector<64x1024xf32>
    %sign3A_102 = arith.cmpf ogt, %sign3A_99, %sign3A_101 : vector<64x1024xf32>
    %sign3A_103 = arith.select %sign3A_102, %sign3A_98, %mul3A_90 : vector<64x1024xi1>, vector<64x1024xf32>
    %abs3A_104 = math.absf %mul3A_90 : vector<64x1024xf32>
    %mul3A_105 = arith.constant 0.327591091 : f32
    %mul3A_106 = vector.broadcast %mul3A_105 : f32 to vector<64x1024xf32>
    %mul3A_107 = arith.mulf %mul3A_106, %abs3A_104 : vector<64x1024xf32>
    %add3A_108 = arith.constant 1.000000e+00 : f32
    %add3A_109 = vector.broadcast %add3A_108 : f32 to vector<64x1024xf32>
    %add3A_110 = arith.addf %add3A_109, %mul3A_107 : vector<64x1024xf32>
    %div3A_111 = arith.constant 1.000000e+00 : f32
    %div3A_112 = vector.broadcast %div3A_111 : f32 to vector<64x1024xf32>
    %div3A_113 = arith.divf %div3A_112, %add3A_110 : vector<64x1024xf32>
    %mul3A_114 = arith.constant 1.06140542 : f32
    %mul3A_115 = vector.broadcast %mul3A_114 : f32 to vector<64x1024xf32>
    %mul3A_116 = arith.mulf %div3A_113, %mul3A_115 : vector<64x1024xf32>
    %add3A_117 = arith.constant -1.45315206 : f32
    %add3A_118 = vector.broadcast %add3A_117 : f32 to vector<64x1024xf32>
    %add3A_119 = arith.addf %add3A_118, %mul3A_116 : vector<64x1024xf32>
    %mul3A_120 = arith.mulf %div3A_113, %add3A_119 : vector<64x1024xf32>
    %add3A_121 = arith.constant 1.42141378 : f32
    %add3A_122 = vector.broadcast %add3A_121 : f32 to vector<64x1024xf32>
    %add3A_123 = arith.addf %add3A_122, %mul3A_120 : vector<64x1024xf32>
    %mul3A_124 = arith.mulf %div3A_113, %add3A_123 : vector<64x1024xf32>
    %add3A_125 = arith.constant -0.284496725 : f32
    %add3A_126 = vector.broadcast %add3A_125 : f32 to vector<64x1024xf32>
    %add3A_127 = arith.addf %add3A_126, %mul3A_124 : vector<64x1024xf32>
    %mul3A_128 = arith.mulf %div3A_113, %add3A_127 : vector<64x1024xf32>
    %add3A_129 = arith.constant 0.254829586 : f32
    %add3A_130 = vector.broadcast %add3A_129 : f32 to vector<64x1024xf32>
    %add3A_131 = arith.addf %add3A_130, %mul3A_128 : vector<64x1024xf32>
    %mul3A_132 = arith.mulf %div3A_113, %add3A_131 : vector<64x1024xf32>
    %neg3A_133 = arith.constant 0.000000e+00 : f32
    %neg3A_134 = vector.broadcast %neg3A_133 : f32 to vector<64x1024xf32>
    %neg3A_135 = arith.subf %neg3A_134, %abs3A_104 : vector<64x1024xf32>
    %mul3A_136 = arith.mulf %neg3A_135, %abs3A_104 : vector<64x1024xf32>
    %exp3A_137 = math.exp %mul3A_136 : vector<64x1024xf32>
    %mul3A_138 = arith.mulf %mul3A_132, %exp3A_137 : vector<64x1024xf32>
    %sub3A_139 = arith.constant 1.000000e+00 : f32
    %sub3A_140 = vector.broadcast %sub3A_139 : f32 to vector<64x1024xf32>
    %sub3A_141 = arith.subf %sub3A_140, %mul3A_138 : vector<64x1024xf32>
    %mul3A_142 = arith.mulf %sign3A_103, %sub3A_141 : vector<64x1024xf32>
    %add3A_143 = arith.constant 1.000000e+00 : f32
    %add3A_144 = vector.broadcast %add3A_143 : f32 to vector<64x1024xf32>
    %add3A_145 = arith.addf %add3A_144, %mul3A_142 : vector<64x1024xf32>
    %mul3A_146 = arith.mulf %mul3A_87, %add3A_145 : vector<64x1024xf32>
    %dot_general3A_147 = arith.constant dense<0.000000e+00> : vector<64x1024xf32>
    %dot_general3A_148 = tpu.matmul %get3A_10, %mul3A_146, %dot_general3A_147 {dimension_numbers = #tpu.dot_dimension_numbers<[0], [0], [1], [1], [0, 1, 1, 1], [], []>, transpose_lhs_hint = false} : vector<64x64xf32>, vector<64x1024xf32>, vector<64x1024xf32> -> vector<64x1024xf32>
    %add3A_149 = vector.broadcast %get3A_13 : vector<64x1xf32> to vector<64x1024xf32>
    %add3A_150 = arith.addf %dot_general3A_148, %add3A_149 : vector<64x1024xf32>
    %swap3A_151 = arith.constant 0 : index
    %swap3A_152 = arith.constant 0 : index
    %swap3A_153 = arith.constant 1024 : index
    %swap3A_154 = vector.load %arg7[%swap3A_151, %swap3A_152, %swap3A_153] : memref<1x64x2048xf32, #tpu.memory_space<vmem>>, vector<1x64x1024xf32>
    %swap3A_155 = vector.shape_cast %swap3A_154 : vector<1x64x1024xf32> to vector<64x1024xf32>
    %swap3A_156 = vector.shape_cast %add3A_150 : vector<64x1024xf32> to vector<1x64x1024xf32>
    tpu.vector_store %arg7[%swap3A_151, %swap3A_152, %swap3A_153], %swap3A_156 {strides = array<i32>} : memref<1x64x2048xf32, #tpu.memory_space<vmem>>, vector<1x64x1024xf32>,
    return
  }
  func.func @transform_0(%arg0: i32) -> (i32, i32) {
    %c0_i32 = arith.constant 0 : i32
    %c0_i32_0 = arith.constant 0 : i32
    return %arg0, %c0_i32 : i32, i32
  }
  func.func @transform_1(%arg0: i32) -> (i32, i32) {
    %c0_i32 = arith.constant 0 : i32
    %c0_i32_0 = arith.constant 0 : i32
    %c0_i32_1 = arith.constant 0 : i32
    return %c0_i32, %c0_i32_0 : i32, i32
  }
  func.func @transform_2(%arg0: i32) -> (i32, i32) {
    %c0_i32 = arith.constant 0 : i32
    %c0_i32_0 = arith.constant 0 : i32
    %c0_i32_1 = arith.constant 0 : i32
    return %c0_i32, %c0_i32_0 : i32, i32
  }
  func.func @transform_3(%arg0: i32) -> (i32, i32) {
    %c0_i32 = arith.constant 0 : i32
    %c0_i32_0 = arith.constant 0 : i32
    %c0_i32_1 = arith.constant 0 : i32
    return %c0_i32, %c0_i32_0 : i32, i32
  }
  func.func @transform_4(%arg0: i32) -> (i32, i32) {
    %c0_i32 = arith.constant 0 : i32
    %c0_i32_0 = arith.constant 0 : i32
    %c0_i32_1 = arith.constant 0 : i32
    return %c0_i32, %c0_i32_0 : i32, i32
  }
  func.func @transform_6(%arg0: i32) -> (i32, i32, i32) {
    %add3A = arith.constant 104 : i32
    %add3A_0 = arith.addi %add3A, %arg0 : i32
    %jit3A = arith.constant 8 : i32
    %div3A = arith.divsi %add3A_0, %jit3A : i32
    %sign3A = arith.constant 0 : i32
    %sign3A_1 = arith.cmpi sgt, %add3A_0, %sign3A : i32
    %sign3A_2 = arith.extui %sign3A_1 : i1 to i32
    %sign3A_3 = arith.constant 0 : i32
    %sign3A_4 = arith.cmpi slt, %add3A_0, %sign3A_3 : i32
    %sign3A_5 = arith.extui %sign3A_4 : i1 to i32
    %sign3A_6 = arith.subi %sign3A_2, %sign3A_5 : i32
    %sign3A_7 = arith.constant 0 : i32
    %sign3A_8 = arith.cmpi sgt, %jit3A, %sign3A_7 : i32
    %sign3A_9 = arith.extui %sign3A_8 : i1 to i32
    %sign3A_10 = arith.constant 0 : i32
    %sign3A_11 = arith.cmpi slt, %jit3A, %sign3A_10 : i32
    %sign3A_12 = arith.extui %sign3A_11 : i1 to i32
    %sign3A_13 = arith.subi %sign3A_9, %sign3A_12 : i32
    %ne3A = arith.cmpi ne, %sign3A_6, %sign3A_13 : i32
    %rem3A = arith.remsi %add3A_0, %jit3A : i32
    %ne3A_14 = arith.constant 0 : i32
    %ne3A_15 = arith.cmpi ne, %rem3A, %ne3A_14 : i32
    %and3A = arith.andi %ne3A, %ne3A_15 : i1
    %sub3A = arith.constant 1 : i32
    %sub3A_16 = arith.subi %div3A, %sub3A : i32
    %select_n3A = arith.select %and3A, %sub3A_16, %div3A : i32
    %add3A_17 = arith.constant 104 : i32
    %add3A_18 = arith.addi %add3A_17, %arg0 : i32
    %jit3A_19 = arith.constant 8 : i32
    %eq3A = arith.constant 0 : i32
    %eq3A_20 = arith.cmpi eq, %jit3A_19, %eq3A : i32
    %jit3A_21 = arith.constant 1 : i32
    %select_n3A_22 = arith.select %eq3A_20, %jit3A_21, %jit3A_19 : i32
    %rem3A_23 = arith.remsi %add3A_18, %select_n3A_22 : i32
    %ne3A_24 = arith.constant 0 : i32
    %ne3A_25 = arith.cmpi ne, %rem3A_23, %ne3A_24 : i32
    %lt3A = arith.constant 0 : i32
    %lt3A_26 = arith.cmpi slt, %rem3A_23, %lt3A : i32
    %lt3A_27 = arith.constant 0 : i32
    %lt3A_28 = arith.cmpi slt, %select_n3A_22, %lt3A_27 : i32
    %ne3A_29 = arith.xori %lt3A_26, %lt3A_28 : i1
    %and3A_30 = arith.andi %ne3A_29, %ne3A_25 : i1
    %add3A_31 = arith.addi %rem3A_23, %select_n3A_22 : i32
    %select_n3A_32 = arith.select %and3A_30, %add3A_31, %rem3A_23 : i32
    %c0_i32 = arith.constant 0 : i32
    %c0_i32_33 = arith.constant 0 : i32
    return %select_n3A, %c0_i32, %select_n3A_32 : i32, i32, i32
  }
}

module attributes {stable_mosaic.version = 14 : i64} {
  func.func @_mlp_t_acc_body(%arg0: i32, %arg1: memref<1024x128xf32, #tpu.memory_space<vmem>>, %arg2: memref<64x64xf32, #tpu.memory_space<vmem>>, %arg3: memref<64x1xf32, #tpu.memory_space<vmem>>, %arg4: memref<64x64xf32, #tpu.memory_space<vmem>>, %arg5: memref<64x1xf32, #tpu.memory_space<vmem>>, %arg6: memref<26x64x16384xf32, #tpu.memory_space<any>>, %arg7: memref<1x64x2048xf32, #tpu.memory_space<vmem>>) attributes {dimension_semantics = [#tpu.dimension_semantics<arbitrary>], iteration_bounds = array<i64: 26>, scalar_prefetch = 0 : i64, scratch_operands = 0 : i64, tpu.core_type = #tpu.core_type<tc>, window_params = [{transform_indices = @transform_0, window_bounds = array<i64: 1024, 128>}, {pipeline_mode = #tpu.pipeline_mode<synchronous>, transform_indices = @transform_1, window_bounds = array<i64: 64, 64>}, {pipeline_mode = #tpu.pipeline_mode<synchronous>, transform_indices = @transform_2, window_bounds = array<i64: 64, 1>}, {pipeline_mode = #tpu.pipeline_mode<synchronous>, transform_indices = @transform_3, window_bounds = array<i64: 64, 64>}, {pipeline_mode = #tpu.pipeline_mode<synchronous>, transform_indices = @transform_4, window_bounds = array<i64: 64, 1>}, {}, {transform_indices = @transform_6, window_bounds = array<i64: 1, 64, 2048>}]} {
    %get3A = arith.constant 0 : index
    %get3A_0 = arith.constant 0 : index
    %get3A_1 = vector.load %arg1[%get3A, %get3A_0] : memref<1024x128xf32, #tpu.memory_space<vmem>>, vector<1024x128xf32>
    %get3A_2 = arith.constant 0 : index
    %get3A_3 = arith.constant 0 : index
    %get3A_4 = vector.load %arg2[%get3A_2, %get3A_3] : memref<64x64xf32, #tpu.memory_space<vmem>>, vector<64x64xf32>
    %get3A_5 = arith.constant 0 : index
    %get3A_6 = arith.constant 0 : index
    %get3A_7 = vector.load %arg3[%get3A_5, %get3A_6] : memref<64x1xf32, #tpu.memory_space<vmem>>, vector<64x1xf32>
    %get3A_8 = arith.constant 0 : index
    %get3A_9 = arith.constant 0 : index
    %get3A_10 = vector.load %arg4[%get3A_8, %get3A_9] : memref<64x64xf32, #tpu.memory_space<vmem>>, vector<64x64xf32>
    %get3A_11 = arith.constant 0 : index
    %get3A_12 = arith.constant 0 : index
    %get3A_13 = vector.load %arg5[%get3A_11, %get3A_12] : memref<64x1xf32, #tpu.memory_space<vmem>>, vector<64x1xf32>
    %slice3A = vector.extract_strided_slice %get3A_1 {offsets = [0, 0], sizes = [1024, 64], strides = [1, 1]} : vector<1024x128xf32> to vector<1024x64xf32>
    %dot_general3A = arith.constant dense<0.000000e+00> : vector<64x1024xf32>
    %dot_general3A_14 = tpu.matmul %get3A_4, %slice3A, %dot_general3A {dimension_numbers = #tpu.dot_dimension_numbers<[0], [1], [1], [0], [0, 1, 1, 0], [], []>, transpose_lhs_hint = false} : vector<64x64xf32>, vector<1024x64xf32>, vector<64x1024xf32> -> vector<64x1024xf32>
    %add3A = vector.broadcast %get3A_7 : vector<64x1xf32> to vector<64x1024xf32>
    %add3A_15 = arith.addf %dot_general3A_14, %add3A : vector<64x1024xf32>
    %mul3A = arith.constant 5.000000e-01 : f32
    %mul3A_16 = vector.broadcast %mul3A : f32 to vector<64x1024xf32>
    %mul3A_17 = arith.mulf %mul3A_16, %add3A_15 : vector<64x1024xf32>
    %mul3A_18 = arith.constant 0.707106769 : f32
    %mul3A_19 = vector.broadcast %mul3A_18 : f32 to vector<64x1024xf32>
    %mul3A_20 = arith.mulf %add3A_15, %mul3A_19 : vector<64x1024xf32>
    %sign3A = tpu.bitcast %mul3A_20 : vector<64x1024xf32> -> vector<64x1024xi32>
    %sign3A_21 = arith.constant -2147483648 : i32
    %sign3A_22 = vector.broadcast %sign3A_21 : i32 to vector<64x1024xi32>
    %sign3A_23 = arith.andi %sign3A, %sign3A_22 : vector<64x1024xi32>
    %sign3A_24 = arith.constant 1065353216 : i32
    %sign3A_25 = vector.broadcast %sign3A_24 : i32 to vector<64x1024xi32>
    %sign3A_26 = arith.ori %sign3A_25, %sign3A_23 : vector<64x1024xi32>
    %sign3A_27 = tpu.bitcast %sign3A_26 : vector<64x1024xi32> -> vector<64x1024xf32>
    %sign3A_28 = math.absf %mul3A_20 : vector<64x1024xf32>
    %sign3A_29 = arith.constant 0.000000e+00 : f32
    %sign3A_30 = vector.broadcast %sign3A_29 : f32 to vector<64x1024xf32>
    %sign3A_31 = arith.cmpf ogt, %sign3A_28, %sign3A_30 : vector<64x1024xf32>
    %sign3A_32 = arith.select %sign3A_31, %sign3A_27, %mul3A_20 : vector<64x1024xi1>, vector<64x1024xf32>
    %abs3A = math.absf %mul3A_20 : vector<64x1024xf32>
    %mul3A_33 = arith.constant 0.327591091 : f32
    %mul3A_34 = vector.broadcast %mul3A_33 : f32 to vector<64x1024xf32>
    %mul3A_35 = arith.mulf %mul3A_34, %abs3A : vector<64x1024xf32>
    %add3A_36 = arith.constant 1.000000e+00 : f32
    %add3A_37 = vector.broadcast %add3A_36 : f32 to vector<64x1024xf32>
    %add3A_38 = arith.addf %add3A_37, %mul3A_35 : vector<64x1024xf32>
    %div3A = arith.constant 1.000000e+00 : f32
    %div3A_39 = vector.broadcast %div3A : f32 to vector<64x1024xf32>
    %div3A_40 = arith.divf %div3A_39, %add3A_38 : vector<64x1024xf32>
    %mul3A_41 = arith.constant 1.06140542 : f32
    %mul3A_42 = vector.broadcast %mul3A_41 : f32 to vector<64x1024xf32>
    %mul3A_43 = arith.mulf %div3A_40, %mul3A_42 : vector<64x1024xf32>
    %add3A_44 = arith.constant -1.45315206 : f32
    %add3A_45 = vector.broadcast %add3A_44 : f32 to vector<64x1024xf32>
    %add3A_46 = arith.addf %add3A_45, %mul3A_43 : vector<64x1024xf32>
    %mul3A_47 = arith.mulf %div3A_40, %add3A_46 : vector<64x1024xf32>
    %add3A_48 = arith.constant 1.42141378 : f32
    %add3A_49 = vector.broadcast %add3A_48 : f32 to vector<64x1024xf32>
    %add3A_50 = arith.addf %add3A_49, %mul3A_47 : vector<64x1024xf32>
    %mul3A_51 = arith.mulf %div3A_40, %add3A_50 : vector<64x1024xf32>
    %add3A_52 = arith.constant -0.284496725 : f32
    %add3A_53 = vector.broadcast %add3A_52 : f32 to vector<64x1024xf32>
    %add3A_54 = arith.addf %add3A_53, %mul3A_51 : vector<64x1024xf32>
    %mul3A_55 = arith.mulf %div3A_40, %add3A_54 : vector<64x1024xf32>
    %add3A_56 = arith.constant 0.254829586 : f32
    %add3A_57 = vector.broadcast %add3A_56 : f32 to vector<64x1024xf32>
    %add3A_58 = arith.addf %add3A_57, %mul3A_55 : vector<64x1024xf32>
    %mul3A_59 = arith.mulf %div3A_40, %add3A_58 : vector<64x1024xf32>
    %neg3A = arith.constant 0.000000e+00 : f32
    %neg3A_60 = vector.broadcast %neg3A : f32 to vector<64x1024xf32>
    %neg3A_61 = arith.subf %neg3A_60, %abs3A : vector<64x1024xf32>
    %mul3A_62 = arith.mulf %neg3A_61, %abs3A : vector<64x1024xf32>
    %exp3A = math.exp %mul3A_62 : vector<64x1024xf32>
    %mul3A_63 = arith.mulf %mul3A_59, %exp3A : vector<64x1024xf32>
    %sub3A = arith.constant 1.000000e+00 : f32
    %sub3A_64 = vector.broadcast %sub3A : f32 to vector<64x1024xf32>
    %sub3A_65 = arith.subf %sub3A_64, %mul3A_63 : vector<64x1024xf32>
    %mul3A_66 = arith.mulf %sign3A_32, %sub3A_65 : vector<64x1024xf32>
    %add3A_67 = arith.constant 1.000000e+00 : f32
    %add3A_68 = vector.broadcast %add3A_67 : f32 to vector<64x1024xf32>
    %add3A_69 = arith.addf %add3A_68, %mul3A_66 : vector<64x1024xf32>
    %mul3A_70 = arith.mulf %mul3A_17, %add3A_69 : vector<64x1024xf32>
    %dot_general3A_71 = arith.constant dense<0.000000e+00> : vector<64x1024xf32>
    %dot_general3A_72 = tpu.matmul %get3A_10, %mul3A_70, %dot_general3A_71 {dimension_numbers = #tpu.dot_dimension_numbers<[0], [0], [1], [1], [0, 1, 1, 1], [], []>, transpose_lhs_hint = false} : vector<64x64xf32>, vector<64x1024xf32>, vector<64x1024xf32> -> vector<64x1024xf32>
    %add3A_73 = vector.broadcast %get3A_13 : vector<64x1xf32> to vector<64x1024xf32>
    %add3A_74 = arith.addf %dot_general3A_72, %add3A_73 : vector<64x1024xf32>
    %swap3A = arith.constant 0 : index
    %swap3A_75 = arith.constant 0 : index
    %swap3A_76 = arith.constant 0 : index
    %swap3A_77 = vector.load %arg7[%swap3A, %swap3A_75, %swap3A_76] : memref<1x64x2048xf32, #tpu.memory_space<vmem>>, vector<1x64x1024xf32>
    %swap3A_78 = vector.shape_cast %swap3A_77 : vector<1x64x1024xf32> to vector<64x1024xf32>
    %swap3A_79 = vector.shape_cast %add3A_74 : vector<64x1024xf32> to vector<1x64x1024xf32>
    tpu.vector_store %arg7[%swap3A, %swap3A_75, %swap3A_76], %swap3A_79 {strides = array<i32>} : memref<1x64x2048xf32, #tpu.memory_space<vmem>>, vector<1x64x1024xf32>,
    %slice3A_80 = vector.extract_strided_slice %get3A_1 {offsets = [0, 64], sizes = [1024, 64], strides = [1, 1]} : vector<1024x128xf32> to vector<1024x64xf32>
    %dot_general3A_81 = arith.constant dense<0.000000e+00> : vector<64x1024xf32>
    %dot_general3A_82 = tpu.matmul %get3A_4, %slice3A_80, %dot_general3A_81 {dimension_numbers = #tpu.dot_dimension_numbers<[0], [1], [1], [0], [0, 1, 1, 0], [], []>, transpose_lhs_hint = false} : vector<64x64xf32>, vector<1024x64xf32>, vector<64x1024xf32> -> vector<64x1024xf32>
    %add3A_83 = vector.broadcast %get3A_7 : vector<64x1xf32> to vector<64x1024xf32>
    %add3A_84 = arith.addf %dot_general3A_82, %add3A_83 : vector<64x1024xf32>
    %mul3A_85 = arith.constant 5.000000e-01 : f32
    %mul3A_86 = vector.broadcast %mul3A_85 : f32 to vector<64x1024xf32>
    %mul3A_87 = arith.mulf %mul3A_86, %add3A_84 : vector<64x1024xf32>
    %mul3A_88 = arith.constant 0.707106769 : f32
    %mul3A_89 = vector.broadcast %mul3A_88 : f32 to vector<64x1024xf32>
    %mul3A_90 = arith.mulf %add3A_84, %mul3A_89 : vector<64x1024xf32>
    %sign3A_91 = tpu.bitcast %mul3A_90 : vector<64x1024xf32> -> vector<64x1024xi32>
    %sign3A_92 = arith.constant -2147483648 : i32
    %sign3A_93 = vector.broadcast %sign3A_92 : i32 to vector<64x1024xi32>
    %sign3A_94 = arith.andi %sign3A_91, %sign3A_93 : vector<64x1024xi32>
    %sign3A_95 = arith.constant 1065353216 : i32
    %sign3A_96 = vector.broadcast %sign3A_95 : i32 to vector<64x1024xi32>
    %sign3A_97 = arith.ori %sign3A_96, %sign3A_94 : vector<64x1024xi32>
    %sign3A_98 = tpu.bitcast %sign3A_97 : vector<64x1024xi32> -> vector<64x1024xf32>
    %sign3A_99 = math.absf %mul3A_90 : vector<64x1024xf32>
    %sign3A_100 = arith.constant 0.000000e+00 : f32
    %sign3A_101 = vector.broadcast %sign3A_100 : f32 to vector<64x1024xf32>
    %sign3A_102 = arith.cmpf ogt, %sign3A_99, %sign3A_101 : vector<64x1024xf32>
    %sign3A_103 = arith.select %sign3A_102, %sign3A_98, %mul3A_90 : vector<64x1024xi1>, vector<64x1024xf32>
    %abs3A_104 = math.absf %mul3A_90 : vector<64x1024xf32>
    %mul3A_105 = arith.constant 0.327591091 : f32
    %mul3A_106 = vector.broadcast %mul3A_105 : f32 to vector<64x1024xf32>
    %mul3A_107 = arith.mulf %mul3A_106, %abs3A_104 : vector<64x1024xf32>
    %add3A_108 = arith.constant 1.000000e+00 : f32
    %add3A_109 = vector.broadcast %add3A_108 : f32 to vector<64x1024xf32>
    %add3A_110 = arith.addf %add3A_109, %mul3A_107 : vector<64x1024xf32>
    %div3A_111 = arith.constant 1.000000e+00 : f32
    %div3A_112 = vector.broadcast %div3A_111 : f32 to vector<64x1024xf32>
    %div3A_113 = arith.divf %div3A_112, %add3A_110 : vector<64x1024xf32>
    %mul3A_114 = arith.constant 1.06140542 : f32
    %mul3A_115 = vector.broadcast %mul3A_114 : f32 to vector<64x1024xf32>
    %mul3A_116 = arith.mulf %div3A_113, %mul3A_115 : vector<64x1024xf32>
    %add3A_117 = arith.constant -1.45315206 : f32
    %add3A_118 = vector.broadcast %add3A_117 : f32 to vector<64x1024xf32>
    %add3A_119 = arith.addf %add3A_118, %mul3A_116 : vector<64x1024xf32>
    %mul3A_120 = arith.mulf %div3A_113, %add3A_119 : vector<64x1024xf32>
    %add3A_121 = arith.constant 1.42141378 : f32
    %add3A_122 = vector.broadcast %add3A_121 : f32 to vector<64x1024xf32>
    %add3A_123 = arith.addf %add3A_122, %mul3A_120 : vector<64x1024xf32>
    %mul3A_124 = arith.mulf %div3A_113, %add3A_123 : vector<64x1024xf32>
    %add3A_125 = arith.constant -0.284496725 : f32
    %add3A_126 = vector.broadcast %add3A_125 : f32 to vector<64x1024xf32>
    %add3A_127 = arith.addf %add3A_126, %mul3A_124 : vector<64x1024xf32>
    %mul3A_128 = arith.mulf %div3A_113, %add3A_127 : vector<64x1024xf32>
    %add3A_129 = arith.constant 0.254829586 : f32
    %add3A_130 = vector.broadcast %add3A_129 : f32 to vector<64x1024xf32>
    %add3A_131 = arith.addf %add3A_130, %mul3A_128 : vector<64x1024xf32>
    %mul3A_132 = arith.mulf %div3A_113, %add3A_131 : vector<64x1024xf32>
    %neg3A_133 = arith.constant 0.000000e+00 : f32
    %neg3A_134 = vector.broadcast %neg3A_133 : f32 to vector<64x1024xf32>
    %neg3A_135 = arith.subf %neg3A_134, %abs3A_104 : vector<64x1024xf32>
    %mul3A_136 = arith.mulf %neg3A_135, %abs3A_104 : vector<64x1024xf32>
    %exp3A_137 = math.exp %mul3A_136 : vector<64x1024xf32>
    %mul3A_138 = arith.mulf %mul3A_132, %exp3A_137 : vector<64x1024xf32>
    %sub3A_139 = arith.constant 1.000000e+00 : f32
    %sub3A_140 = vector.broadcast %sub3A_139 : f32 to vector<64x1024xf32>
    %sub3A_141 = arith.subf %sub3A_140, %mul3A_138 : vector<64x1024xf32>
    %mul3A_142 = arith.mulf %sign3A_103, %sub3A_141 : vector<64x1024xf32>
    %add3A_143 = arith.constant 1.000000e+00 : f32
    %add3A_144 = vector.broadcast %add3A_143 : f32 to vector<64x1024xf32>
    %add3A_145 = arith.addf %add3A_144, %mul3A_142 : vector<64x1024xf32>
    %mul3A_146 = arith.mulf %mul3A_87, %add3A_145 : vector<64x1024xf32>
    %dot_general3A_147 = arith.constant dense<0.000000e+00> : vector<64x1024xf32>
    %dot_general3A_148 = tpu.matmul %get3A_10, %mul3A_146, %dot_general3A_147 {dimension_numbers = #tpu.dot_dimension_numbers<[0], [0], [1], [1], [0, 1, 1, 1], [], []>, transpose_lhs_hint = false} : vector<64x64xf32>, vector<64x1024xf32>, vector<64x1024xf32> -> vector<64x1024xf32>
    %add3A_149 = vector.broadcast %get3A_13 : vector<64x1xf32> to vector<64x1024xf32>
    %add3A_150 = arith.addf %dot_general3A_148, %add3A_149 : vector<64x1024xf32>
    %swap3A_151 = arith.constant 0 : index
    %swap3A_152 = arith.constant 0 : index
    %swap3A_153 = arith.constant 1024 : index
    %swap3A_154 = vector.load %arg7[%swap3A_151, %swap3A_152, %swap3A_153] : memref<1x64x2048xf32, #tpu.memory_space<vmem>>, vector<1x64x1024xf32>
    %swap3A_155 = vector.shape_cast %swap3A_154 : vector<1x64x1024xf32> to vector<64x1024xf32>
    %swap3A_156 = vector.shape_cast %add3A_150 : vector<64x1024xf32> to vector<1x64x1024xf32>
    tpu.vector_store %arg7[%swap3A_151, %swap3A_152, %swap3A_153], %swap3A_156 {strides = array<i32>} : memref<1x64x2048xf32, #tpu.memory_space<vmem>>, vector<1x64x1024xf32>,
    return
  }
  func.func @transform_0(%arg0: i32) -> (i32, i32) {
    %c0_i32 = arith.constant 0 : i32
    %c0_i32_0 = arith.constant 0 : i32
    return %arg0, %c0_i32 : i32, i32
  }
  func.func @transform_1(%arg0: i32) -> (i32, i32) {
    %c0_i32 = arith.constant 0 : i32
    %c0_i32_0 = arith.constant 0 : i32
    %c0_i32_1 = arith.constant 0 : i32
    return %c0_i32, %c0_i32_0 : i32, i32
  }
  func.func @transform_2(%arg0: i32) -> (i32, i32) {
    %c0_i32 = arith.constant 0 : i32
    %c0_i32_0 = arith.constant 0 : i32
    %c0_i32_1 = arith.constant 0 : i32
    return %c0_i32, %c0_i32_0 : i32, i32
  }
  func.func @transform_3(%arg0: i32) -> (i32, i32) {
    %c0_i32 = arith.constant 0 : i32
    %c0_i32_0 = arith.constant 0 : i32
    %c0_i32_1 = arith.constant 0 : i32
    return %c0_i32, %c0_i32_0 : i32, i32
  }
  func.func @transform_4(%arg0: i32) -> (i32, i32) {
    %c0_i32 = arith.constant 0 : i32
    %c0_i32_0 = arith.constant 0 : i32
    %c0_i32_1 = arith.constant 0 : i32
    return %c0_i32, %c0_i32_0 : i32, i32
  }
  func.func @transform_6(%arg0: i32) -> (i32, i32, i32) {
    %add3A = arith.constant 130 : i32
    %add3A_0 = arith.addi %add3A, %arg0 : i32
    %jit3A = arith.constant 8 : i32
    %div3A = arith.divsi %add3A_0, %jit3A : i32
    %sign3A = arith.constant 0 : i32
    %sign3A_1 = arith.cmpi sgt, %add3A_0, %sign3A : i32
    %sign3A_2 = arith.extui %sign3A_1 : i1 to i32
    %sign3A_3 = arith.constant 0 : i32
    %sign3A_4 = arith.cmpi slt, %add3A_0, %sign3A_3 : i32
    %sign3A_5 = arith.extui %sign3A_4 : i1 to i32
    %sign3A_6 = arith.subi %sign3A_2, %sign3A_5 : i32
    %sign3A_7 = arith.constant 0 : i32
    %sign3A_8 = arith.cmpi sgt, %jit3A, %sign3A_7 : i32
    %sign3A_9 = arith.extui %sign3A_8 : i1 to i32
    %sign3A_10 = arith.constant 0 : i32
    %sign3A_11 = arith.cmpi slt, %jit3A, %sign3A_10 : i32
    %sign3A_12 = arith.extui %sign3A_11 : i1 to i32
    %sign3A_13 = arith.subi %sign3A_9, %sign3A_12 : i32
    %ne3A = arith.cmpi ne, %sign3A_6, %sign3A_13 : i32
    %rem3A = arith.remsi %add3A_0, %jit3A : i32
    %ne3A_14 = arith.constant 0 : i32
    %ne3A_15 = arith.cmpi ne, %rem3A, %ne3A_14 : i32
    %and3A = arith.andi %ne3A, %ne3A_15 : i1
    %sub3A = arith.constant 1 : i32
    %sub3A_16 = arith.subi %div3A, %sub3A : i32
    %select_n3A = arith.select %and3A, %sub3A_16, %div3A : i32
    %add3A_17 = arith.constant 130 : i32
    %add3A_18 = arith.addi %add3A_17, %arg0 : i32
    %jit3A_19 = arith.constant 8 : i32
    %eq3A = arith.constant 0 : i32
    %eq3A_20 = arith.cmpi eq, %jit3A_19, %eq3A : i32
    %jit3A_21 = arith.constant 1 : i32
    %select_n3A_22 = arith.select %eq3A_20, %jit3A_21, %jit3A_19 : i32
    %rem3A_23 = arith.remsi %add3A_18, %select_n3A_22 : i32
    %ne3A_24 = arith.constant 0 : i32
    %ne3A_25 = arith.cmpi ne, %rem3A_23, %ne3A_24 : i32
    %lt3A = arith.constant 0 : i32
    %lt3A_26 = arith.cmpi slt, %rem3A_23, %lt3A : i32
    %lt3A_27 = arith.constant 0 : i32
    %lt3A_28 = arith.cmpi slt, %select_n3A_22, %lt3A_27 : i32
    %ne3A_29 = arith.xori %lt3A_26, %lt3A_28 : i1
    %and3A_30 = arith.andi %ne3A_29, %ne3A_25 : i1
    %add3A_31 = arith.addi %rem3A_23, %select_n3A_22 : i32
    %select_n3A_32 = arith.select %and3A_30, %add3A_31, %rem3A_23 : i32
    %c0_i32 = arith.constant 0 : i32
    %c0_i32_33 = arith.constant 0 : i32
    return %select_n3A, %c0_i32, %select_n3A_32 : i32, i32, i32
  }
}

module attributes {stable_mosaic.version = 14 : i64} {
  func.func @_mlp_t_acc_body(%arg0: i32, %arg1: memref<1024x128xf32, #tpu.memory_space<vmem>>, %arg2: memref<64x64xf32, #tpu.memory_space<vmem>>, %arg3: memref<64x1xf32, #tpu.memory_space<vmem>>, %arg4: memref<64x64xf32, #tpu.memory_space<vmem>>, %arg5: memref<64x1xf32, #tpu.memory_space<vmem>>, %arg6: memref<26x64x16384xf32, #tpu.memory_space<any>>, %arg7: memref<1x64x2048xf32, #tpu.memory_space<vmem>>) attributes {dimension_semantics = [#tpu.dimension_semantics<arbitrary>], iteration_bounds = array<i64: 26>, scalar_prefetch = 0 : i64, scratch_operands = 0 : i64, tpu.core_type = #tpu.core_type<tc>, window_params = [{transform_indices = @transform_0, window_bounds = array<i64: 1024, 128>}, {pipeline_mode = #tpu.pipeline_mode<synchronous>, transform_indices = @transform_1, window_bounds = array<i64: 64, 64>}, {pipeline_mode = #tpu.pipeline_mode<synchronous>, transform_indices = @transform_2, window_bounds = array<i64: 64, 1>}, {pipeline_mode = #tpu.pipeline_mode<synchronous>, transform_indices = @transform_3, window_bounds = array<i64: 64, 64>}, {pipeline_mode = #tpu.pipeline_mode<synchronous>, transform_indices = @transform_4, window_bounds = array<i64: 64, 1>}, {}, {transform_indices = @transform_6, window_bounds = array<i64: 1, 64, 2048>}]} {
    %get3A = arith.constant 0 : index
    %get3A_0 = arith.constant 0 : index
    %get3A_1 = vector.load %arg1[%get3A, %get3A_0] : memref<1024x128xf32, #tpu.memory_space<vmem>>, vector<1024x128xf32>
    %get3A_2 = arith.constant 0 : index
    %get3A_3 = arith.constant 0 : index
    %get3A_4 = vector.load %arg2[%get3A_2, %get3A_3] : memref<64x64xf32, #tpu.memory_space<vmem>>, vector<64x64xf32>
    %get3A_5 = arith.constant 0 : index
    %get3A_6 = arith.constant 0 : index
    %get3A_7 = vector.load %arg3[%get3A_5, %get3A_6] : memref<64x1xf32, #tpu.memory_space<vmem>>, vector<64x1xf32>
    %get3A_8 = arith.constant 0 : index
    %get3A_9 = arith.constant 0 : index
    %get3A_10 = vector.load %arg4[%get3A_8, %get3A_9] : memref<64x64xf32, #tpu.memory_space<vmem>>, vector<64x64xf32>
    %get3A_11 = arith.constant 0 : index
    %get3A_12 = arith.constant 0 : index
    %get3A_13 = vector.load %arg5[%get3A_11, %get3A_12] : memref<64x1xf32, #tpu.memory_space<vmem>>, vector<64x1xf32>
    %slice3A = vector.extract_strided_slice %get3A_1 {offsets = [0, 0], sizes = [1024, 64], strides = [1, 1]} : vector<1024x128xf32> to vector<1024x64xf32>
    %dot_general3A = arith.constant dense<0.000000e+00> : vector<64x1024xf32>
    %dot_general3A_14 = tpu.matmul %get3A_4, %slice3A, %dot_general3A {dimension_numbers = #tpu.dot_dimension_numbers<[0], [1], [1], [0], [0, 1, 1, 0], [], []>, transpose_lhs_hint = false} : vector<64x64xf32>, vector<1024x64xf32>, vector<64x1024xf32> -> vector<64x1024xf32>
    %add3A = vector.broadcast %get3A_7 : vector<64x1xf32> to vector<64x1024xf32>
    %add3A_15 = arith.addf %dot_general3A_14, %add3A : vector<64x1024xf32>
    %mul3A = arith.constant 5.000000e-01 : f32
    %mul3A_16 = vector.broadcast %mul3A : f32 to vector<64x1024xf32>
    %mul3A_17 = arith.mulf %mul3A_16, %add3A_15 : vector<64x1024xf32>
    %mul3A_18 = arith.constant 0.707106769 : f32
    %mul3A_19 = vector.broadcast %mul3A_18 : f32 to vector<64x1024xf32>
    %mul3A_20 = arith.mulf %add3A_15, %mul3A_19 : vector<64x1024xf32>
    %sign3A = tpu.bitcast %mul3A_20 : vector<64x1024xf32> -> vector<64x1024xi32>
    %sign3A_21 = arith.constant -2147483648 : i32
    %sign3A_22 = vector.broadcast %sign3A_21 : i32 to vector<64x1024xi32>
    %sign3A_23 = arith.andi %sign3A, %sign3A_22 : vector<64x1024xi32>
    %sign3A_24 = arith.constant 1065353216 : i32
    %sign3A_25 = vector.broadcast %sign3A_24 : i32 to vector<64x1024xi32>
    %sign3A_26 = arith.ori %sign3A_25, %sign3A_23 : vector<64x1024xi32>
    %sign3A_27 = tpu.bitcast %sign3A_26 : vector<64x1024xi32> -> vector<64x1024xf32>
    %sign3A_28 = math.absf %mul3A_20 : vector<64x1024xf32>
    %sign3A_29 = arith.constant 0.000000e+00 : f32
    %sign3A_30 = vector.broadcast %sign3A_29 : f32 to vector<64x1024xf32>
    %sign3A_31 = arith.cmpf ogt, %sign3A_28, %sign3A_30 : vector<64x1024xf32>
    %sign3A_32 = arith.select %sign3A_31, %sign3A_27, %mul3A_20 : vector<64x1024xi1>, vector<64x1024xf32>
    %abs3A = math.absf %mul3A_20 : vector<64x1024xf32>
    %mul3A_33 = arith.constant 0.327591091 : f32
    %mul3A_34 = vector.broadcast %mul3A_33 : f32 to vector<64x1024xf32>
    %mul3A_35 = arith.mulf %mul3A_34, %abs3A : vector<64x1024xf32>
    %add3A_36 = arith.constant 1.000000e+00 : f32
    %add3A_37 = vector.broadcast %add3A_36 : f32 to vector<64x1024xf32>
    %add3A_38 = arith.addf %add3A_37, %mul3A_35 : vector<64x1024xf32>
    %div3A = arith.constant 1.000000e+00 : f32
    %div3A_39 = vector.broadcast %div3A : f32 to vector<64x1024xf32>
    %div3A_40 = arith.divf %div3A_39, %add3A_38 : vector<64x1024xf32>
    %mul3A_41 = arith.constant 1.06140542 : f32
    %mul3A_42 = vector.broadcast %mul3A_41 : f32 to vector<64x1024xf32>
    %mul3A_43 = arith.mulf %div3A_40, %mul3A_42 : vector<64x1024xf32>
    %add3A_44 = arith.constant -1.45315206 : f32
    %add3A_45 = vector.broadcast %add3A_44 : f32 to vector<64x1024xf32>
    %add3A_46 = arith.addf %add3A_45, %mul3A_43 : vector<64x1024xf32>
    %mul3A_47 = arith.mulf %div3A_40, %add3A_46 : vector<64x1024xf32>
    %add3A_48 = arith.constant 1.42141378 : f32
    %add3A_49 = vector.broadcast %add3A_48 : f32 to vector<64x1024xf32>
    %add3A_50 = arith.addf %add3A_49, %mul3A_47 : vector<64x1024xf32>
    %mul3A_51 = arith.mulf %div3A_40, %add3A_50 : vector<64x1024xf32>
    %add3A_52 = arith.constant -0.284496725 : f32
    %add3A_53 = vector.broadcast %add3A_52 : f32 to vector<64x1024xf32>
    %add3A_54 = arith.addf %add3A_53, %mul3A_51 : vector<64x1024xf32>
    %mul3A_55 = arith.mulf %div3A_40, %add3A_54 : vector<64x1024xf32>
    %add3A_56 = arith.constant 0.254829586 : f32
    %add3A_57 = vector.broadcast %add3A_56 : f32 to vector<64x1024xf32>
    %add3A_58 = arith.addf %add3A_57, %mul3A_55 : vector<64x1024xf32>
    %mul3A_59 = arith.mulf %div3A_40, %add3A_58 : vector<64x1024xf32>
    %neg3A = arith.constant 0.000000e+00 : f32
    %neg3A_60 = vector.broadcast %neg3A : f32 to vector<64x1024xf32>
    %neg3A_61 = arith.subf %neg3A_60, %abs3A : vector<64x1024xf32>
    %mul3A_62 = arith.mulf %neg3A_61, %abs3A : vector<64x1024xf32>
    %exp3A = math.exp %mul3A_62 : vector<64x1024xf32>
    %mul3A_63 = arith.mulf %mul3A_59, %exp3A : vector<64x1024xf32>
    %sub3A = arith.constant 1.000000e+00 : f32
    %sub3A_64 = vector.broadcast %sub3A : f32 to vector<64x1024xf32>
    %sub3A_65 = arith.subf %sub3A_64, %mul3A_63 : vector<64x1024xf32>
    %mul3A_66 = arith.mulf %sign3A_32, %sub3A_65 : vector<64x1024xf32>
    %add3A_67 = arith.constant 1.000000e+00 : f32
    %add3A_68 = vector.broadcast %add3A_67 : f32 to vector<64x1024xf32>
    %add3A_69 = arith.addf %add3A_68, %mul3A_66 : vector<64x1024xf32>
    %mul3A_70 = arith.mulf %mul3A_17, %add3A_69 : vector<64x1024xf32>
    %dot_general3A_71 = arith.constant dense<0.000000e+00> : vector<64x1024xf32>
    %dot_general3A_72 = tpu.matmul %get3A_10, %mul3A_70, %dot_general3A_71 {dimension_numbers = #tpu.dot_dimension_numbers<[0], [0], [1], [1], [0, 1, 1, 1], [], []>, transpose_lhs_hint = false} : vector<64x64xf32>, vector<64x1024xf32>, vector<64x1024xf32> -> vector<64x1024xf32>
    %add3A_73 = vector.broadcast %get3A_13 : vector<64x1xf32> to vector<64x1024xf32>
    %add3A_74 = arith.addf %dot_general3A_72, %add3A_73 : vector<64x1024xf32>
    %swap3A = arith.constant 0 : index
    %swap3A_75 = arith.constant 0 : index
    %swap3A_76 = arith.constant 0 : index
    %swap3A_77 = vector.load %arg7[%swap3A, %swap3A_75, %swap3A_76] : memref<1x64x2048xf32, #tpu.memory_space<vmem>>, vector<1x64x1024xf32>
    %swap3A_78 = vector.shape_cast %swap3A_77 : vector<1x64x1024xf32> to vector<64x1024xf32>
    %swap3A_79 = vector.shape_cast %add3A_74 : vector<64x1024xf32> to vector<1x64x1024xf32>
    tpu.vector_store %arg7[%swap3A, %swap3A_75, %swap3A_76], %swap3A_79 {strides = array<i32>} : memref<1x64x2048xf32, #tpu.memory_space<vmem>>, vector<1x64x1024xf32>,
    %slice3A_80 = vector.extract_strided_slice %get3A_1 {offsets = [0, 64], sizes = [1024, 64], strides = [1, 1]} : vector<1024x128xf32> to vector<1024x64xf32>
    %dot_general3A_81 = arith.constant dense<0.000000e+00> : vector<64x1024xf32>
    %dot_general3A_82 = tpu.matmul %get3A_4, %slice3A_80, %dot_general3A_81 {dimension_numbers = #tpu.dot_dimension_numbers<[0], [1], [1], [0], [0, 1, 1, 0], [], []>, transpose_lhs_hint = false} : vector<64x64xf32>, vector<1024x64xf32>, vector<64x1024xf32> -> vector<64x1024xf32>
    %add3A_83 = vector.broadcast %get3A_7 : vector<64x1xf32> to vector<64x1024xf32>
    %add3A_84 = arith.addf %dot_general3A_82, %add3A_83 : vector<64x1024xf32>
    %mul3A_85 = arith.constant 5.000000e-01 : f32
    %mul3A_86 = vector.broadcast %mul3A_85 : f32 to vector<64x1024xf32>
    %mul3A_87 = arith.mulf %mul3A_86, %add3A_84 : vector<64x1024xf32>
    %mul3A_88 = arith.constant 0.707106769 : f32
    %mul3A_89 = vector.broadcast %mul3A_88 : f32 to vector<64x1024xf32>
    %mul3A_90 = arith.mulf %add3A_84, %mul3A_89 : vector<64x1024xf32>
    %sign3A_91 = tpu.bitcast %mul3A_90 : vector<64x1024xf32> -> vector<64x1024xi32>
    %sign3A_92 = arith.constant -2147483648 : i32
    %sign3A_93 = vector.broadcast %sign3A_92 : i32 to vector<64x1024xi32>
    %sign3A_94 = arith.andi %sign3A_91, %sign3A_93 : vector<64x1024xi32>
    %sign3A_95 = arith.constant 1065353216 : i32
    %sign3A_96 = vector.broadcast %sign3A_95 : i32 to vector<64x1024xi32>
    %sign3A_97 = arith.ori %sign3A_96, %sign3A_94 : vector<64x1024xi32>
    %sign3A_98 = tpu.bitcast %sign3A_97 : vector<64x1024xi32> -> vector<64x1024xf32>
    %sign3A_99 = math.absf %mul3A_90 : vector<64x1024xf32>
    %sign3A_100 = arith.constant 0.000000e+00 : f32
    %sign3A_101 = vector.broadcast %sign3A_100 : f32 to vector<64x1024xf32>
    %sign3A_102 = arith.cmpf ogt, %sign3A_99, %sign3A_101 : vector<64x1024xf32>
    %sign3A_103 = arith.select %sign3A_102, %sign3A_98, %mul3A_90 : vector<64x1024xi1>, vector<64x1024xf32>
    %abs3A_104 = math.absf %mul3A_90 : vector<64x1024xf32>
    %mul3A_105 = arith.constant 0.327591091 : f32
    %mul3A_106 = vector.broadcast %mul3A_105 : f32 to vector<64x1024xf32>
    %mul3A_107 = arith.mulf %mul3A_106, %abs3A_104 : vector<64x1024xf32>
    %add3A_108 = arith.constant 1.000000e+00 : f32
    %add3A_109 = vector.broadcast %add3A_108 : f32 to vector<64x1024xf32>
    %add3A_110 = arith.addf %add3A_109, %mul3A_107 : vector<64x1024xf32>
    %div3A_111 = arith.constant 1.000000e+00 : f32
    %div3A_112 = vector.broadcast %div3A_111 : f32 to vector<64x1024xf32>
    %div3A_113 = arith.divf %div3A_112, %add3A_110 : vector<64x1024xf32>
    %mul3A_114 = arith.constant 1.06140542 : f32
    %mul3A_115 = vector.broadcast %mul3A_114 : f32 to vector<64x1024xf32>
    %mul3A_116 = arith.mulf %div3A_113, %mul3A_115 : vector<64x1024xf32>
    %add3A_117 = arith.constant -1.45315206 : f32
    %add3A_118 = vector.broadcast %add3A_117 : f32 to vector<64x1024xf32>
    %add3A_119 = arith.addf %add3A_118, %mul3A_116 : vector<64x1024xf32>
    %mul3A_120 = arith.mulf %div3A_113, %add3A_119 : vector<64x1024xf32>
    %add3A_121 = arith.constant 1.42141378 : f32
    %add3A_122 = vector.broadcast %add3A_121 : f32 to vector<64x1024xf32>
    %add3A_123 = arith.addf %add3A_122, %mul3A_120 : vector<64x1024xf32>
    %mul3A_124 = arith.mulf %div3A_113, %add3A_123 : vector<64x1024xf32>
    %add3A_125 = arith.constant -0.284496725 : f32
    %add3A_126 = vector.broadcast %add3A_125 : f32 to vector<64x1024xf32>
    %add3A_127 = arith.addf %add3A_126, %mul3A_124 : vector<64x1024xf32>
    %mul3A_128 = arith.mulf %div3A_113, %add3A_127 : vector<64x1024xf32>
    %add3A_129 = arith.constant 0.254829586 : f32
    %add3A_130 = vector.broadcast %add3A_129 : f32 to vector<64x1024xf32>
    %add3A_131 = arith.addf %add3A_130, %mul3A_128 : vector<64x1024xf32>
    %mul3A_132 = arith.mulf %div3A_113, %add3A_131 : vector<64x1024xf32>
    %neg3A_133 = arith.constant 0.000000e+00 : f32
    %neg3A_134 = vector.broadcast %neg3A_133 : f32 to vector<64x1024xf32>
    %neg3A_135 = arith.subf %neg3A_134, %abs3A_104 : vector<64x1024xf32>
    %mul3A_136 = arith.mulf %neg3A_135, %abs3A_104 : vector<64x1024xf32>
    %exp3A_137 = math.exp %mul3A_136 : vector<64x1024xf32>
    %mul3A_138 = arith.mulf %mul3A_132, %exp3A_137 : vector<64x1024xf32>
    %sub3A_139 = arith.constant 1.000000e+00 : f32
    %sub3A_140 = vector.broadcast %sub3A_139 : f32 to vector<64x1024xf32>
    %sub3A_141 = arith.subf %sub3A_140, %mul3A_138 : vector<64x1024xf32>
    %mul3A_142 = arith.mulf %sign3A_103, %sub3A_141 : vector<64x1024xf32>
    %add3A_143 = arith.constant 1.000000e+00 : f32
    %add3A_144 = vector.broadcast %add3A_143 : f32 to vector<64x1024xf32>
    %add3A_145 = arith.addf %add3A_144, %mul3A_142 : vector<64x1024xf32>
    %mul3A_146 = arith.mulf %mul3A_87, %add3A_145 : vector<64x1024xf32>
    %dot_general3A_147 = arith.constant dense<0.000000e+00> : vector<64x1024xf32>
    %dot_general3A_148 = tpu.matmul %get3A_10, %mul3A_146, %dot_general3A_147 {dimension_numbers = #tpu.dot_dimension_numbers<[0], [0], [1], [1], [0, 1, 1, 1], [], []>, transpose_lhs_hint = false} : vector<64x64xf32>, vector<64x1024xf32>, vector<64x1024xf32> -> vector<64x1024xf32>
    %add3A_149 = vector.broadcast %get3A_13 : vector<64x1xf32> to vector<64x1024xf32>
    %add3A_150 = arith.addf %dot_general3A_148, %add3A_149 : vector<64x1024xf32>
    %swap3A_151 = arith.constant 0 : index
    %swap3A_152 = arith.constant 0 : index
    %swap3A_153 = arith.constant 1024 : index
    %swap3A_154 = vector.load %arg7[%swap3A_151, %swap3A_152, %swap3A_153] : memref<1x64x2048xf32, #tpu.memory_space<vmem>>, vector<1x64x1024xf32>
    %swap3A_155 = vector.shape_cast %swap3A_154 : vector<1x64x1024xf32> to vector<64x1024xf32>
    %swap3A_156 = vector.shape_cast %add3A_150 : vector<64x1024xf32> to vector<1x64x1024xf32>
    tpu.vector_store %arg7[%swap3A_151, %swap3A_152, %swap3A_153], %swap3A_156 {strides = array<i32>} : memref<1x64x2048xf32, #tpu.memory_space<vmem>>, vector<1x64x1024xf32>,
    return
  }
  func.func @transform_0(%arg0: i32) -> (i32, i32) {
    %c0_i32 = arith.constant 0 : i32
    %c0_i32_0 = arith.constant 0 : i32
    return %arg0, %c0_i32 : i32, i32
  }
  func.func @transform_1(%arg0: i32) -> (i32, i32) {
    %c0_i32 = arith.constant 0 : i32
    %c0_i32_0 = arith.constant 0 : i32
    %c0_i32_1 = arith.constant 0 : i32
    return %c0_i32, %c0_i32_0 : i32, i32
  }
  func.func @transform_2(%arg0: i32) -> (i32, i32) {
    %c0_i32 = arith.constant 0 : i32
    %c0_i32_0 = arith.constant 0 : i32
    %c0_i32_1 = arith.constant 0 : i32
    return %c0_i32, %c0_i32_0 : i32, i32
  }
  func.func @transform_3(%arg0: i32) -> (i32, i32) {
    %c0_i32 = arith.constant 0 : i32
    %c0_i32_0 = arith.constant 0 : i32
    %c0_i32_1 = arith.constant 0 : i32
    return %c0_i32, %c0_i32_0 : i32, i32
  }
  func.func @transform_4(%arg0: i32) -> (i32, i32) {
    %c0_i32 = arith.constant 0 : i32
    %c0_i32_0 = arith.constant 0 : i32
    %c0_i32_1 = arith.constant 0 : i32
    return %c0_i32, %c0_i32_0 : i32, i32
  }
  func.func @transform_6(%arg0: i32) -> (i32, i32, i32) {
    %add3A = arith.constant 156 : i32
    %add3A_0 = arith.addi %add3A, %arg0 : i32
    %jit3A = arith.constant 8 : i32
    %div3A = arith.divsi %add3A_0, %jit3A : i32
    %sign3A = arith.constant 0 : i32
    %sign3A_1 = arith.cmpi sgt, %add3A_0, %sign3A : i32
    %sign3A_2 = arith.extui %sign3A_1 : i1 to i32
    %sign3A_3 = arith.constant 0 : i32
    %sign3A_4 = arith.cmpi slt, %add3A_0, %sign3A_3 : i32
    %sign3A_5 = arith.extui %sign3A_4 : i1 to i32
    %sign3A_6 = arith.subi %sign3A_2, %sign3A_5 : i32
    %sign3A_7 = arith.constant 0 : i32
    %sign3A_8 = arith.cmpi sgt, %jit3A, %sign3A_7 : i32
    %sign3A_9 = arith.extui %sign3A_8 : i1 to i32
    %sign3A_10 = arith.constant 0 : i32
    %sign3A_11 = arith.cmpi slt, %jit3A, %sign3A_10 : i32
    %sign3A_12 = arith.extui %sign3A_11 : i1 to i32
    %sign3A_13 = arith.subi %sign3A_9, %sign3A_12 : i32
    %ne3A = arith.cmpi ne, %sign3A_6, %sign3A_13 : i32
    %rem3A = arith.remsi %add3A_0, %jit3A : i32
    %ne3A_14 = arith.constant 0 : i32
    %ne3A_15 = arith.cmpi ne, %rem3A, %ne3A_14 : i32
    %and3A = arith.andi %ne3A, %ne3A_15 : i1
    %sub3A = arith.constant 1 : i32
    %sub3A_16 = arith.subi %div3A, %sub3A : i32
    %select_n3A = arith.select %and3A, %sub3A_16, %div3A : i32
    %add3A_17 = arith.constant 156 : i32
    %add3A_18 = arith.addi %add3A_17, %arg0 : i32
    %jit3A_19 = arith.constant 8 : i32
    %eq3A = arith.constant 0 : i32
    %eq3A_20 = arith.cmpi eq, %jit3A_19, %eq3A : i32
    %jit3A_21 = arith.constant 1 : i32
    %select_n3A_22 = arith.select %eq3A_20, %jit3A_21, %jit3A_19 : i32
    %rem3A_23 = arith.remsi %add3A_18, %select_n3A_22 : i32
    %ne3A_24 = arith.constant 0 : i32
    %ne3A_25 = arith.cmpi ne, %rem3A_23, %ne3A_24 : i32
    %lt3A = arith.constant 0 : i32
    %lt3A_26 = arith.cmpi slt, %rem3A_23, %lt3A : i32
    %lt3A_27 = arith.constant 0 : i32
    %lt3A_28 = arith.cmpi slt, %select_n3A_22, %lt3A_27 : i32
    %ne3A_29 = arith.xori %lt3A_26, %lt3A_28 : i1
    %and3A_30 = arith.andi %ne3A_29, %ne3A_25 : i1
    %add3A_31 = arith.addi %rem3A_23, %select_n3A_22 : i32
    %select_n3A_32 = arith.select %and3A_30, %add3A_31, %rem3A_23 : i32
    %c0_i32 = arith.constant 0 : i32
    %c0_i32_33 = arith.constant 0 : i32
    return %select_n3A, %c0_i32, %select_n3A_32 : i32, i32, i32
  }
}

module attributes {stable_mosaic.version = 14 : i64} {
  func.func @_mlp_t_acc_body(%arg0: i32, %arg1: memref<1024x128xf32, #tpu.memory_space<vmem>>, %arg2: memref<64x64xf32, #tpu.memory_space<vmem>>, %arg3: memref<64x1xf32, #tpu.memory_space<vmem>>, %arg4: memref<64x64xf32, #tpu.memory_space<vmem>>, %arg5: memref<64x1xf32, #tpu.memory_space<vmem>>, %arg6: memref<26x64x16384xf32, #tpu.memory_space<any>>, %arg7: memref<1x64x2048xf32, #tpu.memory_space<vmem>>) attributes {dimension_semantics = [#tpu.dimension_semantics<arbitrary>], iteration_bounds = array<i64: 26>, scalar_prefetch = 0 : i64, scratch_operands = 0 : i64, tpu.core_type = #tpu.core_type<tc>, window_params = [{transform_indices = @transform_0, window_bounds = array<i64: 1024, 128>}, {pipeline_mode = #tpu.pipeline_mode<synchronous>, transform_indices = @transform_1, window_bounds = array<i64: 64, 64>}, {pipeline_mode = #tpu.pipeline_mode<synchronous>, transform_indices = @transform_2, window_bounds = array<i64: 64, 1>}, {pipeline_mode = #tpu.pipeline_mode<synchronous>, transform_indices = @transform_3, window_bounds = array<i64: 64, 64>}, {pipeline_mode = #tpu.pipeline_mode<synchronous>, transform_indices = @transform_4, window_bounds = array<i64: 64, 1>}, {}, {transform_indices = @transform_6, window_bounds = array<i64: 1, 64, 2048>}]} {
    %get3A = arith.constant 0 : index
    %get3A_0 = arith.constant 0 : index
    %get3A_1 = vector.load %arg1[%get3A, %get3A_0] : memref<1024x128xf32, #tpu.memory_space<vmem>>, vector<1024x128xf32>
    %get3A_2 = arith.constant 0 : index
    %get3A_3 = arith.constant 0 : index
    %get3A_4 = vector.load %arg2[%get3A_2, %get3A_3] : memref<64x64xf32, #tpu.memory_space<vmem>>, vector<64x64xf32>
    %get3A_5 = arith.constant 0 : index
    %get3A_6 = arith.constant 0 : index
    %get3A_7 = vector.load %arg3[%get3A_5, %get3A_6] : memref<64x1xf32, #tpu.memory_space<vmem>>, vector<64x1xf32>
    %get3A_8 = arith.constant 0 : index
    %get3A_9 = arith.constant 0 : index
    %get3A_10 = vector.load %arg4[%get3A_8, %get3A_9] : memref<64x64xf32, #tpu.memory_space<vmem>>, vector<64x64xf32>
    %get3A_11 = arith.constant 0 : index
    %get3A_12 = arith.constant 0 : index
    %get3A_13 = vector.load %arg5[%get3A_11, %get3A_12] : memref<64x1xf32, #tpu.memory_space<vmem>>, vector<64x1xf32>
    %slice3A = vector.extract_strided_slice %get3A_1 {offsets = [0, 0], sizes = [1024, 64], strides = [1, 1]} : vector<1024x128xf32> to vector<1024x64xf32>
    %dot_general3A = arith.constant dense<0.000000e+00> : vector<64x1024xf32>
    %dot_general3A_14 = tpu.matmul %get3A_4, %slice3A, %dot_general3A {dimension_numbers = #tpu.dot_dimension_numbers<[0], [1], [1], [0], [0, 1, 1, 0], [], []>, transpose_lhs_hint = false} : vector<64x64xf32>, vector<1024x64xf32>, vector<64x1024xf32> -> vector<64x1024xf32>
    %add3A = vector.broadcast %get3A_7 : vector<64x1xf32> to vector<64x1024xf32>
    %add3A_15 = arith.addf %dot_general3A_14, %add3A : vector<64x1024xf32>
    %mul3A = arith.constant 5.000000e-01 : f32
    %mul3A_16 = vector.broadcast %mul3A : f32 to vector<64x1024xf32>
    %mul3A_17 = arith.mulf %mul3A_16, %add3A_15 : vector<64x1024xf32>
    %mul3A_18 = arith.constant 0.707106769 : f32
    %mul3A_19 = vector.broadcast %mul3A_18 : f32 to vector<64x1024xf32>
    %mul3A_20 = arith.mulf %add3A_15, %mul3A_19 : vector<64x1024xf32>
    %sign3A = tpu.bitcast %mul3A_20 : vector<64x1024xf32> -> vector<64x1024xi32>
    %sign3A_21 = arith.constant -2147483648 : i32
    %sign3A_22 = vector.broadcast %sign3A_21 : i32 to vector<64x1024xi32>
    %sign3A_23 = arith.andi %sign3A, %sign3A_22 : vector<64x1024xi32>
    %sign3A_24 = arith.constant 1065353216 : i32
    %sign3A_25 = vector.broadcast %sign3A_24 : i32 to vector<64x1024xi32>
    %sign3A_26 = arith.ori %sign3A_25, %sign3A_23 : vector<64x1024xi32>
    %sign3A_27 = tpu.bitcast %sign3A_26 : vector<64x1024xi32> -> vector<64x1024xf32>
    %sign3A_28 = math.absf %mul3A_20 : vector<64x1024xf32>
    %sign3A_29 = arith.constant 0.000000e+00 : f32
    %sign3A_30 = vector.broadcast %sign3A_29 : f32 to vector<64x1024xf32>
    %sign3A_31 = arith.cmpf ogt, %sign3A_28, %sign3A_30 : vector<64x1024xf32>
    %sign3A_32 = arith.select %sign3A_31, %sign3A_27, %mul3A_20 : vector<64x1024xi1>, vector<64x1024xf32>
    %abs3A = math.absf %mul3A_20 : vector<64x1024xf32>
    %mul3A_33 = arith.constant 0.327591091 : f32
    %mul3A_34 = vector.broadcast %mul3A_33 : f32 to vector<64x1024xf32>
    %mul3A_35 = arith.mulf %mul3A_34, %abs3A : vector<64x1024xf32>
    %add3A_36 = arith.constant 1.000000e+00 : f32
    %add3A_37 = vector.broadcast %add3A_36 : f32 to vector<64x1024xf32>
    %add3A_38 = arith.addf %add3A_37, %mul3A_35 : vector<64x1024xf32>
    %div3A = arith.constant 1.000000e+00 : f32
    %div3A_39 = vector.broadcast %div3A : f32 to vector<64x1024xf32>
    %div3A_40 = arith.divf %div3A_39, %add3A_38 : vector<64x1024xf32>
    %mul3A_41 = arith.constant 1.06140542 : f32
    %mul3A_42 = vector.broadcast %mul3A_41 : f32 to vector<64x1024xf32>
    %mul3A_43 = arith.mulf %div3A_40, %mul3A_42 : vector<64x1024xf32>
    %add3A_44 = arith.constant -1.45315206 : f32
    %add3A_45 = vector.broadcast %add3A_44 : f32 to vector<64x1024xf32>
    %add3A_46 = arith.addf %add3A_45, %mul3A_43 : vector<64x1024xf32>
    %mul3A_47 = arith.mulf %div3A_40, %add3A_46 : vector<64x1024xf32>
    %add3A_48 = arith.constant 1.42141378 : f32
    %add3A_49 = vector.broadcast %add3A_48 : f32 to vector<64x1024xf32>
    %add3A_50 = arith.addf %add3A_49, %mul3A_47 : vector<64x1024xf32>
    %mul3A_51 = arith.mulf %div3A_40, %add3A_50 : vector<64x1024xf32>
    %add3A_52 = arith.constant -0.284496725 : f32
    %add3A_53 = vector.broadcast %add3A_52 : f32 to vector<64x1024xf32>
    %add3A_54 = arith.addf %add3A_53, %mul3A_51 : vector<64x1024xf32>
    %mul3A_55 = arith.mulf %div3A_40, %add3A_54 : vector<64x1024xf32>
    %add3A_56 = arith.constant 0.254829586 : f32
    %add3A_57 = vector.broadcast %add3A_56 : f32 to vector<64x1024xf32>
    %add3A_58 = arith.addf %add3A_57, %mul3A_55 : vector<64x1024xf32>
    %mul3A_59 = arith.mulf %div3A_40, %add3A_58 : vector<64x1024xf32>
    %neg3A = arith.constant 0.000000e+00 : f32
    %neg3A_60 = vector.broadcast %neg3A : f32 to vector<64x1024xf32>
    %neg3A_61 = arith.subf %neg3A_60, %abs3A : vector<64x1024xf32>
    %mul3A_62 = arith.mulf %neg3A_61, %abs3A : vector<64x1024xf32>
    %exp3A = math.exp %mul3A_62 : vector<64x1024xf32>
    %mul3A_63 = arith.mulf %mul3A_59, %exp3A : vector<64x1024xf32>
    %sub3A = arith.constant 1.000000e+00 : f32
    %sub3A_64 = vector.broadcast %sub3A : f32 to vector<64x1024xf32>
    %sub3A_65 = arith.subf %sub3A_64, %mul3A_63 : vector<64x1024xf32>
    %mul3A_66 = arith.mulf %sign3A_32, %sub3A_65 : vector<64x1024xf32>
    %add3A_67 = arith.constant 1.000000e+00 : f32
    %add3A_68 = vector.broadcast %add3A_67 : f32 to vector<64x1024xf32>
    %add3A_69 = arith.addf %add3A_68, %mul3A_66 : vector<64x1024xf32>
    %mul3A_70 = arith.mulf %mul3A_17, %add3A_69 : vector<64x1024xf32>
    %dot_general3A_71 = arith.constant dense<0.000000e+00> : vector<64x1024xf32>
    %dot_general3A_72 = tpu.matmul %get3A_10, %mul3A_70, %dot_general3A_71 {dimension_numbers = #tpu.dot_dimension_numbers<[0], [0], [1], [1], [0, 1, 1, 1], [], []>, transpose_lhs_hint = false} : vector<64x64xf32>, vector<64x1024xf32>, vector<64x1024xf32> -> vector<64x1024xf32>
    %add3A_73 = vector.broadcast %get3A_13 : vector<64x1xf32> to vector<64x1024xf32>
    %add3A_74 = arith.addf %dot_general3A_72, %add3A_73 : vector<64x1024xf32>
    %swap3A = arith.constant 0 : index
    %swap3A_75 = arith.constant 0 : index
    %swap3A_76 = arith.constant 0 : index
    %swap3A_77 = vector.load %arg7[%swap3A, %swap3A_75, %swap3A_76] : memref<1x64x2048xf32, #tpu.memory_space<vmem>>, vector<1x64x1024xf32>
    %swap3A_78 = vector.shape_cast %swap3A_77 : vector<1x64x1024xf32> to vector<64x1024xf32>
    %swap3A_79 = vector.shape_cast %add3A_74 : vector<64x1024xf32> to vector<1x64x1024xf32>
    tpu.vector_store %arg7[%swap3A, %swap3A_75, %swap3A_76], %swap3A_79 {strides = array<i32>} : memref<1x64x2048xf32, #tpu.memory_space<vmem>>, vector<1x64x1024xf32>,
    %slice3A_80 = vector.extract_strided_slice %get3A_1 {offsets = [0, 64], sizes = [1024, 64], strides = [1, 1]} : vector<1024x128xf32> to vector<1024x64xf32>
    %dot_general3A_81 = arith.constant dense<0.000000e+00> : vector<64x1024xf32>
    %dot_general3A_82 = tpu.matmul %get3A_4, %slice3A_80, %dot_general3A_81 {dimension_numbers = #tpu.dot_dimension_numbers<[0], [1], [1], [0], [0, 1, 1, 0], [], []>, transpose_lhs_hint = false} : vector<64x64xf32>, vector<1024x64xf32>, vector<64x1024xf32> -> vector<64x1024xf32>
    %add3A_83 = vector.broadcast %get3A_7 : vector<64x1xf32> to vector<64x1024xf32>
    %add3A_84 = arith.addf %dot_general3A_82, %add3A_83 : vector<64x1024xf32>
    %mul3A_85 = arith.constant 5.000000e-01 : f32
    %mul3A_86 = vector.broadcast %mul3A_85 : f32 to vector<64x1024xf32>
    %mul3A_87 = arith.mulf %mul3A_86, %add3A_84 : vector<64x1024xf32>
    %mul3A_88 = arith.constant 0.707106769 : f32
    %mul3A_89 = vector.broadcast %mul3A_88 : f32 to vector<64x1024xf32>
    %mul3A_90 = arith.mulf %add3A_84, %mul3A_89 : vector<64x1024xf32>
    %sign3A_91 = tpu.bitcast %mul3A_90 : vector<64x1024xf32> -> vector<64x1024xi32>
    %sign3A_92 = arith.constant -2147483648 : i32
    %sign3A_93 = vector.broadcast %sign3A_92 : i32 to vector<64x1024xi32>
    %sign3A_94 = arith.andi %sign3A_91, %sign3A_93 : vector<64x1024xi32>
    %sign3A_95 = arith.constant 1065353216 : i32
    %sign3A_96 = vector.broadcast %sign3A_95 : i32 to vector<64x1024xi32>
    %sign3A_97 = arith.ori %sign3A_96, %sign3A_94 : vector<64x1024xi32>
    %sign3A_98 = tpu.bitcast %sign3A_97 : vector<64x1024xi32> -> vector<64x1024xf32>
    %sign3A_99 = math.absf %mul3A_90 : vector<64x1024xf32>
    %sign3A_100 = arith.constant 0.000000e+00 : f32
    %sign3A_101 = vector.broadcast %sign3A_100 : f32 to vector<64x1024xf32>
    %sign3A_102 = arith.cmpf ogt, %sign3A_99, %sign3A_101 : vector<64x1024xf32>
    %sign3A_103 = arith.select %sign3A_102, %sign3A_98, %mul3A_90 : vector<64x1024xi1>, vector<64x1024xf32>
    %abs3A_104 = math.absf %mul3A_90 : vector<64x1024xf32>
    %mul3A_105 = arith.constant 0.327591091 : f32
    %mul3A_106 = vector.broadcast %mul3A_105 : f32 to vector<64x1024xf32>
    %mul3A_107 = arith.mulf %mul3A_106, %abs3A_104 : vector<64x1024xf32>
    %add3A_108 = arith.constant 1.000000e+00 : f32
    %add3A_109 = vector.broadcast %add3A_108 : f32 to vector<64x1024xf32>
    %add3A_110 = arith.addf %add3A_109, %mul3A_107 : vector<64x1024xf32>
    %div3A_111 = arith.constant 1.000000e+00 : f32
    %div3A_112 = vector.broadcast %div3A_111 : f32 to vector<64x1024xf32>
    %div3A_113 = arith.divf %div3A_112, %add3A_110 : vector<64x1024xf32>
    %mul3A_114 = arith.constant 1.06140542 : f32
    %mul3A_115 = vector.broadcast %mul3A_114 : f32 to vector<64x1024xf32>
    %mul3A_116 = arith.mulf %div3A_113, %mul3A_115 : vector<64x1024xf32>
    %add3A_117 = arith.constant -1.45315206 : f32
    %add3A_118 = vector.broadcast %add3A_117 : f32 to vector<64x1024xf32>
    %add3A_119 = arith.addf %add3A_118, %mul3A_116 : vector<64x1024xf32>
    %mul3A_120 = arith.mulf %div3A_113, %add3A_119 : vector<64x1024xf32>
    %add3A_121 = arith.constant 1.42141378 : f32
    %add3A_122 = vector.broadcast %add3A_121 : f32 to vector<64x1024xf32>
    %add3A_123 = arith.addf %add3A_122, %mul3A_120 : vector<64x1024xf32>
    %mul3A_124 = arith.mulf %div3A_113, %add3A_123 : vector<64x1024xf32>
    %add3A_125 = arith.constant -0.284496725 : f32
    %add3A_126 = vector.broadcast %add3A_125 : f32 to vector<64x1024xf32>
    %add3A_127 = arith.addf %add3A_126, %mul3A_124 : vector<64x1024xf32>
    %mul3A_128 = arith.mulf %div3A_113, %add3A_127 : vector<64x1024xf32>
    %add3A_129 = arith.constant 0.254829586 : f32
    %add3A_130 = vector.broadcast %add3A_129 : f32 to vector<64x1024xf32>
    %add3A_131 = arith.addf %add3A_130, %mul3A_128 : vector<64x1024xf32>
    %mul3A_132 = arith.mulf %div3A_113, %add3A_131 : vector<64x1024xf32>
    %neg3A_133 = arith.constant 0.000000e+00 : f32
    %neg3A_134 = vector.broadcast %neg3A_133 : f32 to vector<64x1024xf32>
    %neg3A_135 = arith.subf %neg3A_134, %abs3A_104 : vector<64x1024xf32>
    %mul3A_136 = arith.mulf %neg3A_135, %abs3A_104 : vector<64x1024xf32>
    %exp3A_137 = math.exp %mul3A_136 : vector<64x1024xf32>
    %mul3A_138 = arith.mulf %mul3A_132, %exp3A_137 : vector<64x1024xf32>
    %sub3A_139 = arith.constant 1.000000e+00 : f32
    %sub3A_140 = vector.broadcast %sub3A_139 : f32 to vector<64x1024xf32>
    %sub3A_141 = arith.subf %sub3A_140, %mul3A_138 : vector<64x1024xf32>
    %mul3A_142 = arith.mulf %sign3A_103, %sub3A_141 : vector<64x1024xf32>
    %add3A_143 = arith.constant 1.000000e+00 : f32
    %add3A_144 = vector.broadcast %add3A_143 : f32 to vector<64x1024xf32>
    %add3A_145 = arith.addf %add3A_144, %mul3A_142 : vector<64x1024xf32>
    %mul3A_146 = arith.mulf %mul3A_87, %add3A_145 : vector<64x1024xf32>
    %dot_general3A_147 = arith.constant dense<0.000000e+00> : vector<64x1024xf32>
    %dot_general3A_148 = tpu.matmul %get3A_10, %mul3A_146, %dot_general3A_147 {dimension_numbers = #tpu.dot_dimension_numbers<[0], [0], [1], [1], [0, 1, 1, 1], [], []>, transpose_lhs_hint = false} : vector<64x64xf32>, vector<64x1024xf32>, vector<64x1024xf32> -> vector<64x1024xf32>
    %add3A_149 = vector.broadcast %get3A_13 : vector<64x1xf32> to vector<64x1024xf32>
    %add3A_150 = arith.addf %dot_general3A_148, %add3A_149 : vector<64x1024xf32>
    %swap3A_151 = arith.constant 0 : index
    %swap3A_152 = arith.constant 0 : index
    %swap3A_153 = arith.constant 1024 : index
    %swap3A_154 = vector.load %arg7[%swap3A_151, %swap3A_152, %swap3A_153] : memref<1x64x2048xf32, #tpu.memory_space<vmem>>, vector<1x64x1024xf32>
    %swap3A_155 = vector.shape_cast %swap3A_154 : vector<1x64x1024xf32> to vector<64x1024xf32>
    %swap3A_156 = vector.shape_cast %add3A_150 : vector<64x1024xf32> to vector<1x64x1024xf32>
    tpu.vector_store %arg7[%swap3A_151, %swap3A_152, %swap3A_153], %swap3A_156 {strides = array<i32>} : memref<1x64x2048xf32, #tpu.memory_space<vmem>>, vector<1x64x1024xf32>,
    return
  }
  func.func @transform_0(%arg0: i32) -> (i32, i32) {
    %c0_i32 = arith.constant 0 : i32
    %c0_i32_0 = arith.constant 0 : i32
    return %arg0, %c0_i32 : i32, i32
  }
  func.func @transform_1(%arg0: i32) -> (i32, i32) {
    %c0_i32 = arith.constant 0 : i32
    %c0_i32_0 = arith.constant 0 : i32
    %c0_i32_1 = arith.constant 0 : i32
    return %c0_i32, %c0_i32_0 : i32, i32
  }
  func.func @transform_2(%arg0: i32) -> (i32, i32) {
    %c0_i32 = arith.constant 0 : i32
    %c0_i32_0 = arith.constant 0 : i32
    %c0_i32_1 = arith.constant 0 : i32
    return %c0_i32, %c0_i32_0 : i32, i32
  }
  func.func @transform_3(%arg0: i32) -> (i32, i32) {
    %c0_i32 = arith.constant 0 : i32
    %c0_i32_0 = arith.constant 0 : i32
    %c0_i32_1 = arith.constant 0 : i32
    return %c0_i32, %c0_i32_0 : i32, i32
  }
  func.func @transform_4(%arg0: i32) -> (i32, i32) {
    %c0_i32 = arith.constant 0 : i32
    %c0_i32_0 = arith.constant 0 : i32
    %c0_i32_1 = arith.constant 0 : i32
    return %c0_i32, %c0_i32_0 : i32, i32
  }
  func.func @transform_6(%arg0: i32) -> (i32, i32, i32) {
    %add3A = arith.constant 182 : i32
    %add3A_0 = arith.addi %add3A, %arg0 : i32
    %jit3A = arith.constant 8 : i32
    %div3A = arith.divsi %add3A_0, %jit3A : i32
    %sign3A = arith.constant 0 : i32
    %sign3A_1 = arith.cmpi sgt, %add3A_0, %sign3A : i32
    %sign3A_2 = arith.extui %sign3A_1 : i1 to i32
    %sign3A_3 = arith.constant 0 : i32
    %sign3A_4 = arith.cmpi slt, %add3A_0, %sign3A_3 : i32
    %sign3A_5 = arith.extui %sign3A_4 : i1 to i32
    %sign3A_6 = arith.subi %sign3A_2, %sign3A_5 : i32
    %sign3A_7 = arith.constant 0 : i32
    %sign3A_8 = arith.cmpi sgt, %jit3A, %sign3A_7 : i32
    %sign3A_9 = arith.extui %sign3A_8 : i1 to i32
    %sign3A_10 = arith.constant 0 : i32
    %sign3A_11 = arith.cmpi slt, %jit3A, %sign3A_10 : i32
    %sign3A_12 = arith.extui %sign3A_11 : i1 to i32
    %sign3A_13 = arith.subi %sign3A_9, %sign3A_12 : i32
    %ne3A = arith.cmpi ne, %sign3A_6, %sign3A_13 : i32
    %rem3A = arith.remsi %add3A_0, %jit3A : i32
    %ne3A_14 = arith.constant 0 : i32
    %ne3A_15 = arith.cmpi ne, %rem3A, %ne3A_14 : i32
    %and3A = arith.andi %ne3A, %ne3A_15 : i1
    %sub3A = arith.constant 1 : i32
    %sub3A_16 = arith.subi %div3A, %sub3A : i32
    %select_n3A = arith.select %and3A, %sub3A_16, %div3A : i32
    %add3A_17 = arith.constant 182 : i32
    %add3A_18 = arith.addi %add3A_17, %arg0 : i32
    %jit3A_19 = arith.constant 8 : i32
    %eq3A = arith.constant 0 : i32
    %eq3A_20 = arith.cmpi eq, %jit3A_19, %eq3A : i32
    %jit3A_21 = arith.constant 1 : i32
    %select_n3A_22 = arith.select %eq3A_20, %jit3A_21, %jit3A_19 : i32
    %rem3A_23 = arith.remsi %add3A_18, %select_n3A_22 : i32
    %ne3A_24 = arith.constant 0 : i32
    %ne3A_25 = arith.cmpi ne, %rem3A_23, %ne3A_24 : i32
    %lt3A = arith.constant 0 : i32
    %lt3A_26 = arith.cmpi slt, %rem3A_23, %lt3A : i32
    %lt3A_27 = arith.constant 0 : i32
    %lt3A_28 = arith.cmpi slt, %select_n3A_22, %lt3A_27 : i32
    %ne3A_29 = arith.xori %lt3A_26, %lt3A_28 : i1
    %and3A_30 = arith.andi %ne3A_29, %ne3A_25 : i1
    %add3A_31 = arith.addi %rem3A_23, %select_n3A_22 : i32
    %select_n3A_32 = arith.select %and3A_30, %add3A_31, %rem3A_23 : i32
    %c0_i32 = arith.constant 0 : i32
    %c0_i32_33 = arith.constant 0 : i32
    return %select_n3A, %c0_i32, %select_n3A_32 : i32, i32, i32
  }
}

</mosaic_0001>

<sc_bundles>
// kernel: kernel.19.cloned.1.call-start
scs
__scs_entry_jumppad:
0x0: {  	(pc) =	sbr.rel $0x88, $3  }
0x1: {  	(tag) =	ssettag $0x0;
	lr =	simm.s32 $0x1  }
0x2: {  	[smem:$0x3F9A] =	sst lr;
	_ =	strace $0xD0000000  }
0x3: {  	_ = 	snop  }
0x4: {  	_ = 	snop  }
0x5: {  	_ = 	snop  }
0x6: {  	_ = 	snop  }
0x7: {  	_ = 	snop  }
__scs_overlays_trampoline_lowered:
0x8: {  	[smem:$0x3FA9] =	sst s0  }
0x9: {  	[smem:$0x3FAA] =	sst s1  }
0xa: {  	[smem:$0x3FAB] =	sst s2  }
0xb: {  	[smem:$0x3FAC] =	sst s3  }
0xc: {  	[smem:$0x3FAD] =	sst s4  }
0xd: {  	[smem:$0x3FAE] =	sst s5  }
0xe: {  	[smem:$0x3FAF] =	sst s6  }
0xf: {  	[smem:$0x3FB0] =	sst s7  }
0x10: {  	[smem:$0x3FB1] =	sst s8  }
0x11: {  	[smem:$0x3FB2] =	sst s9;
	s0 =	simm.s32 @!p0 $0x0  }
0x12: {  	s1 =	sld [smem:$0x3F98];
	s0 =	simm.s32 @p0 $0x1  }
0x13: {  	[smem:$0x3FB3] =	sst s0;
	s0 =	simm.s32 @!p1 $0x0  }
0x14: {  	s2 =	sld [smem:$0x3F97];
	s0 =	simm.s32 @p1 $0x1  }
0x15: {  	[smem:$0x3FB4] =	sst s0;
	s0 =	simm.s32 @!p2 $0x0  }
0x16: {  	s3 =	sld [smem:$0x3FDB];
	s0 =	simm.s32 @p2 $0x1  }
0x17: {  	s4 =	simm.s32 $0x1BF5;
	[smem:$0x3FB6] =	sst s0  }
0x18: {  	s0 =	sld [smem:$0x3F99];
	_ =	swait.ge [sflag:s4], $0x0  }
0x19: {  	s7 =	sld [smem:$0x3F9A]  }
0x1a: {  	s8 =	sadd.s32 $0xFFFFE003, lr  }
0x1b: {  	s9 =	sadd.s32 $0xFFFFFEF7, lr;
	s5 =	simm.s32 $0xFFFFFFFF;
	p2 =	slt.u32 s8, $0xFFFFF086  }
0x1c: {  	p1 =	slt.u32 s9, $0xF7A;
	s5 =	simm.s32 @!p2 $0x0  }
0x1d: {  	s5 =	simm.s32 @p1 $0x1;
	p0 =	seq.s32 s7, s2  }
0x1e: {  	s7 =	smul.u32 @!p0 $0xF7A, s2;
	p2 =	seq.s32 @!p0 s5, $0x0  }
0x1f: {  	s9 =	smul.u32 $0xF7A, s1;
	s8 =	simm.s32 @!p0 $0x1BF5;
	p2 =	por !p2, p0  }
0x20: {  	[sflag:s8] =	ssyncset.s32 @!p0 $0xFFFFF086;
	s6 =	sadd.s32 @!p0 s3, s7;
	s7 =	simm.s32 @!p0 $0x108  }
0x21: {  	s3 =	sadd.s32 s3, s9;
	s6 =	sadd.s32 @!p0 $0x88, s6;
	s7 =	simm.s32 @p2 $0x1082  }
0x22: {  	[simem:s7], [sflag:s8] =	dma.local @!p0 [hbm:s6], $0xF7A  }
0x23: {  	s9 =	sor.u32 $0xD0000000, s2;
	s6 =	simm.s32 $0x108;
	_ =	swait.ge @!p0 [sflag:s8], $0x0  }
0x24: {  	s3 =	sadd.s32 $0x88, s3;
	s6 =	simm.s32 @!p1 $0x1082;
	[sflag:s4] =	ssyncset.s32 $0xFFFFF086  }
0x25: {  	[simem:s6], [sflag:s4] =	dma.local [hbm:s3], $0xF7A  }
0x26: {  	[smem:$0x3F9A] =	sst s1;
	(tag) =	ssettag s2;
	_ =	strace s9  }
0x27: {  	s1 =	sld [smem:$0x3FAA]  }
0x28: {  	s2 =	sld [smem:$0x3FAB]  }
0x29: {  	s4 =	sld [smem:$0x3FAD]  }
0x2a: {  	p0 =	seq.s32 s5, $0x0;
	s5 =	sld [smem:$0x3FAE]  }
0x2b: {  	s6 =	sld [smem:$0x3FAF]  }
0x2c: {  	s7 =	sld [smem:$0x3FB0]  }
0x2d: {  	s3 =	simm.s32 $0x108;
	s8 =	sld [smem:$0x3FB1]  }
0x2e: {  	s3 =	simm.s32 @!p0 $0x1082;
	s9 =	sld [smem:$0x3FB2]  }
0x2f: {  	lr =	sadd.s32 s0, s3;
	s0 =	sld [smem:$0x3FA9]  }
0x30: {  	s3 =	sld [smem:$0x3FAC]  }
0x31: {  	[smem:$0x3FB5] =	sst s10  }
0x32: {  	s10 =	sld [smem:$0x3FB3];
	_ =	sdelay $0x3  }
0x33: {  	p0 =	seq.s32 s10, $0x1;
	s10 =	sld [smem:$0x3FB5];
	_ =	sdelay $0x3  }
0x34: {  	[smem:$0x3FB5] =	sst s10  }
0x35: {  	s10 =	sld [smem:$0x3FB4];
	_ =	sdelay $0x3  }
0x36: {  	p1 =	seq.s32 s10, $0x1;
	s10 =	sld [smem:$0x3FB5];
	_ =	sdelay $0x3  }
0x37: {  	[smem:$0x3FB5] =	sst s10  }
0x38: {  	s10 =	sld [smem:$0x3FB6]  }
0x39: {  	_ = 	snop;
	(pc) =	sbr.ind lr, $3  }
0x3a: {  	_ = 	snop  }
0x3b: {  	_ = 	snop  }
0x3c: {  	p2 =	seq.s32 s10, $0x1;
	s10 =	sld [smem:$0x3FB5]  }
0x3d: {  	_ =	shalt  }
0x3e: {  	_ =	shalt  }
0x3f: {  	_ =	shalt  }
0x40: {  	_ =	shalt  }
0x41: {  	_ =	shalt  }
0x42: {  	_ =	shalt  }
0x43: {  	_ =	shalt  }
0x44: {  	_ =	shalt  }
0x45: {  	_ =	shalt  }
0x46: {  	_ =	shalt  }
0x47: {  	_ =	shalt  }
0x48: {  	_ =	shalt  }
0x49: {  	_ =	shalt  }
0x4a: {  	_ =	shalt  }
0x4b: {  	_ =	shalt  }
0x4c: {  	_ =	shalt  }
0x4d: {  	_ =	shalt  }
0x4e: {  	_ =	shalt  }
0x4f: {  	_ =	shalt  }
0x50: {  	_ =	shalt  }
0x51: {  	_ =	shalt  }
0x52: {  	_ =	shalt  }
0x53: {  	_ =	shalt  }
0x54: {  	_ =	shalt  }
0x55: {  	_ =	shalt  }
0x56: {  	_ =	shalt  }
0x57: {  	_ =	shalt  }
0x58: {  	_ =	shalt  }
0x59: {  	_ =	shalt  }
0x5a: {  	_ =	shalt  }
0x5b: {  	_ =	shalt  }
0x5c: {  	_ =	shalt  }
0x5d: {  	_ =	shalt  }
0x5e: {  	_ =	shalt  }
0x5f: {  	_ =	shalt  }
0x60: {  	_ =	shalt  }
0x61: {  	_ =	shalt  }
0x62: {  	_ =	shalt  }
0x63: {  	_ =	shalt  }
0x64: {  	_ =	shalt  }
0x65: {  	_ =	shalt  }
0x66: {  	_ =	shalt  }
0x67: {  	_ =	shalt  }
0x68: {  	_ =	shalt  }
0x69: {  	_ =	shalt  }
0x6a: {  	_ =	shalt  }
0x6b: {  	_ =	shalt  }
0x6c: {  	_ =	shalt  }
0x6d: {  	_ =	shalt  }
0x6e: {  	_ =	shalt  }
0x6f: {  	_ =	shalt  }
0x70: {  	_ =	shalt  }
0x71: {  	_ =	shalt  }
0x72: {  	_ =	shalt  }
0x73: {  	_ =	shalt  }
0x74: {  	_ =	shalt  }
0x75: {  	_ =	shalt  }
0x76: {  	_ =	shalt  }
0x77: {  	_ =	shalt  }
0x78: {  	_ =	shalt  }
0x79: {  	_ =	shalt  }
0x7a: {  	_ =	shalt  }
0x7b: {  	_ =	shalt  }
0x7c: {  	_ =	shalt  }
0x7d: {  	_ =	shalt  }
0x7e: {  	_ =	shalt  }
0x7f: {  	_ =	shalt  }
0x80: {  	_ =	shalt  }
0x81: {  	_ =	shalt  }
0x82: {  	_ =	shalt  }
0x83: {  	_ =	shalt  }
0x84: {  	_ =	shalt  }
0x85: {  	_ =	shalt  }
0x86: {  	_ =	shalt  }
0x87: {  	_ =	shalt  }
.Lfunc_end0:
.L_simem_size_0:
called_computation_lowered:
.L_overlay_start_0:
0x88: {  	s2 =	sld [smem:$0x3FD9]  }
0x89: {  	s3 =	sld [smem:$0x3FFE];
	_ =	sdelay $0x1  }
0x8a: {  	s1 =	srdreg.scid  }
0x8b: {  	s0 =	sand.u32 $0x1, s1  }
0x8c: {  	s16 =	sshll.u32 s0, $0xA;
	s2 =	sadd.s32 s3, s2  }
0x8d: {  	s2 =	sadd.s32 s2, s16  }
0x8e: {  	[smem:$0x3FC1] =	sst s2  }
0x8f: {  	_ = 	snop  }
0x90: {  	(tm) =	ssettm $0x1  }
0x91: {  	s17 =	sld [smem:$0x3FFB];
	_ =	sdelay $0x3  }
0x92: {  	_ =	strace s17  }
0x93: {  	s2 =	sld [smem:$0x3FFC];
	_ =	sdelay $0x3  }
0x94: {  	_ =	strace s2  }
0x95: {  	s2 =	sld [smem:$0x3FFD];
	_ =	sdelay $0x3  }
0x96: {  	_ =	strace s2  }
0x97: {  	_ =	strace $0x8FFFFFFF  }
0x98: {  	s18 =	sld [smem:$0x3FDB];
	_ =	sdelay $0x1  }
0x99: {  	s19 =	simm.s32 $_scs_section_size  }
0x9a: {  	s4 =	simm.s32 $_size__tile_overlayer_lowered;
	s5 =	simm.s32 $_tile_overlayer_lowered  }
0x9b: {  	s22 =	simm.s32 $0x1BFF;
	s21 =	sshll.u32 s5, $0x1;
	s2 =	sadd.s32 s19, s18  }
0x9c: {  	s6 =	simm.s32 $0x0;
	s20 =	sshll.u32 s4, $0x1;
	s4 =	sadd.s32 s21, s2  }
0x9d: {  	[timem:s6], [sflag:s22] =	dma.local [hbm:s4], s20  }
0x9e: {  	_ =	swait.ge [sflag:s22], s20  }
0x9f: {  	s3 =	ssub.s32 $0x0, s20;
	[sflag:s22] =	ssyncset.done $0x0  }
0xa0: {  	[sflag:s22] =	ssyncadd.s32 s3;
	_ =	sdelay $0x1  }
0xa1: {  	s23 =	simm.s32 $0x1B8B  }
0xa2: {  	_ =	swait.ge [sflag:s23], $0x1  }
0xa3: {  	[sflag:s23] =	ssyncset.done $0x0  }
0xa4: {  	s25 =	simm.s32 $0x1B8E;
	s24 =	sld [smem:$0x3FFE];
	[sflag:s23] =	ssyncadd.s32 $0xFFFFFFFF  }
0xa5: {  	s26 =	simm.s32 $execute0_lowered;
	[smem:$0x3FD2] =	sst s25  }
0xa6: {  	s4 =	sshll.u32 s26, $0x1;
	_ =	strace $0x80000046;
	[dreg:$0x1] =	wrdreg $0xFFFFFFFF  }
0xa7: {  	s28 =	simm.s32 $_size_execute0_lowered;
	s2 =	sadd.s32 s2, s4;
	[dreg:$0x0] =	wrdreg $0x0  }
0xa8: {  	s4 =	sshll.u32 s28, $0x1;
	[dreg:$0x2] =	wrdreg s2  }
0xa9: {  	[dreg:$0x3] =	wrdreg s4  }
0xaa: {  	[dreg:$0x4] =	wrdreg $0xC0  }
0xab: {  	_ =	task [dreg:s6], $0x5FFFF  }
0xac: {  	[dreg:$0x1] =	wrdreg $0xFFFFFFFF  }
0xad: {  	[dreg:$0x0] =	wrdreg $0x60  }
0xae: {  	[dreg:$0x2] =	wrdreg s24  }
0xaf: {  	[dreg:$0x3] =	wrdreg $0x9  }
0xb0: {  	_ =	task.clear_ibuf [dreg:s6], $0x4FFFF;
	_ =	strace $0x90000046  }
0xb1: {  	s29 =	simm.s32 $0x9;
	_ =	strace $0x80000048  }
0xb2: {  	_ =	swait.ge [sflag:s29], $0x1  }
0xb3: {  	[sflag:s29] =	ssyncadd.s32 $0xFFFFFFFF  }
0xb4: {  	_ =	strace $0x90000048  }
0xb5: {  	_ =	sfence  }
0xb6: {  	s30 =	sld [smem:$0x0];
	_ =	sdelay $0x2  }
0xb7: {  	s31 =	sshll.u32 s1, $0xD;
	s1 =	sshrl.u32 s1, $0x2  }
0xb8: {  	s3 =	sand.u32 $0x4000, s31;
	s1 =	sadd.s32 s1, s30  }
0xb9: {  	s0 =	sor.u32 s3, s0;
	s1 =	sshll.u32 s1, $0x11  }
0xba: {  	s0 =	sor.u32 s1, s0  }
0xbb: {  	s0 =	sadd.s32 $0x8F2B, s0  }
0xbc: {  	[sflag:s0] =	ssyncadd.remote.s32 $0x1  }
0xbd: {  	_ =	sfence.sel $0xFFFF  }
0xbe: {  	[dreg:$0x0] =	wrdreg $0xFFFFFFFF;
	(pc) =	sbr.abs _section_cstart, $3  }
0xbf: {  	[dreg:$0x1] =	wrdreg $0xFFFFFFFF  }
0xc0: {  	_ =	task.clear_ibuf [dreg:s6], $0x2FFFF;
	_ =	strace $0x9FFFFFFF  }
0xc1: {  	(tm) =	ssettm $0x7FFFFFFF  }
tec
execute0_lowered:
.L_overlay_start_1:
0x0: {  	(tag) =	ssettag $0x1  }
0x1: {  	s1 =	srdreg.scid;
	s0 =	stileid.u32  }
0x2: {  	s10 =	sand.u32 $0x1, s1;
	s26 =	sshll.u32 s0, $0x1  }
0x3: {  	s8 =	sor.u32 s10, s26  }
0x4: {  	s9 =	rddreg [dreg:$0x0];
	s11 =	smul.u32 $0x680, s8  }
0x5: {  	s2 =	simm.s32 $0x0;
	s1 =	rddreg [dreg:$0x1]  }
0x6: {  	[smem:$0x7FF] =	sst s2;
	s12 =	sadd.s32 $0x3E00, s9;
	s3 =	sshrl.u32 s11, $0x3  }
0x7: {  	_ =	strace $0x80000047;
	s4 =	sadd.s32 s12, s3;
	s3 =	simm.s32 $0x2  }
0x8: {  	[tilespmem:s2], [sflag:$0x2] =	stream.linear.gather [hbm4b:s4+s2], $0x340, $0x38;
	[tilespmem:$0xD340] =	vst v63  }
0x9: {  	_ =	swait.ge [sflag:s3], $0x340  }
0xa: {  	s6 =	simm.s32 $0x340;
	[sflag:s3] =	ssyncset.done $0x0  }
0xb: {  	s7 =	simm.s32 $0x1;
	s5 =	sadd.s32 $0x5800, s9;
	[sflag:s3] =	ssyncadd.s32 $0xFFFFFCC0  }
0xc: {  	[tilespmem:s6], [sflag:$0x1] =	stream.indirect.gather [hbm4b:s5+s6], $0x40, s2, s6, $0xb8;
	[tilespmem:$0xD340] =	vst v63  }
0xd: {  	s8 =	smul.u32 $0x3400, s8;
	_ =	swait.ge [sflag:s7], $0xD000  }
0xe: {  	s13 =	sadd.s32 $0x7F4C00, s9;
	[sflag:s7] =	ssyncset.done $0x0  }
0xf: {  	s8 =	sadd.s32 s13, s8;
	[sflag:s7] =	ssyncadd.s32 $0xFFFF3000  }
0x10: {  	[hbm4b:s8+s2] =	stream.linear.scatter [tilespmem:s6], [sflag:$0x2], $0xD000, $0x38;
	[tilespmem:$0xD340] =	vst v63  }
0x11: {  	s11 =	sadd.s32 $0x340, s11;
	_ =	swait.ge [sflag:s3], $0xD000  }
0x12: {  	s28 =	sshrl.u32 s11, $0x3;
	[sflag:s3] =	ssyncset.done $0x0  }
0x13: {  	s10 =	ssub.s32 $0x2, s10;
	s9 =	sadd.s32 s12, s28;
	[sflag:s3] =	ssyncadd.s32 $0xFFFF3000  }
0x14: {  	[tilespmem:s2], [sflag:$0x2] =	stream.linear.gather [hbm4b:s9+s2], $0x340, $0x38;
	[tilespmem:$0xD340] =	vst v63  }
0x15: {  	s29 =	sshrl.u32 s10, $0x1;
	_ =	swait.ge [sflag:s3], $0x340  }
0x16: {  	s12 =	ssub.s32 s10, s29;
	[sflag:s3] =	ssyncset.done $0x0  }
0x17: {  	s31 =	smax.u32 s12, $0x1;
	[sflag:s3] =	ssyncadd.s32 $0xFFFFFCC0  }
0x18: {  	[tilespmem:s6], [sflag:$0x1] =	stream.indirect.gather [hbm4b:s5+s6], $0x40, s2, s6, $0xb8;
	[tilespmem:$0xD340] =	vst v63  }
0x19: {  	p0 =	sne.s32 s31, $0x1;
	_ =	swait.ge [sflag:s7], $0xD000  }
.Ltmp0:
0x1a: {  	s30 =	sshll.u32 s11, $0x3;
	[sflag:s7] =	ssyncset.done $0x0;
	(pc) =	sbr.rel @!p0 .LBB2_2-.Ltmp0, $4  }
0x1b: {  	s10 =	sadd.s32 s13, s30;
	[sflag:s7] =	ssyncadd.s32 $0xFFFF3000  }
0x1c: {  	[hbm4b:s10+s2] =	stream.linear.scatter [tilespmem:s6], [sflag:$0x2], $0xD000, $0x38;
	[tilespmem:$0xD340] =	vst v63  }
0x1d: {  	_ =	swait.ge [sflag:s3], $0xD000  }
0x1e: {  	s11 =	sadd.s32 $0xFFFFFFFF, s31;
	[sflag:s3] =	ssyncset.done $0x0  }
.LBB2_1:
0x1f: {  	p0 =	sne.s32 s11, $0x1;
	s11 =	sadd.s32 $0xFFFFFFFF, s11;
	[sflag:s3] =	ssyncadd.s32 $0xFFFF3000  }
0x20: {  	[tilespmem:s2], [sflag:$0x2] =	stream.linear.gather [hbm4b:s4+s2], $0x340, $0x38;
	[tilespmem:$0xD340] =	vst v63  }
0x21: {  	_ =	swait.ge [sflag:s3], $0x340  }
0x22: {  	[sflag:s3] =	ssyncset.done $0x0  }
0x23: {  	[sflag:s3] =	ssyncadd.s32 $0xFFFFFCC0  }
0x24: {  	[tilespmem:s6], [sflag:$0x1] =	stream.indirect.gather [hbm4b:s5+s6], $0x40, s2, s6, $0xb8;
	[tilespmem:$0xD340] =	vst v63  }
0x25: {  	_ =	swait.ge [sflag:s7], $0xD000  }
0x26: {  	[sflag:s7] =	ssyncset.done $0x0  }
0x27: {  	[sflag:s7] =	ssyncadd.s32 $0xFFFF3000  }
0x28: {  	[hbm4b:s8+s2] =	stream.linear.scatter [tilespmem:s6], [sflag:$0x2], $0xD000, $0x38;
	[tilespmem:$0xD340] =	vst v63  }
0x29: {  	_ =	swait.ge [sflag:s3], $0xD000  }
0x2a: {  	[sflag:s3] =	ssyncset.done $0x0  }
0x2b: {  	[sflag:s3] =	ssyncadd.s32 $0xFFFF3000  }
0x2c: {  	[tilespmem:s2], [sflag:$0x2] =	stream.linear.gather [hbm4b:s9+s2], $0x340, $0x38;
	[tilespmem:$0xD340] =	vst v63  }
0x2d: {  	_ =	swait.ge [sflag:s3], $0x340  }
0x2e: {  	[sflag:s3] =	ssyncset.done $0x0  }
0x2f: {  	[sflag:s3] =	ssyncadd.s32 $0xFFFFFCC0  }
0x30: {  	[tilespmem:s6], [sflag:$0x1] =	stream.indirect.gather [hbm4b:s5+s6], $0x40, s2, s6, $0xb8;
	[tilespmem:$0xD340] =	vst v63  }
0x31: {  	_ =	swait.ge [sflag:s7], $0xD000  }
.Ltmp1:
0x32: {  	[sflag:s7] =	ssyncset.done $0x0;
	(pc) =	sbr.rel @p0 .LBB2_1-.Ltmp1, $4  }
0x33: {  	[sflag:s7] =	ssyncadd.s32 $0xFFFF3000  }
0x34: {  	[hbm4b:s10+s2] =	stream.linear.scatter [tilespmem:s6], [sflag:$0x2], $0xD000, $0x38;
	[tilespmem:$0xD340] =	vst v63  }
0x35: {  	_ =	swait.ge [sflag:s3], $0xD000  }
0x36: {  	[sflag:s3] =	ssyncset.done $0x0  }
.LBB2_2:
0x37: {  	[sflag:s3] =	ssyncadd.s32 $0xFFFF3000  }
0x38: {  	_ =	sfence.sel $0x180000  }
0x39: {  	[bflag:$0x0] =	sbarrier.arrive $0xFFFF  }
0x3a: {  	p0 =	sne.s32 s0, $0x0;
	_ =	strace $0x90000047  }
0x3b: {  	s0 =	sadd.s32 @!p0 $0x100000, s1;
	[bflag:$0x2] =	sbarrier.arrive $0xFFFF  }
0x3c: {  	[sflag:s0] =	ssyncadd.tile.s32 @!p0 $0x1;
	_ =	shalt  }
.Lfunc_end2:
_tile_overlayer_lowered:
.L_overlay_start_2:
0x3d: {  	(tag) =	ssettag $0x2  }
0x3e: {  	s0 =	rddreg [dreg:$0x0];
	s2 =	stileid.u32  }
0x3f: {  	s1 =	rddreg [dreg:$0x1];
	p0 =	sne.s32 s2, $0x0  }
0x40: {  	s3 =	rddreg [dreg:$0x2];
	[bflag:$0x3] =	sbarrier.arrive $0xFFFF;
	s2 =	simm.s32 @!p0 $0x1C02  }
0x41: {  	[timem:s3], [sflag:s2] =	dma.local @!p0 [hbm:s0], s1  }
0x42: {  	s0 =	simm.s32 @!p0 $0x2  }
0x43: {  	_ =	swait.ge @!p0 [sflag:s0], s1  }
0x44: {  	s1 =	ssub.s32 @!p0 $0x0, s1;
	[sflag:s0] =	ssyncset.done @!p0 $0x0  }
0x45: {  	[sflag:s0] =	ssyncadd.s32 @!p0 s1  }
0x46: {  	[bflag:$0x3] =	sbarrier.arrive $0xFFFF  }
0x47: {  	_ =	shalt  }

// kernel: kernel.22.cloned.1.call-start
scs
__scs_entry_jumppad:
0x0: {  	(pc) =	sbr.rel $0x88, $3  }
0x1: {  	(tag) =	ssettag $0x0;
	lr =	simm.s32 $0x1  }
0x2: {  	[smem:$0x3F9A] =	sst lr;
	_ =	strace $0xD0000000  }
0x3: {  	_ = 	snop  }
0x4: {  	_ = 	snop  }
0x5: {  	_ = 	snop  }
0x6: {  	_ = 	snop  }
0x7: {  	_ = 	snop  }
__scs_overlays_trampoline_lowered:
0x8: {  	[smem:$0x3FA9] =	sst s0  }
0x9: {  	[smem:$0x3FAA] =	sst s1  }
0xa: {  	[smem:$0x3FAB] =	sst s2  }
0xb: {  	[smem:$0x3FAC] =	sst s3  }
0xc: {  	[smem:$0x3FAD] =	sst s4  }
0xd: {  	[smem:$0x3FAE] =	sst s5  }
0xe: {  	[smem:$0x3FAF] =	sst s6  }
0xf: {  	[smem:$0x3FB0] =	sst s7  }
0x10: {  	[smem:$0x3FB1] =	sst s8  }
0x11: {  	[smem:$0x3FB2] =	sst s9;
	s0 =	simm.s32 @!p0 $0x0  }
0x12: {  	s1 =	sld [smem:$0x3F98];
	s0 =	simm.s32 @p0 $0x1  }
0x13: {  	[smem:$0x3FB3] =	sst s0;
	s0 =	simm.s32 @!p1 $0x0  }
0x14: {  	s2 =	sld [smem:$0x3F97];
	s0 =	simm.s32 @p1 $0x1  }
0x15: {  	[smem:$0x3FB4] =	sst s0;
	s0 =	simm.s32 @!p2 $0x0  }
0x16: {  	s3 =	sld [smem:$0x3FDB];
	s0 =	simm.s32 @p2 $0x1  }
0x17: {  	s4 =	simm.s32 $0x1BF5;
	[smem:$0x3FB6] =	sst s0  }
0x18: {  	s0 =	sld [smem:$0x3F99];
	_ =	swait.ge [sflag:s4], $0x0  }
0x19: {  	s7 =	sld [smem:$0x3F9A]  }
0x1a: {  	s8 =	sadd.s32 $0xFFFFE003, lr  }
0x1b: {  	s9 =	sadd.s32 $0xFFFFFEF7, lr;
	s5 =	simm.s32 $0xFFFFFFFF;
	p2 =	slt.u32 s8, $0xFFFFF086  }
0x1c: {  	p1 =	slt.u32 s9, $0xF7A;
	s5 =	simm.s32 @!p2 $0x0  }
0x1d: {  	s5 =	simm.s32 @p1 $0x1;
	p0 =	seq.s32 s7, s2  }
0x1e: {  	s7 =	smul.u32 @!p0 $0xF7A, s2;
	p2 =	seq.s32 @!p0 s5, $0x0  }
0x1f: {  	s9 =	smul.u32 $0xF7A, s1;
	s8 =	simm.s32 @!p0 $0x1BF5;
	p2 =	por !p2, p0  }
0x20: {  	[sflag:s8] =	ssyncset.s32 @!p0 $0xFFFFF086;
	s6 =	sadd.s32 @!p0 s3, s7;
	s7 =	simm.s32 @!p0 $0x108  }
0x21: {  	s3 =	sadd.s32 s3, s9;
	s6 =	sadd.s32 @!p0 $0x88, s6;
	s7 =	simm.s32 @p2 $0x1082  }
0x22: {  	[simem:s7], [sflag:s8] =	dma.local @!p0 [hbm:s6], $0xF7A  }
0x23: {  	s9 =	sor.u32 $0xD0000000, s2;
	s6 =	simm.s32 $0x108;
	_ =	swait.ge @!p0 [sflag:s8], $0x0  }
0x24: {  	s3 =	sadd.s32 $0x88, s3;
	s6 =	simm.s32 @!p1 $0x1082;
	[sflag:s4] =	ssyncset.s32 $0xFFFFF086  }
0x25: {  	[simem:s6], [sflag:s4] =	dma.local [hbm:s3], $0xF7A  }
0x26: {  	[smem:$0x3F9A] =	sst s1;
	(tag) =	ssettag s2;
	_ =	strace s9  }
0x27: {  	s1 =	sld [smem:$0x3FAA]  }
0x28: {  	s2 =	sld [smem:$0x3FAB]  }
0x29: {  	s4 =	sld [smem:$0x3FAD]  }
0x2a: {  	p0 =	seq.s32 s5, $0x0;
	s5 =	sld [smem:$0x3FAE]  }
0x2b: {  	s6 =	sld [smem:$0x3FAF]  }
0x2c: {  	s7 =	sld [smem:$0x3FB0]  }
0x2d: {  	s3 =	simm.s32 $0x108;
	s8 =	sld [smem:$0x3FB1]  }
0x2e: {  	s3 =	simm.s32 @!p0 $0x1082;
	s9 =	sld [smem:$0x3FB2]  }
0x2f: {  	lr =	sadd.s32 s0, s3;
	s0 =	sld [smem:$0x3FA9]  }
0x30: {  	s3 =	sld [smem:$0x3FAC]  }
0x31: {  	[smem:$0x3FB5] =	sst s10  }
0x32: {  	s10 =	sld [smem:$0x3FB3];
	_ =	sdelay $0x3  }
0x33: {  	p0 =	seq.s32 s10, $0x1;
	s10 =	sld [smem:$0x3FB5];
	_ =	sdelay $0x3  }
0x34: {  	[smem:$0x3FB5] =	sst s10  }
0x35: {  	s10 =	sld [smem:$0x3FB4];
	_ =	sdelay $0x3  }
0x36: {  	p1 =	seq.s32 s10, $0x1;
	s10 =	sld [smem:$0x3FB5];
	_ =	sdelay $0x3  }
0x37: {  	[smem:$0x3FB5] =	sst s10  }
0x38: {  	s10 =	sld [smem:$0x3FB6]  }
0x39: {  	_ = 	snop;
	(pc) =	sbr.ind lr, $3  }
0x3a: {  	_ = 	snop  }
0x3b: {  	_ = 	snop  }
0x3c: {  	p2 =	seq.s32 s10, $0x1;
	s10 =	sld [smem:$0x3FB5]  }
0x3d: {  	_ =	shalt  }
0x3e: {  	_ =	shalt  }
0x3f: {  	_ =	shalt  }
0x40: {  	_ =	shalt  }
0x41: {  	_ =	shalt  }
0x42: {  	_ =	shalt  }
0x43: {  	_ =	shalt  }
0x44: {  	_ =	shalt  }
0x45: {  	_ =	shalt  }
0x46: {  	_ =	shalt  }
0x47: {  	_ =	shalt  }
0x48: {  	_ =	shalt  }
0x49: {  	_ =	shalt  }
0x4a: {  	_ =	shalt  }
0x4b: {  	_ =	shalt  }
0x4c: {  	_ =	shalt  }
0x4d: {  	_ =	shalt  }
0x4e: {  	_ =	shalt  }
0x4f: {  	_ =	shalt  }
0x50: {  	_ =	shalt  }
0x51: {  	_ =	shalt  }
0x52: {  	_ =	shalt  }
0x53: {  	_ =	shalt  }
0x54: {  	_ =	shalt  }
0x55: {  	_ =	shalt  }
0x56: {  	_ =	shalt  }
0x57: {  	_ =	shalt  }
0x58: {  	_ =	shalt  }
0x59: {  	_ =	shalt  }
0x5a: {  	_ =	shalt  }
0x5b: {  	_ =	shalt  }
0x5c: {  	_ =	shalt  }
0x5d: {  	_ =	shalt  }
0x5e: {  	_ =	shalt  }
0x5f: {  	_ =	shalt  }
0x60: {  	_ =	shalt  }
0x61: {  	_ =	shalt  }
0x62: {  	_ =	shalt  }
0x63: {  	_ =	shalt  }
0x64: {  	_ =	shalt  }
0x65: {  	_ =	shalt  }
0x66: {  	_ =	shalt  }
0x67: {  	_ =	shalt  }
0x68: {  	_ =	shalt  }
0x69: {  	_ =	shalt  }
0x6a: {  	_ =	shalt  }
0x6b: {  	_ =	shalt  }
0x6c: {  	_ =	shalt  }
0x6d: {  	_ =	shalt  }
0x6e: {  	_ =	shalt  }
0x6f: {  	_ =	shalt  }
0x70: {  	_ =	shalt  }
0x71: {  	_ =	shalt  }
0x72: {  	_ =	shalt  }
0x73: {  	_ =	shalt  }
0x74: {  	_ =	shalt  }
0x75: {  	_ =	shalt  }
0x76: {  	_ =	shalt  }
0x77: {  	_ =	shalt  }
0x78: {  	_ =	shalt  }
0x79: {  	_ =	shalt  }
0x7a: {  	_ =	shalt  }
0x7b: {  	_ =	shalt  }
0x7c: {  	_ =	shalt  }
0x7d: {  	_ =	shalt  }
0x7e: {  	_ =	shalt  }
0x7f: {  	_ =	shalt  }
0x80: {  	_ =	shalt  }
0x81: {  	_ =	shalt  }
0x82: {  	_ =	shalt  }
0x83: {  	_ =	shalt  }
0x84: {  	_ =	shalt  }
0x85: {  	_ =	shalt  }
0x86: {  	_ =	shalt  }
0x87: {  	_ =	shalt  }
.Lfunc_end0:
.L_simem_size_0:
called_computation.1_lowered:
.L_overlay_start_0:
0x88: {  	s2 =	sld [smem:$0x3FD9]  }
0x89: {  	s3 =	sld [smem:$0x3FFE];
	_ =	sdelay $0x1  }
0x8a: {  	s1 =	srdreg.scid  }
0x8b: {  	s0 =	sand.u32 $0x1, s1  }
0x8c: {  	s17 =	sshll.u32 s0, $0xA;
	s2 =	sadd.s32 s3, s2  }
0x8d: {  	s2 =	sadd.s32 s2, s17  }
0x8e: {  	[smem:$0x3FC1] =	sst s2  }
0x8f: {  	_ = 	snop  }
0x90: {  	(tm) =	ssettm $0x1  }
0x91: {  	s18 =	sld [smem:$0x3FFB];
	_ =	sdelay $0x3  }
0x92: {  	_ =	strace s18  }
0x93: {  	s2 =	sld [smem:$0x3FFC];
	_ =	sdelay $0x3  }
0x94: {  	_ =	strace s2  }
0x95: {  	s2 =	sld [smem:$0x3FFD];
	_ =	sdelay $0x3  }
0x96: {  	_ =	strace s2  }
0x97: {  	_ =	strace $0x8FFFFFFF  }
0x98: {  	s19 =	sld [smem:$0x3FDB];
	_ =	sdelay $0x1  }
0x99: {  	s20 =	simm.s32 $_scs_section_size  }
0x9a: {  	s4 =	simm.s32 $_size__tile_overlayer_lowered;
	s5 =	simm.s32 $_tile_overlayer_lowered  }
0x9b: {  	s6 =	simm.s32 $0x1BFF;
	s21 =	sshll.u32 s5, $0x1;
	s3 =	sadd.s32 s20, s19  }
0x9c: {  	s22 =	simm.s32 $0x0;
	s4 =	sshll.u32 s4, $0x1;
	s5 =	sadd.s32 s21, s3  }
0x9d: {  	[timem:s22], [sflag:s6] =	dma.local [hbm:s5], s4  }
0x9e: {  	_ =	swait.ge [sflag:s6], s4  }
0x9f: {  	s4 =	ssub.s32 $0x0, s4;
	[sflag:s6] =	ssyncset.done $0x0  }
0xa0: {  	[sflag:s6] =	ssyncadd.s32 s4;
	_ =	sdelay $0x1  }
0xa1: {  	s23 =	simm.s32 $0x1B8B  }
0xa2: {  	_ =	swait.ge [sflag:s23], $0x1  }
0xa3: {  	[sflag:s23] =	ssyncset.done $0x0  }
0xa4: {  	[sflag:s23] =	ssyncadd.s32 $0xFFFFFFFF  }
0xa5: {  	s4 =	sld [smem:$0x0]  }
0xa6: {  	s5 =	sand.u32 $0xFFFFFFFE, s1  }
0xa7: {  	p0 =	sne.s32 s1, s5  }
0xa8: {  	s5 =	sshll.u32 @p0 s5, $0xE  }
0xa9: {  	s5 =	sadd.s32 @p0 $0x11B8D, s5;
	s6 =	sshll.u32 @p0 s4, $0x11  }
0xaa: {  	s5 =	sor.u32 @p0 s6, s5  }
0xab: {  	[sflag:s5] =	ssyncadd.remote.s32 @p0 $0x1;
	_ =	sdelay $0x1  }
0xac: {  	s5 =	simm.s32 @p0 $0x1B8D  }
0xad: {  	_ =	swait.eq @p0 [sflag:s5], $0x1  }
0xae: {  	[sflag:s5] =	ssyncadd.s32 @p0 $0xFFFFFFFF  }
0xaf: {  	s6 =	sshll.u32 @!p0 s1, $0xE  }
0xb0: {  	s6 =	sor.u32 @!p0 $0x4000, s6;
	s5 =	simm.s32 @!p0 $0x1B8D  }
0xb1: {  	s4 =	sshll.u32 @!p0 s4, $0x11;
	s6 =	sadd.s32 @!p0 $0x11B8D, s6;
	_ =	swait.eq @!p0 [sflag:s5], $0x1  }
0xb2: {  	s4 =	sor.u32 @!p0 s4, s6;
	[sflag:s5] =	ssyncadd.s32 @!p0 $0xFFFFFFFF  }
0xb3: {  	s25 =	simm.s32 $0x1B8E;
	s24 =	sld [smem:$0x3FFE];
	[sflag:s4] =	ssyncadd.remote.s32 @!p0 $0x1  }
0xb4: {  	s26 =	simm.s32 $execute0_lowered;
	[smem:$0x3FD2] =	sst s25  }
0xb5: {  	s5 =	sshll.u32 s26, $0x1;
	_ =	strace $0x80000049;
	[dreg:$0x1] =	wrdreg $0xFFFFFFFF  }
0xb6: {  	s28 =	simm.s32 $_size_execute0_lowered;
	s3 =	sadd.s32 s3, s5;
	[dreg:$0x0] =	wrdreg $0x0  }
0xb7: {  	s5 =	sshll.u32 s28, $0x1;
	[dreg:$0x2] =	wrdreg s3  }
0xb8: {  	[dreg:$0x3] =	wrdreg s5  }
0xb9: {  	[dreg:$0x4] =	wrdreg $0xC0  }
0xba: {  	_ =	task [dreg:s22], $0x5FFFF  }
0xbb: {  	[dreg:$0x1] =	wrdreg $0xFFFFFFFF  }
0xbc: {  	[dreg:$0x0] =	wrdreg $0x60  }
0xbd: {  	[dreg:$0x2] =	wrdreg s24  }
0xbe: {  	[dreg:$0x3] =	wrdreg $0xA  }
0xbf: {  	_ =	task.clear_ibuf [dreg:s22], $0x4FFFF;
	_ =	strace $0x90000049  }
0xc0: {  	s29 =	simm.s32 $0xA;
	_ =	strace $0x8000004B  }
0xc1: {  	_ =	swait.ge [sflag:s29], $0x1  }
0xc2: {  	[sflag:s29] =	ssyncadd.s32 $0xFFFFFFFF  }
0xc3: {  	_ =	strace $0x9000004B  }
0xc4: {  	_ =	sfence  }
0xc5: {  	s30 =	sld [smem:$0x0];
	_ =	sdelay $0x2  }
0xc6: {  	s31 =	sshll.u32 s1, $0xD;
	s1 =	sshrl.u32 s1, $0x2  }
0xc7: {  	s4 =	sand.u32 $0x4000, s31;
	s1 =	sadd.s32 s1, s30  }
0xc8: {  	s0 =	sor.u32 s4, s0;
	s1 =	sshll.u32 s1, $0x11  }
0xc9: {  	s0 =	sor.u32 s1, s0  }
0xca: {  	s0 =	sadd.s32 $0x8F2B, s0  }
0xcb: {  	[sflag:s0] =	ssyncadd.remote.s32 $0x1  }
0xcc: {  	_ =	sfence.sel $0xFFFF  }
0xcd: {  	[dreg:$0x0] =	wrdreg $0xFFFFFFFF;
	(pc) =	sbr.abs _section_cstart, $3  }
0xce: {  	[dreg:$0x1] =	wrdreg $0xFFFFFFFF  }
0xcf: {  	_ =	task.clear_ibuf [dreg:s22], $0x2FFFF;
	_ =	strace $0x9FFFFFFF  }
0xd0: {  	(tm) =	ssettm $0x7FFFFFFF  }
0xd1: {  	_ =	shalt  }
tec
execute0_lowered:
.L_overlay_start_1:
0x0: {  	(tag) =	ssettag $0x1  }
0x1: {  	s1 =	srdreg.scid;
	s0 =	stileid.u32  }
0x2: {  	s10 =	sand.u32 $0x1, s1;
	s26 =	sshll.u32 s0, $0x1  }
0x3: {  	s8 =	sor.u32 s10, s26  }
0x4: {  	s9 =	rddreg [dreg:$0x0];
	s11 =	smul.u32 $0x680, s8  }
0x5: {  	s2 =	simm.s32 $0x0;
	s1 =	rddreg [dreg:$0x1]  }
0x6: {  	[smem:$0x7FF] =	sst s2;
	s12 =	sadd.s32 $0x85CC00, s9;
	s3 =	sshrl.u32 s11, $0x3  }
0x7: {  	_ =	strace $0x8000004A;
	s4 =	sadd.s32 s12, s3;
	s3 =	simm.s32 $0x2  }
0x8: {  	[tilespmem:s2], [sflag:$0x2] =	stream.linear.gather [hbm4b:s4+s2], $0x340, $0x38;
	[tilespmem:$0xD340] =	vst v63  }
0x9: {  	_ =	swait.ge [sflag:s3], $0x340  }
0xa: {  	s6 =	simm.s32 $0x340;
	[sflag:s3] =	ssyncset.done $0x0  }
0xb: {  	s7 =	simm.s32 $0x1;
	s5 =	sadd.s32 $0x5800, s9;
	[sflag:s3] =	ssyncadd.s32 $0xFFFFFCC0  }
0xc: {  	[tilespmem:s6], [sflag:$0x1] =	stream.indirect.gather [hbm4b:s5+s6], $0x40, s2, s6, $0xb8;
	[tilespmem:$0xD340] =	vst v63  }
0xd: {  	s8 =	smul.u32 $0x3400, s8;
	_ =	swait.ge [sflag:s7], $0xD000  }
0xe: {  	s13 =	sadd.s32 $0x868200, s9;
	[sflag:s7] =	ssyncset.done $0x0  }
0xf: {  	s8 =	sadd.s32 s13, s8;
	[sflag:s7] =	ssyncadd.s32 $0xFFFF3000  }
0x10: {  	[hbm4b:s8+s2] =	stream.linear.scatter [tilespmem:s6], [sflag:$0x2], $0xD000, $0x38;
	[tilespmem:$0xD340] =	vst v63  }
0x11: {  	s11 =	sadd.s32 $0x340, s11;
	_ =	swait.ge [sflag:s3], $0xD000  }
0x12: {  	s28 =	sshrl.u32 s11, $0x3;
	[sflag:s3] =	ssyncset.done $0x0  }
0x13: {  	s10 =	ssub.s32 $0x2, s10;
	s9 =	sadd.s32 s12, s28;
	[sflag:s3] =	ssyncadd.s32 $0xFFFF3000  }
0x14: {  	[tilespmem:s2], [sflag:$0x2] =	stream.linear.gather [hbm4b:s9+s2], $0x340, $0x38;
	[tilespmem:$0xD340] =	vst v63  }
0x15: {  	s29 =	sshrl.u32 s10, $0x1;
	_ =	swait.ge [sflag:s3], $0x340  }
0x16: {  	s12 =	ssub.s32 s10, s29;
	[sflag:s3] =	ssyncset.done $0x0  }
0x17: {  	s31 =	smax.u32 s12, $0x1;
	[sflag:s3] =	ssyncadd.s32 $0xFFFFFCC0  }
0x18: {  	[tilespmem:s6], [sflag:$0x1] =	stream.indirect.gather [hbm4b:s5+s6], $0x40, s2, s6, $0xb8;
	[tilespmem:$0xD340] =	vst v63  }
0x19: {  	p0 =	sne.s32 s31, $0x1;
	_ =	swait.ge [sflag:s7], $0xD000  }
.Ltmp0:
0x1a: {  	s30 =	sshll.u32 s11, $0x3;
	[sflag:s7] =	ssyncset.done $0x0;
	(pc) =	sbr.rel @!p0 .LBB2_2-.Ltmp0, $4  }
0x1b: {  	s10 =	sadd.s32 s13, s30;
	[sflag:s7] =	ssyncadd.s32 $0xFFFF3000  }
0x1c: {  	[hbm4b:s10+s2] =	stream.linear.scatter [tilespmem:s6], [sflag:$0x2], $0xD000, $0x38;
	[tilespmem:$0xD340] =	vst v63  }
0x1d: {  	_ =	swait.ge [sflag:s3], $0xD000  }
0x1e: {  	s11 =	sadd.s32 $0xFFFFFFFF, s31;
	[sflag:s3] =	ssyncset.done $0x0  }
.LBB2_1:
0x1f: {  	p0 =	sne.s32 s11, $0x1;
	s11 =	sadd.s32 $0xFFFFFFFF, s11;
	[sflag:s3] =	ssyncadd.s32 $0xFFFF3000  }
0x20: {  	[tilespmem:s2], [sflag:$0x2] =	stream.linear.gather [hbm4b:s4+s2], $0x340, $0x38;
	[tilespmem:$0xD340] =	vst v63  }
0x21: {  	_ =	swait.ge [sflag:s3], $0x340  }
0x22: {  	[sflag:s3] =	ssyncset.done $0x0  }
0x23: {  	[sflag:s3] =	ssyncadd.s32 $0xFFFFFCC0  }
0x24: {  	[tilespmem:s6], [sflag:$0x1] =	stream.indirect.gather [hbm4b:s5+s6], $0x40, s2, s6, $0xb8;
	[tilespmem:$0xD340] =	vst v63  }
0x25: {  	_ =	swait.ge [sflag:s7], $0xD000  }
0x26: {  	[sflag:s7] =	ssyncset.done $0x0  }
0x27: {  	[sflag:s7] =	ssyncadd.s32 $0xFFFF3000  }
0x28: {  	[hbm4b:s8+s2] =	stream.linear.scatter [tilespmem:s6], [sflag:$0x2], $0xD000, $0x38;
	[tilespmem:$0xD340] =	vst v63  }
0x29: {  	_ =	swait.ge [sflag:s3], $0xD000  }
0x2a: {  	[sflag:s3] =	ssyncset.done $0x0  }
0x2b: {  	[sflag:s3] =	ssyncadd.s32 $0xFFFF3000  }
0x2c: {  	[tilespmem:s2], [sflag:$0x2] =	stream.linear.gather [hbm4b:s9+s2], $0x340, $0x38;
	[tilespmem:$0xD340] =	vst v63  }
0x2d: {  	_ =	swait.ge [sflag:s3], $0x340  }
0x2e: {  	[sflag:s3] =	ssyncset.done $0x0  }
0x2f: {  	[sflag:s3] =	ssyncadd.s32 $0xFFFFFCC0  }
0x30: {  	[tilespmem:s6], [sflag:$0x1] =	stream.indirect.gather [hbm4b:s5+s6], $0x40, s2, s6, $0xb8;
	[tilespmem:$0xD340] =	vst v63  }
0x31: {  	_ =	swait.ge [sflag:s7], $0xD000  }
.Ltmp1:
0x32: {  	[sflag:s7] =	ssyncset.done $0x0;
	(pc) =	sbr.rel @p0 .LBB2_1-.Ltmp1, $4  }
0x33: {  	[sflag:s7] =	ssyncadd.s32 $0xFFFF3000  }
0x34: {  	[hbm4b:s10+s2] =	stream.linear.scatter [tilespmem:s6], [sflag:$0x2], $0xD000, $0x38;
	[tilespmem:$0xD340] =	vst v63  }
0x35: {  	_ =	swait.ge [sflag:s3], $0xD000  }
0x36: {  	[sflag:s3] =	ssyncset.done $0x0  }
.LBB2_2:
0x37: {  	[sflag:s3] =	ssyncadd.s32 $0xFFFF3000  }
0x38: {  	_ =	sfence.sel $0x180000  }
0x39: {  	[bflag:$0x0] =	sbarrier.arrive $0xFFFF  }
0x3a: {  	p0 =	sne.s32 s0, $0x0;
	_ =	strace $0x9000004A  }
0x3b: {  	s0 =	sadd.s32 @!p0 $0x100000, s1;
	[bflag:$0x2] =	sbarrier.arrive $0xFFFF  }
0x3c: {  	[sflag:s0] =	ssyncadd.tile.s32 @!p0 $0x1;
	_ =	shalt  }
.Lfunc_end2:
_tile_overlayer_lowered:
.L_overlay_start_2:
0x3d: {  	(tag) =	ssettag $0x2  }
0x3e: {  	s0 =	rddreg [dreg:$0x0];
	s2 =	stileid.u32  }
0x3f: {  	s1 =	rddreg [dreg:$0x1];
	p0 =	sne.s32 s2, $0x0  }
0x40: {  	s3 =	rddreg [dreg:$0x2];
	[bflag:$0x3] =	sbarrier.arrive $0xFFFF;
	s2 =	simm.s32 @!p0 $0x1C02  }
0x41: {  	[timem:s3], [sflag:s2] =	dma.local @!p0 [hbm:s0], s1  }
0x42: {  	s0 =	simm.s32 @!p0 $0x2  }
0x43: {  	_ =	swait.ge @!p0 [sflag:s0], s1  }
0x44: {  	s1 =	ssub.s32 @!p0 $0x0, s1;
	[sflag:s0] =	ssyncset.done @!p0 $0x0  }
0x45: {  	[sflag:s0] =	ssyncadd.s32 @!p0 s1  }
0x46: {  	[bflag:$0x3] =	sbarrier.arrive $0xFFFF  }
0x47: {  	_ =	shalt  }

// kernel: kernel.25.cloned.1.call-start
scs
__scs_entry_jumppad:
0x0: {  	(pc) =	sbr.rel $0x88, $3  }
0x1: {  	(tag) =	ssettag $0x0;
	lr =	simm.s32 $0x1  }
0x2: {  	[smem:$0x3F9A] =	sst lr;
	_ =	strace $0xD0000000  }
0x3: {  	_ = 	snop  }
0x4: {  	_ = 	snop  }
0x5: {  	_ = 	snop  }
0x6: {  	_ = 	snop  }
0x7: {  	_ = 	snop  }
__scs_overlays_trampoline_lowered:
0x8: {  	[smem:$0x3FA9] =	sst s0  }
0x9: {  	[smem:$0x3FAA] =	sst s1  }
0xa: {  	[smem:$0x3FAB] =	sst s2  }
0xb: {  	[smem:$0x3FAC] =	sst s3  }
0xc: {  	[smem:$0x3FAD] =	sst s4  }
0xd: {  	[smem:$0x3FAE] =	sst s5  }
0xe: {  	[smem:$0x3FAF] =	sst s6  }
0xf: {  	[smem:$0x3FB0] =	sst s7  }
0x10: {  	[smem:$0x3FB1] =	sst s8  }
0x11: {  	[smem:$0x3FB2] =	sst s9;
	s0 =	simm.s32 @!p0 $0x0  }
0x12: {  	s1 =	sld [smem:$0x3F98];
	s0 =	simm.s32 @p0 $0x1  }
0x13: {  	[smem:$0x3FB3] =	sst s0;
	s0 =	simm.s32 @!p1 $0x0  }
0x14: {  	s2 =	sld [smem:$0x3F97];
	s0 =	simm.s32 @p1 $0x1  }
0x15: {  	[smem:$0x3FB4] =	sst s0;
	s0 =	simm.s32 @!p2 $0x0  }
0x16: {  	s3 =	sld [smem:$0x3FDB];
	s0 =	simm.s32 @p2 $0x1  }
0x17: {  	s4 =	simm.s32 $0x1BF5;
	[smem:$0x3FB6] =	sst s0  }
0x18: {  	s0 =	sld [smem:$0x3F99];
	_ =	swait.ge [sflag:s4], $0x0  }
0x19: {  	s7 =	sld [smem:$0x3F9A]  }
0x1a: {  	s8 =	sadd.s32 $0xFFFFE003, lr  }
0x1b: {  	s9 =	sadd.s32 $0xFFFFFEF7, lr;
	s5 =	simm.s32 $0xFFFFFFFF;
	p2 =	slt.u32 s8, $0xFFFFF086  }
0x1c: {  	p1 =	slt.u32 s9, $0xF7A;
	s5 =	simm.s32 @!p2 $0x0  }
0x1d: {  	s5 =	simm.s32 @p1 $0x1;
	p0 =	seq.s32 s7, s2  }
0x1e: {  	s7 =	smul.u32 @!p0 $0xF7A, s2;
	p2 =	seq.s32 @!p0 s5, $0x0  }
0x1f: {  	s9 =	smul.u32 $0xF7A, s1;
	s8 =	simm.s32 @!p0 $0x1BF5;
	p2 =	por !p2, p0  }
0x20: {  	[sflag:s8] =	ssyncset.s32 @!p0 $0xFFFFF086;
	s6 =	sadd.s32 @!p0 s3, s7;
	s7 =	simm.s32 @!p0 $0x108  }
0x21: {  	s3 =	sadd.s32 s3, s9;
	s6 =	sadd.s32 @!p0 $0x88, s6;
	s7 =	simm.s32 @p2 $0x1082  }
0x22: {  	[simem:s7], [sflag:s8] =	dma.local @!p0 [hbm:s6], $0xF7A  }
0x23: {  	s9 =	sor.u32 $0xD0000000, s2;
	s6 =	simm.s32 $0x108;
	_ =	swait.ge @!p0 [sflag:s8], $0x0  }
0x24: {  	s3 =	sadd.s32 $0x88, s3;
	s6 =	simm.s32 @!p1 $0x1082;
	[sflag:s4] =	ssyncset.s32 $0xFFFFF086  }
0x25: {  	[simem:s6], [sflag:s4] =	dma.local [hbm:s3], $0xF7A  }
0x26: {  	[smem:$0x3F9A] =	sst s1;
	(tag) =	ssettag s2;
	_ =	strace s9  }
0x27: {  	s1 =	sld [smem:$0x3FAA]  }
0x28: {  	s2 =	sld [smem:$0x3FAB]  }
0x29: {  	s4 =	sld [smem:$0x3FAD]  }
0x2a: {  	p0 =	seq.s32 s5, $0x0;
	s5 =	sld [smem:$0x3FAE]  }
0x2b: {  	s6 =	sld [smem:$0x3FAF]  }
0x2c: {  	s7 =	sld [smem:$0x3FB0]  }
0x2d: {  	s3 =	simm.s32 $0x108;
	s8 =	sld [smem:$0x3FB1]  }
0x2e: {  	s3 =	simm.s32 @!p0 $0x1082;
	s9 =	sld [smem:$0x3FB2]  }
0x2f: {  	lr =	sadd.s32 s0, s3;
	s0 =	sld [smem:$0x3FA9]  }
0x30: {  	s3 =	sld [smem:$0x3FAC]  }
0x31: {  	[smem:$0x3FB5] =	sst s10  }
0x32: {  	s10 =	sld [smem:$0x3FB3];
	_ =	sdelay $0x3  }
0x33: {  	p0 =	seq.s32 s10, $0x1;
	s10 =	sld [smem:$0x3FB5];
	_ =	sdelay $0x3  }
0x34: {  	[smem:$0x3FB5] =	sst s10  }
0x35: {  	s10 =	sld [smem:$0x3FB4];
	_ =	sdelay $0x3  }
0x36: {  	p1 =	seq.s32 s10, $0x1;
	s10 =	sld [smem:$0x3FB5];
	_ =	sdelay $0x3  }
0x37: {  	[smem:$0x3FB5] =	sst s10  }
0x38: {  	s10 =	sld [smem:$0x3FB6]  }
0x39: {  	_ = 	snop;
	(pc) =	sbr.ind lr, $3  }
0x3a: {  	_ = 	snop  }
0x3b: {  	_ = 	snop  }
0x3c: {  	p2 =	seq.s32 s10, $0x1;
	s10 =	sld [smem:$0x3FB5]  }
0x3d: {  	_ =	shalt  }
0x3e: {  	_ =	shalt  }
0x3f: {  	_ =	shalt  }
0x40: {  	_ =	shalt  }
0x41: {  	_ =	shalt  }
0x42: {  	_ =	shalt  }
0x43: {  	_ =	shalt  }
0x44: {  	_ =	shalt  }
0x45: {  	_ =	shalt  }
0x46: {  	_ =	shalt  }
0x47: {  	_ =	shalt  }
0x48: {  	_ =	shalt  }
0x49: {  	_ =	shalt  }
0x4a: {  	_ =	shalt  }
0x4b: {  	_ =	shalt  }
0x4c: {  	_ =	shalt  }
0x4d: {  	_ =	shalt  }
0x4e: {  	_ =	shalt  }
0x4f: {  	_ =	shalt  }
0x50: {  	_ =	shalt  }
0x51: {  	_ =	shalt  }
0x52: {  	_ =	shalt  }
0x53: {  	_ =	shalt  }
0x54: {  	_ =	shalt  }
0x55: {  	_ =	shalt  }
0x56: {  	_ =	shalt  }
0x57: {  	_ =	shalt  }
0x58: {  	_ =	shalt  }
0x59: {  	_ =	shalt  }
0x5a: {  	_ =	shalt  }
0x5b: {  	_ =	shalt  }
0x5c: {  	_ =	shalt  }
0x5d: {  	_ =	shalt  }
0x5e: {  	_ =	shalt  }
0x5f: {  	_ =	shalt  }
0x60: {  	_ =	shalt  }
0x61: {  	_ =	shalt  }
0x62: {  	_ =	shalt  }
0x63: {  	_ =	shalt  }
0x64: {  	_ =	shalt  }
0x65: {  	_ =	shalt  }
0x66: {  	_ =	shalt  }
0x67: {  	_ =	shalt  }
0x68: {  	_ =	shalt  }
0x69: {  	_ =	shalt  }
0x6a: {  	_ =	shalt  }
0x6b: {  	_ =	shalt  }
0x6c: {  	_ =	shalt  }
0x6d: {  	_ =	shalt  }
0x6e: {  	_ =	shalt  }
0x6f: {  	_ =	shalt  }
0x70: {  	_ =	shalt  }
0x71: {  	_ =	shalt  }
0x72: {  	_ =	shalt  }
0x73: {  	_ =	shalt  }
0x74: {  	_ =	shalt  }
0x75: {  	_ =	shalt  }
0x76: {  	_ =	shalt  }
0x77: {  	_ =	shalt  }
0x78: {  	_ =	shalt  }
0x79: {  	_ =	shalt  }
0x7a: {  	_ =	shalt  }
0x7b: {  	_ =	shalt  }
0x7c: {  	_ =	shalt  }
0x7d: {  	_ =	shalt  }
0x7e: {  	_ =	shalt  }
0x7f: {  	_ =	shalt  }
0x80: {  	_ =	shalt  }
0x81: {  	_ =	shalt  }
0x82: {  	_ =	shalt  }
0x83: {  	_ =	shalt  }
0x84: {  	_ =	shalt  }
0x85: {  	_ =	shalt  }
0x86: {  	_ =	shalt  }
0x87: {  	_ =	shalt  }
.Lfunc_end0:
.L_simem_size_0:
called_computation.2_lowered:
.L_overlay_start_0:
0x88: {  	s2 =	sld [smem:$0x3FD9]  }
0x89: {  	s3 =	sld [smem:$0x3FFE];
	_ =	sdelay $0x1  }
0x8a: {  	s1 =	srdreg.scid  }
0x8b: {  	s0 =	sand.u32 $0x1, s1  }
0x8c: {  	s17 =	sshll.u32 s0, $0xA;
	s2 =	sadd.s32 s3, s2  }
0x8d: {  	s2 =	sadd.s32 s2, s17  }
0x8e: {  	[smem:$0x3FC1] =	sst s2  }
0x8f: {  	_ = 	snop  }
0x90: {  	(tm) =	ssettm $0x1  }
0x91: {  	s18 =	sld [smem:$0x3FFB];
	_ =	sdelay $0x3  }
0x92: {  	_ =	strace s18  }
0x93: {  	s2 =	sld [smem:$0x3FFC];
	_ =	sdelay $0x3  }
0x94: {  	_ =	strace s2  }
0x95: {  	s2 =	sld [smem:$0x3FFD];
	_ =	sdelay $0x3  }
0x96: {  	_ =	strace s2  }
0x97: {  	_ =	strace $0x8FFFFFFF  }
0x98: {  	s19 =	sld [smem:$0x3FDB];
	_ =	sdelay $0x1  }
0x99: {  	s20 =	simm.s32 $_scs_section_size  }
0x9a: {  	s4 =	simm.s32 $_size__tile_overlayer_lowered;
	s5 =	simm.s32 $_tile_overlayer_lowered  }
0x9b: {  	s6 =	simm.s32 $0x1BFF;
	s21 =	sshll.u32 s5, $0x1;
	s3 =	sadd.s32 s20, s19  }
0x9c: {  	s22 =	simm.s32 $0x0;
	s4 =	sshll.u32 s4, $0x1;
	s5 =	sadd.s32 s21, s3  }
0x9d: {  	[timem:s22], [sflag:s6] =	dma.local [hbm:s5], s4  }
0x9e: {  	_ =	swait.ge [sflag:s6], s4  }
0x9f: {  	s4 =	ssub.s32 $0x0, s4;
	[sflag:s6] =	ssyncset.done $0x0  }
0xa0: {  	[sflag:s6] =	ssyncadd.s32 s4;
	_ =	sdelay $0x1  }
0xa1: {  	s23 =	simm.s32 $0x1B8B  }
0xa2: {  	_ =	swait.ge [sflag:s23], $0x1  }
0xa3: {  	[sflag:s23] =	ssyncset.done $0x0  }
0xa4: {  	[sflag:s23] =	ssyncadd.s32 $0xFFFFFFFF  }
0xa5: {  	s4 =	sld [smem:$0x0]  }
0xa6: {  	s5 =	sand.u32 $0xFFFFFFFE, s1  }
0xa7: {  	p0 =	sne.s32 s1, s5  }
0xa8: {  	s5 =	sshll.u32 @p0 s5, $0xE  }
0xa9: {  	s5 =	sadd.s32 @p0 $0x11B8D, s5;
	s6 =	sshll.u32 @p0 s4, $0x11  }
0xaa: {  	s5 =	sor.u32 @p0 s6, s5  }
0xab: {  	[sflag:s5] =	ssyncadd.remote.s32 @p0 $0x1;
	_ =	sdelay $0x1  }
0xac: {  	s5 =	simm.s32 @p0 $0x1B8D  }
0xad: {  	_ =	swait.eq @p0 [sflag:s5], $0x1  }
0xae: {  	[sflag:s5] =	ssyncadd.s32 @p0 $0xFFFFFFFF  }
0xaf: {  	s6 =	sshll.u32 @!p0 s1, $0xE  }
0xb0: {  	s6 =	sor.u32 @!p0 $0x4000, s6;
	s5 =	simm.s32 @!p0 $0x1B8D  }
0xb1: {  	s4 =	sshll.u32 @!p0 s4, $0x11;
	s6 =	sadd.s32 @!p0 $0x11B8D, s6;
	_ =	swait.eq @!p0 [sflag:s5], $0x1  }
0xb2: {  	s4 =	sor.u32 @!p0 s4, s6;
	[sflag:s5] =	ssyncadd.s32 @!p0 $0xFFFFFFFF  }
0xb3: {  	s25 =	simm.s32 $0x1B8E;
	s24 =	sld [smem:$0x3FFE];
	[sflag:s4] =	ssyncadd.remote.s32 @!p0 $0x1  }
0xb4: {  	s26 =	simm.s32 $execute0_lowered;
	[smem:$0x3FD2] =	sst s25  }
0xb5: {  	s5 =	sshll.u32 s26, $0x1;
	_ =	strace $0x8000004C;
	[dreg:$0x1] =	wrdreg $0xFFFFFFFF  }
0xb6: {  	s28 =	simm.s32 $_size_execute0_lowered;
	s3 =	sadd.s32 s3, s5;
	[dreg:$0x0] =	wrdreg $0x0  }
0xb7: {  	s5 =	sshll.u32 s28, $0x1;
	[dreg:$0x2] =	wrdreg s3  }
0xb8: {  	[dreg:$0x3] =	wrdreg s5  }
0xb9: {  	[dreg:$0x4] =	wrdreg $0xC0  }
0xba: {  	_ =	task [dreg:s22], $0x5FFFF  }
0xbb: {  	[dreg:$0x1] =	wrdreg $0xFFFFFFFF  }
0xbc: {  	[dreg:$0x0] =	wrdreg $0x60  }
0xbd: {  	[dreg:$0x2] =	wrdreg s24  }
0xbe: {  	[dreg:$0x3] =	wrdreg $0xB  }
0xbf: {  	_ =	task.clear_ibuf [dreg:s22], $0x4FFFF;
	_ =	strace $0x9000004C  }
0xc0: {  	s29 =	simm.s32 $0xB;
	_ =	strace $0x8000004E  }
0xc1: {  	_ =	swait.ge [sflag:s29], $0x1  }
0xc2: {  	[sflag:s29] =	ssyncadd.s32 $0xFFFFFFFF  }
0xc3: {  	_ =	strace $0x9000004E  }
0xc4: {  	_ =	sfence  }
0xc5: {  	s30 =	sld [smem:$0x0];
	_ =	sdelay $0x2  }
0xc6: {  	s31 =	sshll.u32 s1, $0xD;
	s1 =	sshrl.u32 s1, $0x2  }
0xc7: {  	s4 =	sand.u32 $0x4000, s31;
	s1 =	sadd.s32 s1, s30  }
0xc8: {  	s0 =	sor.u32 s4, s0;
	s1 =	sshll.u32 s1, $0x11  }
0xc9: {  	s0 =	sor.u32 s1, s0  }
0xca: {  	s0 =	sadd.s32 $0x8F2B, s0  }
0xcb: {  	[sflag:s0] =	ssyncadd.remote.s32 $0x1  }
0xcc: {  	_ =	sfence.sel $0xFFFF  }
0xcd: {  	[dreg:$0x0] =	wrdreg $0xFFFFFFFF;
	(pc) =	sbr.abs _section_cstart, $3  }
0xce: {  	[dreg:$0x1] =	wrdreg $0xFFFFFFFF  }
0xcf: {  	_ =	task.clear_ibuf [dreg:s22], $0x2FFFF;
	_ =	strace $0x9FFFFFFF  }
0xd0: {  	(tm) =	ssettm $0x7FFFFFFF  }
0xd1: {  	_ =	shalt  }
tec
execute0_lowered:
.L_overlay_start_1:
0x0: {  	(tag) =	ssettag $0x1  }
0x1: {  	s1 =	srdreg.scid;
	s0 =	stileid.u32  }
0x2: {  	s10 =	sand.u32 $0x1, s1;
	s26 =	sshll.u32 s0, $0x1  }
0x3: {  	s8 =	sor.u32 s10, s26  }
0x4: {  	s9 =	rddreg [dreg:$0x0];
	s11 =	smul.u32 $0x680, s8  }
0x5: {  	s2 =	simm.s32 $0x0;
	s1 =	rddreg [dreg:$0x1]  }
0x6: {  	[smem:$0x7FF] =	sst s2;
	s12 =	sadd.s32 $0x85E600, s9;
	s3 =	sshrl.u32 s11, $0x3  }
0x7: {  	_ =	strace $0x8000004D;
	s4 =	sadd.s32 s12, s3;
	s3 =	simm.s32 $0x2  }
0x8: {  	[tilespmem:s2], [sflag:$0x2] =	stream.linear.gather [hbm4b:s4+s2], $0x340, $0x38;
	[tilespmem:$0xD340] =	vst v63  }
0x9: {  	_ =	swait.ge [sflag:s3], $0x340  }
0xa: {  	s6 =	simm.s32 $0x340;
	[sflag:s3] =	ssyncset.done $0x0  }
0xb: {  	s7 =	simm.s32 $0x1;
	s5 =	sadd.s32 $0x5800, s9;
	[sflag:s3] =	ssyncadd.s32 $0xFFFFFCC0  }
0xc: {  	[tilespmem:s6], [sflag:$0x1] =	stream.indirect.gather [hbm4b:s5+s6], $0x40, s2, s6, $0xb8;
	[tilespmem:$0xD340] =	vst v63  }
0xd: {  	s8 =	smul.u32 $0x3400, s8;
	_ =	swait.ge [sflag:s7], $0xD000  }
0xe: {  	s13 =	sadd.s32 $0x8D0200, s9;
	[sflag:s7] =	ssyncset.done $0x0  }
0xf: {  	s8 =	sadd.s32 s13, s8;
	[sflag:s7] =	ssyncadd.s32 $0xFFFF3000  }
0x10: {  	[hbm4b:s8+s2] =	stream.linear.scatter [tilespmem:s6], [sflag:$0x2], $0xD000, $0x38;
	[tilespmem:$0xD340] =	vst v63  }
0x11: {  	s11 =	sadd.s32 $0x340, s11;
	_ =	swait.ge [sflag:s3], $0xD000  }
0x12: {  	s28 =	sshrl.u32 s11, $0x3;
	[sflag:s3] =	ssyncset.done $0x0  }
0x13: {  	s10 =	ssub.s32 $0x2, s10;
	s9 =	sadd.s32 s12, s28;
	[sflag:s3] =	ssyncadd.s32 $0xFFFF3000  }
0x14: {  	[tilespmem:s2], [sflag:$0x2] =	stream.linear.gather [hbm4b:s9+s2], $0x340, $0x38;
	[tilespmem:$0xD340] =	vst v63  }
0x15: {  	s29 =	sshrl.u32 s10, $0x1;
	_ =	swait.ge [sflag:s3], $0x340  }
0x16: {  	s12 =	ssub.s32 s10, s29;
	[sflag:s3] =	ssyncset.done $0x0  }
0x17: {  	s31 =	smax.u32 s12, $0x1;
	[sflag:s3] =	ssyncadd.s32 $0xFFFFFCC0  }
0x18: {  	[tilespmem:s6], [sflag:$0x1] =	stream.indirect.gather [hbm4b:s5+s6], $0x40, s2, s6, $0xb8;
	[tilespmem:$0xD340] =	vst v63  }
0x19: {  	p0 =	sne.s32 s31, $0x1;
	_ =	swait.ge [sflag:s7], $0xD000  }
.Ltmp0:
0x1a: {  	s30 =	sshll.u32 s11, $0x3;
	[sflag:s7] =	ssyncset.done $0x0;
	(pc) =	sbr.rel @!p0 .LBB2_2-.Ltmp0, $4  }
0x1b: {  	s10 =	sadd.s32 s13, s30;
	[sflag:s7] =	ssyncadd.s32 $0xFFFF3000  }
0x1c: {  	[hbm4b:s10+s2] =	stream.linear.scatter [tilespmem:s6], [sflag:$0x2], $0xD000, $0x38;
	[tilespmem:$0xD340] =	vst v63  }
0x1d: {  	_ =	swait.ge [sflag:s3], $0xD000  }
0x1e: {  	s11 =	sadd.s32 $0xFFFFFFFF, s31;
	[sflag:s3] =	ssyncset.done $0x0  }
.LBB2_1:
0x1f: {  	p0 =	sne.s32 s11, $0x1;
	s11 =	sadd.s32 $0xFFFFFFFF, s11;
	[sflag:s3] =	ssyncadd.s32 $0xFFFF3000  }
0x20: {  	[tilespmem:s2], [sflag:$0x2] =	stream.linear.gather [hbm4b:s4+s2], $0x340, $0x38;
	[tilespmem:$0xD340] =	vst v63  }
0x21: {  	_ =	swait.ge [sflag:s3], $0x340  }
0x22: {  	[sflag:s3] =	ssyncset.done $0x0  }
0x23: {  	[sflag:s3] =	ssyncadd.s32 $0xFFFFFCC0  }
0x24: {  	[tilespmem:s6], [sflag:$0x1] =	stream.indirect.gather [hbm4b:s5+s6], $0x40, s2, s6, $0xb8;
	[tilespmem:$0xD340] =	vst v63  }
0x25: {  	_ =	swait.ge [sflag:s7], $0xD000  }
0x26: {  	[sflag:s7] =	ssyncset.done $0x0  }
0x27: {  	[sflag:s7] =	ssyncadd.s32 $0xFFFF3000  }
0x28: {  	[hbm4b:s8+s2] =	stream.linear.scatter [tilespmem:s6], [sflag:$0x2], $0xD000, $0x38;
	[tilespmem:$0xD340] =	vst v63  }
0x29: {  	_ =	swait.ge [sflag:s3], $0xD000  }
0x2a: {  	[sflag:s3] =	ssyncset.done $0x0  }
0x2b: {  	[sflag:s3] =	ssyncadd.s32 $0xFFFF3000  }
0x2c: {  	[tilespmem:s2], [sflag:$0x2] =	stream.linear.gather [hbm4b:s9+s2], $0x340, $0x38;
	[tilespmem:$0xD340] =	vst v63  }
0x2d: {  	_ =	swait.ge [sflag:s3], $0x340  }
0x2e: {  	[sflag:s3] =	ssyncset.done $0x0  }
0x2f: {  	[sflag:s3] =	ssyncadd.s32 $0xFFFFFCC0  }
0x30: {  	[tilespmem:s6], [sflag:$0x1] =	stream.indirect.gather [hbm4b:s5+s6], $0x40, s2, s6, $0xb8;
	[tilespmem:$0xD340] =	vst v63  }
0x31: {  	_ =	swait.ge [sflag:s7], $0xD000  }
.Ltmp1:
0x32: {  	[sflag:s7] =	ssyncset.done $0x0;
	(pc) =	sbr.rel @p0 .LBB2_1-.Ltmp1, $4  }
0x33: {  	[sflag:s7] =	ssyncadd.s32 $0xFFFF3000  }
0x34: {  	[hbm4b:s10+s2] =	stream.linear.scatter [tilespmem:s6], [sflag:$0x2], $0xD000, $0x38;
	[tilespmem:$0xD340] =	vst v63  }
0x35: {  	_ =	swait.ge [sflag:s3], $0xD000  }
0x36: {  	[sflag:s3] =	ssyncset.done $0x0  }
.LBB2_2:
0x37: {  	[sflag:s3] =	ssyncadd.s32 $0xFFFF3000  }
0x38: {  	_ =	sfence.sel $0x180000  }
0x39: {  	[bflag:$0x0] =	sbarrier.arrive $0xFFFF  }
0x3a: {  	p0 =	sne.s32 s0, $0x0;
	_ =	strace $0x9000004D  }
0x3b: {  	s0 =	sadd.s32 @!p0 $0x100000, s1;
	[bflag:$0x2] =	sbarrier.arrive $0xFFFF  }
0x3c: {  	[sflag:s0] =	ssyncadd.tile.s32 @!p0 $0x1;
	_ =	shalt  }
.Lfunc_end2:
_tile_overlayer_lowered:
.L_overlay_start_2:
0x3d: {  	(tag) =	ssettag $0x2  }
0x3e: {  	s0 =	rddreg [dreg:$0x0];
	s2 =	stileid.u32  }
0x3f: {  	s1 =	rddreg [dreg:$0x1];
	p0 =	sne.s32 s2, $0x0  }
0x40: {  	s3 =	rddreg [dreg:$0x2];
	[bflag:$0x3] =	sbarrier.arrive $0xFFFF;
	s2 =	simm.s32 @!p0 $0x1C02  }
0x41: {  	[timem:s3], [sflag:s2] =	dma.local @!p0 [hbm:s0], s1  }
0x42: {  	s0 =	simm.s32 @!p0 $0x2  }
0x43: {  	_ =	swait.ge @!p0 [sflag:s0], s1  }
0x44: {  	s1 =	ssub.s32 @!p0 $0x0, s1;
	[sflag:s0] =	ssyncset.done @!p0 $0x0  }
0x45: {  	[sflag:s0] =	ssyncadd.s32 @!p0 s1  }
0x46: {  	[bflag:$0x3] =	sbarrier.arrive $0xFFFF  }
0x47: {  	_ =	shalt  }

// kernel: kernel.28.cloned.1.call-start
scs
__scs_entry_jumppad:
0x0: {  	(pc) =	sbr.rel $0x88, $3  }
0x1: {  	(tag) =	ssettag $0x0;
	lr =	simm.s32 $0x1  }
0x2: {  	[smem:$0x3F9A] =	sst lr;
	_ =	strace $0xD0000000  }
0x3: {  	_ = 	snop  }
0x4: {  	_ = 	snop  }
0x5: {  	_ = 	snop  }
0x6: {  	_ = 	snop  }
0x7: {  	_ = 	snop  }
__scs_overlays_trampoline_lowered:
0x8: {  	[smem:$0x3FA9] =	sst s0  }
0x9: {  	[smem:$0x3FAA] =	sst s1  }
0xa: {  	[smem:$0x3FAB] =	sst s2  }
0xb: {  	[smem:$0x3FAC] =	sst s3  }
0xc: {  	[smem:$0x3FAD] =	sst s4  }
0xd: {  	[smem:$0x3FAE] =	sst s5  }
0xe: {  	[smem:$0x3FAF] =	sst s6  }
0xf: {  	[smem:$0x3FB0] =	sst s7  }
0x10: {  	[smem:$0x3FB1] =	sst s8  }
0x11: {  	[smem:$0x3FB2] =	sst s9;
	s0 =	simm.s32 @!p0 $0x0  }
0x12: {  	s1 =	sld [smem:$0x3F98];
	s0 =	simm.s32 @p0 $0x1  }
0x13: {  	[smem:$0x3FB3] =	sst s0;
	s0 =	simm.s32 @!p1 $0x0  }
0x14: {  	s2 =	sld [smem:$0x3F97];
	s0 =	simm.s32 @p1 $0x1  }
0x15: {  	[smem:$0x3FB4] =	sst s0;
	s0 =	simm.s32 @!p2 $0x0  }
0x16: {  	s3 =	sld [smem:$0x3FDB];
	s0 =	simm.s32 @p2 $0x1  }
0x17: {  	s4 =	simm.s32 $0x1BF5;
	[smem:$0x3FB6] =	sst s0  }
0x18: {  	s0 =	sld [smem:$0x3F99];
	_ =	swait.ge [sflag:s4], $0x0  }
0x19: {  	s7 =	sld [smem:$0x3F9A]  }
0x1a: {  	s8 =	sadd.s32 $0xFFFFE003, lr  }
0x1b: {  	s9 =	sadd.s32 $0xFFFFFEF7, lr;
	s5 =	simm.s32 $0xFFFFFFFF;
	p2 =	slt.u32 s8, $0xFFFFF086  }
0x1c: {  	p1 =	slt.u32 s9, $0xF7A;
	s5 =	simm.s32 @!p2 $0x0  }
0x1d: {  	s5 =	simm.s32 @p1 $0x1;
	p0 =	seq.s32 s7, s2  }
0x1e: {  	s7 =	smul.u32 @!p0 $0xF7A, s2;
	p2 =	seq.s32 @!p0 s5, $0x0  }
0x1f: {  	s9 =	smul.u32 $0xF7A, s1;
	s8 =	simm.s32 @!p0 $0x1BF5;
	p2 =	por !p2, p0  }
0x20: {  	[sflag:s8] =	ssyncset.s32 @!p0 $0xFFFFF086;
	s6 =	sadd.s32 @!p0 s3, s7;
	s7 =	simm.s32 @!p0 $0x108  }
0x21: {  	s3 =	sadd.s32 s3, s9;
	s6 =	sadd.s32 @!p0 $0x88, s6;
	s7 =	simm.s32 @p2 $0x1082  }
0x22: {  	[simem:s7], [sflag:s8] =	dma.local @!p0 [hbm:s6], $0xF7A  }
0x23: {  	s9 =	sor.u32 $0xD0000000, s2;
	s6 =	simm.s32 $0x108;
	_ =	swait.ge @!p0 [sflag:s8], $0x0  }
0x24: {  	s3 =	sadd.s32 $0x88, s3;
	s6 =	simm.s32 @!p1 $0x1082;
	[sflag:s4] =	ssyncset.s32 $0xFFFFF086  }
0x25: {  	[simem:s6], [sflag:s4] =	dma.local [hbm:s3], $0xF7A  }
0x26: {  	[smem:$0x3F9A] =	sst s1;
	(tag) =	ssettag s2;
	_ =	strace s9  }
0x27: {  	s1 =	sld [smem:$0x3FAA]  }
0x28: {  	s2 =	sld [smem:$0x3FAB]  }
0x29: {  	s4 =	sld [smem:$0x3FAD]  }
0x2a: {  	p0 =	seq.s32 s5, $0x0;
	s5 =	sld [smem:$0x3FAE]  }
0x2b: {  	s6 =	sld [smem:$0x3FAF]  }
0x2c: {  	s7 =	sld [smem:$0x3FB0]  }
0x2d: {  	s3 =	simm.s32 $0x108;
	s8 =	sld [smem:$0x3FB1]  }
0x2e: {  	s3 =	simm.s32 @!p0 $0x1082;
	s9 =	sld [smem:$0x3FB2]  }
0x2f: {  	lr =	sadd.s32 s0, s3;
	s0 =	sld [smem:$0x3FA9]  }
0x30: {  	s3 =	sld [smem:$0x3FAC]  }
0x31: {  	[smem:$0x3FB5] =	sst s10  }
0x32: {  	s10 =	sld [smem:$0x3FB3];
	_ =	sdelay $0x3  }
0x33: {  	p0 =	seq.s32 s10, $0x1;
	s10 =	sld [smem:$0x3FB5];
	_ =	sdelay $0x3  }
0x34: {  	[smem:$0x3FB5] =	sst s10  }
0x35: {  	s10 =	sld [smem:$0x3FB4];
	_ =	sdelay $0x3  }
0x36: {  	p1 =	seq.s32 s10, $0x1;
	s10 =	sld [smem:$0x3FB5];
	_ =	sdelay $0x3  }
0x37: {  	[smem:$0x3FB5] =	sst s10  }
0x38: {  	s10 =	sld [smem:$0x3FB6]  }
0x39: {  	_ = 	snop;
	(pc) =	sbr.ind lr, $3  }
0x3a: {  	_ = 	snop  }
0x3b: {  	_ = 	snop  }
0x3c: {  	p2 =	seq.s32 s10, $0x1;
	s10 =	sld [smem:$0x3FB5]  }
0x3d: {  	_ =	shalt  }
0x3e: {  	_ =	shalt  }
0x3f: {  	_ =	shalt  }
0x40: {  	_ =	shalt  }
0x41: {  	_ =	shalt  }
0x42: {  	_ =	shalt  }
0x43: {  	_ =	shalt  }
0x44: {  	_ =	shalt  }
0x45: {  	_ =	shalt  }
0x46: {  	_ =	shalt  }
0x47: {  	_ =	shalt  }
0x48: {  	_ =	shalt  }
0x49: {  	_ =	shalt  }
0x4a: {  	_ =	shalt  }
0x4b: {  	_ =	shalt  }
0x4c: {  	_ =	shalt  }
0x4d: {  	_ =	shalt  }
0x4e: {  	_ =	shalt  }
0x4f: {  	_ =	shalt  }
0x50: {  	_ =	shalt  }
0x51: {  	_ =	shalt  }
0x52: {  	_ =	shalt  }
0x53: {  	_ =	shalt  }
0x54: {  	_ =	shalt  }
0x55: {  	_ =	shalt  }
0x56: {  	_ =	shalt  }
0x57: {  	_ =	shalt  }
0x58: {  	_ =	shalt  }
0x59: {  	_ =	shalt  }
0x5a: {  	_ =	shalt  }
0x5b: {  	_ =	shalt  }
0x5c: {  	_ =	shalt  }
0x5d: {  	_ =	shalt  }
0x5e: {  	_ =	shalt  }
0x5f: {  	_ =	shalt  }
0x60: {  	_ =	shalt  }
0x61: {  	_ =	shalt  }
0x62: {  	_ =	shalt  }
0x63: {  	_ =	shalt  }
0x64: {  	_ =	shalt  }
0x65: {  	_ =	shalt  }
0x66: {  	_ =	shalt  }
0x67: {  	_ =	shalt  }
0x68: {  	_ =	shalt  }
0x69: {  	_ =	shalt  }
0x6a: {  	_ =	shalt  }
0x6b: {  	_ =	shalt  }
0x6c: {  	_ =	shalt  }
0x6d: {  	_ =	shalt  }
0x6e: {  	_ =	shalt  }
0x6f: {  	_ =	shalt  }
0x70: {  	_ =	shalt  }
0x71: {  	_ =	shalt  }
0x72: {  	_ =	shalt  }
0x73: {  	_ =	shalt  }
0x74: {  	_ =	shalt  }
0x75: {  	_ =	shalt  }
0x76: {  	_ =	shalt  }
0x77: {  	_ =	shalt  }
0x78: {  	_ =	shalt  }
0x79: {  	_ =	shalt  }
0x7a: {  	_ =	shalt  }
0x7b: {  	_ =	shalt  }
0x7c: {  	_ =	shalt  }
0x7d: {  	_ =	shalt  }
0x7e: {  	_ =	shalt  }
0x7f: {  	_ =	shalt  }
0x80: {  	_ =	shalt  }
0x81: {  	_ =	shalt  }
0x82: {  	_ =	shalt  }
0x83: {  	_ =	shalt  }
0x84: {  	_ =	shalt  }
0x85: {  	_ =	shalt  }
0x86: {  	_ =	shalt  }
0x87: {  	_ =	shalt  }
.Lfunc_end0:
.L_simem_size_0:
called_computation.3_lowered:
.L_overlay_start_0:
0x88: {  	s2 =	sld [smem:$0x3FD9]  }
0x89: {  	s3 =	sld [smem:$0x3FFE];
	_ =	sdelay $0x1  }
0x8a: {  	s1 =	srdreg.scid  }
0x8b: {  	s0 =	sand.u32 $0x1, s1  }
0x8c: {  	s17 =	sshll.u32 s0, $0xA;
	s2 =	sadd.s32 s3, s2  }
0x8d: {  	s2 =	sadd.s32 s2, s17  }
0x8e: {  	[smem:$0x3FC1] =	sst s2  }
0x8f: {  	_ = 	snop  }
0x90: {  	(tm) =	ssettm $0x1  }
0x91: {  	s18 =	sld [smem:$0x3FFB];
	_ =	sdelay $0x3  }
0x92: {  	_ =	strace s18  }
0x93: {  	s2 =	sld [smem:$0x3FFC];
	_ =	sdelay $0x3  }
0x94: {  	_ =	strace s2  }
0x95: {  	s2 =	sld [smem:$0x3FFD];
	_ =	sdelay $0x3  }
0x96: {  	_ =	strace s2  }
0x97: {  	_ =	strace $0x8FFFFFFF  }
0x98: {  	s19 =	sld [smem:$0x3FDB];
	_ =	sdelay $0x1  }
0x99: {  	s20 =	simm.s32 $_scs_section_size  }
0x9a: {  	s4 =	simm.s32 $_size__tile_overlayer_lowered;
	s5 =	simm.s32 $_tile_overlayer_lowered  }
0x9b: {  	s6 =	simm.s32 $0x1BFF;
	s21 =	sshll.u32 s5, $0x1;
	s3 =	sadd.s32 s20, s19  }
0x9c: {  	s22 =	simm.s32 $0x0;
	s4 =	sshll.u32 s4, $0x1;
	s5 =	sadd.s32 s21, s3  }
0x9d: {  	[timem:s22], [sflag:s6] =	dma.local [hbm:s5], s4  }
0x9e: {  	_ =	swait.ge [sflag:s6], s4  }
0x9f: {  	s4 =	ssub.s32 $0x0, s4;
	[sflag:s6] =	ssyncset.done $0x0  }
0xa0: {  	[sflag:s6] =	ssyncadd.s32 s4;
	_ =	sdelay $0x1  }
0xa1: {  	s23 =	simm.s32 $0x1B8B  }
0xa2: {  	_ =	swait.ge [sflag:s23], $0x1  }
0xa3: {  	[sflag:s23] =	ssyncset.done $0x0  }
0xa4: {  	[sflag:s23] =	ssyncadd.s32 $0xFFFFFFFF  }
0xa5: {  	s4 =	sld [smem:$0x0]  }
0xa6: {  	s5 =	sand.u32 $0xFFFFFFFE, s1  }
0xa7: {  	p0 =	sne.s32 s1, s5  }
0xa8: {  	s5 =	sshll.u32 @p0 s5, $0xE  }
0xa9: {  	s5 =	sadd.s32 @p0 $0x11B8D, s5;
	s6 =	sshll.u32 @p0 s4, $0x11  }
0xaa: {  	s5 =	sor.u32 @p0 s6, s5  }
0xab: {  	[sflag:s5] =	ssyncadd.remote.s32 @p0 $0x1;
	_ =	sdelay $0x1  }
0xac: {  	s5 =	simm.s32 @p0 $0x1B8D  }
0xad: {  	_ =	swait.eq @p0 [sflag:s5], $0x1  }
0xae: {  	[sflag:s5] =	ssyncadd.s32 @p0 $0xFFFFFFFF  }
0xaf: {  	s6 =	sshll.u32 @!p0 s1, $0xE  }
0xb0: {  	s6 =	sor.u32 @!p0 $0x4000, s6;
	s5 =	simm.s32 @!p0 $0x1B8D  }
0xb1: {  	s4 =	sshll.u32 @!p0 s4, $0x11;
	s6 =	sadd.s32 @!p0 $0x11B8D, s6;
	_ =	swait.eq @!p0 [sflag:s5], $0x1  }
0xb2: {  	s4 =	sor.u32 @!p0 s4, s6;
	[sflag:s5] =	ssyncadd.s32 @!p0 $0xFFFFFFFF  }
0xb3: {  	s25 =	simm.s32 $0x1B8E;
	s24 =	sld [smem:$0x3FFE];
	[sflag:s4] =	ssyncadd.remote.s32 @!p0 $0x1  }
0xb4: {  	s26 =	simm.s32 $execute0_lowered;
	[smem:$0x3FD2] =	sst s25  }
0xb5: {  	s5 =	sshll.u32 s26, $0x1;
	_ =	strace $0x8000004F;
	[dreg:$0x1] =	wrdreg $0xFFFFFFFF  }
0xb6: {  	s28 =	simm.s32 $_size_execute0_lowered;
	s3 =	sadd.s32 s3, s5;
	[dreg:$0x0] =	wrdreg $0x0  }
0xb7: {  	s5 =	sshll.u32 s28, $0x1;
	[dreg:$0x2] =	wrdreg s3  }
0xb8: {  	[dreg:$0x3] =	wrdreg s5  }
0xb9: {  	[dreg:$0x4] =	wrdreg $0xC0  }
0xba: {  	_ =	task [dreg:s22], $0x5FFFF  }
0xbb: {  	[dreg:$0x1] =	wrdreg $0xFFFFFFFF  }
0xbc: {  	[dreg:$0x0] =	wrdreg $0x60  }
0xbd: {  	[dreg:$0x2] =	wrdreg s24  }
0xbe: {  	[dreg:$0x3] =	wrdreg $0xC  }
0xbf: {  	_ =	task.clear_ibuf [dreg:s22], $0x4FFFF;
	_ =	strace $0x9000004F  }
0xc0: {  	s29 =	simm.s32 $0xC;
	_ =	strace $0x80000051  }
0xc1: {  	_ =	swait.ge [sflag:s29], $0x1  }
0xc2: {  	[sflag:s29] =	ssyncadd.s32 $0xFFFFFFFF  }
0xc3: {  	_ =	strace $0x90000051  }
0xc4: {  	_ =	sfence  }
0xc5: {  	s30 =	sld [smem:$0x0];
	_ =	sdelay $0x2  }
0xc6: {  	s31 =	sshll.u32 s1, $0xD;
	s1 =	sshrl.u32 s1, $0x2  }
0xc7: {  	s4 =	sand.u32 $0x4000, s31;
	s1 =	sadd.s32 s1, s30  }
0xc8: {  	s0 =	sor.u32 s4, s0;
	s1 =	sshll.u32 s1, $0x11  }
0xc9: {  	s0 =	sor.u32 s1, s0  }
0xca: {  	s0 =	sadd.s32 $0x8F2B, s0  }
0xcb: {  	[sflag:s0] =	ssyncadd.remote.s32 $0x1  }
0xcc: {  	_ =	sfence.sel $0xFFFF  }
0xcd: {  	[dreg:$0x0] =	wrdreg $0xFFFFFFFF;
	(pc) =	sbr.abs _section_cstart, $3  }
0xce: {  	[dreg:$0x1] =	wrdreg $0xFFFFFFFF  }
0xcf: {  	_ =	task.clear_ibuf [dreg:s22], $0x2FFFF;
	_ =	strace $0x9FFFFFFF  }
0xd0: {  	(tm) =	ssettm $0x7FFFFFFF  }
0xd1: {  	_ =	shalt  }
tec
execute0_lowered:
.L_overlay_start_1:
0x0: {  	(tag) =	ssettag $0x1  }
0x1: {  	s1 =	srdreg.scid;
	s0 =	stileid.u32  }
0x2: {  	s10 =	sand.u32 $0x1, s1;
	s26 =	sshll.u32 s0, $0x1  }
0x3: {  	s8 =	sor.u32 s10, s26  }
0x4: {  	s9 =	rddreg [dreg:$0x0];
	s11 =	smul.u32 $0x680, s8  }
0x5: {  	s2 =	simm.s32 $0x0;
	s1 =	rddreg [dreg:$0x1]  }
0x6: {  	[smem:$0x7FF] =	sst s2;
	s12 =	sadd.s32 $0x860000, s9;
	s3 =	sshrl.u32 s11, $0x3  }
0x7: {  	_ =	strace $0x80000050;
	s4 =	sadd.s32 s12, s3;
	s3 =	simm.s32 $0x2  }
0x8: {  	[tilespmem:s2], [sflag:$0x2] =	stream.linear.gather [hbm4b:s4+s2], $0x340, $0x38;
	[tilespmem:$0xD340] =	vst v63  }
0x9: {  	_ =	swait.ge [sflag:s3], $0x340  }
0xa: {  	s6 =	simm.s32 $0x340;
	[sflag:s3] =	ssyncset.done $0x0  }
0xb: {  	s7 =	simm.s32 $0x1;
	s5 =	sadd.s32 $0x5800, s9;
	[sflag:s3] =	ssyncadd.s32 $0xFFFFFCC0  }
0xc: {  	[tilespmem:s6], [sflag:$0x1] =	stream.indirect.gather [hbm4b:s5+s6], $0x40, s2, s6, $0xb8;
	[tilespmem:$0xD340] =	vst v63  }
0xd: {  	s8 =	smul.u32 $0x3400, s8;
	_ =	swait.ge [sflag:s7], $0xD000  }
0xe: {  	s13 =	sadd.s32 $0x938200, s9;
	[sflag:s7] =	ssyncset.done $0x0  }
0xf: {  	s8 =	sadd.s32 s13, s8;
	[sflag:s7] =	ssyncadd.s32 $0xFFFF3000  }
0x10: {  	[hbm4b:s8+s2] =	stream.linear.scatter [tilespmem:s6], [sflag:$0x2], $0xD000, $0x38;
	[tilespmem:$0xD340] =	vst v63  }
0x11: {  	s11 =	sadd.s32 $0x340, s11;
	_ =	swait.ge [sflag:s3], $0xD000  }
0x12: {  	s28 =	sshrl.u32 s11, $0x3;
	[sflag:s3] =	ssyncset.done $0x0  }
0x13: {  	s10 =	ssub.s32 $0x2, s10;
	s9 =	sadd.s32 s12, s28;
	[sflag:s3] =	ssyncadd.s32 $0xFFFF3000  }
0x14: {  	[tilespmem:s2], [sflag:$0x2] =	stream.linear.gather [hbm4b:s9+s2], $0x340, $0x38;
	[tilespmem:$0xD340] =	vst v63  }
0x15: {  	s29 =	sshrl.u32 s10, $0x1;
	_ =	swait.ge [sflag:s3], $0x340  }
0x16: {  	s12 =	ssub.s32 s10, s29;
	[sflag:s3] =	ssyncset.done $0x0  }
0x17: {  	s31 =	smax.u32 s12, $0x1;
	[sflag:s3] =	ssyncadd.s32 $0xFFFFFCC0  }
0x18: {  	[tilespmem:s6], [sflag:$0x1] =	stream.indirect.gather [hbm4b:s5+s6], $0x40, s2, s6, $0xb8;
	[tilespmem:$0xD340] =	vst v63  }
0x19: {  	p0 =	sne.s32 s31, $0x1;
	_ =	swait.ge [sflag:s7], $0xD000  }
.Ltmp0:
0x1a: {  	s30 =	sshll.u32 s11, $0x3;
	[sflag:s7] =	ssyncset.done $0x0;
	(pc) =	sbr.rel @!p0 .LBB2_2-.Ltmp0, $4  }
0x1b: {  	s10 =	sadd.s32 s13, s30;
	[sflag:s7] =	ssyncadd.s32 $0xFFFF3000  }
0x1c: {  	[hbm4b:s10+s2] =	stream.linear.scatter [tilespmem:s6], [sflag:$0x2], $0xD000, $0x38;
	[tilespmem:$0xD340] =	vst v63  }
0x1d: {  	_ =	swait.ge [sflag:s3], $0xD000  }
0x1e: {  	s11 =	sadd.s32 $0xFFFFFFFF, s31;
	[sflag:s3] =	ssyncset.done $0x0  }
.LBB2_1:
0x1f: {  	p0 =	sne.s32 s11, $0x1;
	s11 =	sadd.s32 $0xFFFFFFFF, s11;
	[sflag:s3] =	ssyncadd.s32 $0xFFFF3000  }
0x20: {  	[tilespmem:s2], [sflag:$0x2] =	stream.linear.gather [hbm4b:s4+s2], $0x340, $0x38;
	[tilespmem:$0xD340] =	vst v63  }
0x21: {  	_ =	swait.ge [sflag:s3], $0x340  }
0x22: {  	[sflag:s3] =	ssyncset.done $0x0  }
0x23: {  	[sflag:s3] =	ssyncadd.s32 $0xFFFFFCC0  }
0x24: {  	[tilespmem:s6], [sflag:$0x1] =	stream.indirect.gather [hbm4b:s5+s6], $0x40, s2, s6, $0xb8;
	[tilespmem:$0xD340] =	vst v63  }
0x25: {  	_ =	swait.ge [sflag:s7], $0xD000  }
0x26: {  	[sflag:s7] =	ssyncset.done $0x0  }
0x27: {  	[sflag:s7] =	ssyncadd.s32 $0xFFFF3000  }
0x28: {  	[hbm4b:s8+s2] =	stream.linear.scatter [tilespmem:s6], [sflag:$0x2], $0xD000, $0x38;
	[tilespmem:$0xD340] =	vst v63  }
0x29: {  	_ =	swait.ge [sflag:s3], $0xD000  }
0x2a: {  	[sflag:s3] =	ssyncset.done $0x0  }
0x2b: {  	[sflag:s3] =	ssyncadd.s32 $0xFFFF3000  }
0x2c: {  	[tilespmem:s2], [sflag:$0x2] =	stream.linear.gather [hbm4b:s9+s2], $0x340, $0x38;
	[tilespmem:$0xD340] =	vst v63  }
0x2d: {  	_ =	swait.ge [sflag:s3], $0x340  }
0x2e: {  	[sflag:s3] =	ssyncset.done $0x0  }
0x2f: {  	[sflag:s3] =	ssyncadd.s32 $0xFFFFFCC0  }
0x30: {  	[tilespmem:s6], [sflag:$0x1] =	stream.indirect.gather [hbm4b:s5+s6], $0x40, s2, s6, $0xb8;
	[tilespmem:$0xD340] =	vst v63  }
0x31: {  	_ =	swait.ge [sflag:s7], $0xD000  }
.Ltmp1:
0x32: {  	[sflag:s7] =	ssyncset.done $0x0;
	(pc) =	sbr.rel @p0 .LBB2_1-.Ltmp1, $4  }
0x33: {  	[sflag:s7] =	ssyncadd.s32 $0xFFFF3000  }
0x34: {  	[hbm4b:s10+s2] =	stream.linear.scatter [tilespmem:s6], [sflag:$0x2], $0xD000, $0x38;
	[tilespmem:$0xD340] =	vst v63  }
0x35: {  	_ =	swait.ge [sflag:s3], $0xD000  }
0x36: {  	[sflag:s3] =	ssyncset.done $0x0  }
.LBB2_2:
0x37: {  	[sflag:s3] =	ssyncadd.s32 $0xFFFF3000  }
0x38: {  	_ =	sfence.sel $0x180000  }
0x39: {  	[bflag:$0x0] =	sbarrier.arrive $0xFFFF  }
0x3a: {  	p0 =	sne.s32 s0, $0x0;
	_ =	strace $0x90000050  }
0x3b: {  	s0 =	sadd.s32 @!p0 $0x100000, s1;
	[bflag:$0x2] =	sbarrier.arrive $0xFFFF  }
0x3c: {  	[sflag:s0] =	ssyncadd.tile.s32 @!p0 $0x1;
	_ =	shalt  }
.Lfunc_end2:
_tile_overlayer_lowered:
.L_overlay_start_2:
0x3d: {  	(tag) =	ssettag $0x2  }
0x3e: {  	s0 =	rddreg [dreg:$0x0];
	s2 =	stileid.u32  }
0x3f: {  	s1 =	rddreg [dreg:$0x1];
	p0 =	sne.s32 s2, $0x0  }
0x40: {  	s3 =	rddreg [dreg:$0x2];
	[bflag:$0x3] =	sbarrier.arrive $0xFFFF;
	s2 =	simm.s32 @!p0 $0x1C02  }
0x41: {  	[timem:s3], [sflag:s2] =	dma.local @!p0 [hbm:s0], s1  }
0x42: {  	s0 =	simm.s32 @!p0 $0x2  }
0x43: {  	_ =	swait.ge @!p0 [sflag:s0], s1  }
0x44: {  	s1 =	ssub.s32 @!p0 $0x0, s1;
	[sflag:s0] =	ssyncset.done @!p0 $0x0  }
0x45: {  	[sflag:s0] =	ssyncadd.s32 @!p0 s1  }
0x46: {  	[bflag:$0x3] =	sbarrier.arrive $0xFFFF  }
0x47: {  	_ =	shalt  }

// kernel: kernel.31.cloned.1.call-start
scs
__scs_entry_jumppad:
0x0: {  	(pc) =	sbr.rel $0x88, $3  }
0x1: {  	(tag) =	ssettag $0x0;
	lr =	simm.s32 $0x1  }
0x2: {  	[smem:$0x3F9A] =	sst lr;
	_ =	strace $0xD0000000  }
0x3: {  	_ = 	snop  }
0x4: {  	_ = 	snop  }
0x5: {  	_ = 	snop  }
0x6: {  	_ = 	snop  }
0x7: {  	_ = 	snop  }
__scs_overlays_trampoline_lowered:
0x8: {  	[smem:$0x3FA9] =	sst s0  }
0x9: {  	[smem:$0x3FAA] =	sst s1  }
0xa: {  	[smem:$0x3FAB] =	sst s2  }
0xb: {  	[smem:$0x3FAC] =	sst s3  }
0xc: {  	[smem:$0x3FAD] =	sst s4  }
0xd: {  	[smem:$0x3FAE] =	sst s5  }
0xe: {  	[smem:$0x3FAF] =	sst s6  }
0xf: {  	[smem:$0x3FB0] =	sst s7  }
0x10: {  	[smem:$0x3FB1] =	sst s8  }
0x11: {  	[smem:$0x3FB2] =	sst s9;
	s0 =	simm.s32 @!p0 $0x0  }
0x12: {  	s1 =	sld [smem:$0x3F98];
	s0 =	simm.s32 @p0 $0x1  }
0x13: {  	[smem:$0x3FB3] =	sst s0;
	s0 =	simm.s32 @!p1 $0x0  }
0x14: {  	s2 =	sld [smem:$0x3F97];
	s0 =	simm.s32 @p1 $0x1  }
0x15: {  	[smem:$0x3FB4] =	sst s0;
	s0 =	simm.s32 @!p2 $0x0  }
0x16: {  	s3 =	sld [smem:$0x3FDB];
	s0 =	simm.s32 @p2 $0x1  }
0x17: {  	s4 =	simm.s32 $0x1BF5;
	[smem:$0x3FB6] =	sst s0  }
0x18: {  	s0 =	sld [smem:$0x3F99];
	_ =	swait.ge [sflag:s4], $0x0  }
0x19: {  	s7 =	sld [smem:$0x3F9A]  }
0x1a: {  	s8 =	sadd.s32 $0xFFFFE003, lr  }
0x1b: {  	s9 =	sadd.s32 $0xFFFFFEF7, lr;
	s5 =	simm.s32 $0xFFFFFFFF;
	p2 =	slt.u32 s8, $0xFFFFF086  }
0x1c: {  	p1 =	slt.u32 s9, $0xF7A;
	s5 =	simm.s32 @!p2 $0x0  }
0x1d: {  	s5 =	simm.s32 @p1 $0x1;
	p0 =	seq.s32 s7, s2  }
0x1e: {  	s7 =	smul.u32 @!p0 $0xF7A, s2;
	p2 =	seq.s32 @!p0 s5, $0x0  }
0x1f: {  	s9 =	smul.u32 $0xF7A, s1;
	s8 =	simm.s32 @!p0 $0x1BF5;
	p2 =	por !p2, p0  }
0x20: {  	[sflag:s8] =	ssyncset.s32 @!p0 $0xFFFFF086;
	s6 =	sadd.s32 @!p0 s3, s7;
	s7 =	simm.s32 @!p0 $0x108  }
0x21: {  	s3 =	sadd.s32 s3, s9;
	s6 =	sadd.s32 @!p0 $0x88, s6;
	s7 =	simm.s32 @p2 $0x1082  }
0x22: {  	[simem:s7], [sflag:s8] =	dma.local @!p0 [hbm:s6], $0xF7A  }
0x23: {  	s9 =	sor.u32 $0xD0000000, s2;
	s6 =	simm.s32 $0x108;
	_ =	swait.ge @!p0 [sflag:s8], $0x0  }
0x24: {  	s3 =	sadd.s32 $0x88, s3;
	s6 =	simm.s32 @!p1 $0x1082;
	[sflag:s4] =	ssyncset.s32 $0xFFFFF086  }
0x25: {  	[simem:s6], [sflag:s4] =	dma.local [hbm:s3], $0xF7A  }
0x26: {  	[smem:$0x3F9A] =	sst s1;
	(tag) =	ssettag s2;
	_ =	strace s9  }
0x27: {  	s1 =	sld [smem:$0x3FAA]  }
0x28: {  	s2 =	sld [smem:$0x3FAB]  }
0x29: {  	s4 =	sld [smem:$0x3FAD]  }
0x2a: {  	p0 =	seq.s32 s5, $0x0;
	s5 =	sld [smem:$0x3FAE]  }
0x2b: {  	s6 =	sld [smem:$0x3FAF]  }
0x2c: {  	s7 =	sld [smem:$0x3FB0]  }
0x2d: {  	s3 =	simm.s32 $0x108;
	s8 =	sld [smem:$0x3FB1]  }
0x2e: {  	s3 =	simm.s32 @!p0 $0x1082;
	s9 =	sld [smem:$0x3FB2]  }
0x2f: {  	lr =	sadd.s32 s0, s3;
	s0 =	sld [smem:$0x3FA9]  }
0x30: {  	s3 =	sld [smem:$0x3FAC]  }
0x31: {  	[smem:$0x3FB5] =	sst s10  }
0x32: {  	s10 =	sld [smem:$0x3FB3];
	_ =	sdelay $0x3  }
0x33: {  	p0 =	seq.s32 s10, $0x1;
	s10 =	sld [smem:$0x3FB5];
	_ =	sdelay $0x3  }
0x34: {  	[smem:$0x3FB5] =	sst s10  }
0x35: {  	s10 =	sld [smem:$0x3FB4];
	_ =	sdelay $0x3  }
0x36: {  	p1 =	seq.s32 s10, $0x1;
	s10 =	sld [smem:$0x3FB5];
	_ =	sdelay $0x3  }
0x37: {  	[smem:$0x3FB5] =	sst s10  }
0x38: {  	s10 =	sld [smem:$0x3FB6]  }
0x39: {  	_ = 	snop;
	(pc) =	sbr.ind lr, $3  }
0x3a: {  	_ = 	snop  }
0x3b: {  	_ = 	snop  }
0x3c: {  	p2 =	seq.s32 s10, $0x1;
	s10 =	sld [smem:$0x3FB5]  }
0x3d: {  	_ =	shalt  }
0x3e: {  	_ =	shalt  }
0x3f: {  	_ =	shalt  }
0x40: {  	_ =	shalt  }
0x41: {  	_ =	shalt  }
0x42: {  	_ =	shalt  }
0x43: {  	_ =	shalt  }
0x44: {  	_ =	shalt  }
0x45: {  	_ =	shalt  }
0x46: {  	_ =	shalt  }
0x47: {  	_ =	shalt  }
0x48: {  	_ =	shalt  }
0x49: {  	_ =	shalt  }
0x4a: {  	_ =	shalt  }
0x4b: {  	_ =	shalt  }
0x4c: {  	_ =	shalt  }
0x4d: {  	_ =	shalt  }
0x4e: {  	_ =	shalt  }
0x4f: {  	_ =	shalt  }
0x50: {  	_ =	shalt  }
0x51: {  	_ =	shalt  }
0x52: {  	_ =	shalt  }
0x53: {  	_ =	shalt  }
0x54: {  	_ =	shalt  }
0x55: {  	_ =	shalt  }
0x56: {  	_ =	shalt  }
0x57: {  	_ =	shalt  }
0x58: {  	_ =	shalt  }
0x59: {  	_ =	shalt  }
0x5a: {  	_ =	shalt  }
0x5b: {  	_ =	shalt  }
0x5c: {  	_ =	shalt  }
0x5d: {  	_ =	shalt  }
0x5e: {  	_ =	shalt  }
0x5f: {  	_ =	shalt  }
0x60: {  	_ =	shalt  }
0x61: {  	_ =	shalt  }
0x62: {  	_ =	shalt  }
0x63: {  	_ =	shalt  }
0x64: {  	_ =	shalt  }
0x65: {  	_ =	shalt  }
0x66: {  	_ =	shalt  }
0x67: {  	_ =	shalt  }
0x68: {  	_ =	shalt  }
0x69: {  	_ =	shalt  }
0x6a: {  	_ =	shalt  }
0x6b: {  	_ =	shalt  }
0x6c: {  	_ =	shalt  }
0x6d: {  	_ =	shalt  }
0x6e: {  	_ =	shalt  }
0x6f: {  	_ =	shalt  }
0x70: {  	_ =	shalt  }
0x71: {  	_ =	shalt  }
0x72: {  	_ =	shalt  }
0x73: {  	_ =	shalt  }
0x74: {  	_ =	shalt  }
0x75: {  	_ =	shalt  }
0x76: {  	_ =	shalt  }
0x77: {  	_ =	shalt  }
0x78: {  	_ =	shalt  }
0x79: {  	_ =	shalt  }
0x7a: {  	_ =	shalt  }
0x7b: {  	_ =	shalt  }
0x7c: {  	_ =	shalt  }
0x7d: {  	_ =	shalt  }
0x7e: {  	_ =	shalt  }
0x7f: {  	_ =	shalt  }
0x80: {  	_ =	shalt  }
0x81: {  	_ =	shalt  }
0x82: {  	_ =	shalt  }
0x83: {  	_ =	shalt  }
0x84: {  	_ =	shalt  }
0x85: {  	_ =	shalt  }
0x86: {  	_ =	shalt  }
0x87: {  	_ =	shalt  }
.Lfunc_end0:
.L_simem_size_0:
called_computation.4_lowered:
.L_overlay_start_0:
0x88: {  	s2 =	sld [smem:$0x3FD9]  }
0x89: {  	s3 =	sld [smem:$0x3FFE];
	_ =	sdelay $0x1  }
0x8a: {  	s1 =	srdreg.scid  }
0x8b: {  	s0 =	sand.u32 $0x1, s1  }
0x8c: {  	s17 =	sshll.u32 s0, $0xA;
	s2 =	sadd.s32 s3, s2  }
0x8d: {  	s2 =	sadd.s32 s2, s17  }
0x8e: {  	[smem:$0x3FC1] =	sst s2  }
0x8f: {  	_ = 	snop  }
0x90: {  	(tm) =	ssettm $0x1  }
0x91: {  	s18 =	sld [smem:$0x3FFB];
	_ =	sdelay $0x3  }
0x92: {  	_ =	strace s18  }
0x93: {  	s2 =	sld [smem:$0x3FFC];
	_ =	sdelay $0x3  }
0x94: {  	_ =	strace s2  }
0x95: {  	s2 =	sld [smem:$0x3FFD];
	_ =	sdelay $0x3  }
0x96: {  	_ =	strace s2  }
0x97: {  	_ =	strace $0x8FFFFFFF  }
0x98: {  	s19 =	sld [smem:$0x3FDB];
	_ =	sdelay $0x1  }
0x99: {  	s20 =	simm.s32 $_scs_section_size  }
0x9a: {  	s4 =	simm.s32 $_size__tile_overlayer_lowered;
	s5 =	simm.s32 $_tile_overlayer_lowered  }
0x9b: {  	s6 =	simm.s32 $0x1BFF;
	s21 =	sshll.u32 s5, $0x1;
	s3 =	sadd.s32 s20, s19  }
0x9c: {  	s22 =	simm.s32 $0x0;
	s4 =	sshll.u32 s4, $0x1;
	s5 =	sadd.s32 s21, s3  }
0x9d: {  	[timem:s22], [sflag:s6] =	dma.local [hbm:s5], s4  }
0x9e: {  	_ =	swait.ge [sflag:s6], s4  }
0x9f: {  	s4 =	ssub.s32 $0x0, s4;
	[sflag:s6] =	ssyncset.done $0x0  }
0xa0: {  	[sflag:s6] =	ssyncadd.s32 s4;
	_ =	sdelay $0x1  }
0xa1: {  	s23 =	simm.s32 $0x1B8B  }
0xa2: {  	_ =	swait.ge [sflag:s23], $0x1  }
0xa3: {  	[sflag:s23] =	ssyncset.done $0x0  }
0xa4: {  	[sflag:s23] =	ssyncadd.s32 $0xFFFFFFFF  }
0xa5: {  	s4 =	sld [smem:$0x0]  }
0xa6: {  	s5 =	sand.u32 $0xFFFFFFFE, s1  }
0xa7: {  	p0 =	sne.s32 s1, s5  }
0xa8: {  	s5 =	sshll.u32 @p0 s5, $0xE  }
0xa9: {  	s5 =	sadd.s32 @p0 $0x11B8D, s5;
	s6 =	sshll.u32 @p0 s4, $0x11  }
0xaa: {  	s5 =	sor.u32 @p0 s6, s5  }
0xab: {  	[sflag:s5] =	ssyncadd.remote.s32 @p0 $0x1;
	_ =	sdelay $0x1  }
0xac: {  	s5 =	simm.s32 @p0 $0x1B8D  }
0xad: {  	_ =	swait.eq @p0 [sflag:s5], $0x1  }
0xae: {  	[sflag:s5] =	ssyncadd.s32 @p0 $0xFFFFFFFF  }
0xaf: {  	s6 =	sshll.u32 @!p0 s1, $0xE  }
0xb0: {  	s6 =	sor.u32 @!p0 $0x4000, s6;
	s5 =	simm.s32 @!p0 $0x1B8D  }
0xb1: {  	s4 =	sshll.u32 @!p0 s4, $0x11;
	s6 =	sadd.s32 @!p0 $0x11B8D, s6;
	_ =	swait.eq @!p0 [sflag:s5], $0x1  }
0xb2: {  	s4 =	sor.u32 @!p0 s4, s6;
	[sflag:s5] =	ssyncadd.s32 @!p0 $0xFFFFFFFF  }
0xb3: {  	s25 =	simm.s32 $0x1B8E;
	s24 =	sld [smem:$0x3FFE];
	[sflag:s4] =	ssyncadd.remote.s32 @!p0 $0x1  }
0xb4: {  	s26 =	simm.s32 $execute0_lowered;
	[smem:$0x3FD2] =	sst s25  }
0xb5: {  	s5 =	sshll.u32 s26, $0x1;
	_ =	strace $0x80000052;
	[dreg:$0x1] =	wrdreg $0xFFFFFFFF  }
0xb6: {  	s28 =	simm.s32 $_size_execute0_lowered;
	s3 =	sadd.s32 s3, s5;
	[dreg:$0x0] =	wrdreg $0x0  }
0xb7: {  	s5 =	sshll.u32 s28, $0x1;
	[dreg:$0x2] =	wrdreg s3  }
0xb8: {  	[dreg:$0x3] =	wrdreg s5  }
0xb9: {  	[dreg:$0x4] =	wrdreg $0xC0  }
0xba: {  	_ =	task [dreg:s22], $0x5FFFF  }
0xbb: {  	[dreg:$0x1] =	wrdreg $0xFFFFFFFF  }
0xbc: {  	[dreg:$0x0] =	wrdreg $0x60  }
0xbd: {  	[dreg:$0x2] =	wrdreg s24  }
0xbe: {  	[dreg:$0x3] =	wrdreg $0xD  }
0xbf: {  	_ =	task.clear_ibuf [dreg:s22], $0x4FFFF;
	_ =	strace $0x90000052  }
0xc0: {  	s29 =	simm.s32 $0xD;
	_ =	strace $0x80000054  }
0xc1: {  	_ =	swait.ge [sflag:s29], $0x1  }
0xc2: {  	[sflag:s29] =	ssyncadd.s32 $0xFFFFFFFF  }
0xc3: {  	_ =	strace $0x90000054  }
0xc4: {  	_ =	sfence  }
0xc5: {  	s30 =	sld [smem:$0x0];
	_ =	sdelay $0x2  }
0xc6: {  	s31 =	sshll.u32 s1, $0xD;
	s1 =	sshrl.u32 s1, $0x2  }
0xc7: {  	s4 =	sand.u32 $0x4000, s31;
	s1 =	sadd.s32 s1, s30  }
0xc8: {  	s0 =	sor.u32 s4, s0;
	s1 =	sshll.u32 s1, $0x11  }
0xc9: {  	s0 =	sor.u32 s1, s0  }
0xca: {  	s0 =	sadd.s32 $0x8F2B, s0  }
0xcb: {  	[sflag:s0] =	ssyncadd.remote.s32 $0x1  }
0xcc: {  	_ =	sfence.sel $0xFFFF  }
0xcd: {  	[dreg:$0x0] =	wrdreg $0xFFFFFFFF;
	(pc) =	sbr.abs _section_cstart, $3  }
0xce: {  	[dreg:$0x1] =	wrdreg $0xFFFFFFFF  }
0xcf: {  	_ =	task.clear_ibuf [dreg:s22], $0x2FFFF;
	_ =	strace $0x9FFFFFFF  }
0xd0: {  	(tm) =	ssettm $0x7FFFFFFF  }
0xd1: {  	_ =	shalt  }
tec
execute0_lowered:
.L_overlay_start_1:
0x0: {  	(tag) =	ssettag $0x1  }
0x1: {  	s1 =	srdreg.scid;
	s0 =	stileid.u32  }
0x2: {  	s10 =	sand.u32 $0x1, s1;
	s26 =	sshll.u32 s0, $0x1  }
0x3: {  	s8 =	sor.u32 s10, s26  }
0x4: {  	s9 =	rddreg [dreg:$0x0];
	s11 =	smul.u32 $0x680, s8  }
0x5: {  	s2 =	simm.s32 $0x0;
	s1 =	rddreg [dreg:$0x1]  }
0x6: {  	[smem:$0x7FF] =	sst s2;
	s12 =	sadd.s32 $0x861A00, s9;
	s3 =	sshrl.u32 s11, $0x3  }
0x7: {  	_ =	strace $0x80000053;
	s4 =	sadd.s32 s12, s3;
	s3 =	simm.s32 $0x2  }
0x8: {  	[tilespmem:s2], [sflag:$0x2] =	stream.linear.gather [hbm4b:s4+s2], $0x340, $0x38;
	[tilespmem:$0xD340] =	vst v63  }
0x9: {  	_ =	swait.ge [sflag:s3], $0x340  }
0xa: {  	s6 =	simm.s32 $0x340;
	[sflag:s3] =	ssyncset.done $0x0  }
0xb: {  	s7 =	simm.s32 $0x1;
	s5 =	sadd.s32 $0x5800, s9;
	[sflag:s3] =	ssyncadd.s32 $0xFFFFFCC0  }
0xc: {  	[tilespmem:s6], [sflag:$0x1] =	stream.indirect.gather [hbm4b:s5+s6], $0x40, s2, s6, $0xb8;
	[tilespmem:$0xD340] =	vst v63  }
0xd: {  	s8 =	smul.u32 $0x3400, s8;
	_ =	swait.ge [sflag:s7], $0xD000  }
0xe: {  	s13 =	sadd.s32 $0x9A0200, s9;
	[sflag:s7] =	ssyncset.done $0x0  }
0xf: {  	s8 =	sadd.s32 s13, s8;
	[sflag:s7] =	ssyncadd.s32 $0xFFFF3000  }
0x10: {  	[hbm4b:s8+s2] =	stream.linear.scatter [tilespmem:s6], [sflag:$0x2], $0xD000, $0x38;
	[tilespmem:$0xD340] =	vst v63  }
0x11: {  	s11 =	sadd.s32 $0x340, s11;
	_ =	swait.ge [sflag:s3], $0xD000  }
0x12: {  	s28 =	sshrl.u32 s11, $0x3;
	[sflag:s3] =	ssyncset.done $0x0  }
0x13: {  	s10 =	ssub.s32 $0x2, s10;
	s9 =	sadd.s32 s12, s28;
	[sflag:s3] =	ssyncadd.s32 $0xFFFF3000  }
0x14: {  	[tilespmem:s2], [sflag:$0x2] =	stream.linear.gather [hbm4b:s9+s2], $0x340, $0x38;
	[tilespmem:$0xD340] =	vst v63  }
0x15: {  	s29 =	sshrl.u32 s10, $0x1;
	_ =	swait.ge [sflag:s3], $0x340  }
0x16: {  	s12 =	ssub.s32 s10, s29;
	[sflag:s3] =	ssyncset.done $0x0  }
0x17: {  	s31 =	smax.u32 s12, $0x1;
	[sflag:s3] =	ssyncadd.s32 $0xFFFFFCC0  }
0x18: {  	[tilespmem:s6], [sflag:$0x1] =	stream.indirect.gather [hbm4b:s5+s6], $0x40, s2, s6, $0xb8;
	[tilespmem:$0xD340] =	vst v63  }
0x19: {  	p0 =	sne.s32 s31, $0x1;
	_ =	swait.ge [sflag:s7], $0xD000  }
.Ltmp0:
0x1a: {  	s30 =	sshll.u32 s11, $0x3;
	[sflag:s7] =	ssyncset.done $0x0;
	(pc) =	sbr.rel @!p0 .LBB2_2-.Ltmp0, $4  }
0x1b: {  	s10 =	sadd.s32 s13, s30;
	[sflag:s7] =	ssyncadd.s32 $0xFFFF3000  }
0x1c: {  	[hbm4b:s10+s2] =	stream.linear.scatter [tilespmem:s6], [sflag:$0x2], $0xD000, $0x38;
	[tilespmem:$0xD340] =	vst v63  }
0x1d: {  	_ =	swait.ge [sflag:s3], $0xD000  }
0x1e: {  	s11 =	sadd.s32 $0xFFFFFFFF, s31;
	[sflag:s3] =	ssyncset.done $0x0  }
.LBB2_1:
0x1f: {  	p0 =	sne.s32 s11, $0x1;
	s11 =	sadd.s32 $0xFFFFFFFF, s11;
	[sflag:s3] =	ssyncadd.s32 $0xFFFF3000  }
0x20: {  	[tilespmem:s2], [sflag:$0x2] =	stream.linear.gather [hbm4b:s4+s2], $0x340, $0x38;
	[tilespmem:$0xD340] =	vst v63  }
0x21: {  	_ =	swait.ge [sflag:s3], $0x340  }
0x22: {  	[sflag:s3] =	ssyncset.done $0x0  }
0x23: {  	[sflag:s3] =	ssyncadd.s32 $0xFFFFFCC0  }
0x24: {  	[tilespmem:s6], [sflag:$0x1] =	stream.indirect.gather [hbm4b:s5+s6], $0x40, s2, s6, $0xb8;
	[tilespmem:$0xD340] =	vst v63  }
0x25: {  	_ =	swait.ge [sflag:s7], $0xD000  }
0x26: {  	[sflag:s7] =	ssyncset.done $0x0  }
0x27: {  	[sflag:s7] =	ssyncadd.s32 $0xFFFF3000  }
0x28: {  	[hbm4b:s8+s2] =	stream.linear.scatter [tilespmem:s6], [sflag:$0x2], $0xD000, $0x38;
	[tilespmem:$0xD340] =	vst v63  }
0x29: {  	_ =	swait.ge [sflag:s3], $0xD000  }
0x2a: {  	[sflag:s3] =	ssyncset.done $0x0  }
0x2b: {  	[sflag:s3] =	ssyncadd.s32 $0xFFFF3000  }
0x2c: {  	[tilespmem:s2], [sflag:$0x2] =	stream.linear.gather [hbm4b:s9+s2], $0x340, $0x38;
	[tilespmem:$0xD340] =	vst v63  }
0x2d: {  	_ =	swait.ge [sflag:s3], $0x340  }
0x2e: {  	[sflag:s3] =	ssyncset.done $0x0  }
0x2f: {  	[sflag:s3] =	ssyncadd.s32 $0xFFFFFCC0  }
0x30: {  	[tilespmem:s6], [sflag:$0x1] =	stream.indirect.gather [hbm4b:s5+s6], $0x40, s2, s6, $0xb8;
	[tilespmem:$0xD340] =	vst v63  }
0x31: {  	_ =	swait.ge [sflag:s7], $0xD000  }
.Ltmp1:
0x32: {  	[sflag:s7] =	ssyncset.done $0x0;
	(pc) =	sbr.rel @p0 .LBB2_1-.Ltmp1, $4  }
0x33: {  	[sflag:s7] =	ssyncadd.s32 $0xFFFF3000  }
0x34: {  	[hbm4b:s10+s2] =	stream.linear.scatter [tilespmem:s6], [sflag:$0x2], $0xD000, $0x38;
	[tilespmem:$0xD340] =	vst v63  }
0x35: {  	_ =	swait.ge [sflag:s3], $0xD000  }
0x36: {  	[sflag:s3] =	ssyncset.done $0x0  }
.LBB2_2:
0x37: {  	[sflag:s3] =	ssyncadd.s32 $0xFFFF3000  }
0x38: {  	_ =	sfence.sel $0x180000  }
0x39: {  	[bflag:$0x0] =	sbarrier.arrive $0xFFFF  }
0x3a: {  	p0 =	sne.s32 s0, $0x0;
	_ =	strace $0x90000053  }
0x3b: {  	s0 =	sadd.s32 @!p0 $0x100000, s1;
	[bflag:$0x2] =	sbarrier.arrive $0xFFFF  }
0x3c: {  	[sflag:s0] =	ssyncadd.tile.s32 @!p0 $0x1;
	_ =	shalt  }
.Lfunc_end2:
_tile_overlayer_lowered:
.L_overlay_start_2:
0x3d: {  	(tag) =	ssettag $0x2  }
0x3e: {  	s0 =	rddreg [dreg:$0x0];
	s2 =	stileid.u32  }
0x3f: {  	s1 =	rddreg [dreg:$0x1];
	p0 =	sne.s32 s2, $0x0  }
0x40: {  	s3 =	rddreg [dreg:$0x2];
	[bflag:$0x3] =	sbarrier.arrive $0xFFFF;
	s2 =	simm.s32 @!p0 $0x1C02  }
0x41: {  	[timem:s3], [sflag:s2] =	dma.local @!p0 [hbm:s0], s1  }
0x42: {  	s0 =	simm.s32 @!p0 $0x2  }
0x43: {  	_ =	swait.ge @!p0 [sflag:s0], s1  }
0x44: {  	s1 =	ssub.s32 @!p0 $0x0, s1;
	[sflag:s0] =	ssyncset.done @!p0 $0x0  }
0x45: {  	[sflag:s0] =	ssyncadd.s32 @!p0 s1  }
0x46: {  	[bflag:$0x3] =	sbarrier.arrive $0xFFFF  }
0x47: {  	_ =	shalt  }

// kernel: kernel.34.cloned.1.call-start
scs
__scs_entry_jumppad:
0x0: {  	(pc) =	sbr.rel $0x88, $3  }
0x1: {  	(tag) =	ssettag $0x0;
	lr =	simm.s32 $0x1  }
0x2: {  	[smem:$0x3F9A] =	sst lr;
	_ =	strace $0xD0000000  }
0x3: {  	_ = 	snop  }
0x4: {  	_ = 	snop  }
0x5: {  	_ = 	snop  }
0x6: {  	_ = 	snop  }
0x7: {  	_ = 	snop  }
__scs_overlays_trampoline_lowered:
0x8: {  	[smem:$0x3FA9] =	sst s0  }
0x9: {  	[smem:$0x3FAA] =	sst s1  }
0xa: {  	[smem:$0x3FAB] =	sst s2  }
0xb: {  	[smem:$0x3FAC] =	sst s3  }
0xc: {  	[smem:$0x3FAD] =	sst s4  }
0xd: {  	[smem:$0x3FAE] =	sst s5  }
0xe: {  	[smem:$0x3FAF] =	sst s6  }
0xf: {  	[smem:$0x3FB0] =	sst s7  }
0x10: {  	[smem:$0x3FB1] =	sst s8  }
0x11: {  	[smem:$0x3FB2] =	sst s9;
	s0 =	simm.s32 @!p0 $0x0  }
0x12: {  	s1 =	sld [smem:$0x3F98];
	s0 =	simm.s32 @p0 $0x1  }
0x13: {  	[smem:$0x3FB3] =	sst s0;
	s0 =	simm.s32 @!p1 $0x0  }
0x14: {  	s2 =	sld [smem:$0x3F97];
	s0 =	simm.s32 @p1 $0x1  }
0x15: {  	[smem:$0x3FB4] =	sst s0;
	s0 =	simm.s32 @!p2 $0x0  }
0x16: {  	s3 =	sld [smem:$0x3FDB];
	s0 =	simm.s32 @p2 $0x1  }
0x17: {  	s4 =	simm.s32 $0x1BF5;
	[smem:$0x3FB6] =	sst s0  }
0x18: {  	s0 =	sld [smem:$0x3F99];
	_ =	swait.ge [sflag:s4], $0x0  }
0x19: {  	s7 =	sld [smem:$0x3F9A]  }
0x1a: {  	s8 =	sadd.s32 $0xFFFFE003, lr  }
0x1b: {  	s9 =	sadd.s32 $0xFFFFFEF7, lr;
	s5 =	simm.s32 $0xFFFFFFFF;
	p2 =	slt.u32 s8, $0xFFFFF086  }
0x1c: {  	p1 =	slt.u32 s9, $0xF7A;
	s5 =	simm.s32 @!p2 $0x0  }
0x1d: {  	s5 =	simm.s32 @p1 $0x1;
	p0 =	seq.s32 s7, s2  }
0x1e: {  	s7 =	smul.u32 @!p0 $0xF7A, s2;
	p2 =	seq.s32 @!p0 s5, $0x0  }
0x1f: {  	s9 =	smul.u32 $0xF7A, s1;
	s8 =	simm.s32 @!p0 $0x1BF5;
	p2 =	por !p2, p0  }
0x20: {  	[sflag:s8] =	ssyncset.s32 @!p0 $0xFFFFF086;
	s6 =	sadd.s32 @!p0 s3, s7;
	s7 =	simm.s32 @!p0 $0x108  }
0x21: {  	s3 =	sadd.s32 s3, s9;
	s6 =	sadd.s32 @!p0 $0x88, s6;
	s7 =	simm.s32 @p2 $0x1082  }
0x22: {  	[simem:s7], [sflag:s8] =	dma.local @!p0 [hbm:s6], $0xF7A  }
0x23: {  	s9 =	sor.u32 $0xD0000000, s2;
	s6 =	simm.s32 $0x108;
	_ =	swait.ge @!p0 [sflag:s8], $0x0  }
0x24: {  	s3 =	sadd.s32 $0x88, s3;
	s6 =	simm.s32 @!p1 $0x1082;
	[sflag:s4] =	ssyncset.s32 $0xFFFFF086  }
0x25: {  	[simem:s6], [sflag:s4] =	dma.local [hbm:s3], $0xF7A  }
0x26: {  	[smem:$0x3F9A] =	sst s1;
	(tag) =	ssettag s2;
	_ =	strace s9  }
0x27: {  	s1 =	sld [smem:$0x3FAA]  }
0x28: {  	s2 =	sld [smem:$0x3FAB]  }
0x29: {  	s4 =	sld [smem:$0x3FAD]  }
0x2a: {  	p0 =	seq.s32 s5, $0x0;
	s5 =	sld [smem:$0x3FAE]  }
0x2b: {  	s6 =	sld [smem:$0x3FAF]  }
0x2c: {  	s7 =	sld [smem:$0x3FB0]  }
0x2d: {  	s3 =	simm.s32 $0x108;
	s8 =	sld [smem:$0x3FB1]  }
0x2e: {  	s3 =	simm.s32 @!p0 $0x1082;
	s9 =	sld [smem:$0x3FB2]  }
0x2f: {  	lr =	sadd.s32 s0, s3;
	s0 =	sld [smem:$0x3FA9]  }
0x30: {  	s3 =	sld [smem:$0x3FAC]  }
0x31: {  	[smem:$0x3FB5] =	sst s10  }
0x32: {  	s10 =	sld [smem:$0x3FB3];
	_ =	sdelay $0x3  }
0x33: {  	p0 =	seq.s32 s10, $0x1;
	s10 =	sld [smem:$0x3FB5];
	_ =	sdelay $0x3  }
0x34: {  	[smem:$0x3FB5] =	sst s10  }
0x35: {  	s10 =	sld [smem:$0x3FB4];
	_ =	sdelay $0x3  }
0x36: {  	p1 =	seq.s32 s10, $0x1;
	s10 =	sld [smem:$0x3FB5];
	_ =	sdelay $0x3  }
0x37: {  	[smem:$0x3FB5] =	sst s10  }
0x38: {  	s10 =	sld [smem:$0x3FB6]  }
0x39: {  	_ = 	snop;
	(pc) =	sbr.ind lr, $3  }
0x3a: {  	_ = 	snop  }
0x3b: {  	_ = 	snop  }
0x3c: {  	p2 =	seq.s32 s10, $0x1;
	s10 =	sld [smem:$0x3FB5]  }
0x3d: {  	_ =	shalt  }
0x3e: {  	_ =	shalt  }
0x3f: {  	_ =	shalt  }
0x40: {  	_ =	shalt  }
0x41: {  	_ =	shalt  }
0x42: {  	_ =	shalt  }
0x43: {  	_ =	shalt  }
0x44: {  	_ =	shalt  }
0x45: {  	_ =	shalt  }
0x46: {  	_ =	shalt  }
0x47: {  	_ =	shalt  }
0x48: {  	_ =	shalt  }
0x49: {  	_ =	shalt  }
0x4a: {  	_ =	shalt  }
0x4b: {  	_ =	shalt  }
0x4c: {  	_ =	shalt  }
0x4d: {  	_ =	shalt  }
0x4e: {  	_ =	shalt  }
0x4f: {  	_ =	shalt  }
0x50: {  	_ =	shalt  }
0x51: {  	_ =	shalt  }
0x52: {  	_ =	shalt  }
0x53: {  	_ =	shalt  }
0x54: {  	_ =	shalt  }
0x55: {  	_ =	shalt  }
0x56: {  	_ =	shalt  }
0x57: {  	_ =	shalt  }
0x58: {  	_ =	shalt  }
0x59: {  	_ =	shalt  }
0x5a: {  	_ =	shalt  }
0x5b: {  	_ =	shalt  }
0x5c: {  	_ =	shalt  }
0x5d: {  	_ =	shalt  }
0x5e: {  	_ =	shalt  }
0x5f: {  	_ =	shalt  }
0x60: {  	_ =	shalt  }
0x61: {  	_ =	shalt  }
0x62: {  	_ =	shalt  }
0x63: {  	_ =	shalt  }
0x64: {  	_ =	shalt  }
0x65: {  	_ =	shalt  }
0x66: {  	_ =	shalt  }
0x67: {  	_ =	shalt  }
0x68: {  	_ =	shalt  }
0x69: {  	_ =	shalt  }
0x6a: {  	_ =	shalt  }
0x6b: {  	_ =	shalt  }
0x6c: {  	_ =	shalt  }
0x6d: {  	_ =	shalt  }
0x6e: {  	_ =	shalt  }
0x6f: {  	_ =	shalt  }
0x70: {  	_ =	shalt  }
0x71: {  	_ =	shalt  }
0x72: {  	_ =	shalt  }
0x73: {  	_ =	shalt  }
0x74: {  	_ =	shalt  }
0x75: {  	_ =	shalt  }
0x76: {  	_ =	shalt  }
0x77: {  	_ =	shalt  }
0x78: {  	_ =	shalt  }
0x79: {  	_ =	shalt  }
0x7a: {  	_ =	shalt  }
0x7b: {  	_ =	shalt  }
0x7c: {  	_ =	shalt  }
0x7d: {  	_ =	shalt  }
0x7e: {  	_ =	shalt  }
0x7f: {  	_ =	shalt  }
0x80: {  	_ =	shalt  }
0x81: {  	_ =	shalt  }
0x82: {  	_ =	shalt  }
0x83: {  	_ =	shalt  }
0x84: {  	_ =	shalt  }
0x85: {  	_ =	shalt  }
0x86: {  	_ =	shalt  }
0x87: {  	_ =	shalt  }
.Lfunc_end0:
.L_simem_size_0:
called_computation.5_lowered:
.L_overlay_start_0:
0x88: {  	s2 =	sld [smem:$0x3FD9]  }
0x89: {  	s3 =	sld [smem:$0x3FFE];
	_ =	sdelay $0x1  }
0x8a: {  	s1 =	srdreg.scid  }
0x8b: {  	s0 =	sand.u32 $0x1, s1  }
0x8c: {  	s17 =	sshll.u32 s0, $0xA;
	s2 =	sadd.s32 s3, s2  }
0x8d: {  	s2 =	sadd.s32 s2, s17  }
0x8e: {  	[smem:$0x3FC1] =	sst s2  }
0x8f: {  	_ = 	snop  }
0x90: {  	(tm) =	ssettm $0x1  }
0x91: {  	s18 =	sld [smem:$0x3FFB];
	_ =	sdelay $0x3  }
0x92: {  	_ =	strace s18  }
0x93: {  	s2 =	sld [smem:$0x3FFC];
	_ =	sdelay $0x3  }
0x94: {  	_ =	strace s2  }
0x95: {  	s2 =	sld [smem:$0x3FFD];
	_ =	sdelay $0x3  }
0x96: {  	_ =	strace s2  }
0x97: {  	_ =	strace $0x8FFFFFFF  }
0x98: {  	s19 =	sld [smem:$0x3FDB];
	_ =	sdelay $0x1  }
0x99: {  	s20 =	simm.s32 $_scs_section_size  }
0x9a: {  	s4 =	simm.s32 $_size__tile_overlayer_lowered;
	s5 =	simm.s32 $_tile_overlayer_lowered  }
0x9b: {  	s6 =	simm.s32 $0x1BFF;
	s21 =	sshll.u32 s5, $0x1;
	s3 =	sadd.s32 s20, s19  }
0x9c: {  	s22 =	simm.s32 $0x0;
	s4 =	sshll.u32 s4, $0x1;
	s5 =	sadd.s32 s21, s3  }
0x9d: {  	[timem:s22], [sflag:s6] =	dma.local [hbm:s5], s4  }
0x9e: {  	_ =	swait.ge [sflag:s6], s4  }
0x9f: {  	s4 =	ssub.s32 $0x0, s4;
	[sflag:s6] =	ssyncset.done $0x0  }
0xa0: {  	[sflag:s6] =	ssyncadd.s32 s4;
	_ =	sdelay $0x1  }
0xa1: {  	s23 =	simm.s32 $0x1B8B  }
0xa2: {  	_ =	swait.ge [sflag:s23], $0x1  }
0xa3: {  	[sflag:s23] =	ssyncset.done $0x0  }
0xa4: {  	[sflag:s23] =	ssyncadd.s32 $0xFFFFFFFF  }
0xa5: {  	s4 =	sld [smem:$0x0]  }
0xa6: {  	s5 =	sand.u32 $0xFFFFFFFE, s1  }
0xa7: {  	p0 =	sne.s32 s1, s5  }
0xa8: {  	s5 =	sshll.u32 @p0 s5, $0xE  }
0xa9: {  	s5 =	sadd.s32 @p0 $0x11B8D, s5;
	s6 =	sshll.u32 @p0 s4, $0x11  }
0xaa: {  	s5 =	sor.u32 @p0 s6, s5  }
0xab: {  	[sflag:s5] =	ssyncadd.remote.s32 @p0 $0x1;
	_ =	sdelay $0x1  }
0xac: {  	s5 =	simm.s32 @p0 $0x1B8D  }
0xad: {  	_ =	swait.eq @p0 [sflag:s5], $0x1  }
0xae: {  	[sflag:s5] =	ssyncadd.s32 @p0 $0xFFFFFFFF  }
0xaf: {  	s6 =	sshll.u32 @!p0 s1, $0xE  }
0xb0: {  	s6 =	sor.u32 @!p0 $0x4000, s6;
	s5 =	simm.s32 @!p0 $0x1B8D  }
0xb1: {  	s4 =	sshll.u32 @!p0 s4, $0x11;
	s6 =	sadd.s32 @!p0 $0x11B8D, s6;
	_ =	swait.eq @!p0 [sflag:s5], $0x1  }
0xb2: {  	s4 =	sor.u32 @!p0 s4, s6;
	[sflag:s5] =	ssyncadd.s32 @!p0 $0xFFFFFFFF  }
0xb3: {  	s25 =	simm.s32 $0x1B8E;
	s24 =	sld [smem:$0x3FFE];
	[sflag:s4] =	ssyncadd.remote.s32 @!p0 $0x1  }
0xb4: {  	s26 =	simm.s32 $execute0_lowered;
	[smem:$0x3FD2] =	sst s25  }
0xb5: {  	s5 =	sshll.u32 s26, $0x1;
	_ =	strace $0x80000055;
	[dreg:$0x1] =	wrdreg $0xFFFFFFFF  }
0xb6: {  	s28 =	simm.s32 $_size_execute0_lowered;
	s3 =	sadd.s32 s3, s5;
	[dreg:$0x0] =	wrdreg $0x0  }
0xb7: {  	s5 =	sshll.u32 s28, $0x1;
	[dreg:$0x2] =	wrdreg s3  }
0xb8: {  	[dreg:$0x3] =	wrdreg s5  }
0xb9: {  	[dreg:$0x4] =	wrdreg $0xC0  }
0xba: {  	_ =	task [dreg:s22], $0x5FFFF  }
0xbb: {  	[dreg:$0x1] =	wrdreg $0xFFFFFFFF  }
0xbc: {  	[dreg:$0x0] =	wrdreg $0x60  }
0xbd: {  	[dreg:$0x2] =	wrdreg s24  }
0xbe: {  	[dreg:$0x3] =	wrdreg $0xE  }
0xbf: {  	_ =	task.clear_ibuf [dreg:s22], $0x4FFFF;
	_ =	strace $0x90000055  }
0xc0: {  	s29 =	simm.s32 $0xE;
	_ =	strace $0x80000057  }
0xc1: {  	_ =	swait.ge [sflag:s29], $0x1  }
0xc2: {  	[sflag:s29] =	ssyncadd.s32 $0xFFFFFFFF  }
0xc3: {  	_ =	strace $0x90000057  }
0xc4: {  	_ =	sfence  }
0xc5: {  	s30 =	sld [smem:$0x0];
	_ =	sdelay $0x2  }
0xc6: {  	s31 =	sshll.u32 s1, $0xD;
	s1 =	sshrl.u32 s1, $0x2  }
0xc7: {  	s4 =	sand.u32 $0x4000, s31;
	s1 =	sadd.s32 s1, s30  }
0xc8: {  	s0 =	sor.u32 s4, s0;
	s1 =	sshll.u32 s1, $0x11  }
0xc9: {  	s0 =	sor.u32 s1, s0  }
0xca: {  	s0 =	sadd.s32 $0x8F2B, s0  }
0xcb: {  	[sflag:s0] =	ssyncadd.remote.s32 $0x1  }
0xcc: {  	_ =	sfence.sel $0xFFFF  }
0xcd: {  	[dreg:$0x0] =	wrdreg $0xFFFFFFFF;
	(pc) =	sbr.abs _section_cstart, $3  }
0xce: {  	[dreg:$0x1] =	wrdreg $0xFFFFFFFF  }
0xcf: {  	_ =	task.clear_ibuf [dreg:s22], $0x2FFFF;
	_ =	strace $0x9FFFFFFF  }
0xd0: {  	(tm) =	ssettm $0x7FFFFFFF  }
0xd1: {  	_ =	shalt  }
tec
execute0_lowered:
.L_overlay_start_1:
0x0: {  	(tag) =	ssettag $0x1  }
0x1: {  	s1 =	srdreg.scid;
	s0 =	stileid.u32  }
0x2: {  	s10 =	sand.u32 $0x1, s1;
	s26 =	sshll.u32 s0, $0x1  }
0x3: {  	s8 =	sor.u32 s10, s26  }
0x4: {  	s9 =	rddreg [dreg:$0x0];
	s11 =	smul.u32 $0x680, s8  }
0x5: {  	s2 =	simm.s32 $0x0;
	s1 =	rddreg [dreg:$0x1]  }
0x6: {  	[smem:$0x7FF] =	sst s2;
	s12 =	sadd.s32 $0x863400, s9;
	s3 =	sshrl.u32 s11, $0x3  }
0x7: {  	_ =	strace $0x80000056;
	s4 =	sadd.s32 s12, s3;
	s3 =	simm.s32 $0x2  }
0x8: {  	[tilespmem:s2], [sflag:$0x2] =	stream.linear.gather [hbm4b:s4+s2], $0x340, $0x38;
	[tilespmem:$0xD340] =	vst v63  }
0x9: {  	_ =	swait.ge [sflag:s3], $0x340  }
0xa: {  	s6 =	simm.s32 $0x340;
	[sflag:s3] =	ssyncset.done $0x0  }
0xb: {  	s7 =	simm.s32 $0x1;
	s5 =	sadd.s32 $0x5800, s9;
	[sflag:s3] =	ssyncadd.s32 $0xFFFFFCC0  }
0xc: {  	[tilespmem:s6], [sflag:$0x1] =	stream.indirect.gather [hbm4b:s5+s6], $0x40, s2, s6, $0xb8;
	[tilespmem:$0xD340] =	vst v63  }
0xd: {  	s8 =	smul.u32 $0x3400, s8;
	_ =	swait.ge [sflag:s7], $0xD000  }
0xe: {  	s13 =	sadd.s32 $0xA08200, s9;
	[sflag:s7] =	ssyncset.done $0x0  }
0xf: {  	s8 =	sadd.s32 s13, s8;
	[sflag:s7] =	ssyncadd.s32 $0xFFFF3000  }
0x10: {  	[hbm4b:s8+s2] =	stream.linear.scatter [tilespmem:s6], [sflag:$0x2], $0xD000, $0x38;
	[tilespmem:$0xD340] =	vst v63  }
0x11: {  	s11 =	sadd.s32 $0x340, s11;
	_ =	swait.ge [sflag:s3], $0xD000  }
0x12: {  	s28 =	sshrl.u32 s11, $0x3;
	[sflag:s3] =	ssyncset.done $0x0  }
0x13: {  	s10 =	ssub.s32 $0x2, s10;
	s9 =	sadd.s32 s12, s28;
	[sflag:s3] =	ssyncadd.s32 $0xFFFF3000  }
0x14: {  	[tilespmem:s2], [sflag:$0x2] =	stream.linear.gather [hbm4b:s9+s2], $0x340, $0x38;
	[tilespmem:$0xD340] =	vst v63  }
0x15: {  	s29 =	sshrl.u32 s10, $0x1;
	_ =	swait.ge [sflag:s3], $0x340  }
0x16: {  	s12 =	ssub.s32 s10, s29;
	[sflag:s3] =	ssyncset.done $0x0  }
0x17: {  	s31 =	smax.u32 s12, $0x1;
	[sflag:s3] =	ssyncadd.s32 $0xFFFFFCC0  }
0x18: {  	[tilespmem:s6], [sflag:$0x1] =	stream.indirect.gather [hbm4b:s5+s6], $0x40, s2, s6, $0xb8;
	[tilespmem:$0xD340] =	vst v63  }
0x19: {  	p0 =	sne.s32 s31, $0x1;
	_ =	swait.ge [sflag:s7], $0xD000  }
.Ltmp0:
0x1a: {  	s30 =	sshll.u32 s11, $0x3;
	[sflag:s7] =	ssyncset.done $0x0;
	(pc) =	sbr.rel @!p0 .LBB2_2-.Ltmp0, $4  }
0x1b: {  	s10 =	sadd.s32 s13, s30;
	[sflag:s7] =	ssyncadd.s32 $0xFFFF3000  }
0x1c: {  	[hbm4b:s10+s2] =	stream.linear.scatter [tilespmem:s6], [sflag:$0x2], $0xD000, $0x38;
	[tilespmem:$0xD340] =	vst v63  }
0x1d: {  	_ =	swait.ge [sflag:s3], $0xD000  }
0x1e: {  	s11 =	sadd.s32 $0xFFFFFFFF, s31;
	[sflag:s3] =	ssyncset.done $0x0  }
.LBB2_1:
0x1f: {  	p0 =	sne.s32 s11, $0x1;
	s11 =	sadd.s32 $0xFFFFFFFF, s11;
	[sflag:s3] =	ssyncadd.s32 $0xFFFF3000  }
0x20: {  	[tilespmem:s2], [sflag:$0x2] =	stream.linear.gather [hbm4b:s4+s2], $0x340, $0x38;
	[tilespmem:$0xD340] =	vst v63  }
0x21: {  	_ =	swait.ge [sflag:s3], $0x340  }
0x22: {  	[sflag:s3] =	ssyncset.done $0x0  }
0x23: {  	[sflag:s3] =	ssyncadd.s32 $0xFFFFFCC0  }
0x24: {  	[tilespmem:s6], [sflag:$0x1] =	stream.indirect.gather [hbm4b:s5+s6], $0x40, s2, s6, $0xb8;
	[tilespmem:$0xD340] =	vst v63  }
0x25: {  	_ =	swait.ge [sflag:s7], $0xD000  }
0x26: {  	[sflag:s7] =	ssyncset.done $0x0  }
0x27: {  	[sflag:s7] =	ssyncadd.s32 $0xFFFF3000  }
0x28: {  	[hbm4b:s8+s2] =	stream.linear.scatter [tilespmem:s6], [sflag:$0x2], $0xD000, $0x38;
	[tilespmem:$0xD340] =	vst v63  }
0x29: {  	_ =	swait.ge [sflag:s3], $0xD000  }
0x2a: {  	[sflag:s3] =	ssyncset.done $0x0  }
0x2b: {  	[sflag:s3] =	ssyncadd.s32 $0xFFFF3000  }
0x2c: {  	[tilespmem:s2], [sflag:$0x2] =	stream.linear.gather [hbm4b:s9+s2], $0x340, $0x38;
	[tilespmem:$0xD340] =	vst v63  }
0x2d: {  	_ =	swait.ge [sflag:s3], $0x340  }
0x2e: {  	[sflag:s3] =	ssyncset.done $0x0  }
0x2f: {  	[sflag:s3] =	ssyncadd.s32 $0xFFFFFCC0  }
0x30: {  	[tilespmem:s6], [sflag:$0x1] =	stream.indirect.gather [hbm4b:s5+s6], $0x40, s2, s6, $0xb8;
	[tilespmem:$0xD340] =	vst v63  }
0x31: {  	_ =	swait.ge [sflag:s7], $0xD000  }
.Ltmp1:
0x32: {  	[sflag:s7] =	ssyncset.done $0x0;
	(pc) =	sbr.rel @p0 .LBB2_1-.Ltmp1, $4  }
0x33: {  	[sflag:s7] =	ssyncadd.s32 $0xFFFF3000  }
0x34: {  	[hbm4b:s10+s2] =	stream.linear.scatter [tilespmem:s6], [sflag:$0x2], $0xD000, $0x38;
	[tilespmem:$0xD340] =	vst v63  }
0x35: {  	_ =	swait.ge [sflag:s3], $0xD000  }
0x36: {  	[sflag:s3] =	ssyncset.done $0x0  }
.LBB2_2:
0x37: {  	[sflag:s3] =	ssyncadd.s32 $0xFFFF3000  }
0x38: {  	_ =	sfence.sel $0x180000  }
0x39: {  	[bflag:$0x0] =	sbarrier.arrive $0xFFFF  }
0x3a: {  	p0 =	sne.s32 s0, $0x0;
	_ =	strace $0x90000056  }
0x3b: {  	s0 =	sadd.s32 @!p0 $0x100000, s1;
	[bflag:$0x2] =	sbarrier.arrive $0xFFFF  }
0x3c: {  	[sflag:s0] =	ssyncadd.tile.s32 @!p0 $0x1;
	_ =	shalt  }
.Lfunc_end2:
_tile_overlayer_lowered:
.L_overlay_start_2:
0x3d: {  	(tag) =	ssettag $0x2  }
0x3e: {  	s0 =	rddreg [dreg:$0x0];
	s2 =	stileid.u32  }
0x3f: {  	s1 =	rddreg [dreg:$0x1];
	p0 =	sne.s32 s2, $0x0  }
0x40: {  	s3 =	rddreg [dreg:$0x2];
	[bflag:$0x3] =	sbarrier.arrive $0xFFFF;
	s2 =	simm.s32 @!p0 $0x1C02  }
0x41: {  	[timem:s3], [sflag:s2] =	dma.local @!p0 [hbm:s0], s1  }
0x42: {  	s0 =	simm.s32 @!p0 $0x2  }
0x43: {  	_ =	swait.ge @!p0 [sflag:s0], s1  }
0x44: {  	s1 =	ssub.s32 @!p0 $0x0, s1;
	[sflag:s0] =	ssyncset.done @!p0 $0x0  }
0x45: {  	[sflag:s0] =	ssyncadd.s32 @!p0 s1  }
0x46: {  	[bflag:$0x3] =	sbarrier.arrive $0xFFFF  }
0x47: {  	_ =	shalt  }

// kernel: kernel.37.cloned.1.call-start
scs
__scs_entry_jumppad:
0x0: {  	(pc) =	sbr.rel $0x88, $3  }
0x1: {  	(tag) =	ssettag $0x0;
	lr =	simm.s32 $0x1  }
0x2: {  	[smem:$0x3F9A] =	sst lr;
	_ =	strace $0xD0000000  }
0x3: {  	_ = 	snop  }
0x4: {  	_ = 	snop  }
0x5: {  	_ = 	snop  }
0x6: {  	_ = 	snop  }
0x7: {  	_ = 	snop  }
__scs_overlays_trampoline_lowered:
0x8: {  	[smem:$0x3FA9] =	sst s0  }
0x9: {  	[smem:$0x3FAA] =	sst s1  }
0xa: {  	[smem:$0x3FAB] =	sst s2  }
0xb: {  	[smem:$0x3FAC] =	sst s3  }
0xc: {  	[smem:$0x3FAD] =	sst s4  }
0xd: {  	[smem:$0x3FAE] =	sst s5  }
0xe: {  	[smem:$0x3FAF] =	sst s6  }
0xf: {  	[smem:$0x3FB0] =	sst s7  }
0x10: {  	[smem:$0x3FB1] =	sst s8  }
0x11: {  	[smem:$0x3FB2] =	sst s9;
	s0 =	simm.s32 @!p0 $0x0  }
0x12: {  	s1 =	sld [smem:$0x3F98];
	s0 =	simm.s32 @p0 $0x1  }
0x13: {  	[smem:$0x3FB3] =	sst s0;
	s0 =	simm.s32 @!p1 $0x0  }
0x14: {  	s2 =	sld [smem:$0x3F97];
	s0 =	simm.s32 @p1 $0x1  }
0x15: {  	[smem:$0x3FB4] =	sst s0;
	s0 =	simm.s32 @!p2 $0x0  }
0x16: {  	s3 =	sld [smem:$0x3FDB];
	s0 =	simm.s32 @p2 $0x1  }
0x17: {  	s4 =	simm.s32 $0x1BF5;
	[smem:$0x3FB6] =	sst s0  }
0x18: {  	s0 =	sld [smem:$0x3F99];
	_ =	swait.ge [sflag:s4], $0x0  }
0x19: {  	s7 =	sld [smem:$0x3F9A]  }
0x1a: {  	s8 =	sadd.s32 $0xFFFFE003, lr  }
0x1b: {  	s9 =	sadd.s32 $0xFFFFFEF7, lr;
	s5 =	simm.s32 $0xFFFFFFFF;
	p2 =	slt.u32 s8, $0xFFFFF086  }
0x1c: {  	p1 =	slt.u32 s9, $0xF7A;
	s5 =	simm.s32 @!p2 $0x0  }
0x1d: {  	s5 =	simm.s32 @p1 $0x1;
	p0 =	seq.s32 s7, s2  }
0x1e: {  	s7 =	smul.u32 @!p0 $0xF7A, s2;
	p2 =	seq.s32 @!p0 s5, $0x0  }
0x1f: {  	s9 =	smul.u32 $0xF7A, s1;
	s8 =	simm.s32 @!p0 $0x1BF5;
	p2 =	por !p2, p0  }
0x20: {  	[sflag:s8] =	ssyncset.s32 @!p0 $0xFFFFF086;
	s6 =	sadd.s32 @!p0 s3, s7;
	s7 =	simm.s32 @!p0 $0x108  }
0x21: {  	s3 =	sadd.s32 s3, s9;
	s6 =	sadd.s32 @!p0 $0x88, s6;
	s7 =	simm.s32 @p2 $0x1082  }
0x22: {  	[simem:s7], [sflag:s8] =	dma.local @!p0 [hbm:s6], $0xF7A  }
0x23: {  	s9 =	sor.u32 $0xD0000000, s2;
	s6 =	simm.s32 $0x108;
	_ =	swait.ge @!p0 [sflag:s8], $0x0  }
0x24: {  	s3 =	sadd.s32 $0x88, s3;
	s6 =	simm.s32 @!p1 $0x1082;
	[sflag:s4] =	ssyncset.s32 $0xFFFFF086  }
0x25: {  	[simem:s6], [sflag:s4] =	dma.local [hbm:s3], $0xF7A  }
0x26: {  	[smem:$0x3F9A] =	sst s1;
	(tag) =	ssettag s2;
	_ =	strace s9  }
0x27: {  	s1 =	sld [smem:$0x3FAA]  }
0x28: {  	s2 =	sld [smem:$0x3FAB]  }
0x29: {  	s4 =	sld [smem:$0x3FAD]  }
0x2a: {  	p0 =	seq.s32 s5, $0x0;
	s5 =	sld [smem:$0x3FAE]  }
0x2b: {  	s6 =	sld [smem:$0x3FAF]  }
0x2c: {  	s7 =	sld [smem:$0x3FB0]  }
0x2d: {  	s3 =	simm.s32 $0x108;
	s8 =	sld [smem:$0x3FB1]  }
0x2e: {  	s3 =	simm.s32 @!p0 $0x1082;
	s9 =	sld [smem:$0x3FB2]  }
0x2f: {  	lr =	sadd.s32 s0, s3;
	s0 =	sld [smem:$0x3FA9]  }
0x30: {  	s3 =	sld [smem:$0x3FAC]  }
0x31: {  	[smem:$0x3FB5] =	sst s10  }
0x32: {  	s10 =	sld [smem:$0x3FB3];
	_ =	sdelay $0x3  }
0x33: {  	p0 =	seq.s32 s10, $0x1;
	s10 =	sld [smem:$0x3FB5];
	_ =	sdelay $0x3  }
0x34: {  	[smem:$0x3FB5] =	sst s10  }
0x35: {  	s10 =	sld [smem:$0x3FB4];
	_ =	sdelay $0x3  }
0x36: {  	p1 =	seq.s32 s10, $0x1;
	s10 =	sld [smem:$0x3FB5];
	_ =	sdelay $0x3  }
0x37: {  	[smem:$0x3FB5] =	sst s10  }
0x38: {  	s10 =	sld [smem:$0x3FB6]  }
0x39: {  	_ = 	snop;
	(pc) =	sbr.ind lr, $3  }
0x3a: {  	_ = 	snop  }
0x3b: {  	_ = 	snop  }
0x3c: {  	p2 =	seq.s32 s10, $0x1;
	s10 =	sld [smem:$0x3FB5]  }
0x3d: {  	_ =	shalt  }
0x3e: {  	_ =	shalt  }
0x3f: {  	_ =	shalt  }
0x40: {  	_ =	shalt  }
0x41: {  	_ =	shalt  }
0x42: {  	_ =	shalt  }
0x43: {  	_ =	shalt  }
0x44: {  	_ =	shalt  }
0x45: {  	_ =	shalt  }
0x46: {  	_ =	shalt  }
0x47: {  	_ =	shalt  }
0x48: {  	_ =	shalt  }
0x49: {  	_ =	shalt  }
0x4a: {  	_ =	shalt  }
0x4b: {  	_ =	shalt  }
0x4c: {  	_ =	shalt  }
0x4d: {  	_ =	shalt  }
0x4e: {  	_ =	shalt  }
0x4f: {  	_ =	shalt  }
0x50: {  	_ =	shalt  }
0x51: {  	_ =	shalt  }
0x52: {  	_ =	shalt  }
0x53: {  	_ =	shalt  }
0x54: {  	_ =	shalt  }
0x55: {  	_ =	shalt  }
0x56: {  	_ =	shalt  }
0x57: {  	_ =	shalt  }
0x58: {  	_ =	shalt  }
0x59: {  	_ =	shalt  }
0x5a: {  	_ =	shalt  }
0x5b: {  	_ =	shalt  }
0x5c: {  	_ =	shalt  }
0x5d: {  	_ =	shalt  }
0x5e: {  	_ =	shalt  }
0x5f: {  	_ =	shalt  }
0x60: {  	_ =	shalt  }
0x61: {  	_ =	shalt  }
0x62: {  	_ =	shalt  }
0x63: {  	_ =	shalt  }
0x64: {  	_ =	shalt  }
0x65: {  	_ =	shalt  }
0x66: {  	_ =	shalt  }
0x67: {  	_ =	shalt  }
0x68: {  	_ =	shalt  }
0x69: {  	_ =	shalt  }
0x6a: {  	_ =	shalt  }
0x6b: {  	_ =	shalt  }
0x6c: {  	_ =	shalt  }
0x6d: {  	_ =	shalt  }
0x6e: {  	_ =	shalt  }
0x6f: {  	_ =	shalt  }
0x70: {  	_ =	shalt  }
0x71: {  	_ =	shalt  }
0x72: {  	_ =	shalt  }
0x73: {  	_ =	shalt  }
0x74: {  	_ =	shalt  }
0x75: {  	_ =	shalt  }
0x76: {  	_ =	shalt  }
0x77: {  	_ =	shalt  }
0x78: {  	_ =	shalt  }
0x79: {  	_ =	shalt  }
0x7a: {  	_ =	shalt  }
0x7b: {  	_ =	shalt  }
0x7c: {  	_ =	shalt  }
0x7d: {  	_ =	shalt  }
0x7e: {  	_ =	shalt  }
0x7f: {  	_ =	shalt  }
0x80: {  	_ =	shalt  }
0x81: {  	_ =	shalt  }
0x82: {  	_ =	shalt  }
0x83: {  	_ =	shalt  }
0x84: {  	_ =	shalt  }
0x85: {  	_ =	shalt  }
0x86: {  	_ =	shalt  }
0x87: {  	_ =	shalt  }
.Lfunc_end0:
.L_simem_size_0:
called_computation.6_lowered:
.L_overlay_start_0:
0x88: {  	s2 =	sld [smem:$0x3FD9]  }
0x89: {  	s3 =	sld [smem:$0x3FFE];
	_ =	sdelay $0x1  }
0x8a: {  	s1 =	srdreg.scid  }
0x8b: {  	s0 =	sand.u32 $0x1, s1  }
0x8c: {  	s17 =	sshll.u32 s0, $0xA;
	s2 =	sadd.s32 s3, s2  }
0x8d: {  	s2 =	sadd.s32 s2, s17  }
0x8e: {  	[smem:$0x3FC1] =	sst s2  }
0x8f: {  	_ = 	snop  }
0x90: {  	(tm) =	ssettm $0x1  }
0x91: {  	s18 =	sld [smem:$0x3FFB];
	_ =	sdelay $0x3  }
0x92: {  	_ =	strace s18  }
0x93: {  	s2 =	sld [smem:$0x3FFC];
	_ =	sdelay $0x3  }
0x94: {  	_ =	strace s2  }
0x95: {  	s2 =	sld [smem:$0x3FFD];
	_ =	sdelay $0x3  }
0x96: {  	_ =	strace s2  }
0x97: {  	_ =	strace $0x8FFFFFFF  }
0x98: {  	s19 =	sld [smem:$0x3FDB];
	_ =	sdelay $0x1  }
0x99: {  	s20 =	simm.s32 $_scs_section_size  }
0x9a: {  	s4 =	simm.s32 $_size__tile_overlayer_lowered;
	s5 =	simm.s32 $_tile_overlayer_lowered  }
0x9b: {  	s6 =	simm.s32 $0x1BFF;
	s21 =	sshll.u32 s5, $0x1;
	s3 =	sadd.s32 s20, s19  }
0x9c: {  	s22 =	simm.s32 $0x0;
	s4 =	sshll.u32 s4, $0x1;
	s5 =	sadd.s32 s21, s3  }
0x9d: {  	[timem:s22], [sflag:s6] =	dma.local [hbm:s5], s4  }
0x9e: {  	_ =	swait.ge [sflag:s6], s4  }
0x9f: {  	s4 =	ssub.s32 $0x0, s4;
	[sflag:s6] =	ssyncset.done $0x0  }
0xa0: {  	[sflag:s6] =	ssyncadd.s32 s4;
	_ =	sdelay $0x1  }
0xa1: {  	s23 =	simm.s32 $0x1B8B  }
0xa2: {  	_ =	swait.ge [sflag:s23], $0x1  }
0xa3: {  	[sflag:s23] =	ssyncset.done $0x0  }
0xa4: {  	[sflag:s23] =	ssyncadd.s32 $0xFFFFFFFF  }
0xa5: {  	s4 =	sld [smem:$0x0]  }
0xa6: {  	s5 =	sand.u32 $0xFFFFFFFE, s1  }
0xa7: {  	p0 =	sne.s32 s1, s5  }
0xa8: {  	s5 =	sshll.u32 @p0 s5, $0xE  }
0xa9: {  	s5 =	sadd.s32 @p0 $0x11B8D, s5;
	s6 =	sshll.u32 @p0 s4, $0x11  }
0xaa: {  	s5 =	sor.u32 @p0 s6, s5  }
0xab: {  	[sflag:s5] =	ssyncadd.remote.s32 @p0 $0x1;
	_ =	sdelay $0x1  }
0xac: {  	s5 =	simm.s32 @p0 $0x1B8D  }
0xad: {  	_ =	swait.eq @p0 [sflag:s5], $0x1  }
0xae: {  	[sflag:s5] =	ssyncadd.s32 @p0 $0xFFFFFFFF  }
0xaf: {  	s6 =	sshll.u32 @!p0 s1, $0xE  }
0xb0: {  	s6 =	sor.u32 @!p0 $0x4000, s6;
	s5 =	simm.s32 @!p0 $0x1B8D  }
0xb1: {  	s4 =	sshll.u32 @!p0 s4, $0x11;
	s6 =	sadd.s32 @!p0 $0x11B8D, s6;
	_ =	swait.eq @!p0 [sflag:s5], $0x1  }
0xb2: {  	s4 =	sor.u32 @!p0 s4, s6;
	[sflag:s5] =	ssyncadd.s32 @!p0 $0xFFFFFFFF  }
0xb3: {  	s25 =	simm.s32 $0x1B8E;
	s24 =	sld [smem:$0x3FFE];
	[sflag:s4] =	ssyncadd.remote.s32 @!p0 $0x1  }
0xb4: {  	s26 =	simm.s32 $execute0_lowered;
	[smem:$0x3FD2] =	sst s25  }
0xb5: {  	s5 =	sshll.u32 s26, $0x1;
	_ =	strace $0x80000058;
	[dreg:$0x1] =	wrdreg $0xFFFFFFFF  }
0xb6: {  	s28 =	simm.s32 $_size_execute0_lowered;
	s3 =	sadd.s32 s3, s5;
	[dreg:$0x0] =	wrdreg $0x0  }
0xb7: {  	s5 =	sshll.u32 s28, $0x1;
	[dreg:$0x2] =	wrdreg s3  }
0xb8: {  	[dreg:$0x3] =	wrdreg s5  }
0xb9: {  	[dreg:$0x4] =	wrdreg $0xC0  }
0xba: {  	_ =	task [dreg:s22], $0x5FFFF  }
0xbb: {  	[dreg:$0x1] =	wrdreg $0xFFFFFFFF  }
0xbc: {  	[dreg:$0x0] =	wrdreg $0x60  }
0xbd: {  	[dreg:$0x2] =	wrdreg s24  }
0xbe: {  	[dreg:$0x3] =	wrdreg $0xF  }
0xbf: {  	_ =	task.clear_ibuf [dreg:s22], $0x4FFFF;
	_ =	strace $0x90000058  }
0xc0: {  	s29 =	simm.s32 $0xF;
	_ =	strace $0x8000005A  }
0xc1: {  	_ =	swait.ge [sflag:s29], $0x1  }
0xc2: {  	[sflag:s29] =	ssyncadd.s32 $0xFFFFFFFF  }
0xc3: {  	_ =	strace $0x9000005A  }
0xc4: {  	_ =	sfence  }
0xc5: {  	s30 =	sld [smem:$0x0];
	_ =	sdelay $0x2  }
0xc6: {  	s31 =	sshll.u32 s1, $0xD;
	s1 =	sshrl.u32 s1, $0x2  }
0xc7: {  	s4 =	sand.u32 $0x4000, s31;
	s1 =	sadd.s32 s1, s30  }
0xc8: {  	s0 =	sor.u32 s4, s0;
	s1 =	sshll.u32 s1, $0x11  }
0xc9: {  	s0 =	sor.u32 s1, s0  }
0xca: {  	s0 =	sadd.s32 $0x8F2B, s0  }
0xcb: {  	[sflag:s0] =	ssyncadd.remote.s32 $0x1  }
0xcc: {  	_ =	sfence.sel $0xFFFF  }
0xcd: {  	[dreg:$0x0] =	wrdreg $0xFFFFFFFF;
	(pc) =	sbr.abs _section_cstart, $3  }
0xce: {  	[dreg:$0x1] =	wrdreg $0xFFFFFFFF  }
0xcf: {  	_ =	task.clear_ibuf [dreg:s22], $0x2FFFF;
	_ =	strace $0x9FFFFFFF  }
0xd0: {  	(tm) =	ssettm $0x7FFFFFFF  }
0xd1: {  	_ =	shalt  }
tec
execute0_lowered:
.L_overlay_start_1:
0x0: {  	(tag) =	ssettag $0x1  }
0x1: {  	s1 =	srdreg.scid;
	s0 =	stileid.u32  }
0x2: {  	s10 =	sand.u32 $0x1, s1;
	s26 =	sshll.u32 s0, $0x1  }
0x3: {  	s8 =	sor.u32 s10, s26  }
0x4: {  	s9 =	rddreg [dreg:$0x0];
	s11 =	smul.u32 $0x680, s8  }
0x5: {  	s2 =	simm.s32 $0x0;
	s1 =	rddreg [dreg:$0x1]  }
0x6: {  	[smem:$0x7FF] =	sst s2;
	s12 =	sadd.s32 $0x864E00, s9;
	s3 =	sshrl.u32 s11, $0x3  }
0x7: {  	_ =	strace $0x80000059;
	s4 =	sadd.s32 s12, s3;
	s3 =	simm.s32 $0x2  }
0x8: {  	[tilespmem:s2], [sflag:$0x2] =	stream.linear.gather [hbm4b:s4+s2], $0x340, $0x38;
	[tilespmem:$0xD340] =	vst v63  }
0x9: {  	_ =	swait.ge [sflag:s3], $0x340  }
0xa: {  	s6 =	simm.s32 $0x340;
	[sflag:s3] =	ssyncset.done $0x0  }
0xb: {  	s7 =	simm.s32 $0x1;
	s5 =	sadd.s32 $0x5800, s9;
	[sflag:s3] =	ssyncadd.s32 $0xFFFFFCC0  }
0xc: {  	[tilespmem:s6], [sflag:$0x1] =	stream.indirect.gather [hbm4b:s5+s6], $0x40, s2, s6, $0xb8;
	[tilespmem:$0xD340] =	vst v63  }
0xd: {  	s8 =	smul.u32 $0x3400, s8;
	_ =	swait.ge [sflag:s7], $0xD000  }
0xe: {  	s13 =	sadd.s32 $0xA70200, s9;
	[sflag:s7] =	ssyncset.done $0x0  }
0xf: {  	s8 =	sadd.s32 s13, s8;
	[sflag:s7] =	ssyncadd.s32 $0xFFFF3000  }
0x10: {  	[hbm4b:s8+s2] =	stream.linear.scatter [tilespmem:s6], [sflag:$0x2], $0xD000, $0x38;
	[tilespmem:$0xD340] =	vst v63  }
0x11: {  	s11 =	sadd.s32 $0x340, s11;
	_ =	swait.ge [sflag:s3], $0xD000  }
0x12: {  	s28 =	sshrl.u32 s11, $0x3;
	[sflag:s3] =	ssyncset.done $0x0  }
0x13: {  	s10 =	ssub.s32 $0x2, s10;
	s9 =	sadd.s32 s12, s28;
	[sflag:s3] =	ssyncadd.s32 $0xFFFF3000  }
0x14: {  	[tilespmem:s2], [sflag:$0x2] =	stream.linear.gather [hbm4b:s9+s2], $0x340, $0x38;
	[tilespmem:$0xD340] =	vst v63  }
0x15: {  	s29 =	sshrl.u32 s10, $0x1;
	_ =	swait.ge [sflag:s3], $0x340  }
0x16: {  	s12 =	ssub.s32 s10, s29;
	[sflag:s3] =	ssyncset.done $0x0  }
0x17: {  	s31 =	smax.u32 s12, $0x1;
	[sflag:s3] =	ssyncadd.s32 $0xFFFFFCC0  }
0x18: {  	[tilespmem:s6], [sflag:$0x1] =	stream.indirect.gather [hbm4b:s5+s6], $0x40, s2, s6, $0xb8;
	[tilespmem:$0xD340] =	vst v63  }
0x19: {  	p0 =	sne.s32 s31, $0x1;
	_ =	swait.ge [sflag:s7], $0xD000  }
.Ltmp0:
0x1a: {  	s30 =	sshll.u32 s11, $0x3;
	[sflag:s7] =	ssyncset.done $0x0;
	(pc) =	sbr.rel @!p0 .LBB2_2-.Ltmp0, $4  }
0x1b: {  	s10 =	sadd.s32 s13, s30;
	[sflag:s7] =	ssyncadd.s32 $0xFFFF3000  }
0x1c: {  	[hbm4b:s10+s2] =	stream.linear.scatter [tilespmem:s6], [sflag:$0x2], $0xD000, $0x38;
	[tilespmem:$0xD340] =	vst v63  }
0x1d: {  	_ =	swait.ge [sflag:s3], $0xD000  }
0x1e: {  	s11 =	sadd.s32 $0xFFFFFFFF, s31;
	[sflag:s3] =	ssyncset.done $0x0  }
.LBB2_1:
0x1f: {  	p0 =	sne.s32 s11, $0x1;
	s11 =	sadd.s32 $0xFFFFFFFF, s11;
	[sflag:s3] =	ssyncadd.s32 $0xFFFF3000  }
0x20: {  	[tilespmem:s2], [sflag:$0x2] =	stream.linear.gather [hbm4b:s4+s2], $0x340, $0x38;
	[tilespmem:$0xD340] =	vst v63  }
0x21: {  	_ =	swait.ge [sflag:s3], $0x340  }
0x22: {  	[sflag:s3] =	ssyncset.done $0x0  }
0x23: {  	[sflag:s3] =	ssyncadd.s32 $0xFFFFFCC0  }
0x24: {  	[tilespmem:s6], [sflag:$0x1] =	stream.indirect.gather [hbm4b:s5+s6], $0x40, s2, s6, $0xb8;
	[tilespmem:$0xD340] =	vst v63  }
0x25: {  	_ =	swait.ge [sflag:s7], $0xD000  }
0x26: {  	[sflag:s7] =	ssyncset.done $0x0  }
0x27: {  	[sflag:s7] =	ssyncadd.s32 $0xFFFF3000  }
0x28: {  	[hbm4b:s8+s2] =	stream.linear.scatter [tilespmem:s6], [sflag:$0x2], $0xD000, $0x38;
	[tilespmem:$0xD340] =	vst v63  }
0x29: {  	_ =	swait.ge [sflag:s3], $0xD000  }
0x2a: {  	[sflag:s3] =	ssyncset.done $0x0  }
0x2b: {  	[sflag:s3] =	ssyncadd.s32 $0xFFFF3000  }
0x2c: {  	[tilespmem:s2], [sflag:$0x2] =	stream.linear.gather [hbm4b:s9+s2], $0x340, $0x38;
	[tilespmem:$0xD340] =	vst v63  }
0x2d: {  	_ =	swait.ge [sflag:s3], $0x340  }
0x2e: {  	[sflag:s3] =	ssyncset.done $0x0  }
0x2f: {  	[sflag:s3] =	ssyncadd.s32 $0xFFFFFCC0  }
0x30: {  	[tilespmem:s6], [sflag:$0x1] =	stream.indirect.gather [hbm4b:s5+s6], $0x40, s2, s6, $0xb8;
	[tilespmem:$0xD340] =	vst v63  }
0x31: {  	_ =	swait.ge [sflag:s7], $0xD000  }
.Ltmp1:
0x32: {  	[sflag:s7] =	ssyncset.done $0x0;
	(pc) =	sbr.rel @p0 .LBB2_1-.Ltmp1, $4  }
0x33: {  	[sflag:s7] =	ssyncadd.s32 $0xFFFF3000  }
0x34: {  	[hbm4b:s10+s2] =	stream.linear.scatter [tilespmem:s6], [sflag:$0x2], $0xD000, $0x38;
	[tilespmem:$0xD340] =	vst v63  }
0x35: {  	_ =	swait.ge [sflag:s3], $0xD000  }
0x36: {  	[sflag:s3] =	ssyncset.done $0x0  }
.LBB2_2:
0x37: {  	[sflag:s3] =	ssyncadd.s32 $0xFFFF3000  }
0x38: {  	_ =	sfence.sel $0x180000  }
0x39: {  	[bflag:$0x0] =	sbarrier.arrive $0xFFFF  }
0x3a: {  	p0 =	sne.s32 s0, $0x0;
	_ =	strace $0x90000059  }
0x3b: {  	s0 =	sadd.s32 @!p0 $0x100000, s1;
	[bflag:$0x2] =	sbarrier.arrive $0xFFFF  }
0x3c: {  	[sflag:s0] =	ssyncadd.tile.s32 @!p0 $0x1;
	_ =	shalt  }
.Lfunc_end2:
_tile_overlayer_lowered:
.L_overlay_start_2:
0x3d: {  	(tag) =	ssettag $0x2  }
0x3e: {  	s0 =	rddreg [dreg:$0x0];
	s2 =	stileid.u32  }
0x3f: {  	s1 =	rddreg [dreg:$0x1];
	p0 =	sne.s32 s2, $0x0  }
0x40: {  	s3 =	rddreg [dreg:$0x2];
	[bflag:$0x3] =	sbarrier.arrive $0xFFFF;
	s2 =	simm.s32 @!p0 $0x1C02  }
0x41: {  	[timem:s3], [sflag:s2] =	dma.local @!p0 [hbm:s0], s1  }
0x42: {  	s0 =	simm.s32 @!p0 $0x2  }
0x43: {  	_ =	swait.ge @!p0 [sflag:s0], s1  }
0x44: {  	s1 =	ssub.s32 @!p0 $0x0, s1;
	[sflag:s0] =	ssyncset.done @!p0 $0x0  }
0x45: {  	[sflag:s0] =	ssyncadd.s32 @!p0 s1  }
0x46: {  	[bflag:$0x3] =	sbarrier.arrive $0xFFFF  }
0x47: {  	_ =	shalt  }

// kernel: kernel.40.cloned.1.call-start
scs
__scs_entry_jumppad:
0x0: {  	(pc) =	sbr.rel $0x88, $3  }
0x1: {  	(tag) =	ssettag $0x0;
	lr =	simm.s32 $0x1  }
0x2: {  	[smem:$0x3F9A] =	sst lr;
	_ =	strace $0xD0000000  }
0x3: {  	_ = 	snop  }
0x4: {  	_ = 	snop  }
0x5: {  	_ = 	snop  }
0x6: {  	_ = 	snop  }
0x7: {  	_ = 	snop  }
__scs_overlays_trampoline_lowered:
0x8: {  	[smem:$0x3FA9] =	sst s0  }
0x9: {  	[smem:$0x3FAA] =	sst s1  }
0xa: {  	[smem:$0x3FAB] =	sst s2  }
0xb: {  	[smem:$0x3FAC] =	sst s3  }
0xc: {  	[smem:$0x3FAD] =	sst s4  }
0xd: {  	[smem:$0x3FAE] =	sst s5  }
0xe: {  	[smem:$0x3FAF] =	sst s6  }
0xf: {  	[smem:$0x3FB0] =	sst s7  }
0x10: {  	[smem:$0x3FB1] =	sst s8  }
0x11: {  	[smem:$0x3FB2] =	sst s9;
	s0 =	simm.s32 @!p0 $0x0  }
0x12: {  	s1 =	sld [smem:$0x3F98];
	s0 =	simm.s32 @p0 $0x1  }
0x13: {  	[smem:$0x3FB3] =	sst s0;
	s0 =	simm.s32 @!p1 $0x0  }
0x14: {  	s2 =	sld [smem:$0x3F97];
	s0 =	simm.s32 @p1 $0x1  }
0x15: {  	[smem:$0x3FB4] =	sst s0;
	s0 =	simm.s32 @!p2 $0x0  }
0x16: {  	s3 =	sld [smem:$0x3FDB];
	s0 =	simm.s32 @p2 $0x1  }
0x17: {  	s4 =	simm.s32 $0x1BF5;
	[smem:$0x3FB6] =	sst s0  }
0x18: {  	s0 =	sld [smem:$0x3F99];
	_ =	swait.ge [sflag:s4], $0x0  }
0x19: {  	s7 =	sld [smem:$0x3F9A]  }
0x1a: {  	s8 =	sadd.s32 $0xFFFFE003, lr  }
0x1b: {  	s9 =	sadd.s32 $0xFFFFFEF7, lr;
	s5 =	simm.s32 $0xFFFFFFFF;
	p2 =	slt.u32 s8, $0xFFFFF086  }
0x1c: {  	p1 =	slt.u32 s9, $0xF7A;
	s5 =	simm.s32 @!p2 $0x0  }
0x1d: {  	s5 =	simm.s32 @p1 $0x1;
	p0 =	seq.s32 s7, s2  }
0x1e: {  	s7 =	smul.u32 @!p0 $0xF7A, s2;
	p2 =	seq.s32 @!p0 s5, $0x0  }
0x1f: {  	s9 =	smul.u32 $0xF7A, s1;
	s8 =	simm.s32 @!p0 $0x1BF5;
	p2 =	por !p2, p0  }
0x20: {  	[sflag:s8] =	ssyncset.s32 @!p0 $0xFFFFF086;
	s6 =	sadd.s32 @!p0 s3, s7;
	s7 =	simm.s32 @!p0 $0x108  }
0x21: {  	s3 =	sadd.s32 s3, s9;
	s6 =	sadd.s32 @!p0 $0x88, s6;
	s7 =	simm.s32 @p2 $0x1082  }
0x22: {  	[simem:s7], [sflag:s8] =	dma.local @!p0 [hbm:s6], $0xF7A  }
0x23: {  	s9 =	sor.u32 $0xD0000000, s2;
	s6 =	simm.s32 $0x108;
	_ =	swait.ge @!p0 [sflag:s8], $0x0  }
0x24: {  	s3 =	sadd.s32 $0x88, s3;
	s6 =	simm.s32 @!p1 $0x1082;
	[sflag:s4] =	ssyncset.s32 $0xFFFFF086  }
0x25: {  	[simem:s6], [sflag:s4] =	dma.local [hbm:s3], $0xF7A  }
0x26: {  	[smem:$0x3F9A] =	sst s1;
	(tag) =	ssettag s2;
	_ =	strace s9  }
0x27: {  	s1 =	sld [smem:$0x3FAA]  }
0x28: {  	s2 =	sld [smem:$0x3FAB]  }
0x29: {  	s4 =	sld [smem:$0x3FAD]  }
0x2a: {  	p0 =	seq.s32 s5, $0x0;
	s5 =	sld [smem:$0x3FAE]  }
0x2b: {  	s6 =	sld [smem:$0x3FAF]  }
0x2c: {  	s7 =	sld [smem:$0x3FB0]  }
0x2d: {  	s3 =	simm.s32 $0x108;
	s8 =	sld [smem:$0x3FB1]  }
0x2e: {  	s3 =	simm.s32 @!p0 $0x1082;
	s9 =	sld [smem:$0x3FB2]  }
0x2f: {  	lr =	sadd.s32 s0, s3;
	s0 =	sld [smem:$0x3FA9]  }
0x30: {  	s3 =	sld [smem:$0x3FAC]  }
0x31: {  	[smem:$0x3FB5] =	sst s10  }
0x32: {  	s10 =	sld [smem:$0x3FB3];
	_ =	sdelay $0x3  }
0x33: {  	p0 =	seq.s32 s10, $0x1;
	s10 =	sld [smem:$0x3FB5];
	_ =	sdelay $0x3  }
0x34: {  	[smem:$0x3FB5] =	sst s10  }
0x35: {  	s10 =	sld [smem:$0x3FB4];
	_ =	sdelay $0x3  }
0x36: {  	p1 =	seq.s32 s10, $0x1;
	s10 =	sld [smem:$0x3FB5];
	_ =	sdelay $0x3  }
0x37: {  	[smem:$0x3FB5] =	sst s10  }
0x38: {  	s10 =	sld [smem:$0x3FB6]  }
0x39: {  	_ = 	snop;
	(pc) =	sbr.ind lr, $3  }
0x3a: {  	_ = 	snop  }
0x3b: {  	_ = 	snop  }
0x3c: {  	p2 =	seq.s32 s10, $0x1;
	s10 =	sld [smem:$0x3FB5]  }
0x3d: {  	_ =	shalt  }
0x3e: {  	_ =	shalt  }
0x3f: {  	_ =	shalt  }
0x40: {  	_ =	shalt  }
0x41: {  	_ =	shalt  }
0x42: {  	_ =	shalt  }
0x43: {  	_ =	shalt  }
0x44: {  	_ =	shalt  }
0x45: {  	_ =	shalt  }
0x46: {  	_ =	shalt  }
0x47: {  	_ =	shalt  }
0x48: {  	_ =	shalt  }
0x49: {  	_ =	shalt  }
0x4a: {  	_ =	shalt  }
0x4b: {  	_ =	shalt  }
0x4c: {  	_ =	shalt  }
0x4d: {  	_ =	shalt  }
0x4e: {  	_ =	shalt  }
0x4f: {  	_ =	shalt  }
0x50: {  	_ =	shalt  }
0x51: {  	_ =	shalt  }
0x52: {  	_ =	shalt  }
0x53: {  	_ =	shalt  }
0x54: {  	_ =	shalt  }
0x55: {  	_ =	shalt  }
0x56: {  	_ =	shalt  }
0x57: {  	_ =	shalt  }
0x58: {  	_ =	shalt  }
0x59: {  	_ =	shalt  }
0x5a: {  	_ =	shalt  }
0x5b: {  	_ =	shalt  }
0x5c: {  	_ =	shalt  }
0x5d: {  	_ =	shalt  }
0x5e: {  	_ =	shalt  }
0x5f: {  	_ =	shalt  }
0x60: {  	_ =	shalt  }
0x61: {  	_ =	shalt  }
0x62: {  	_ =	shalt  }
0x63: {  	_ =	shalt  }
0x64: {  	_ =	shalt  }
0x65: {  	_ =	shalt  }
0x66: {  	_ =	shalt  }
0x67: {  	_ =	shalt  }
0x68: {  	_ =	shalt  }
0x69: {  	_ =	shalt  }
0x6a: {  	_ =	shalt  }
0x6b: {  	_ =	shalt  }
0x6c: {  	_ =	shalt  }
0x6d: {  	_ =	shalt  }
0x6e: {  	_ =	shalt  }
0x6f: {  	_ =	shalt  }
0x70: {  	_ =	shalt  }
0x71: {  	_ =	shalt  }
0x72: {  	_ =	shalt  }
0x73: {  	_ =	shalt  }
0x74: {  	_ =	shalt  }
0x75: {  	_ =	shalt  }
0x76: {  	_ =	shalt  }
0x77: {  	_ =	shalt  }
0x78: {  	_ =	shalt  }
0x79: {  	_ =	shalt  }
0x7a: {  	_ =	shalt  }
0x7b: {  	_ =	shalt  }
0x7c: {  	_ =	shalt  }
0x7d: {  	_ =	shalt  }
0x7e: {  	_ =	shalt  }
0x7f: {  	_ =	shalt  }
0x80: {  	_ =	shalt  }
0x81: {  	_ =	shalt  }
0x82: {  	_ =	shalt  }
0x83: {  	_ =	shalt  }
0x84: {  	_ =	shalt  }
0x85: {  	_ =	shalt  }
0x86: {  	_ =	shalt  }
0x87: {  	_ =	shalt  }
.Lfunc_end0:
.L_simem_size_0:
called_computation.7_lowered:
.L_overlay_start_0:
0x88: {  	s2 =	sld [smem:$0x3FD9]  }
0x89: {  	s3 =	sld [smem:$0x3FFE];
	_ =	sdelay $0x1  }
0x8a: {  	s1 =	srdreg.scid  }
0x8b: {  	s0 =	sand.u32 $0x1, s1  }
0x8c: {  	s17 =	sshll.u32 s0, $0xA;
	s2 =	sadd.s32 s3, s2  }
0x8d: {  	s2 =	sadd.s32 s2, s17  }
0x8e: {  	[smem:$0x3FC1] =	sst s2  }
0x8f: {  	_ = 	snop  }
0x90: {  	(tm) =	ssettm $0x1  }
0x91: {  	s18 =	sld [smem:$0x3FFB];
	_ =	sdelay $0x3  }
0x92: {  	_ =	strace s18  }
0x93: {  	s2 =	sld [smem:$0x3FFC];
	_ =	sdelay $0x3  }
0x94: {  	_ =	strace s2  }
0x95: {  	s2 =	sld [smem:$0x3FFD];
	_ =	sdelay $0x3  }
0x96: {  	_ =	strace s2  }
0x97: {  	_ =	strace $0x8FFFFFFF  }
0x98: {  	s19 =	sld [smem:$0x3FDB];
	_ =	sdelay $0x1  }
0x99: {  	s20 =	simm.s32 $_scs_section_size  }
0x9a: {  	s4 =	simm.s32 $_size__tile_overlayer_lowered;
	s5 =	simm.s32 $_tile_overlayer_lowered  }
0x9b: {  	s6 =	simm.s32 $0x1BFF;
	s21 =	sshll.u32 s5, $0x1;
	s3 =	sadd.s32 s20, s19  }
0x9c: {  	s22 =	simm.s32 $0x0;
	s4 =	sshll.u32 s4, $0x1;
	s5 =	sadd.s32 s21, s3  }
0x9d: {  	[timem:s22], [sflag:s6] =	dma.local [hbm:s5], s4  }
0x9e: {  	_ =	swait.ge [sflag:s6], s4  }
0x9f: {  	s4 =	ssub.s32 $0x0, s4;
	[sflag:s6] =	ssyncset.done $0x0  }
0xa0: {  	[sflag:s6] =	ssyncadd.s32 s4;
	_ =	sdelay $0x1  }
0xa1: {  	s23 =	simm.s32 $0x1B8B  }
0xa2: {  	_ =	swait.ge [sflag:s23], $0x1  }
0xa3: {  	[sflag:s23] =	ssyncset.done $0x0  }
0xa4: {  	[sflag:s23] =	ssyncadd.s32 $0xFFFFFFFF  }
0xa5: {  	s4 =	sld [smem:$0x0]  }
0xa6: {  	s5 =	sand.u32 $0xFFFFFFFE, s1  }
0xa7: {  	p0 =	sne.s32 s1, s5  }
0xa8: {  	s5 =	sshll.u32 @p0 s5, $0xE  }
0xa9: {  	s5 =	sadd.s32 @p0 $0x11B8D, s5;
	s6 =	sshll.u32 @p0 s4, $0x11  }
0xaa: {  	s5 =	sor.u32 @p0 s6, s5  }
0xab: {  	[sflag:s5] =	ssyncadd.remote.s32 @p0 $0x1;
	_ =	sdelay $0x1  }
0xac: {  	s5 =	simm.s32 @p0 $0x1B8D  }
0xad: {  	_ =	swait.eq @p0 [sflag:s5], $0x1  }
0xae: {  	[sflag:s5] =	ssyncadd.s32 @p0 $0xFFFFFFFF  }
0xaf: {  	s6 =	sshll.u32 @!p0 s1, $0xE  }
0xb0: {  	s6 =	sor.u32 @!p0 $0x4000, s6;
	s5 =	simm.s32 @!p0 $0x1B8D  }
0xb1: {  	s4 =	sshll.u32 @!p0 s4, $0x11;
	s6 =	sadd.s32 @!p0 $0x11B8D, s6;
	_ =	swait.eq @!p0 [sflag:s5], $0x1  }
0xb2: {  	s4 =	sor.u32 @!p0 s4, s6;
	[sflag:s5] =	ssyncadd.s32 @!p0 $0xFFFFFFFF  }
0xb3: {  	s25 =	simm.s32 $0x1B8E;
	s24 =	sld [smem:$0x3FFE];
	[sflag:s4] =	ssyncadd.remote.s32 @!p0 $0x1  }
0xb4: {  	s26 =	simm.s32 $execute0_lowered;
	[smem:$0x3FD2] =	sst s25  }
0xb5: {  	s5 =	sshll.u32 s26, $0x1;
	_ =	strace $0x8000005B;
	[dreg:$0x1] =	wrdreg $0xFFFFFFFF  }
0xb6: {  	s28 =	simm.s32 $_size_execute0_lowered;
	s3 =	sadd.s32 s3, s5;
	[dreg:$0x0] =	wrdreg $0x0  }
0xb7: {  	s5 =	sshll.u32 s28, $0x1;
	[dreg:$0x2] =	wrdreg s3  }
0xb8: {  	[dreg:$0x3] =	wrdreg s5  }
0xb9: {  	[dreg:$0x4] =	wrdreg $0xC0  }
0xba: {  	_ =	task [dreg:s22], $0x5FFFF  }
0xbb: {  	[dreg:$0x1] =	wrdreg $0xFFFFFFFF  }
0xbc: {  	[dreg:$0x0] =	wrdreg $0x60  }
0xbd: {  	[dreg:$0x2] =	wrdreg s24  }
0xbe: {  	[dreg:$0x3] =	wrdreg $0x10  }
0xbf: {  	_ =	task.clear_ibuf [dreg:s22], $0x4FFFF;
	_ =	strace $0x9000005B  }
0xc0: {  	s29 =	simm.s32 $0x10;
	_ =	strace $0x8000005D  }
0xc1: {  	_ =	swait.ge [sflag:s29], $0x1  }
0xc2: {  	[sflag:s29] =	ssyncadd.s32 $0xFFFFFFFF  }
0xc3: {  	_ =	strace $0x9000005D  }
0xc4: {  	_ =	sfence  }
0xc5: {  	s30 =	sld [smem:$0x0];
	_ =	sdelay $0x2  }
0xc6: {  	s31 =	sshll.u32 s1, $0xD;
	s1 =	sshrl.u32 s1, $0x2  }
0xc7: {  	s4 =	sand.u32 $0x4000, s31;
	s1 =	sadd.s32 s1, s30  }
0xc8: {  	s0 =	sor.u32 s4, s0;
	s1 =	sshll.u32 s1, $0x11  }
0xc9: {  	s0 =	sor.u32 s1, s0  }
0xca: {  	s0 =	sadd.s32 $0x8F2B, s0  }
0xcb: {  	[sflag:s0] =	ssyncadd.remote.s32 $0x1  }
0xcc: {  	_ =	sfence.sel $0xFFFF  }
0xcd: {  	[dreg:$0x0] =	wrdreg $0xFFFFFFFF;
	(pc) =	sbr.abs _section_cstart, $3  }
0xce: {  	[dreg:$0x1] =	wrdreg $0xFFFFFFFF  }
0xcf: {  	_ =	task.clear_ibuf [dreg:s22], $0x2FFFF;
	_ =	strace $0x9FFFFFFF  }
0xd0: {  	(tm) =	ssettm $0x7FFFFFFF  }
0xd1: {  	_ =	shalt  }
tec
execute0_lowered:
.L_overlay_start_1:
0x0: {  	(tag) =	ssettag $0x1  }
0x1: {  	s1 =	srdreg.scid;
	s0 =	stileid.u32  }
0x2: {  	s10 =	sand.u32 $0x1, s1;
	s26 =	sshll.u32 s0, $0x1  }
0x3: {  	s8 =	sor.u32 s10, s26  }
0x4: {  	s9 =	rddreg [dreg:$0x0];
	s11 =	smul.u32 $0x680, s8  }
0x5: {  	s2 =	simm.s32 $0x0;
	s1 =	rddreg [dreg:$0x1]  }
0x6: {  	[smem:$0x7FF] =	sst s2;
	s12 =	sadd.s32 $0x866800, s9;
	s3 =	sshrl.u32 s11, $0x3  }
0x7: {  	_ =	strace $0x8000005C;
	s4 =	sadd.s32 s12, s3;
	s3 =	simm.s32 $0x2  }
0x8: {  	[tilespmem:s2], [sflag:$0x2] =	stream.linear.gather [hbm4b:s4+s2], $0x340, $0x38;
	[tilespmem:$0xD340] =	vst v63  }
0x9: {  	_ =	swait.ge [sflag:s3], $0x340  }
0xa: {  	s6 =	simm.s32 $0x340;
	[sflag:s3] =	ssyncset.done $0x0  }
0xb: {  	s7 =	simm.s32 $0x1;
	s5 =	sadd.s32 $0x5800, s9;
	[sflag:s3] =	ssyncadd.s32 $0xFFFFFCC0  }
0xc: {  	[tilespmem:s6], [sflag:$0x1] =	stream.indirect.gather [hbm4b:s5+s6], $0x40, s2, s6, $0xb8;
	[tilespmem:$0xD340] =	vst v63  }
0xd: {  	s8 =	smul.u32 $0x3400, s8;
	_ =	swait.ge [sflag:s7], $0xD000  }
0xe: {  	s13 =	sadd.s32 $0xAD8200, s9;
	[sflag:s7] =	ssyncset.done $0x0  }
0xf: {  	s8 =	sadd.s32 s13, s8;
	[sflag:s7] =	ssyncadd.s32 $0xFFFF3000  }
0x10: {  	[hbm4b:s8+s2] =	stream.linear.scatter [tilespmem:s6], [sflag:$0x2], $0xD000, $0x38;
	[tilespmem:$0xD340] =	vst v63  }
0x11: {  	s11 =	sadd.s32 $0x340, s11;
	_ =	swait.ge [sflag:s3], $0xD000  }
0x12: {  	s28 =	sshrl.u32 s11, $0x3;
	[sflag:s3] =	ssyncset.done $0x0  }
0x13: {  	s10 =	ssub.s32 $0x2, s10;
	s9 =	sadd.s32 s12, s28;
	[sflag:s3] =	ssyncadd.s32 $0xFFFF3000  }
0x14: {  	[tilespmem:s2], [sflag:$0x2] =	stream.linear.gather [hbm4b:s9+s2], $0x340, $0x38;
	[tilespmem:$0xD340] =	vst v63  }
0x15: {  	s29 =	sshrl.u32 s10, $0x1;
	_ =	swait.ge [sflag:s3], $0x340  }
0x16: {  	s12 =	ssub.s32 s10, s29;
	[sflag:s3] =	ssyncset.done $0x0  }
0x17: {  	s31 =	smax.u32 s12, $0x1;
	[sflag:s3] =	ssyncadd.s32 $0xFFFFFCC0  }
0x18: {  	[tilespmem:s6], [sflag:$0x1] =	stream.indirect.gather [hbm4b:s5+s6], $0x40, s2, s6, $0xb8;
	[tilespmem:$0xD340] =	vst v63  }
0x19: {  	p0 =	sne.s32 s31, $0x1;
	_ =	swait.ge [sflag:s7], $0xD000  }
.Ltmp0:
0x1a: {  	s30 =	sshll.u32 s11, $0x3;
	[sflag:s7] =	ssyncset.done $0x0;
	(pc) =	sbr.rel @!p0 .LBB2_2-.Ltmp0, $4  }
0x1b: {  	s10 =	sadd.s32 s13, s30;
	[sflag:s7] =	ssyncadd.s32 $0xFFFF3000  }
0x1c: {  	[hbm4b:s10+s2] =	stream.linear.scatter [tilespmem:s6], [sflag:$0x2], $0xD000, $0x38;
	[tilespmem:$0xD340] =	vst v63  }
0x1d: {  	_ =	swait.ge [sflag:s3], $0xD000  }
0x1e: {  	s11 =	sadd.s32 $0xFFFFFFFF, s31;
	[sflag:s3] =	ssyncset.done $0x0  }
.LBB2_1:
0x1f: {  	p0 =	sne.s32 s11, $0x1;
	s11 =	sadd.s32 $0xFFFFFFFF, s11;
	[sflag:s3] =	ssyncadd.s32 $0xFFFF3000  }
0x20: {  	[tilespmem:s2], [sflag:$0x2] =	stream.linear.gather [hbm4b:s4+s2], $0x340, $0x38;
	[tilespmem:$0xD340] =	vst v63  }
0x21: {  	_ =	swait.ge [sflag:s3], $0x340  }
0x22: {  	[sflag:s3] =	ssyncset.done $0x0  }
0x23: {  	[sflag:s3] =	ssyncadd.s32 $0xFFFFFCC0  }
0x24: {  	[tilespmem:s6], [sflag:$0x1] =	stream.indirect.gather [hbm4b:s5+s6], $0x40, s2, s6, $0xb8;
	[tilespmem:$0xD340] =	vst v63  }
0x25: {  	_ =	swait.ge [sflag:s7], $0xD000  }
0x26: {  	[sflag:s7] =	ssyncset.done $0x0  }
0x27: {  	[sflag:s7] =	ssyncadd.s32 $0xFFFF3000  }
0x28: {  	[hbm4b:s8+s2] =	stream.linear.scatter [tilespmem:s6], [sflag:$0x2], $0xD000, $0x38;
	[tilespmem:$0xD340] =	vst v63  }
0x29: {  	_ =	swait.ge [sflag:s3], $0xD000  }
0x2a: {  	[sflag:s3] =	ssyncset.done $0x0  }
0x2b: {  	[sflag:s3] =	ssyncadd.s32 $0xFFFF3000  }
0x2c: {  	[tilespmem:s2], [sflag:$0x2] =	stream.linear.gather [hbm4b:s9+s2], $0x340, $0x38;
	[tilespmem:$0xD340] =	vst v63  }
0x2d: {  	_ =	swait.ge [sflag:s3], $0x340  }
0x2e: {  	[sflag:s3] =	ssyncset.done $0x0  }
0x2f: {  	[sflag:s3] =	ssyncadd.s32 $0xFFFFFCC0  }
0x30: {  	[tilespmem:s6], [sflag:$0x1] =	stream.indirect.gather [hbm4b:s5+s6], $0x40, s2, s6, $0xb8;
	[tilespmem:$0xD340] =	vst v63  }
0x31: {  	_ =	swait.ge [sflag:s7], $0xD000  }
.Ltmp1:
0x32: {  	[sflag:s7] =	ssyncset.done $0x0;
	(pc) =	sbr.rel @p0 .LBB2_1-.Ltmp1, $4  }
0x33: {  	[sflag:s7] =	ssyncadd.s32 $0xFFFF3000  }
0x34: {  	[hbm4b:s10+s2] =	stream.linear.scatter [tilespmem:s6], [sflag:$0x2], $0xD000, $0x38;
	[tilespmem:$0xD340] =	vst v63  }
0x35: {  	_ =	swait.ge [sflag:s3], $0xD000  }
0x36: {  	[sflag:s3] =	ssyncset.done $0x0  }
.LBB2_2:
0x37: {  	[sflag:s3] =	ssyncadd.s32 $0xFFFF3000  }
0x38: {  	_ =	sfence.sel $0x180000  }
0x39: {  	[bflag:$0x0] =	sbarrier.arrive $0xFFFF  }
0x3a: {  	p0 =	sne.s32 s0, $0x0;
	_ =	strace $0x9000005C  }
0x3b: {  	s0 =	sadd.s32 @!p0 $0x100000, s1;
	[bflag:$0x2] =	sbarrier.arrive $0xFFFF  }
0x3c: {  	[sflag:s0] =	ssyncadd.tile.s32 @!p0 $0x1;
	_ =	shalt  }
.Lfunc_end2:
_tile_overlayer_lowered:
.L_overlay_start_2:
0x3d: {  	(tag) =	ssettag $0x2  }
0x3e: {  	s0 =	rddreg [dreg:$0x0];
	s2 =	stileid.u32  }
0x3f: {  	s1 =	rddreg [dreg:$0x1];
	p0 =	sne.s32 s2, $0x0  }
0x40: {  	s3 =	rddreg [dreg:$0x2];
	[bflag:$0x3] =	sbarrier.arrive $0xFFFF;
	s2 =	simm.s32 @!p0 $0x1C02  }
0x41: {  	[timem:s3], [sflag:s2] =	dma.local @!p0 [hbm:s0], s1  }
0x42: {  	s0 =	simm.s32 @!p0 $0x2  }
0x43: {  	_ =	swait.ge @!p0 [sflag:s0], s1  }
0x44: {  	s1 =	ssub.s32 @!p0 $0x0, s1;
	[sflag:s0] =	ssyncset.done @!p0 $0x0  }
0x45: {  	[sflag:s0] =	ssyncadd.s32 @!p0 s1  }
0x46: {  	[bflag:$0x3] =	sbarrier.arrive $0xFFFF  }
0x47: {  	_ =	shalt  }

</sc_bundles>
